<compile_context>
chip_gen: v7x
topology: tpu7x:2x2x1
jax: 0.10.2.dev20260603
libtpu: 0.0.44.dev20260713+nightly
codegen_flags: <defaults>
</compile_context>

<pallas_src>
import functools

import jax
import jax.numpy as jnp
from jax import lax
from jax.experimental import pallas as pl
from jax.experimental.pallas import tpu as pltpu
from jax.experimental.pallas import tpu_sc as plsc

N = 10000
E = 320000
D = 128
NC = 2
NS = 16
NW = NC * NS
EPW = E // NW
CHUNK = 128
NCH = 80
HCH = NCH // 2
PADN = NCH * CHUNK - EPW
NSP = 10016
GARBAGE = 10008
CWID = 128
ZROWS = 640
LAST_Z = NSP - (NS - 1) * ZROWS
LAST_C = N - (NS - 1) * ZROWS

_mesh = plsc.VectorSubcoreMesh(core_axis_name="c", subcore_axis_name="s")


def _zero_stripe(z_hbm, sp, s):
    @pl.when(s < NS - 1)
    def _():
        pltpu.sync_copy(z_hbm.at[pl.ds(s * ZROWS, ZROWS)],
                        sp.at[pl.ds(s * ZROWS, ZROWS)])

    @pl.when(s == NS - 1)
    def _():
        pltpu.sync_copy(z_hbm.at[pl.ds((NS - 1) * ZROWS, LAST_Z)],
                        sp.at[pl.ds((NS - 1) * ZROWS, LAST_Z)])


def _copyout_stripe(sp, out, c, s):
    @pl.when(s < NS - 1)
    def _():
        pltpu.sync_copy(sp.at[pl.ds(s * ZROWS, ZROWS)],
                        out.at[c, pl.ds(s * ZROWS, ZROWS)])

    @pl.when(s == NS - 1)
    def _():
        pltpu.sync_copy(sp.at[pl.ds((NS - 1) * ZROWS, LAST_C)],
                        out.at[c, pl.ds((NS - 1) * ZROWS, LAST_C)])


def _sc_agg_body(h_hbm, z_hbm, sp_hbm, dp_hbm,
                 p_out, p_sp, s_v, d_v, rows_v, sem_a, sem_b, sem_z):
    c = lax.axis_index("c")
    s = lax.axis_index("s")
    w = c * NS + s
    z0 = s * ZROWS

    @pl.when(s < NS - 1)
    def _():
        pltpu.async_copy(z_hbm.at[pl.ds(z0, ZROWS)],
                         p_sp.at[pl.ds(z0, ZROWS)], sem_z)

    @pl.when(s == NS - 1)
    def _():
        pltpu.async_copy(z_hbm.at[pl.ds((NS - 1) * ZROWS, LAST_Z)],
                         p_sp.at[pl.ds((NS - 1) * ZROWS, LAST_Z)], sem_z)

    pltpu.sync_copy(sp_hbm.at[w, pl.ds(0, HCH)], s_v)
    pltpu.sync_copy(dp_hbm.at[w, pl.ds(0, HCH)], d_v)

    @pl.when(s < NS - 1)
    def _():
        pltpu.make_async_copy(z_hbm.at[pl.ds(z0, ZROWS)],
                              p_sp.at[pl.ds(z0, ZROWS)], sem_z).wait()

    @pl.when(s == NS - 1)
    def _():
        pltpu.make_async_copy(z_hbm.at[pl.ds((NS - 1) * ZROWS, LAST_Z)],
                              p_sp.at[pl.ds((NS - 1) * ZROWS, LAST_Z)],
                              sem_z).wait()

    plsc.subcore_barrier()

    for half in range(2):
        if half == 1:
            pltpu.sync_copy(sp_hbm.at[w, pl.ds(HCH, HCH)], s_v)
            pltpu.sync_copy(dp_hbm.at[w, pl.ds(HCH, HCH)], d_v)
        pltpu.async_copy(h_hbm.at[s_v.at[0]], rows_v.at[0], sem_a)
        pltpu.async_copy(h_hbm.at[s_v.at[1]], rows_v.at[1], sem_b)

        @pl.loop(0, HCH // 2)
        def _(p):
            c0 = 2 * p
            c1 = c0 + 1
            pltpu.make_async_copy(h_hbm.at[s_v.at[c0]], rows_v.at[0],
                                  sem_a).wait()
            pltpu.sync_copy(rows_v.at[0], p_sp.at[d_v.at[c0]], add=True)

            @pl.when(p < HCH // 2 - 1)
            def _():
                pltpu.async_copy(h_hbm.at[s_v.at[c0 + 2]], rows_v.at[0],
                                 sem_a)

            pltpu.make_async_copy(h_hbm.at[s_v.at[c1]], rows_v.at[1],
                                  sem_b).wait()
            pltpu.sync_copy(rows_v.at[1], p_sp.at[d_v.at[c1]], add=True)

            @pl.when(p < HCH // 2 - 1)
            def _():
                pltpu.async_copy(h_hbm.at[s_v.at[c1 + 2]], rows_v.at[1],
                                 sem_b)

    plsc.subcore_barrier()
    _copyout_stripe(p_sp, p_out, c, s)


_sc_agg = pl.kernel(
    _sc_agg_body,
    out_type=jax.ShapeDtypeStruct((NC, N, D), jnp.float32),
    mesh=_mesh,
    scratch_types=[
        pltpu.VMEM_SHARED((NSP, D), jnp.float32),
        pltpu.VMEM((HCH, CHUNK), jnp.int32),
        pltpu.VMEM((HCH, CHUNK), jnp.int32),
        pltpu.VMEM((2, CHUNK, D), jnp.float32),
        pltpu.SemaphoreType.DMA,
        pltpu.SemaphoreType.DMA,
        pltpu.SemaphoreType.DMA,
    ],
    name="sage_sc_agg",
)


def _sc_cnt_body(dp_hbm, z_hbm, ones_hbm,
                 cw_out, cw_sp, d_v, ones_v, sem_s):
    c = lax.axis_index("c")
    s = lax.axis_index("s")
    w = c * NS + s

    _zero_stripe(z_hbm, cw_sp, s)
    pltpu.sync_copy(dp_hbm.at[w], d_v)
    pltpu.sync_copy(ones_hbm, ones_v)
    plsc.subcore_barrier()

    @pl.loop(0, NCH // 8)
    def _(q):
        base = 8 * q
        for j in range(8):
            pltpu.async_copy(ones_v, cw_sp.at[d_v.at[base + j]], sem_s,
                             add=True)
        for _j in range(8):
            pltpu.make_async_copy(ones_v, cw_sp.at[d_v.at[base]],
                                  sem_s).wait()

    plsc.subcore_barrier()
    _copyout_stripe(cw_sp, cw_out, c, s)


_sc_cnt = pl.kernel(
    _sc_cnt_body,
    out_type=jax.ShapeDtypeStruct((NC, N, CWID), jnp.float32),
    mesh=_mesh,
    scratch_types=[
        pltpu.VMEM_SHARED((NSP, CWID), jnp.float32),
        pltpu.VMEM((NCH, CHUNK), jnp.int32),
        pltpu.VMEM((CHUNK, CWID), jnp.float32),
        pltpu.SemaphoreType.DMA,
    ],
    name="sage_sc_counts",
)

BT = 5000


def _tc_root_body(h_ref, wr_ref, bl_ref, r_ref):
    r_ref[...] = bl_ref[...] + lax.dot_general(
        h_ref[...], wr_ref[...], (((1,), (1,)), ((), ())),
        preferred_element_type=jnp.float32)


def _tc_body_first(p_ref, cw_ref, r_ref, wl_ref, out_ref, inv_ref):
    m = p_ref[0] + p_ref[1]
    cnt = cw_ref[0, :, 0:1] + cw_ref[1, :, 0:1]
    invb = jnp.broadcast_to(1.0 / jnp.maximum(cnt, 1.0), (BT, D))
    agg = lax.dot_general(m, wl_ref[...], (((1,), (1,)), ((), ())),
                          preferred_element_type=jnp.float32)
    out_ref[...] = jnp.maximum(agg * invb + r_ref[...], 0.0)
    inv_ref[...] = invb


def _tc_body(relu, p_ref, inv_ref, r_ref, wl_ref, out_ref):
    m = p_ref[0] + p_ref[1]
    agg = lax.dot_general(m, wl_ref[...], (((1,), (1,)), ((), ())),
                          preferred_element_type=jnp.float32)
    out = agg * inv_ref[...] + r_ref[...]
    out_ref[...] = jnp.maximum(out, 0.0) if relu else out


_w_spec = pl.BlockSpec((D, D), lambda i: (0, 0))
_b_spec = pl.BlockSpec((1, D), lambda i: (0, 0))
_h_spec = pl.BlockSpec((BT, D), lambda i: (i, 0))
_p_spec = pl.BlockSpec((NC, BT, D), lambda i: (0, i, 0))

_tc_root = pl.pallas_call(
    _tc_root_body,
    grid=(N // BT,),
    in_specs=[_h_spec, _w_spec, _b_spec],
    out_specs=_h_spec,
    out_shape=jax.ShapeDtypeStruct((N, D), jnp.float32),
)

_tc_first = pl.pallas_call(
    _tc_body_first,
    grid=(N // BT,),
    in_specs=[_p_spec, _p_spec, _h_spec, _w_spec],
    out_specs=[_h_spec, _h_spec],
    out_shape=[jax.ShapeDtypeStruct((N, D), jnp.float32),
               jax.ShapeDtypeStruct((N, D), jnp.float32)],
)

_tc_mid = pl.pallas_call(
    functools.partial(_tc_body, True),
    grid=(N // BT,),
    in_specs=[_p_spec, _h_spec, _h_spec, _w_spec],
    out_specs=_h_spec,
    out_shape=jax.ShapeDtypeStruct((N, D), jnp.float32),
)

_tc_last = pl.pallas_call(
    functools.partial(_tc_body, False),
    grid=(N // BT,),
    in_specs=[_p_spec, _h_spec, _h_spec, _w_spec],
    out_specs=_h_spec,
    out_shape=jax.ShapeDtypeStruct((N, D), jnp.float32),
)


def kernel(x, edge_attr, edge_index, Wl0, bl0, Wr0, Wl1, bl1, Wr1,
           Wl2, bl2, Wr2):
    del edge_attr
    ei = edge_index.astype(jnp.int32)
    src = ei[0].reshape(NW, EPW)
    dst = ei[1].reshape(NW, EPW)
    pad_src = (jnp.arange(NW * PADN, dtype=jnp.int32) * 97 % N).reshape(NW, PADN)
    pad_dst = jnp.full((NW, PADN), GARBAGE, jnp.int32)
    sp = jnp.concatenate([src, pad_src], axis=1).reshape(NW, NCH, CHUNK)
    dp = jnp.concatenate([dst, pad_dst], axis=1).reshape(NW, NCH, CHUNK)
    z128 = jnp.zeros((NSP, D), jnp.float32)
    ones128 = jnp.ones((CHUNK, CWID), jnp.float32)

    cw = _sc_cnt(dp, z128, ones128)
    p0 = _sc_agg(x, z128, sp, dp)
    r0 = _tc_root(x, Wr0, bl0.reshape(1, D))
    h1, invb = _tc_first(p0, cw, r0, Wl0)
    p1 = _sc_agg(h1, z128, sp, dp)
    r1 = _tc_root(h1, Wr1, bl1.reshape(1, D))
    h2 = _tc_mid(p1, invb, r1, Wl1)
    p2 = _sc_agg(h2, z128, sp, dp)
    r2 = _tc_root(h2, Wr2, bl2.reshape(1, D))
    return _tc_last(p2, invb, r2, Wl2)

# --- scband reference (transcript-rebuilt; emitter-appended) ---
"""Pipeline reference for scband-graph-sage-node-44272522887304 (READ-ONLY COPY).

The authoritative reference and input builder live on the scoring server;
editing this copy changes nothing except your own understanding.
"""

import jax, jax.numpy as jnp
import numpy as np

N_NODES = 10000
N_EDGES = 320000
D = 128


def setup_inputs(seed: int = 0) -> dict:
    key = jax.random.key(seed)
    ks = jax.random.split(key, 16)
    inp = {}
    inp["x"] = jax.random.normal(ks[0], (N_NODES, D), dtype=jnp.float32)
    inp["edge_attr"] = jax.random.normal(ks[1], (N_EDGES, 4), dtype=jnp.float32)
    inp["edge_index"] = jax.random.randint(ks[2], (2, N_EDGES), 0, N_NODES, dtype=jnp.int64)
    # SAGEConv params per layer: lin_l (neighbor aggr, with bias), lin_r (root, no bias)
    for i, kw in zip(range(3), [ks[3:6], ks[6:9], ks[9:12]]):
        inp[f"Wl{i}"] = jax.random.normal(kw[0], (D, D), dtype=jnp.float32) * 0.05
        inp[f"bl{i}"] = jnp.zeros((D,), dtype=jnp.float32)
        inp[f"Wr{i}"] = jax.random.normal(kw[1], (D, D), dtype=jnp.float32) * 0.05
    return inp


def _sage_conv(x, edge_index, Wl, bl, Wr):
    src = edge_index[0]
    dst = edge_index[1]
    n = x.shape[0]
    msgs = jnp.take(x, src, axis=0)                       # gather (SparseCore)
    agg = jax.ops.segment_sum(msgs, dst, num_segments=n)  # scatter-add
    cnt = jax.ops.segment_sum(jnp.ones((msgs.shape[0],), dtype=x.dtype), dst, num_segments=n)
    mean = agg / jnp.clip(cnt, 1.0, None)[:, None]
    return mean @ Wl.T + bl + x @ Wr.T


def reference(x, edge_attr, edge_index, Wl0, bl0, Wr0, Wl1, bl1, Wr1, Wl2, bl2, Wr2):
    # edge_attr is accepted by the original forward but unused by SAGEConv
    h = _sage_conv(x, edge_index, Wl0, bl0, Wr0)
    h = jax.nn.relu(h)
    # dropout is identity in eval mode
    h = _sage_conv(h, edge_index, Wl1, bl1, Wr1)
    h = jax.nn.relu(h)
    h = _sage_conv(h, edge_index, Wl2, bl2, Wr2)
    return h

if __name__ == "__main__":
    import jax
    _d = setup_inputs()
    print(jax.jit(kernel)(*tuple(_d.values())))

</pallas_src>

<mosaic_0001>
#map = affine_map<(d0, d1) -> (0, 0)>
#map1 = affine_map<(d0, d1) -> (0, 0, 0)>
module attributes {stable_mosaic.version = 14 : i64} {
  func.func @sage_sc_agg(%arg0: i32, %arg1: i32, %arg2: memref<10000x128xf32, #tpu.memory_space<hbm>>, %arg3: memref<10016x128xf32, #tpu.memory_space<hbm>>, %arg4: memref<32x80x128xi32, #tpu.memory_space<hbm>>, %arg5: memref<32x80x128xi32, #tpu.memory_space<hbm>>, %arg6: memref<2x10000x128xf32, #tpu.memory_space<hbm>>, %arg7: memref<10016x128xf32, #tpu.memory_space<vmem_shared>>, %arg8: memref<40x128xi32, #tpu.memory_space<vmem>>, %arg9: memref<40x128xi32, #tpu.memory_space<vmem>>, %arg10: memref<2x128x128xf32, #tpu.memory_space<vmem>>, %arg11: memref<!tpu.dma_semaphore, #tpu.memory_space<semaphore_mem>>, %arg12: memref<!tpu.dma_semaphore, #tpu.memory_space<semaphore_mem>>, %arg13: memref<!tpu.dma_semaphore, #tpu.memory_space<semaphore_mem>>) attributes {dimension_semantics = [#tpu.dimension_semantics<core_parallel>, #tpu.dimension_semantics<subcore_parallel>], iteration_bounds = array<i64: 2, 16>, scalar_prefetch = 0 : i64, scratch_operands = 7 : i64, tpu.core_type = #tpu.core_type<sc_vector_subcore>, window_params = [{transform_indices = #map}, {transform_indices = #map}, {transform_indices = #map1}, {transform_indices = #map1}, {transform_indices = #map1}]} {
    %mul3A = arith.constant 16 : i32
    %mul3A_0 = arith.muli %arg0, %mul3A : i32
    %add3A = arith.addi %mul3A_0, %arg1 : i32
    %mul3A_1 = arith.constant 640 : i32
    %mul3A_2 = arith.muli %arg1, %mul3A_1 : i32
    %lt3A = arith.constant 15 : i32
    %lt3A_3 = arith.cmpi slt, %arg1, %lt3A : i32
    %convert_element_type3A = arith.extui %lt3A_3 : i1 to i32
    %cond3A = arith.constant 0 : i32
    %cond3A_4 = arith.cmpi ne, %convert_element_type3A, %cond3A : i32
    scf.if %cond3A_4 {
      %dma_start3A_86 = arith.constant 0 : i32
      %dma_start3A_87 = tpu.memref_slice %arg7[%mul3A_2, %dma_start3A_86] : memref<10016x128xf32, #tpu.memory_space<vmem_shared>> -> memref<640x128xf32, #tpu.memory_space<vmem_shared>>
      %dma_start3A_88 = arith.constant 0 : i32
      %dma_start3A_89 = tpu.memref_slice %arg3[%mul3A_2, %dma_start3A_88] : memref<10016x128xf32, #tpu.memory_space<hbm>> -> memref<640x128xf32, #tpu.memory_space<hbm>>
      tpu.enqueue_dma source(%dma_start3A_89 : memref<640x128xf32, #tpu.memory_space<hbm>>) target(%dma_start3A_87 : memref<640x128xf32, #tpu.memory_space<vmem_shared>>) target_semaphore(%arg13 : memref<!tpu.dma_semaphore, #tpu.memory_space<semaphore_mem>>)
    } else {
    }
    %eq3A = arith.constant 15 : i32
    %eq3A_5 = arith.cmpi eq, %arg1, %eq3A : i32
    %convert_element_type3A_6 = arith.extui %eq3A_5 : i1 to i32
    %cond3A_7 = arith.constant 0 : i32
    %cond3A_8 = arith.cmpi ne, %convert_element_type3A_6, %cond3A_7 : i32
    scf.if %cond3A_8 {
      %dma_start3A_86 = arith.constant 9600 : i32
      %dma_start3A_87 = arith.constant 0 : i32
      %dma_start3A_88 = tpu.memref_slice %arg7[%dma_start3A_86, %dma_start3A_87] : memref<10016x128xf32, #tpu.memory_space<vmem_shared>> -> memref<416x128xf32, #tpu.memory_space<vmem_shared>>
      %dma_start3A_89 = arith.constant 9600 : i32
      %dma_start3A_90 = arith.constant 0 : i32
      %dma_start3A_91 = tpu.memref_slice %arg3[%dma_start3A_89, %dma_start3A_90] : memref<10016x128xf32, #tpu.memory_space<hbm>> -> memref<416x128xf32, #tpu.memory_space<hbm>>
      tpu.enqueue_dma source(%dma_start3A_91 : memref<416x128xf32, #tpu.memory_space<hbm>>) target(%dma_start3A_88 : memref<416x128xf32, #tpu.memory_space<vmem_shared>>) target_semaphore(%arg13 : memref<!tpu.dma_semaphore, #tpu.memory_space<semaphore_mem>>)
    } else {
    }
    "tpu.region"() ({
      %run_scoped3A = tpu.sem_alloc : memref<!tpu.dma_semaphore, #tpu.memory_space<semaphore_mem>>
      %dma_start3A_86 = arith.constant 0 : i32
      %dma_start3A_87 = arith.constant 0 : i32
      %dma_start3A_88 = tpu.memref_slice %arg4[%add3A, %dma_start3A_86, %dma_start3A_87] : memref<32x80x128xi32, #tpu.memory_space<hbm>> -> memref<1x40x128xi32, #tpu.memory_space<hbm>>
      %dma_start3A_89 = tpu.memref_squeeze %dma_start3A_88 : memref<1x40x128xi32, #tpu.memory_space<hbm>> -> memref<40x128xi32, #tpu.memory_space<hbm>>
      %dma_start3A_90 = arith.constant 0 : i32
      %dma_start3A_91 = arith.constant 0 : i32
      %dma_start3A_92 = tpu.memref_slice %arg4[%add3A, %dma_start3A_90, %dma_start3A_91] : memref<32x80x128xi32, #tpu.memory_space<hbm>> -> memref<1x40x128xi32, #tpu.memory_space<hbm>>
      %dma_start3A_93 = tpu.memref_squeeze %dma_start3A_92 : memref<1x40x128xi32, #tpu.memory_space<hbm>> -> memref<40x128xi32, #tpu.memory_space<hbm>>
      tpu.enqueue_dma source(%dma_start3A_93 : memref<40x128xi32, #tpu.memory_space<hbm>>) target(%arg8 : memref<40x128xi32, #tpu.memory_space<vmem>>) target_semaphore(%run_scoped3A : memref<!tpu.dma_semaphore, #tpu.memory_space<semaphore_mem>>)
      %dma_wait3A = arith.constant 0 : i32
      %dma_wait3A_94 = arith.constant 0 : i32
      %dma_wait3A_95 = tpu.memref_slice %arg4[%add3A, %dma_wait3A, %dma_wait3A_94] : memref<32x80x128xi32, #tpu.memory_space<hbm>> -> memref<1x40x128xi32, #tpu.memory_space<hbm>>
      %dma_wait3A_96 = tpu.memref_squeeze %dma_wait3A_95 : memref<1x40x128xi32, #tpu.memory_space<hbm>> -> memref<40x128xi32, #tpu.memory_space<hbm>>
      %dma_wait3A_97 = arith.constant 0 : i32
      %dma_wait3A_98 = arith.constant 0 : i32
      %dma_wait3A_99 = tpu.memref_slice %arg4[%add3A, %dma_wait3A_97, %dma_wait3A_98] : memref<32x80x128xi32, #tpu.memory_space<hbm>> -> memref<1x40x128xi32, #tpu.memory_space<hbm>>
      %dma_wait3A_100 = tpu.memref_squeeze %dma_wait3A_99 : memref<1x40x128xi32, #tpu.memory_space<hbm>> -> memref<40x128xi32, #tpu.memory_space<hbm>>
      tpu.wait_dma2 semaphore(%run_scoped3A : memref<!tpu.dma_semaphore, #tpu.memory_space<semaphore_mem>>) src(%dma_wait3A_100 : memref<40x128xi32, #tpu.memory_space<hbm>>) dst(%arg8 : memref<40x128xi32, #tpu.memory_space<vmem>>)
      tpu.yield
    }) : () -> ()
    "tpu.region"() ({
      %run_scoped3A = tpu.sem_alloc : memref<!tpu.dma_semaphore, #tpu.memory_space<semaphore_mem>>
      %dma_start3A_86 = arith.constant 0 : i32
      %dma_start3A_87 = arith.constant 0 : i32
      %dma_start3A_88 = tpu.memref_slice %arg5[%add3A, %dma_start3A_86, %dma_start3A_87] : memref<32x80x128xi32, #tpu.memory_space<hbm>> -> memref<1x40x128xi32, #tpu.memory_space<hbm>>
      %dma_start3A_89 = tpu.memref_squeeze %dma_start3A_88 : memref<1x40x128xi32, #tpu.memory_space<hbm>> -> memref<40x128xi32, #tpu.memory_space<hbm>>
      %dma_start3A_90 = arith.constant 0 : i32
      %dma_start3A_91 = arith.constant 0 : i32
      %dma_start3A_92 = tpu.memref_slice %arg5[%add3A, %dma_start3A_90, %dma_start3A_91] : memref<32x80x128xi32, #tpu.memory_space<hbm>> -> memref<1x40x128xi32, #tpu.memory_space<hbm>>
      %dma_start3A_93 = tpu.memref_squeeze %dma_start3A_92 : memref<1x40x128xi32, #tpu.memory_space<hbm>> -> memref<40x128xi32, #tpu.memory_space<hbm>>
      tpu.enqueue_dma source(%dma_start3A_93 : memref<40x128xi32, #tpu.memory_space<hbm>>) target(%arg9 : memref<40x128xi32, #tpu.memory_space<vmem>>) target_semaphore(%run_scoped3A : memref<!tpu.dma_semaphore, #tpu.memory_space<semaphore_mem>>)
      %dma_wait3A = arith.constant 0 : i32
      %dma_wait3A_94 = arith.constant 0 : i32
      %dma_wait3A_95 = tpu.memref_slice %arg5[%add3A, %dma_wait3A, %dma_wait3A_94] : memref<32x80x128xi32, #tpu.memory_space<hbm>> -> memref<1x40x128xi32, #tpu.memory_space<hbm>>
      %dma_wait3A_96 = tpu.memref_squeeze %dma_wait3A_95 : memref<1x40x128xi32, #tpu.memory_space<hbm>> -> memref<40x128xi32, #tpu.memory_space<hbm>>
      %dma_wait3A_97 = arith.constant 0 : i32
      %dma_wait3A_98 = arith.constant 0 : i32
      %dma_wait3A_99 = tpu.memref_slice %arg5[%add3A, %dma_wait3A_97, %dma_wait3A_98] : memref<32x80x128xi32, #tpu.memory_space<hbm>> -> memref<1x40x128xi32, #tpu.memory_space<hbm>>
      %dma_wait3A_100 = tpu.memref_squeeze %dma_wait3A_99 : memref<1x40x128xi32, #tpu.memory_space<hbm>> -> memref<40x128xi32, #tpu.memory_space<hbm>>
      tpu.wait_dma2 semaphore(%run_scoped3A : memref<!tpu.dma_semaphore, #tpu.memory_space<semaphore_mem>>) src(%dma_wait3A_100 : memref<40x128xi32, #tpu.memory_space<hbm>>) dst(%arg9 : memref<40x128xi32, #tpu.memory_space<vmem>>)
      tpu.yield
    }) : () -> ()
    %lt3A_9 = arith.constant 15 : i32
    %lt3A_10 = arith.cmpi slt, %arg1, %lt3A_9 : i32
    %convert_element_type3A_11 = arith.extui %lt3A_10 : i1 to i32
    %cond3A_12 = arith.constant 0 : i32
    %cond3A_13 = arith.cmpi ne, %convert_element_type3A_11, %cond3A_12 : i32
    scf.if %cond3A_13 {
      %dma_wait3A = arith.constant 0 : i32
      %dma_wait3A_86 = tpu.memref_slice %arg7[%mul3A_2, %dma_wait3A] : memref<10016x128xf32, #tpu.memory_space<vmem_shared>> -> memref<640x128xf32, #tpu.memory_space<vmem_shared>>
      %dma_wait3A_87 = arith.constant 0 : i32
      %dma_wait3A_88 = tpu.memref_slice %arg3[%mul3A_2, %dma_wait3A_87] : memref<10016x128xf32, #tpu.memory_space<hbm>> -> memref<640x128xf32, #tpu.memory_space<hbm>>
      tpu.wait_dma2 semaphore(%arg13 : memref<!tpu.dma_semaphore, #tpu.memory_space<semaphore_mem>>) src(%dma_wait3A_88 : memref<640x128xf32, #tpu.memory_space<hbm>>) dst(%dma_wait3A_86 : memref<640x128xf32, #tpu.memory_space<vmem_shared>>)
    } else {
    }
    %eq3A_14 = arith.constant 15 : i32
    %eq3A_15 = arith.cmpi eq, %arg1, %eq3A_14 : i32
    %convert_element_type3A_16 = arith.extui %eq3A_15 : i1 to i32
    %cond3A_17 = arith.constant 0 : i32
    %cond3A_18 = arith.cmpi ne, %convert_element_type3A_16, %cond3A_17 : i32
    scf.if %cond3A_18 {
      %dma_wait3A = arith.constant 9600 : i32
      %dma_wait3A_86 = arith.constant 0 : i32
      %dma_wait3A_87 = tpu.memref_slice %arg7[%dma_wait3A, %dma_wait3A_86] : memref<10016x128xf32, #tpu.memory_space<vmem_shared>> -> memref<416x128xf32, #tpu.memory_space<vmem_shared>>
      %dma_wait3A_88 = arith.constant 9600 : i32
      %dma_wait3A_89 = arith.constant 0 : i32
      %dma_wait3A_90 = tpu.memref_slice %arg3[%dma_wait3A_88, %dma_wait3A_89] : memref<10016x128xf32, #tpu.memory_space<hbm>> -> memref<416x128xf32, #tpu.memory_space<hbm>>
      tpu.wait_dma2 semaphore(%arg13 : memref<!tpu.dma_semaphore, #tpu.memory_space<semaphore_mem>>) src(%dma_wait3A_90 : memref<416x128xf32, #tpu.memory_space<hbm>>) dst(%dma_wait3A_87 : memref<416x128xf32, #tpu.memory_space<vmem_shared>>)
    } else {
    }
    %barrier3A = arith.constant 0 : index
    tpu.barrier barrier_id(%barrier3A)
    %dma_start3A = arith.constant 0 : i32
    %dma_start3A_19 = arith.constant 0 : i32
    %dma_start3A_20 = arith.constant 0 : i32
    %dma_start3A_21 = arith.constant 0 : i32
    %dma_start3A_22 = tpu.memref_slice %arg10[%dma_start3A_19, %dma_start3A_20, %dma_start3A_21] : memref<2x128x128xf32, #tpu.memory_space<vmem>> -> memref<1x128x128xf32, #tpu.memory_space<vmem>>
    %dma_start3A_23 = tpu.memref_squeeze %dma_start3A_22 : memref<1x128x128xf32, #tpu.memory_space<vmem>> -> memref<128x128xf32, #tpu.memory_space<vmem>>
    %dma_start3A_24 = arith.constant 0 : i32
    %dma_start3A_25 = tpu.memref_slice %arg8[%dma_start3A, %dma_start3A_24] : memref<40x128xi32, #tpu.memory_space<vmem>> -> memref<1x128xi32, #tpu.memory_space<vmem>>
    %dma_start3A_26 = tpu.memref_squeeze %dma_start3A_25 : memref<1x128xi32, #tpu.memory_space<vmem>> -> memref<128xi32, #tpu.memory_space<vmem>>
    %dma_start3A_27 = arith.constant 0 : i32
    %dma_start3A_28 = arith.constant 0 : i32
    %dma_start3A_29 = tpu.memref_slice %arg2[%dma_start3A_27, %dma_start3A_28] : memref<10000x128xf32, #tpu.memory_space<hbm>> -> memref<10000x128xf32, #tpu.memory_space<hbm>>
    tpu.enqueue_indirect_dma source(%dma_start3A_29 : memref<10000x128xf32, #tpu.memory_space<hbm>>) target(%dma_start3A_23 : memref<128x128xf32, #tpu.memory_space<vmem>>) offsets(%dma_start3A_26 : memref<128xi32, #tpu.memory_space<vmem>>) semaphore(%arg11 : memref<!tpu.dma_semaphore, #tpu.memory_space<semaphore_mem>>)
    %dma_start3A_30 = arith.constant 1 : i32
    %dma_start3A_31 = arith.constant 1 : i32
    %dma_start3A_32 = arith.constant 0 : i32
    %dma_start3A_33 = arith.constant 0 : i32
    %dma_start3A_34 = tpu.memref_slice %arg10[%dma_start3A_31, %dma_start3A_32, %dma_start3A_33] : memref<2x128x128xf32, #tpu.memory_space<vmem>> -> memref<1x128x128xf32, #tpu.memory_space<vmem>>
    %dma_start3A_35 = tpu.memref_squeeze %dma_start3A_34 : memref<1x128x128xf32, #tpu.memory_space<vmem>> -> memref<128x128xf32, #tpu.memory_space<vmem>>
    %dma_start3A_36 = arith.constant 0 : i32
    %dma_start3A_37 = tpu.memref_slice %arg8[%dma_start3A_30, %dma_start3A_36] : memref<40x128xi32, #tpu.memory_space<vmem>> -> memref<1x128xi32, #tpu.memory_space<vmem>>
    %dma_start3A_38 = tpu.memref_squeeze %dma_start3A_37 : memref<1x128xi32, #tpu.memory_space<vmem>> -> memref<128xi32, #tpu.memory_space<vmem>>
    %dma_start3A_39 = arith.constant 0 : i32
    %dma_start3A_40 = arith.constant 0 : i32
    %dma_start3A_41 = tpu.memref_slice %arg2[%dma_start3A_39, %dma_start3A_40] : memref<10000x128xf32, #tpu.memory_space<hbm>> -> memref<10000x128xf32, #tpu.memory_space<hbm>>
    tpu.enqueue_indirect_dma source(%dma_start3A_41 : memref<10000x128xf32, #tpu.memory_space<hbm>>) target(%dma_start3A_35 : memref<128x128xf32, #tpu.memory_space<vmem>>) offsets(%dma_start3A_38 : memref<128xi32, #tpu.memory_space<vmem>>) semaphore(%arg12 : memref<!tpu.dma_semaphore, #tpu.memory_space<semaphore_mem>>)
    %scan3A = arith.constant 0 : i32
    %scan3A_42 = arith.constant 20 : i32
    %scan3A_43 = arith.addi %scan3A, %scan3A_42 : i32
    %scan3A_44 = arith.constant 1 : i32
    scf.for %scan3A_86 = %scan3A to %scan3A_43 step %scan3A_44  : i32 {
      %mul3A_87 = arith.constant 1 : i32
      %mul3A_88 = arith.muli %scan3A_86, %mul3A_87 : i32
      %add3A_89 = arith.constant 0 : i32
      %add3A_90 = arith.addi %add3A_89, %mul3A_88 : i32
      %mul3A_91 = arith.constant 2 : i32
      %mul3A_92 = arith.muli %mul3A_91, %add3A_90 : i32
      %add3A_93 = arith.constant 1 : i32
      %add3A_94 = arith.addi %mul3A_92, %add3A_93 : i32
      %dma_wait3A = arith.constant 0 : i32
      %dma_wait3A_95 = arith.constant 0 : i32
      %dma_wait3A_96 = arith.constant 0 : i32
      %dma_wait3A_97 = tpu.memref_slice %arg10[%dma_wait3A, %dma_wait3A_95, %dma_wait3A_96] : memref<2x128x128xf32, #tpu.memory_space<vmem>> -> memref<1x128x128xf32, #tpu.memory_space<vmem>>
      %dma_wait3A_98 = tpu.memref_squeeze %dma_wait3A_97 : memref<1x128x128xf32, #tpu.memory_space<vmem>> -> memref<128x128xf32, #tpu.memory_space<vmem>>
      %dma_wait3A_99 = arith.constant 0 : i32
      %dma_wait3A_100 = tpu.memref_slice %arg8[%mul3A_92, %dma_wait3A_99] : memref<40x128xi32, #tpu.memory_space<vmem>> -> memref<1x128xi32, #tpu.memory_space<vmem>>
      %dma_wait3A_101 = tpu.memref_squeeze %dma_wait3A_100 : memref<1x128xi32, #tpu.memory_space<vmem>> -> memref<128xi32, #tpu.memory_space<vmem>>
      %dma_wait3A_102 = arith.constant 0 : i32
      %dma_wait3A_103 = arith.constant 0 : i32
      %dma_wait3A_104 = tpu.memref_slice %arg2[%dma_wait3A_102, %dma_wait3A_103] : memref<10000x128xf32, #tpu.memory_space<hbm>> -> memref<10000x128xf32, #tpu.memory_space<hbm>>
      tpu.wait_indirect_dma semaphore(%arg11 : memref<!tpu.dma_semaphore, #tpu.memory_space<semaphore_mem>>) src(%dma_wait3A_104 : memref<10000x128xf32, #tpu.memory_space<hbm>>) dst(%dma_wait3A_98 : memref<128x128xf32, #tpu.memory_space<vmem>>)
      %run_scoped3A = arith.constant 0 : i32
      "tpu.region"() ({
        %run_scoped3A_127 = tpu.sem_alloc : memref<!tpu.dma_semaphore, #tpu.memory_space<semaphore_mem>>
        %dma_start3A_128 = arith.constant 0 : i32
        %dma_start3A_129 = arith.constant 0 : i32
        %dma_start3A_130 = tpu.memref_slice %arg10[%run_scoped3A, %dma_start3A_128, %dma_start3A_129] : memref<2x128x128xf32, #tpu.memory_space<vmem>> -> memref<1x128x128xf32, #tpu.memory_space<vmem>>
        %dma_start3A_131 = tpu.memref_squeeze %dma_start3A_130 : memref<1x128x128xf32, #tpu.memory_space<vmem>> -> memref<128x128xf32, #tpu.memory_space<vmem>>
        %dma_start3A_132 = arith.constant 0 : i32
        %dma_start3A_133 = tpu.memref_slice %arg9[%mul3A_92, %dma_start3A_132] : memref<40x128xi32, #tpu.memory_space<vmem>> -> memref<1x128xi32, #tpu.memory_space<vmem>>
        %dma_start3A_134 = tpu.memref_squeeze %dma_start3A_133 : memref<1x128xi32, #tpu.memory_space<vmem>> -> memref<128xi32, #tpu.memory_space<vmem>>
        %dma_start3A_135 = arith.constant 0 : i32
        %dma_start3A_136 = arith.constant 0 : i32
        %dma_start3A_137 = tpu.memref_slice %arg7[%dma_start3A_135, %dma_start3A_136] : memref<10016x128xf32, #tpu.memory_space<vmem_shared>> -> memref<10016x128xf32, #tpu.memory_space<vmem_shared>>
        tpu.enqueue_indirect_dma source(%dma_start3A_131 : memref<128x128xf32, #tpu.memory_space<vmem>>) target(%dma_start3A_137 : memref<10016x128xf32, #tpu.memory_space<vmem_shared>>) offsets(%dma_start3A_134 : memref<128xi32, #tpu.memory_space<vmem>>) semaphore(%run_scoped3A_127 : memref<!tpu.dma_semaphore, #tpu.memory_space<semaphore_mem>>) {add = true}
        %dma_wait3A_138 = arith.constant 0 : i32
        %dma_wait3A_139 = arith.constant 0 : i32
        %dma_wait3A_140 = tpu.memref_slice %arg10[%run_scoped3A, %dma_wait3A_138, %dma_wait3A_139] : memref<2x128x128xf32, #tpu.memory_space<vmem>> -> memref<1x128x128xf32, #tpu.memory_space<vmem>>
        %dma_wait3A_141 = tpu.memref_squeeze %dma_wait3A_140 : memref<1x128x128xf32, #tpu.memory_space<vmem>> -> memref<128x128xf32, #tpu.memory_space<vmem>>
        %dma_wait3A_142 = arith.constant 0 : i32
        %dma_wait3A_143 = tpu.memref_slice %arg9[%mul3A_92, %dma_wait3A_142] : memref<40x128xi32, #tpu.memory_space<vmem>> -> memref<1x128xi32, #tpu.memory_space<vmem>>
        %dma_wait3A_144 = tpu.memref_squeeze %dma_wait3A_143 : memref<1x128xi32, #tpu.memory_space<vmem>> -> memref<128xi32, #tpu.memory_space<vmem>>
        %dma_wait3A_145 = arith.constant 0 : i32
        %dma_wait3A_146 = arith.constant 0 : i32
        %dma_wait3A_147 = tpu.memref_slice %arg7[%dma_wait3A_145, %dma_wait3A_146] : memref<10016x128xf32, #tpu.memory_space<vmem_shared>> -> memref<10016x128xf32, #tpu.memory_space<vmem_shared>>
        tpu.wait_indirect_dma semaphore(%run_scoped3A_127 : memref<!tpu.dma_semaphore, #tpu.memory_space<semaphore_mem>>) src(%dma_wait3A_141 : memref<128x128xf32, #tpu.memory_space<vmem>>) dst(%dma_wait3A_147 : memref<10016x128xf32, #tpu.memory_space<vmem_shared>>)
        tpu.yield
      }) : () -> ()
      %lt3A_105 = arith.constant 19 : i32
      %lt3A_106 = arith.cmpi slt, %add3A_90, %lt3A_105 : i32
      %convert_element_type3A_107 = arith.extui %lt3A_106 : i1 to i32
      %cond3A_108 = arith.constant 0 : i32
      %cond3A_109 = arith.cmpi ne, %convert_element_type3A_107, %cond3A_108 : i32
      scf.if %cond3A_109 {
        %add3A_127 = arith.constant 2 : i32
        %add3A_128 = arith.addi %mul3A_92, %add3A_127 : i32
        %dma_start3A_129 = arith.constant 0 : i32
        %dma_start3A_130 = arith.constant 0 : i32
        %dma_start3A_131 = arith.constant 0 : i32
        %dma_start3A_132 = tpu.memref_slice %arg10[%dma_start3A_129, %dma_start3A_130, %dma_start3A_131] : memref<2x128x128xf32, #tpu.memory_space<vmem>> -> memref<1x128x128xf32, #tpu.memory_space<vmem>>
        %dma_start3A_133 = tpu.memref_squeeze %dma_start3A_132 : memref<1x128x128xf32, #tpu.memory_space<vmem>> -> memref<128x128xf32, #tpu.memory_space<vmem>>
        %dma_start3A_134 = arith.constant 0 : i32
        %dma_start3A_135 = tpu.memref_slice %arg8[%add3A_128, %dma_start3A_134] : memref<40x128xi32, #tpu.memory_space<vmem>> -> memref<1x128xi32, #tpu.memory_space<vmem>>
        %dma_start3A_136 = tpu.memref_squeeze %dma_start3A_135 : memref<1x128xi32, #tpu.memory_space<vmem>> -> memref<128xi32, #tpu.memory_space<vmem>>
        %dma_start3A_137 = arith.constant 0 : i32
        %dma_start3A_138 = arith.constant 0 : i32
        %dma_start3A_139 = tpu.memref_slice %arg2[%dma_start3A_137, %dma_start3A_138] : memref<10000x128xf32, #tpu.memory_space<hbm>> -> memref<10000x128xf32, #tpu.memory_space<hbm>>
        tpu.enqueue_indirect_dma source(%dma_start3A_139 : memref<10000x128xf32, #tpu.memory_space<hbm>>) target(%dma_start3A_133 : memref<128x128xf32, #tpu.memory_space<vmem>>) offsets(%dma_start3A_136 : memref<128xi32, #tpu.memory_space<vmem>>) semaphore(%arg11 : memref<!tpu.dma_semaphore, #tpu.memory_space<semaphore_mem>>)
      } else {
      }
      %dma_wait3A_110 = arith.constant 1 : i32
      %dma_wait3A_111 = arith.constant 0 : i32
      %dma_wait3A_112 = arith.constant 0 : i32
      %dma_wait3A_113 = tpu.memref_slice %arg10[%dma_wait3A_110, %dma_wait3A_111, %dma_wait3A_112] : memref<2x128x128xf32, #tpu.memory_space<vmem>> -> memref<1x128x128xf32, #tpu.memory_space<vmem>>
      %dma_wait3A_114 = tpu.memref_squeeze %dma_wait3A_113 : memref<1x128x128xf32, #tpu.memory_space<vmem>> -> memref<128x128xf32, #tpu.memory_space<vmem>>
      %dma_wait3A_115 = arith.constant 0 : i32
      %dma_wait3A_116 = tpu.memref_slice %arg8[%add3A_94, %dma_wait3A_115] : memref<40x128xi32, #tpu.memory_space<vmem>> -> memref<1x128xi32, #tpu.memory_space<vmem>>
      %dma_wait3A_117 = tpu.memref_squeeze %dma_wait3A_116 : memref<1x128xi32, #tpu.memory_space<vmem>> -> memref<128xi32, #tpu.memory_space<vmem>>
      %dma_wait3A_118 = arith.constant 0 : i32
      %dma_wait3A_119 = arith.constant 0 : i32
      %dma_wait3A_120 = tpu.memref_slice %arg2[%dma_wait3A_118, %dma_wait3A_119] : memref<10000x128xf32, #tpu.memory_space<hbm>> -> memref<10000x128xf32, #tpu.memory_space<hbm>>
      tpu.wait_indirect_dma semaphore(%arg12 : memref<!tpu.dma_semaphore, #tpu.memory_space<semaphore_mem>>) src(%dma_wait3A_120 : memref<10000x128xf32, #tpu.memory_space<hbm>>) dst(%dma_wait3A_114 : memref<128x128xf32, #tpu.memory_space<vmem>>)
      %run_scoped3A_121 = arith.constant 1 : i32
      "tpu.region"() ({
        %run_scoped3A_127 = tpu.sem_alloc : memref<!tpu.dma_semaphore, #tpu.memory_space<semaphore_mem>>
        %dma_start3A_128 = arith.constant 0 : i32
        %dma_start3A_129 = arith.constant 0 : i32
        %dma_start3A_130 = tpu.memref_slice %arg10[%run_scoped3A_121, %dma_start3A_128, %dma_start3A_129] : memref<2x128x128xf32, #tpu.memory_space<vmem>> -> memref<1x128x128xf32, #tpu.memory_space<vmem>>
        %dma_start3A_131 = tpu.memref_squeeze %dma_start3A_130 : memref<1x128x128xf32, #tpu.memory_space<vmem>> -> memref<128x128xf32, #tpu.memory_space<vmem>>
        %dma_start3A_132 = arith.constant 0 : i32
        %dma_start3A_133 = tpu.memref_slice %arg9[%add3A_94, %dma_start3A_132] : memref<40x128xi32, #tpu.memory_space<vmem>> -> memref<1x128xi32, #tpu.memory_space<vmem>>
        %dma_start3A_134 = tpu.memref_squeeze %dma_start3A_133 : memref<1x128xi32, #tpu.memory_space<vmem>> -> memref<128xi32, #tpu.memory_space<vmem>>
        %dma_start3A_135 = arith.constant 0 : i32
        %dma_start3A_136 = arith.constant 0 : i32
        %dma_start3A_137 = tpu.memref_slice %arg7[%dma_start3A_135, %dma_start3A_136] : memref<10016x128xf32, #tpu.memory_space<vmem_shared>> -> memref<10016x128xf32, #tpu.memory_space<vmem_shared>>
        tpu.enqueue_indirect_dma source(%dma_start3A_131 : memref<128x128xf32, #tpu.memory_space<vmem>>) target(%dma_start3A_137 : memref<10016x128xf32, #tpu.memory_space<vmem_shared>>) offsets(%dma_start3A_134 : memref<128xi32, #tpu.memory_space<vmem>>) semaphore(%run_scoped3A_127 : memref<!tpu.dma_semaphore, #tpu.memory_space<semaphore_mem>>) {add = true}
        %dma_wait3A_138 = arith.constant 0 : i32
        %dma_wait3A_139 = arith.constant 0 : i32
        %dma_wait3A_140 = tpu.memref_slice %arg10[%run_scoped3A_121, %dma_wait3A_138, %dma_wait3A_139] : memref<2x128x128xf32, #tpu.memory_space<vmem>> -> memref<1x128x128xf32, #tpu.memory_space<vmem>>
        %dma_wait3A_141 = tpu.memref_squeeze %dma_wait3A_140 : memref<1x128x128xf32, #tpu.memory_space<vmem>> -> memref<128x128xf32, #tpu.memory_space<vmem>>
        %dma_wait3A_142 = arith.constant 0 : i32
        %dma_wait3A_143 = tpu.memref_slice %arg9[%add3A_94, %dma_wait3A_142] : memref<40x128xi32, #tpu.memory_space<vmem>> -> memref<1x128xi32, #tpu.memory_space<vmem>>
        %dma_wait3A_144 = tpu.memref_squeeze %dma_wait3A_143 : memref<1x128xi32, #tpu.memory_space<vmem>> -> memref<128xi32, #tpu.memory_space<vmem>>
        %dma_wait3A_145 = arith.constant 0 : i32
        %dma_wait3A_146 = arith.constant 0 : i32
        %dma_wait3A_147 = tpu.memref_slice %arg7[%dma_wait3A_145, %dma_wait3A_146] : memref<10016x128xf32, #tpu.memory_space<vmem_shared>> -> memref<10016x128xf32, #tpu.memory_space<vmem_shared>>
        tpu.wait_indirect_dma semaphore(%run_scoped3A_127 : memref<!tpu.dma_semaphore, #tpu.memory_space<semaphore_mem>>) src(%dma_wait3A_141 : memref<128x128xf32, #tpu.memory_space<vmem>>) dst(%dma_wait3A_147 : memref<10016x128xf32, #tpu.memory_space<vmem_shared>>)
        tpu.yield
      }) : () -> ()
      %lt3A_122 = arith.constant 19 : i32
      %lt3A_123 = arith.cmpi slt, %add3A_90, %lt3A_122 : i32
      %convert_element_type3A_124 = arith.extui %lt3A_123 : i1 to i32
      %cond3A_125 = arith.constant 0 : i32
      %cond3A_126 = arith.cmpi ne, %convert_element_type3A_124, %cond3A_125 : i32
      scf.if %cond3A_126 {
        %add3A_127 = arith.constant 2 : i32
        %add3A_128 = arith.addi %add3A_94, %add3A_127 : i32
        %dma_start3A_129 = arith.constant 1 : i32
        %dma_start3A_130 = arith.constant 0 : i32
        %dma_start3A_131 = arith.constant 0 : i32
        %dma_start3A_132 = tpu.memref_slice %arg10[%dma_start3A_129, %dma_start3A_130, %dma_start3A_131] : memref<2x128x128xf32, #tpu.memory_space<vmem>> -> memref<1x128x128xf32, #tpu.memory_space<vmem>>
        %dma_start3A_133 = tpu.memref_squeeze %dma_start3A_132 : memref<1x128x128xf32, #tpu.memory_space<vmem>> -> memref<128x128xf32, #tpu.memory_space<vmem>>
        %dma_start3A_134 = arith.constant 0 : i32
        %dma_start3A_135 = tpu.memref_slice %arg8[%add3A_128, %dma_start3A_134] : memref<40x128xi32, #tpu.memory_space<vmem>> -> memref<1x128xi32, #tpu.memory_space<vmem>>
        %dma_start3A_136 = tpu.memref_squeeze %dma_start3A_135 : memref<1x128xi32, #tpu.memory_space<vmem>> -> memref<128xi32, #tpu.memory_space<vmem>>
        %dma_start3A_137 = arith.constant 0 : i32
        %dma_start3A_138 = arith.constant 0 : i32
        %dma_start3A_139 = tpu.memref_slice %arg2[%dma_start3A_137, %dma_start3A_138] : memref<10000x128xf32, #tpu.memory_space<hbm>> -> memref<10000x128xf32, #tpu.memory_space<hbm>>
        tpu.enqueue_indirect_dma source(%dma_start3A_139 : memref<10000x128xf32, #tpu.memory_space<hbm>>) target(%dma_start3A_133 : memref<128x128xf32, #tpu.memory_space<vmem>>) offsets(%dma_start3A_136 : memref<128xi32, #tpu.memory_space<vmem>>) semaphore(%arg12 : memref<!tpu.dma_semaphore, #tpu.memory_space<semaphore_mem>>)
      } else {
      }
    }
    %scan3A_45 = arith.constant 20 : i32
    "tpu.region"() ({
      %run_scoped3A = tpu.sem_alloc : memref<!tpu.dma_semaphore, #tpu.memory_space<semaphore_mem>>
      %dma_start3A_86 = arith.constant 40 : i32
      %dma_start3A_87 = arith.constant 0 : i32
      %dma_start3A_88 = tpu.memref_slice %arg4[%add3A, %dma_start3A_86, %dma_start3A_87] : memref<32x80x128xi32, #tpu.memory_space<hbm>> -> memref<1x40x128xi32, #tpu.memory_space<hbm>>
      %dma_start3A_89 = tpu.memref_squeeze %dma_start3A_88 : memref<1x40x128xi32, #tpu.memory_space<hbm>> -> memref<40x128xi32, #tpu.memory_space<hbm>>
      %dma_start3A_90 = arith.constant 40 : i32
      %dma_start3A_91 = arith.constant 0 : i32
      %dma_start3A_92 = tpu.memref_slice %arg4[%add3A, %dma_start3A_90, %dma_start3A_91] : memref<32x80x128xi32, #tpu.memory_space<hbm>> -> memref<1x40x128xi32, #tpu.memory_space<hbm>>
      %dma_start3A_93 = tpu.memref_squeeze %dma_start3A_92 : memref<1x40x128xi32, #tpu.memory_space<hbm>> -> memref<40x128xi32, #tpu.memory_space<hbm>>
      tpu.enqueue_dma source(%dma_start3A_93 : memref<40x128xi32, #tpu.memory_space<hbm>>) target(%arg8 : memref<40x128xi32, #tpu.memory_space<vmem>>) target_semaphore(%run_scoped3A : memref<!tpu.dma_semaphore, #tpu.memory_space<semaphore_mem>>)
      %dma_wait3A = arith.constant 40 : i32
      %dma_wait3A_94 = arith.constant 0 : i32
      %dma_wait3A_95 = tpu.memref_slice %arg4[%add3A, %dma_wait3A, %dma_wait3A_94] : memref<32x80x128xi32, #tpu.memory_space<hbm>> -> memref<1x40x128xi32, #tpu.memory_space<hbm>>
      %dma_wait3A_96 = tpu.memref_squeeze %dma_wait3A_95 : memref<1x40x128xi32, #tpu.memory_space<hbm>> -> memref<40x128xi32, #tpu.memory_space<hbm>>
      %dma_wait3A_97 = arith.constant 40 : i32
      %dma_wait3A_98 = arith.constant 0 : i32
      %dma_wait3A_99 = tpu.memref_slice %arg4[%add3A, %dma_wait3A_97, %dma_wait3A_98] : memref<32x80x128xi32, #tpu.memory_space<hbm>> -> memref<1x40x128xi32, #tpu.memory_space<hbm>>
      %dma_wait3A_100 = tpu.memref_squeeze %dma_wait3A_99 : memref<1x40x128xi32, #tpu.memory_space<hbm>> -> memref<40x128xi32, #tpu.memory_space<hbm>>
      tpu.wait_dma2 semaphore(%run_scoped3A : memref<!tpu.dma_semaphore, #tpu.memory_space<semaphore_mem>>) src(%dma_wait3A_100 : memref<40x128xi32, #tpu.memory_space<hbm>>) dst(%arg8 : memref<40x128xi32, #tpu.memory_space<vmem>>)
      tpu.yield
    }) : () -> ()
    "tpu.region"() ({
      %run_scoped3A = tpu.sem_alloc : memref<!tpu.dma_semaphore, #tpu.memory_space<semaphore_mem>>
      %dma_start3A_86 = arith.constant 40 : i32
      %dma_start3A_87 = arith.constant 0 : i32
      %dma_start3A_88 = tpu.memref_slice %arg5[%add3A, %dma_start3A_86, %dma_start3A_87] : memref<32x80x128xi32, #tpu.memory_space<hbm>> -> memref<1x40x128xi32, #tpu.memory_space<hbm>>
      %dma_start3A_89 = tpu.memref_squeeze %dma_start3A_88 : memref<1x40x128xi32, #tpu.memory_space<hbm>> -> memref<40x128xi32, #tpu.memory_space<hbm>>
      %dma_start3A_90 = arith.constant 40 : i32
      %dma_start3A_91 = arith.constant 0 : i32
      %dma_start3A_92 = tpu.memref_slice %arg5[%add3A, %dma_start3A_90, %dma_start3A_91] : memref<32x80x128xi32, #tpu.memory_space<hbm>> -> memref<1x40x128xi32, #tpu.memory_space<hbm>>
      %dma_start3A_93 = tpu.memref_squeeze %dma_start3A_92 : memref<1x40x128xi32, #tpu.memory_space<hbm>> -> memref<40x128xi32, #tpu.memory_space<hbm>>
      tpu.enqueue_dma source(%dma_start3A_93 : memref<40x128xi32, #tpu.memory_space<hbm>>) target(%arg9 : memref<40x128xi32, #tpu.memory_space<vmem>>) target_semaphore(%run_scoped3A : memref<!tpu.dma_semaphore, #tpu.memory_space<semaphore_mem>>)
      %dma_wait3A = arith.constant 40 : i32
      %dma_wait3A_94 = arith.constant 0 : i32
      %dma_wait3A_95 = tpu.memref_slice %arg5[%add3A, %dma_wait3A, %dma_wait3A_94] : memref<32x80x128xi32, #tpu.memory_space<hbm>> -> memref<1x40x128xi32, #tpu.memory_space<hbm>>
      %dma_wait3A_96 = tpu.memref_squeeze %dma_wait3A_95 : memref<1x40x128xi32, #tpu.memory_space<hbm>> -> memref<40x128xi32, #tpu.memory_space<hbm>>
      %dma_wait3A_97 = arith.constant 40 : i32
      %dma_wait3A_98 = arith.constant 0 : i32
      %dma_wait3A_99 = tpu.memref_slice %arg5[%add3A, %dma_wait3A_97, %dma_wait3A_98] : memref<32x80x128xi32, #tpu.memory_space<hbm>> -> memref<1x40x128xi32, #tpu.memory_space<hbm>>
      %dma_wait3A_100 = tpu.memref_squeeze %dma_wait3A_99 : memref<1x40x128xi32, #tpu.memory_space<hbm>> -> memref<40x128xi32, #tpu.memory_space<hbm>>
      tpu.wait_dma2 semaphore(%run_scoped3A : memref<!tpu.dma_semaphore, #tpu.memory_space<semaphore_mem>>) src(%dma_wait3A_100 : memref<40x128xi32, #tpu.memory_space<hbm>>) dst(%arg9 : memref<40x128xi32, #tpu.memory_space<vmem>>)
      tpu.yield
    }) : () -> ()
    %dma_start3A_46 = arith.constant 0 : i32
    %dma_start3A_47 = arith.constant 0 : i32
    %dma_start3A_48 = arith.constant 0 : i32
    %dma_start3A_49 = arith.constant 0 : i32
    %dma_start3A_50 = tpu.memref_slice %arg10[%dma_start3A_47, %dma_start3A_48, %dma_start3A_49] : memref<2x128x128xf32, #tpu.memory_space<vmem>> -> memref<1x128x128xf32, #tpu.memory_space<vmem>>
    %dma_start3A_51 = tpu.memref_squeeze %dma_start3A_50 : memref<1x128x128xf32, #tpu.memory_space<vmem>> -> memref<128x128xf32, #tpu.memory_space<vmem>>
    %dma_start3A_52 = arith.constant 0 : i32
    %dma_start3A_53 = tpu.memref_slice %arg8[%dma_start3A_46, %dma_start3A_52] : memref<40x128xi32, #tpu.memory_space<vmem>> -> memref<1x128xi32, #tpu.memory_space<vmem>>
    %dma_start3A_54 = tpu.memref_squeeze %dma_start3A_53 : memref<1x128xi32, #tpu.memory_space<vmem>> -> memref<128xi32, #tpu.memory_space<vmem>>
    %dma_start3A_55 = arith.constant 0 : i32
    %dma_start3A_56 = arith.constant 0 : i32
    %dma_start3A_57 = tpu.memref_slice %arg2[%dma_start3A_55, %dma_start3A_56] : memref<10000x128xf32, #tpu.memory_space<hbm>> -> memref<10000x128xf32, #tpu.memory_space<hbm>>
    tpu.enqueue_indirect_dma source(%dma_start3A_57 : memref<10000x128xf32, #tpu.memory_space<hbm>>) target(%dma_start3A_51 : memref<128x128xf32, #tpu.memory_space<vmem>>) offsets(%dma_start3A_54 : memref<128xi32, #tpu.memory_space<vmem>>) semaphore(%arg11 : memref<!tpu.dma_semaphore, #tpu.memory_space<semaphore_mem>>)
    %dma_start3A_58 = arith.constant 1 : i32
    %dma_start3A_59 = arith.constant 1 : i32
    %dma_start3A_60 = arith.constant 0 : i32
    %dma_start3A_61 = arith.constant 0 : i32
    %dma_start3A_62 = tpu.memref_slice %arg10[%dma_start3A_59, %dma_start3A_60, %dma_start3A_61] : memref<2x128x128xf32, #tpu.memory_space<vmem>> -> memref<1x128x128xf32, #tpu.memory_space<vmem>>
    %dma_start3A_63 = tpu.memref_squeeze %dma_start3A_62 : memref<1x128x128xf32, #tpu.memory_space<vmem>> -> memref<128x128xf32, #tpu.memory_space<vmem>>
    %dma_start3A_64 = arith.constant 0 : i32
    %dma_start3A_65 = tpu.memref_slice %arg8[%dma_start3A_58, %dma_start3A_64] : memref<40x128xi32, #tpu.memory_space<vmem>> -> memref<1x128xi32, #tpu.memory_space<vmem>>
    %dma_start3A_66 = tpu.memref_squeeze %dma_start3A_65 : memref<1x128xi32, #tpu.memory_space<vmem>> -> memref<128xi32, #tpu.memory_space<vmem>>
    %dma_start3A_67 = arith.constant 0 : i32
    %dma_start3A_68 = arith.constant 0 : i32
    %dma_start3A_69 = tpu.memref_slice %arg2[%dma_start3A_67, %dma_start3A_68] : memref<10000x128xf32, #tpu.memory_space<hbm>> -> memref<10000x128xf32, #tpu.memory_space<hbm>>
    tpu.enqueue_indirect_dma source(%dma_start3A_69 : memref<10000x128xf32, #tpu.memory_space<hbm>>) target(%dma_start3A_63 : memref<128x128xf32, #tpu.memory_space<vmem>>) offsets(%dma_start3A_66 : memref<128xi32, #tpu.memory_space<vmem>>) semaphore(%arg12 : memref<!tpu.dma_semaphore, #tpu.memory_space<semaphore_mem>>)
    %scan3A_70 = arith.constant 0 : i32
    %scan3A_71 = arith.constant 20 : i32
    %scan3A_72 = arith.addi %scan3A_70, %scan3A_71 : i32
    %scan3A_73 = arith.constant 1 : i32
    scf.for %scan3A_86 = %scan3A_70 to %scan3A_72 step %scan3A_73  : i32 {
      %mul3A_87 = arith.constant 1 : i32
      %mul3A_88 = arith.muli %scan3A_86, %mul3A_87 : i32
      %add3A_89 = arith.constant 0 : i32
      %add3A_90 = arith.addi %add3A_89, %mul3A_88 : i32
      %mul3A_91 = arith.constant 2 : i32
      %mul3A_92 = arith.muli %mul3A_91, %add3A_90 : i32
      %add3A_93 = arith.constant 1 : i32
      %add3A_94 = arith.addi %mul3A_92, %add3A_93 : i32
      %dma_wait3A = arith.constant 0 : i32
      %dma_wait3A_95 = arith.constant 0 : i32
      %dma_wait3A_96 = arith.constant 0 : i32
      %dma_wait3A_97 = tpu.memref_slice %arg10[%dma_wait3A, %dma_wait3A_95, %dma_wait3A_96] : memref<2x128x128xf32, #tpu.memory_space<vmem>> -> memref<1x128x128xf32, #tpu.memory_space<vmem>>
      %dma_wait3A_98 = tpu.memref_squeeze %dma_wait3A_97 : memref<1x128x128xf32, #tpu.memory_space<vmem>> -> memref<128x128xf32, #tpu.memory_space<vmem>>
      %dma_wait3A_99 = arith.constant 0 : i32
      %dma_wait3A_100 = tpu.memref_slice %arg8[%mul3A_92, %dma_wait3A_99] : memref<40x128xi32, #tpu.memory_space<vmem>> -> memref<1x128xi32, #tpu.memory_space<vmem>>
      %dma_wait3A_101 = tpu.memref_squeeze %dma_wait3A_100 : memref<1x128xi32, #tpu.memory_space<vmem>> -> memref<128xi32, #tpu.memory_space<vmem>>
      %dma_wait3A_102 = arith.constant 0 : i32
      %dma_wait3A_103 = arith.constant 0 : i32
      %dma_wait3A_104 = tpu.memref_slice %arg2[%dma_wait3A_102, %dma_wait3A_103] : memref<10000x128xf32, #tpu.memory_space<hbm>> -> memref<10000x128xf32, #tpu.memory_space<hbm>>
      tpu.wait_indirect_dma semaphore(%arg11 : memref<!tpu.dma_semaphore, #tpu.memory_space<semaphore_mem>>) src(%dma_wait3A_104 : memref<10000x128xf32, #tpu.memory_space<hbm>>) dst(%dma_wait3A_98 : memref<128x128xf32, #tpu.memory_space<vmem>>)
      %run_scoped3A = arith.constant 0 : i32
      "tpu.region"() ({
        %run_scoped3A_127 = tpu.sem_alloc : memref<!tpu.dma_semaphore, #tpu.memory_space<semaphore_mem>>
        %dma_start3A_128 = arith.constant 0 : i32
        %dma_start3A_129 = arith.constant 0 : i32
        %dma_start3A_130 = tpu.memref_slice %arg10[%run_scoped3A, %dma_start3A_128, %dma_start3A_129] : memref<2x128x128xf32, #tpu.memory_space<vmem>> -> memref<1x128x128xf32, #tpu.memory_space<vmem>>
        %dma_start3A_131 = tpu.memref_squeeze %dma_start3A_130 : memref<1x128x128xf32, #tpu.memory_space<vmem>> -> memref<128x128xf32, #tpu.memory_space<vmem>>
        %dma_start3A_132 = arith.constant 0 : i32
        %dma_start3A_133 = tpu.memref_slice %arg9[%mul3A_92, %dma_start3A_132] : memref<40x128xi32, #tpu.memory_space<vmem>> -> memref<1x128xi32, #tpu.memory_space<vmem>>
        %dma_start3A_134 = tpu.memref_squeeze %dma_start3A_133 : memref<1x128xi32, #tpu.memory_space<vmem>> -> memref<128xi32, #tpu.memory_space<vmem>>
        %dma_start3A_135 = arith.constant 0 : i32
        %dma_start3A_136 = arith.constant 0 : i32
        %dma_start3A_137 = tpu.memref_slice %arg7[%dma_start3A_135, %dma_start3A_136] : memref<10016x128xf32, #tpu.memory_space<vmem_shared>> -> memref<10016x128xf32, #tpu.memory_space<vmem_shared>>
        tpu.enqueue_indirect_dma source(%dma_start3A_131 : memref<128x128xf32, #tpu.memory_space<vmem>>) target(%dma_start3A_137 : memref<10016x128xf32, #tpu.memory_space<vmem_shared>>) offsets(%dma_start3A_134 : memref<128xi32, #tpu.memory_space<vmem>>) semaphore(%run_scoped3A_127 : memref<!tpu.dma_semaphore, #tpu.memory_space<semaphore_mem>>) {add = true}
        %dma_wait3A_138 = arith.constant 0 : i32
        %dma_wait3A_139 = arith.constant 0 : i32
        %dma_wait3A_140 = tpu.memref_slice %arg10[%run_scoped3A, %dma_wait3A_138, %dma_wait3A_139] : memref<2x128x128xf32, #tpu.memory_space<vmem>> -> memref<1x128x128xf32, #tpu.memory_space<vmem>>
        %dma_wait3A_141 = tpu.memref_squeeze %dma_wait3A_140 : memref<1x128x128xf32, #tpu.memory_space<vmem>> -> memref<128x128xf32, #tpu.memory_space<vmem>>
        %dma_wait3A_142 = arith.constant 0 : i32
        %dma_wait3A_143 = tpu.memref_slice %arg9[%mul3A_92, %dma_wait3A_142] : memref<40x128xi32, #tpu.memory_space<vmem>> -> memref<1x128xi32, #tpu.memory_space<vmem>>
        %dma_wait3A_144 = tpu.memref_squeeze %dma_wait3A_143 : memref<1x128xi32, #tpu.memory_space<vmem>> -> memref<128xi32, #tpu.memory_space<vmem>>
        %dma_wait3A_145 = arith.constant 0 : i32
        %dma_wait3A_146 = arith.constant 0 : i32
        %dma_wait3A_147 = tpu.memref_slice %arg7[%dma_wait3A_145, %dma_wait3A_146] : memref<10016x128xf32, #tpu.memory_space<vmem_shared>> -> memref<10016x128xf32, #tpu.memory_space<vmem_shared>>
        tpu.wait_indirect_dma semaphore(%run_scoped3A_127 : memref<!tpu.dma_semaphore, #tpu.memory_space<semaphore_mem>>) src(%dma_wait3A_141 : memref<128x128xf32, #tpu.memory_space<vmem>>) dst(%dma_wait3A_147 : memref<10016x128xf32, #tpu.memory_space<vmem_shared>>)
        tpu.yield
      }) : () -> ()
      %lt3A_105 = arith.constant 19 : i32
      %lt3A_106 = arith.cmpi slt, %add3A_90, %lt3A_105 : i32
      %convert_element_type3A_107 = arith.extui %lt3A_106 : i1 to i32
      %cond3A_108 = arith.constant 0 : i32
      %cond3A_109 = arith.cmpi ne, %convert_element_type3A_107, %cond3A_108 : i32
      scf.if %cond3A_109 {
        %add3A_127 = arith.constant 2 : i32
        %add3A_128 = arith.addi %mul3A_92, %add3A_127 : i32
        %dma_start3A_129 = arith.constant 0 : i32
        %dma_start3A_130 = arith.constant 0 : i32
        %dma_start3A_131 = arith.constant 0 : i32
        %dma_start3A_132 = tpu.memref_slice %arg10[%dma_start3A_129, %dma_start3A_130, %dma_start3A_131] : memref<2x128x128xf32, #tpu.memory_space<vmem>> -> memref<1x128x128xf32, #tpu.memory_space<vmem>>
        %dma_start3A_133 = tpu.memref_squeeze %dma_start3A_132 : memref<1x128x128xf32, #tpu.memory_space<vmem>> -> memref<128x128xf32, #tpu.memory_space<vmem>>
        %dma_start3A_134 = arith.constant 0 : i32
        %dma_start3A_135 = tpu.memref_slice %arg8[%add3A_128, %dma_start3A_134] : memref<40x128xi32, #tpu.memory_space<vmem>> -> memref<1x128xi32, #tpu.memory_space<vmem>>
        %dma_start3A_136 = tpu.memref_squeeze %dma_start3A_135 : memref<1x128xi32, #tpu.memory_space<vmem>> -> memref<128xi32, #tpu.memory_space<vmem>>
        %dma_start3A_137 = arith.constant 0 : i32
        %dma_start3A_138 = arith.constant 0 : i32
        %dma_start3A_139 = tpu.memref_slice %arg2[%dma_start3A_137, %dma_start3A_138] : memref<10000x128xf32, #tpu.memory_space<hbm>> -> memref<10000x128xf32, #tpu.memory_space<hbm>>
        tpu.enqueue_indirect_dma source(%dma_start3A_139 : memref<10000x128xf32, #tpu.memory_space<hbm>>) target(%dma_start3A_133 : memref<128x128xf32, #tpu.memory_space<vmem>>) offsets(%dma_start3A_136 : memref<128xi32, #tpu.memory_space<vmem>>) semaphore(%arg11 : memref<!tpu.dma_semaphore, #tpu.memory_space<semaphore_mem>>)
      } else {
      }
      %dma_wait3A_110 = arith.constant 1 : i32
      %dma_wait3A_111 = arith.constant 0 : i32
      %dma_wait3A_112 = arith.constant 0 : i32
      %dma_wait3A_113 = tpu.memref_slice %arg10[%dma_wait3A_110, %dma_wait3A_111, %dma_wait3A_112] : memref<2x128x128xf32, #tpu.memory_space<vmem>> -> memref<1x128x128xf32, #tpu.memory_space<vmem>>
      %dma_wait3A_114 = tpu.memref_squeeze %dma_wait3A_113 : memref<1x128x128xf32, #tpu.memory_space<vmem>> -> memref<128x128xf32, #tpu.memory_space<vmem>>
      %dma_wait3A_115 = arith.constant 0 : i32
      %dma_wait3A_116 = tpu.memref_slice %arg8[%add3A_94, %dma_wait3A_115] : memref<40x128xi32, #tpu.memory_space<vmem>> -> memref<1x128xi32, #tpu.memory_space<vmem>>
      %dma_wait3A_117 = tpu.memref_squeeze %dma_wait3A_116 : memref<1x128xi32, #tpu.memory_space<vmem>> -> memref<128xi32, #tpu.memory_space<vmem>>
      %dma_wait3A_118 = arith.constant 0 : i32
      %dma_wait3A_119 = arith.constant 0 : i32
      %dma_wait3A_120 = tpu.memref_slice %arg2[%dma_wait3A_118, %dma_wait3A_119] : memref<10000x128xf32, #tpu.memory_space<hbm>> -> memref<10000x128xf32, #tpu.memory_space<hbm>>
      tpu.wait_indirect_dma semaphore(%arg12 : memref<!tpu.dma_semaphore, #tpu.memory_space<semaphore_mem>>) src(%dma_wait3A_120 : memref<10000x128xf32, #tpu.memory_space<hbm>>) dst(%dma_wait3A_114 : memref<128x128xf32, #tpu.memory_space<vmem>>)
      %run_scoped3A_121 = arith.constant 1 : i32
      "tpu.region"() ({
        %run_scoped3A_127 = tpu.sem_alloc : memref<!tpu.dma_semaphore, #tpu.memory_space<semaphore_mem>>
        %dma_start3A_128 = arith.constant 0 : i32
        %dma_start3A_129 = arith.constant 0 : i32
        %dma_start3A_130 = tpu.memref_slice %arg10[%run_scoped3A_121, %dma_start3A_128, %dma_start3A_129] : memref<2x128x128xf32, #tpu.memory_space<vmem>> -> memref<1x128x128xf32, #tpu.memory_space<vmem>>
        %dma_start3A_131 = tpu.memref_squeeze %dma_start3A_130 : memref<1x128x128xf32, #tpu.memory_space<vmem>> -> memref<128x128xf32, #tpu.memory_space<vmem>>
        %dma_start3A_132 = arith.constant 0 : i32
        %dma_start3A_133 = tpu.memref_slice %arg9[%add3A_94, %dma_start3A_132] : memref<40x128xi32, #tpu.memory_space<vmem>> -> memref<1x128xi32, #tpu.memory_space<vmem>>
        %dma_start3A_134 = tpu.memref_squeeze %dma_start3A_133 : memref<1x128xi32, #tpu.memory_space<vmem>> -> memref<128xi32, #tpu.memory_space<vmem>>
        %dma_start3A_135 = arith.constant 0 : i32
        %dma_start3A_136 = arith.constant 0 : i32
        %dma_start3A_137 = tpu.memref_slice %arg7[%dma_start3A_135, %dma_start3A_136] : memref<10016x128xf32, #tpu.memory_space<vmem_shared>> -> memref<10016x128xf32, #tpu.memory_space<vmem_shared>>
        tpu.enqueue_indirect_dma source(%dma_start3A_131 : memref<128x128xf32, #tpu.memory_space<vmem>>) target(%dma_start3A_137 : memref<10016x128xf32, #tpu.memory_space<vmem_shared>>) offsets(%dma_start3A_134 : memref<128xi32, #tpu.memory_space<vmem>>) semaphore(%run_scoped3A_127 : memref<!tpu.dma_semaphore, #tpu.memory_space<semaphore_mem>>) {add = true}
        %dma_wait3A_138 = arith.constant 0 : i32
        %dma_wait3A_139 = arith.constant 0 : i32
        %dma_wait3A_140 = tpu.memref_slice %arg10[%run_scoped3A_121, %dma_wait3A_138, %dma_wait3A_139] : memref<2x128x128xf32, #tpu.memory_space<vmem>> -> memref<1x128x128xf32, #tpu.memory_space<vmem>>
        %dma_wait3A_141 = tpu.memref_squeeze %dma_wait3A_140 : memref<1x128x128xf32, #tpu.memory_space<vmem>> -> memref<128x128xf32, #tpu.memory_space<vmem>>
        %dma_wait3A_142 = arith.constant 0 : i32
        %dma_wait3A_143 = tpu.memref_slice %arg9[%add3A_94, %dma_wait3A_142] : memref<40x128xi32, #tpu.memory_space<vmem>> -> memref<1x128xi32, #tpu.memory_space<vmem>>
        %dma_wait3A_144 = tpu.memref_squeeze %dma_wait3A_143 : memref<1x128xi32, #tpu.memory_space<vmem>> -> memref<128xi32, #tpu.memory_space<vmem>>
        %dma_wait3A_145 = arith.constant 0 : i32
        %dma_wait3A_146 = arith.constant 0 : i32
        %dma_wait3A_147 = tpu.memref_slice %arg7[%dma_wait3A_145, %dma_wait3A_146] : memref<10016x128xf32, #tpu.memory_space<vmem_shared>> -> memref<10016x128xf32, #tpu.memory_space<vmem_shared>>
        tpu.wait_indirect_dma semaphore(%run_scoped3A_127 : memref<!tpu.dma_semaphore, #tpu.memory_space<semaphore_mem>>) src(%dma_wait3A_141 : memref<128x128xf32, #tpu.memory_space<vmem>>) dst(%dma_wait3A_147 : memref<10016x128xf32, #tpu.memory_space<vmem_shared>>)
        tpu.yield
      }) : () -> ()
      %lt3A_122 = arith.constant 19 : i32
      %lt3A_123 = arith.cmpi slt, %add3A_90, %lt3A_122 : i32
      %convert_element_type3A_124 = arith.extui %lt3A_123 : i1 to i32
      %cond3A_125 = arith.constant 0 : i32
      %cond3A_126 = arith.cmpi ne, %convert_element_type3A_124, %cond3A_125 : i32
      scf.if %cond3A_126 {
        %add3A_127 = arith.constant 2 : i32
        %add3A_128 = arith.addi %add3A_94, %add3A_127 : i32
        %dma_start3A_129 = arith.constant 1 : i32
        %dma_start3A_130 = arith.constant 0 : i32
        %dma_start3A_131 = arith.constant 0 : i32
        %dma_start3A_132 = tpu.memref_slice %arg10[%dma_start3A_129, %dma_start3A_130, %dma_start3A_131] : memref<2x128x128xf32, #tpu.memory_space<vmem>> -> memref<1x128x128xf32, #tpu.memory_space<vmem>>
        %dma_start3A_133 = tpu.memref_squeeze %dma_start3A_132 : memref<1x128x128xf32, #tpu.memory_space<vmem>> -> memref<128x128xf32, #tpu.memory_space<vmem>>
        %dma_start3A_134 = arith.constant 0 : i32
        %dma_start3A_135 = tpu.memref_slice %arg8[%add3A_128, %dma_start3A_134] : memref<40x128xi32, #tpu.memory_space<vmem>> -> memref<1x128xi32, #tpu.memory_space<vmem>>
        %dma_start3A_136 = tpu.memref_squeeze %dma_start3A_135 : memref<1x128xi32, #tpu.memory_space<vmem>> -> memref<128xi32, #tpu.memory_space<vmem>>
        %dma_start3A_137 = arith.constant 0 : i32
        %dma_start3A_138 = arith.constant 0 : i32
        %dma_start3A_139 = tpu.memref_slice %arg2[%dma_start3A_137, %dma_start3A_138] : memref<10000x128xf32, #tpu.memory_space<hbm>> -> memref<10000x128xf32, #tpu.memory_space<hbm>>
        tpu.enqueue_indirect_dma source(%dma_start3A_139 : memref<10000x128xf32, #tpu.memory_space<hbm>>) target(%dma_start3A_133 : memref<128x128xf32, #tpu.memory_space<vmem>>) offsets(%dma_start3A_136 : memref<128xi32, #tpu.memory_space<vmem>>) semaphore(%arg12 : memref<!tpu.dma_semaphore, #tpu.memory_space<semaphore_mem>>)
      } else {
      }
    }
    %scan3A_74 = arith.constant 20 : i32
    %barrier3A_75 = arith.constant 0 : index
    tpu.barrier barrier_id(%barrier3A_75)
    %lt3A_76 = arith.constant 15 : i32
    %lt3A_77 = arith.cmpi slt, %arg1, %lt3A_76 : i32
    %convert_element_type3A_78 = arith.extui %lt3A_77 : i1 to i32
    %cond3A_79 = arith.constant 0 : i32
    %cond3A_80 = arith.cmpi ne, %convert_element_type3A_78, %cond3A_79 : i32
    scf.if %cond3A_80 {
      %mul3A_86 = arith.constant 640 : i32
      %mul3A_87 = arith.muli %arg1, %mul3A_86 : i32
      %mul3A_88 = arith.constant 640 : i32
      %mul3A_89 = arith.muli %arg1, %mul3A_88 : i32
      "tpu.region"() ({
        %run_scoped3A = tpu.sem_alloc : memref<!tpu.dma_semaphore, #tpu.memory_space<semaphore_mem>>
        %dma_start3A_90 = arith.constant 0 : i32
        %dma_start3A_91 = tpu.memref_slice %arg6[%arg0, %mul3A_89, %dma_start3A_90] : memref<2x10000x128xf32, #tpu.memory_space<hbm>> -> memref<1x640x128xf32, #tpu.memory_space<hbm>>
        %dma_start3A_92 = tpu.memref_squeeze %dma_start3A_91 : memref<1x640x128xf32, #tpu.memory_space<hbm>> -> memref<640x128xf32, #tpu.memory_space<hbm>>
        %dma_start3A_93 = arith.constant 0 : i32
        %dma_start3A_94 = tpu.memref_slice %arg7[%mul3A_87, %dma_start3A_93] : memref<10016x128xf32, #tpu.memory_space<vmem_shared>> -> memref<640x128xf32, #tpu.memory_space<vmem_shared>>
        tpu.enqueue_dma source(%dma_start3A_94 : memref<640x128xf32, #tpu.memory_space<vmem_shared>>) target(%dma_start3A_92 : memref<640x128xf32, #tpu.memory_space<hbm>>) target_semaphore(%run_scoped3A : memref<!tpu.dma_semaphore, #tpu.memory_space<semaphore_mem>>)
        %dma_wait3A = arith.constant 0 : i32
        %dma_wait3A_95 = tpu.memref_slice %arg6[%arg0, %mul3A_89, %dma_wait3A] : memref<2x10000x128xf32, #tpu.memory_space<hbm>> -> memref<1x640x128xf32, #tpu.memory_space<hbm>>
        %dma_wait3A_96 = tpu.memref_squeeze %dma_wait3A_95 : memref<1x640x128xf32, #tpu.memory_space<hbm>> -> memref<640x128xf32, #tpu.memory_space<hbm>>
        %dma_wait3A_97 = arith.constant 0 : i32
        %dma_wait3A_98 = tpu.memref_slice %arg7[%mul3A_87, %dma_wait3A_97] : memref<10016x128xf32, #tpu.memory_space<vmem_shared>> -> memref<640x128xf32, #tpu.memory_space<vmem_shared>>
        tpu.wait_dma2 semaphore(%run_scoped3A : memref<!tpu.dma_semaphore, #tpu.memory_space<semaphore_mem>>) src(%dma_wait3A_98 : memref<640x128xf32, #tpu.memory_space<vmem_shared>>) dst(%dma_wait3A_96 : memref<640x128xf32, #tpu.memory_space<hbm>>)
        tpu.yield
      }) : () -> ()
    } else {
    }
    %eq3A_81 = arith.constant 15 : i32
    %eq3A_82 = arith.cmpi eq, %arg1, %eq3A_81 : i32
    %convert_element_type3A_83 = arith.extui %eq3A_82 : i1 to i32
    %cond3A_84 = arith.constant 0 : i32
    %cond3A_85 = arith.cmpi ne, %convert_element_type3A_83, %cond3A_84 : i32
    scf.if %cond3A_85 {
      "tpu.region"() ({
        %run_scoped3A = tpu.sem_alloc : memref<!tpu.dma_semaphore, #tpu.memory_space<semaphore_mem>>
        %dma_start3A_86 = arith.constant 9600 : i32
        %dma_start3A_87 = arith.constant 0 : i32
        %dma_start3A_88 = tpu.memref_slice %arg6[%arg0, %dma_start3A_86, %dma_start3A_87] : memref<2x10000x128xf32, #tpu.memory_space<hbm>> -> memref<1x400x128xf32, #tpu.memory_space<hbm>>
        %dma_start3A_89 = tpu.memref_squeeze %dma_start3A_88 : memref<1x400x128xf32, #tpu.memory_space<hbm>> -> memref<400x128xf32, #tpu.memory_space<hbm>>
        %dma_start3A_90 = arith.constant 9600 : i32
        %dma_start3A_91 = arith.constant 0 : i32
        %dma_start3A_92 = tpu.memref_slice %arg7[%dma_start3A_90, %dma_start3A_91] : memref<10016x128xf32, #tpu.memory_space<vmem_shared>> -> memref<400x128xf32, #tpu.memory_space<vmem_shared>>
        tpu.enqueue_dma source(%dma_start3A_92 : memref<400x128xf32, #tpu.memory_space<vmem_shared>>) target(%dma_start3A_89 : memref<400x128xf32, #tpu.memory_space<hbm>>) target_semaphore(%run_scoped3A : memref<!tpu.dma_semaphore, #tpu.memory_space<semaphore_mem>>)
        %dma_wait3A = arith.constant 9600 : i32
        %dma_wait3A_93 = arith.constant 0 : i32
        %dma_wait3A_94 = tpu.memref_slice %arg6[%arg0, %dma_wait3A, %dma_wait3A_93] : memref<2x10000x128xf32, #tpu.memory_space<hbm>> -> memref<1x400x128xf32, #tpu.memory_space<hbm>>
        %dma_wait3A_95 = tpu.memref_squeeze %dma_wait3A_94 : memref<1x400x128xf32, #tpu.memory_space<hbm>> -> memref<400x128xf32, #tpu.memory_space<hbm>>
        %dma_wait3A_96 = arith.constant 9600 : i32
        %dma_wait3A_97 = arith.constant 0 : i32
        %dma_wait3A_98 = tpu.memref_slice %arg7[%dma_wait3A_96, %dma_wait3A_97] : memref<10016x128xf32, #tpu.memory_space<vmem_shared>> -> memref<400x128xf32, #tpu.memory_space<vmem_shared>>
        tpu.wait_dma2 semaphore(%run_scoped3A : memref<!tpu.dma_semaphore, #tpu.memory_space<semaphore_mem>>) src(%dma_wait3A_98 : memref<400x128xf32, #tpu.memory_space<vmem_shared>>) dst(%dma_wait3A_95 : memref<400x128xf32, #tpu.memory_space<hbm>>)
        tpu.yield
      }) : () -> ()
    } else {
    }
    return
  }
}

#map = affine_map<(d0, d1) -> (0, 0, 0)>
#map1 = affine_map<(d0, d1) -> (0, 0)>
module attributes {stable_mosaic.version = 14 : i64} {
  func.func @sage_sc_counts(%arg0: i32, %arg1: i32, %arg2: memref<32x80x128xi32, #tpu.memory_space<hbm>>, %arg3: memref<10016x128xf32, #tpu.memory_space<hbm>>, %arg4: memref<128x128xf32, #tpu.memory_space<hbm>>, %arg5: memref<2x10000x128xf32, #tpu.memory_space<hbm>>, %arg6: memref<10016x128xf32, #tpu.memory_space<vmem_shared>>, %arg7: memref<80x128xi32, #tpu.memory_space<vmem>>, %arg8: memref<128x128xf32, #tpu.memory_space<vmem>>, %arg9: memref<!tpu.dma_semaphore, #tpu.memory_space<semaphore_mem>>) attributes {dimension_semantics = [#tpu.dimension_semantics<core_parallel>, #tpu.dimension_semantics<subcore_parallel>], iteration_bounds = array<i64: 2, 16>, scalar_prefetch = 0 : i64, scratch_operands = 4 : i64, tpu.core_type = #tpu.core_type<sc_vector_subcore>, window_params = [{transform_indices = #map}, {transform_indices = #map1}, {transform_indices = #map1}, {transform_indices = #map}]} {
    %mul3A = arith.constant 16 : i32
    %mul3A_0 = arith.muli %arg0, %mul3A : i32
    %add3A = arith.addi %mul3A_0, %arg1 : i32
    %lt3A = arith.constant 15 : i32
    %lt3A_1 = arith.cmpi slt, %arg1, %lt3A : i32
    %convert_element_type3A = arith.extui %lt3A_1 : i1 to i32
    %cond3A = arith.constant 0 : i32
    %cond3A_2 = arith.cmpi ne, %convert_element_type3A, %cond3A : i32
    scf.if %cond3A_2 {
      %mul3A_22 = arith.constant 640 : i32
      %mul3A_23 = arith.muli %arg1, %mul3A_22 : i32
      %mul3A_24 = arith.constant 640 : i32
      %mul3A_25 = arith.muli %arg1, %mul3A_24 : i32
      "tpu.region"() ({
        %run_scoped3A = tpu.sem_alloc : memref<!tpu.dma_semaphore, #tpu.memory_space<semaphore_mem>>
        %dma_start3A = arith.constant 0 : i32
        %dma_start3A_26 = tpu.memref_slice %arg6[%mul3A_25, %dma_start3A] : memref<10016x128xf32, #tpu.memory_space<vmem_shared>> -> memref<640x128xf32, #tpu.memory_space<vmem_shared>>
        %dma_start3A_27 = arith.constant 0 : i32
        %dma_start3A_28 = tpu.memref_slice %arg3[%mul3A_23, %dma_start3A_27] : memref<10016x128xf32, #tpu.memory_space<hbm>> -> memref<640x128xf32, #tpu.memory_space<hbm>>
        tpu.enqueue_dma source(%dma_start3A_28 : memref<640x128xf32, #tpu.memory_space<hbm>>) target(%dma_start3A_26 : memref<640x128xf32, #tpu.memory_space<vmem_shared>>) target_semaphore(%run_scoped3A : memref<!tpu.dma_semaphore, #tpu.memory_space<semaphore_mem>>)
        %dma_wait3A = arith.constant 0 : i32
        %dma_wait3A_29 = tpu.memref_slice %arg6[%mul3A_25, %dma_wait3A] : memref<10016x128xf32, #tpu.memory_space<vmem_shared>> -> memref<640x128xf32, #tpu.memory_space<vmem_shared>>
        %dma_wait3A_30 = arith.constant 0 : i32
        %dma_wait3A_31 = tpu.memref_slice %arg3[%mul3A_23, %dma_wait3A_30] : memref<10016x128xf32, #tpu.memory_space<hbm>> -> memref<640x128xf32, #tpu.memory_space<hbm>>
        tpu.wait_dma2 semaphore(%run_scoped3A : memref<!tpu.dma_semaphore, #tpu.memory_space<semaphore_mem>>) src(%dma_wait3A_31 : memref<640x128xf32, #tpu.memory_space<hbm>>) dst(%dma_wait3A_29 : memref<640x128xf32, #tpu.memory_space<vmem_shared>>)
        tpu.yield
      }) : () -> ()
    } else {
    }
    %eq3A = arith.constant 15 : i32
    %eq3A_3 = arith.cmpi eq, %arg1, %eq3A : i32
    %convert_element_type3A_4 = arith.extui %eq3A_3 : i1 to i32
    %cond3A_5 = arith.constant 0 : i32
    %cond3A_6 = arith.cmpi ne, %convert_element_type3A_4, %cond3A_5 : i32
    scf.if %cond3A_6 {
      "tpu.region"() ({
        %run_scoped3A = tpu.sem_alloc : memref<!tpu.dma_semaphore, #tpu.memory_space<semaphore_mem>>
        %dma_start3A = arith.constant 9600 : i32
        %dma_start3A_22 = arith.constant 0 : i32
        %dma_start3A_23 = tpu.memref_slice %arg6[%dma_start3A, %dma_start3A_22] : memref<10016x128xf32, #tpu.memory_space<vmem_shared>> -> memref<416x128xf32, #tpu.memory_space<vmem_shared>>
        %dma_start3A_24 = arith.constant 9600 : i32
        %dma_start3A_25 = arith.constant 0 : i32
        %dma_start3A_26 = tpu.memref_slice %arg3[%dma_start3A_24, %dma_start3A_25] : memref<10016x128xf32, #tpu.memory_space<hbm>> -> memref<416x128xf32, #tpu.memory_space<hbm>>
        tpu.enqueue_dma source(%dma_start3A_26 : memref<416x128xf32, #tpu.memory_space<hbm>>) target(%dma_start3A_23 : memref<416x128xf32, #tpu.memory_space<vmem_shared>>) target_semaphore(%run_scoped3A : memref<!tpu.dma_semaphore, #tpu.memory_space<semaphore_mem>>)
        %dma_wait3A = arith.constant 9600 : i32
        %dma_wait3A_27 = arith.constant 0 : i32
        %dma_wait3A_28 = tpu.memref_slice %arg6[%dma_wait3A, %dma_wait3A_27] : memref<10016x128xf32, #tpu.memory_space<vmem_shared>> -> memref<416x128xf32, #tpu.memory_space<vmem_shared>>
        %dma_wait3A_29 = arith.constant 9600 : i32
        %dma_wait3A_30 = arith.constant 0 : i32
        %dma_wait3A_31 = tpu.memref_slice %arg3[%dma_wait3A_29, %dma_wait3A_30] : memref<10016x128xf32, #tpu.memory_space<hbm>> -> memref<416x128xf32, #tpu.memory_space<hbm>>
        tpu.wait_dma2 semaphore(%run_scoped3A : memref<!tpu.dma_semaphore, #tpu.memory_space<semaphore_mem>>) src(%dma_wait3A_31 : memref<416x128xf32, #tpu.memory_space<hbm>>) dst(%dma_wait3A_28 : memref<416x128xf32, #tpu.memory_space<vmem_shared>>)
        tpu.yield
      }) : () -> ()
    } else {
    }
    "tpu.region"() ({
      %run_scoped3A = tpu.sem_alloc : memref<!tpu.dma_semaphore, #tpu.memory_space<semaphore_mem>>
      %dma_start3A = arith.constant 0 : i32
      %dma_start3A_22 = arith.constant 0 : i32
      %dma_start3A_23 = tpu.memref_slice %arg2[%add3A, %dma_start3A, %dma_start3A_22] : memref<32x80x128xi32, #tpu.memory_space<hbm>> -> memref<1x80x128xi32, #tpu.memory_space<hbm>>
      %dma_start3A_24 = tpu.memref_squeeze %dma_start3A_23 : memref<1x80x128xi32, #tpu.memory_space<hbm>> -> memref<80x128xi32, #tpu.memory_space<hbm>>
      %dma_start3A_25 = arith.constant 0 : i32
      %dma_start3A_26 = arith.constant 0 : i32
      %dma_start3A_27 = tpu.memref_slice %arg2[%add3A, %dma_start3A_25, %dma_start3A_26] : memref<32x80x128xi32, #tpu.memory_space<hbm>> -> memref<1x80x128xi32, #tpu.memory_space<hbm>>
      %dma_start3A_28 = tpu.memref_squeeze %dma_start3A_27 : memref<1x80x128xi32, #tpu.memory_space<hbm>> -> memref<80x128xi32, #tpu.memory_space<hbm>>
      tpu.enqueue_dma source(%dma_start3A_28 : memref<80x128xi32, #tpu.memory_space<hbm>>) target(%arg7 : memref<80x128xi32, #tpu.memory_space<vmem>>) target_semaphore(%run_scoped3A : memref<!tpu.dma_semaphore, #tpu.memory_space<semaphore_mem>>)
      %dma_wait3A = arith.constant 0 : i32
      %dma_wait3A_29 = arith.constant 0 : i32
      %dma_wait3A_30 = tpu.memref_slice %arg2[%add3A, %dma_wait3A, %dma_wait3A_29] : memref<32x80x128xi32, #tpu.memory_space<hbm>> -> memref<1x80x128xi32, #tpu.memory_space<hbm>>
      %dma_wait3A_31 = tpu.memref_squeeze %dma_wait3A_30 : memref<1x80x128xi32, #tpu.memory_space<hbm>> -> memref<80x128xi32, #tpu.memory_space<hbm>>
      %dma_wait3A_32 = arith.constant 0 : i32
      %dma_wait3A_33 = arith.constant 0 : i32
      %dma_wait3A_34 = tpu.memref_slice %arg2[%add3A, %dma_wait3A_32, %dma_wait3A_33] : memref<32x80x128xi32, #tpu.memory_space<hbm>> -> memref<1x80x128xi32, #tpu.memory_space<hbm>>
      %dma_wait3A_35 = tpu.memref_squeeze %dma_wait3A_34 : memref<1x80x128xi32, #tpu.memory_space<hbm>> -> memref<80x128xi32, #tpu.memory_space<hbm>>
      tpu.wait_dma2 semaphore(%run_scoped3A : memref<!tpu.dma_semaphore, #tpu.memory_space<semaphore_mem>>) src(%dma_wait3A_35 : memref<80x128xi32, #tpu.memory_space<hbm>>) dst(%arg7 : memref<80x128xi32, #tpu.memory_space<vmem>>)
      tpu.yield
    }) : () -> ()
    "tpu.region"() ({
      %run_scoped3A = tpu.sem_alloc : memref<!tpu.dma_semaphore, #tpu.memory_space<semaphore_mem>>
      tpu.enqueue_dma source(%arg4 : memref<128x128xf32, #tpu.memory_space<hbm>>) target(%arg8 : memref<128x128xf32, #tpu.memory_space<vmem>>) target_semaphore(%run_scoped3A : memref<!tpu.dma_semaphore, #tpu.memory_space<semaphore_mem>>)
      tpu.wait_dma2 semaphore(%run_scoped3A : memref<!tpu.dma_semaphore, #tpu.memory_space<semaphore_mem>>) src(%arg4 : memref<128x128xf32, #tpu.memory_space<hbm>>) dst(%arg8 : memref<128x128xf32, #tpu.memory_space<vmem>>)
      tpu.yield
    }) : () -> ()
    %barrier3A = arith.constant 0 : index
    tpu.barrier barrier_id(%barrier3A)
    %scan3A = arith.constant 0 : i32
    %scan3A_7 = arith.constant 10 : i32
    %scan3A_8 = arith.addi %scan3A, %scan3A_7 : i32
    %scan3A_9 = arith.constant 1 : i32
    scf.for %scan3A_22 = %scan3A to %scan3A_8 step %scan3A_9  : i32 {
      %mul3A_23 = arith.constant 1 : i32
      %mul3A_24 = arith.muli %scan3A_22, %mul3A_23 : i32
      %add3A_25 = arith.constant 0 : i32
      %add3A_26 = arith.addi %add3A_25, %mul3A_24 : i32
      %mul3A_27 = arith.constant 8 : i32
      %mul3A_28 = arith.muli %mul3A_27, %add3A_26 : i32
      %add3A_29 = arith.constant 0 : i32
      %add3A_30 = arith.addi %mul3A_28, %add3A_29 : i32
      %dma_start3A = arith.constant 0 : i32
      %dma_start3A_31 = tpu.memref_slice %arg7[%add3A_30, %dma_start3A] : memref<80x128xi32, #tpu.memory_space<vmem>> -> memref<1x128xi32, #tpu.memory_space<vmem>>
      %dma_start3A_32 = tpu.memref_squeeze %dma_start3A_31 : memref<1x128xi32, #tpu.memory_space<vmem>> -> memref<128xi32, #tpu.memory_space<vmem>>
      %dma_start3A_33 = arith.constant 0 : i32
      %dma_start3A_34 = arith.constant 0 : i32
      %dma_start3A_35 = tpu.memref_slice %arg6[%dma_start3A_33, %dma_start3A_34] : memref<10016x128xf32, #tpu.memory_space<vmem_shared>> -> memref<10016x128xf32, #tpu.memory_space<vmem_shared>>
      tpu.enqueue_indirect_dma source(%arg8 : memref<128x128xf32, #tpu.memory_space<vmem>>) target(%dma_start3A_35 : memref<10016x128xf32, #tpu.memory_space<vmem_shared>>) offsets(%dma_start3A_32 : memref<128xi32, #tpu.memory_space<vmem>>) semaphore(%arg9 : memref<!tpu.dma_semaphore, #tpu.memory_space<semaphore_mem>>) {add = true}
      %add3A_36 = arith.constant 1 : i32
      %add3A_37 = arith.addi %mul3A_28, %add3A_36 : i32
      %dma_start3A_38 = arith.constant 0 : i32
      %dma_start3A_39 = tpu.memref_slice %arg7[%add3A_37, %dma_start3A_38] : memref<80x128xi32, #tpu.memory_space<vmem>> -> memref<1x128xi32, #tpu.memory_space<vmem>>
      %dma_start3A_40 = tpu.memref_squeeze %dma_start3A_39 : memref<1x128xi32, #tpu.memory_space<vmem>> -> memref<128xi32, #tpu.memory_space<vmem>>
      %dma_start3A_41 = arith.constant 0 : i32
      %dma_start3A_42 = arith.constant 0 : i32
      %dma_start3A_43 = tpu.memref_slice %arg6[%dma_start3A_41, %dma_start3A_42] : memref<10016x128xf32, #tpu.memory_space<vmem_shared>> -> memref<10016x128xf32, #tpu.memory_space<vmem_shared>>
      tpu.enqueue_indirect_dma source(%arg8 : memref<128x128xf32, #tpu.memory_space<vmem>>) target(%dma_start3A_43 : memref<10016x128xf32, #tpu.memory_space<vmem_shared>>) offsets(%dma_start3A_40 : memref<128xi32, #tpu.memory_space<vmem>>) semaphore(%arg9 : memref<!tpu.dma_semaphore, #tpu.memory_space<semaphore_mem>>) {add = true}
      %add3A_44 = arith.constant 2 : i32
      %add3A_45 = arith.addi %mul3A_28, %add3A_44 : i32
      %dma_start3A_46 = arith.constant 0 : i32
      %dma_start3A_47 = tpu.memref_slice %arg7[%add3A_45, %dma_start3A_46] : memref<80x128xi32, #tpu.memory_space<vmem>> -> memref<1x128xi32, #tpu.memory_space<vmem>>
      %dma_start3A_48 = tpu.memref_squeeze %dma_start3A_47 : memref<1x128xi32, #tpu.memory_space<vmem>> -> memref<128xi32, #tpu.memory_space<vmem>>
      %dma_start3A_49 = arith.constant 0 : i32
      %dma_start3A_50 = arith.constant 0 : i32
      %dma_start3A_51 = tpu.memref_slice %arg6[%dma_start3A_49, %dma_start3A_50] : memref<10016x128xf32, #tpu.memory_space<vmem_shared>> -> memref<10016x128xf32, #tpu.memory_space<vmem_shared>>
      tpu.enqueue_indirect_dma source(%arg8 : memref<128x128xf32, #tpu.memory_space<vmem>>) target(%dma_start3A_51 : memref<10016x128xf32, #tpu.memory_space<vmem_shared>>) offsets(%dma_start3A_48 : memref<128xi32, #tpu.memory_space<vmem>>) semaphore(%arg9 : memref<!tpu.dma_semaphore, #tpu.memory_space<semaphore_mem>>) {add = true}
      %add3A_52 = arith.constant 3 : i32
      %add3A_53 = arith.addi %mul3A_28, %add3A_52 : i32
      %dma_start3A_54 = arith.constant 0 : i32
      %dma_start3A_55 = tpu.memref_slice %arg7[%add3A_53, %dma_start3A_54] : memref<80x128xi32, #tpu.memory_space<vmem>> -> memref<1x128xi32, #tpu.memory_space<vmem>>
      %dma_start3A_56 = tpu.memref_squeeze %dma_start3A_55 : memref<1x128xi32, #tpu.memory_space<vmem>> -> memref<128xi32, #tpu.memory_space<vmem>>
      %dma_start3A_57 = arith.constant 0 : i32
      %dma_start3A_58 = arith.constant 0 : i32
      %dma_start3A_59 = tpu.memref_slice %arg6[%dma_start3A_57, %dma_start3A_58] : memref<10016x128xf32, #tpu.memory_space<vmem_shared>> -> memref<10016x128xf32, #tpu.memory_space<vmem_shared>>
      tpu.enqueue_indirect_dma source(%arg8 : memref<128x128xf32, #tpu.memory_space<vmem>>) target(%dma_start3A_59 : memref<10016x128xf32, #tpu.memory_space<vmem_shared>>) offsets(%dma_start3A_56 : memref<128xi32, #tpu.memory_space<vmem>>) semaphore(%arg9 : memref<!tpu.dma_semaphore, #tpu.memory_space<semaphore_mem>>) {add = true}
      %add3A_60 = arith.constant 4 : i32
      %add3A_61 = arith.addi %mul3A_28, %add3A_60 : i32
      %dma_start3A_62 = arith.constant 0 : i32
      %dma_start3A_63 = tpu.memref_slice %arg7[%add3A_61, %dma_start3A_62] : memref<80x128xi32, #tpu.memory_space<vmem>> -> memref<1x128xi32, #tpu.memory_space<vmem>>
      %dma_start3A_64 = tpu.memref_squeeze %dma_start3A_63 : memref<1x128xi32, #tpu.memory_space<vmem>> -> memref<128xi32, #tpu.memory_space<vmem>>
      %dma_start3A_65 = arith.constant 0 : i32
      %dma_start3A_66 = arith.constant 0 : i32
      %dma_start3A_67 = tpu.memref_slice %arg6[%dma_start3A_65, %dma_start3A_66] : memref<10016x128xf32, #tpu.memory_space<vmem_shared>> -> memref<10016x128xf32, #tpu.memory_space<vmem_shared>>
      tpu.enqueue_indirect_dma source(%arg8 : memref<128x128xf32, #tpu.memory_space<vmem>>) target(%dma_start3A_67 : memref<10016x128xf32, #tpu.memory_space<vmem_shared>>) offsets(%dma_start3A_64 : memref<128xi32, #tpu.memory_space<vmem>>) semaphore(%arg9 : memref<!tpu.dma_semaphore, #tpu.memory_space<semaphore_mem>>) {add = true}
      %add3A_68 = arith.constant 5 : i32
      %add3A_69 = arith.addi %mul3A_28, %add3A_68 : i32
      %dma_start3A_70 = arith.constant 0 : i32
      %dma_start3A_71 = tpu.memref_slice %arg7[%add3A_69, %dma_start3A_70] : memref<80x128xi32, #tpu.memory_space<vmem>> -> memref<1x128xi32, #tpu.memory_space<vmem>>
      %dma_start3A_72 = tpu.memref_squeeze %dma_start3A_71 : memref<1x128xi32, #tpu.memory_space<vmem>> -> memref<128xi32, #tpu.memory_space<vmem>>
      %dma_start3A_73 = arith.constant 0 : i32
      %dma_start3A_74 = arith.constant 0 : i32
      %dma_start3A_75 = tpu.memref_slice %arg6[%dma_start3A_73, %dma_start3A_74] : memref<10016x128xf32, #tpu.memory_space<vmem_shared>> -> memref<10016x128xf32, #tpu.memory_space<vmem_shared>>
      tpu.enqueue_indirect_dma source(%arg8 : memref<128x128xf32, #tpu.memory_space<vmem>>) target(%dma_start3A_75 : memref<10016x128xf32, #tpu.memory_space<vmem_shared>>) offsets(%dma_start3A_72 : memref<128xi32, #tpu.memory_space<vmem>>) semaphore(%arg9 : memref<!tpu.dma_semaphore, #tpu.memory_space<semaphore_mem>>) {add = true}
      %add3A_76 = arith.constant 6 : i32
      %add3A_77 = arith.addi %mul3A_28, %add3A_76 : i32
      %dma_start3A_78 = arith.constant 0 : i32
      %dma_start3A_79 = tpu.memref_slice %arg7[%add3A_77, %dma_start3A_78] : memref<80x128xi32, #tpu.memory_space<vmem>> -> memref<1x128xi32, #tpu.memory_space<vmem>>
      %dma_start3A_80 = tpu.memref_squeeze %dma_start3A_79 : memref<1x128xi32, #tpu.memory_space<vmem>> -> memref<128xi32, #tpu.memory_space<vmem>>
      %dma_start3A_81 = arith.constant 0 : i32
      %dma_start3A_82 = arith.constant 0 : i32
      %dma_start3A_83 = tpu.memref_slice %arg6[%dma_start3A_81, %dma_start3A_82] : memref<10016x128xf32, #tpu.memory_space<vmem_shared>> -> memref<10016x128xf32, #tpu.memory_space<vmem_shared>>
      tpu.enqueue_indirect_dma source(%arg8 : memref<128x128xf32, #tpu.memory_space<vmem>>) target(%dma_start3A_83 : memref<10016x128xf32, #tpu.memory_space<vmem_shared>>) offsets(%dma_start3A_80 : memref<128xi32, #tpu.memory_space<vmem>>) semaphore(%arg9 : memref<!tpu.dma_semaphore, #tpu.memory_space<semaphore_mem>>) {add = true}
      %add3A_84 = arith.constant 7 : i32
      %add3A_85 = arith.addi %mul3A_28, %add3A_84 : i32
      %dma_start3A_86 = arith.constant 0 : i32
      %dma_start3A_87 = tpu.memref_slice %arg7[%add3A_85, %dma_start3A_86] : memref<80x128xi32, #tpu.memory_space<vmem>> -> memref<1x128xi32, #tpu.memory_space<vmem>>
      %dma_start3A_88 = tpu.memref_squeeze %dma_start3A_87 : memref<1x128xi32, #tpu.memory_space<vmem>> -> memref<128xi32, #tpu.memory_space<vmem>>
      %dma_start3A_89 = arith.constant 0 : i32
      %dma_start3A_90 = arith.constant 0 : i32
      %dma_start3A_91 = tpu.memref_slice %arg6[%dma_start3A_89, %dma_start3A_90] : memref<10016x128xf32, #tpu.memory_space<vmem_shared>> -> memref<10016x128xf32, #tpu.memory_space<vmem_shared>>
      tpu.enqueue_indirect_dma source(%arg8 : memref<128x128xf32, #tpu.memory_space<vmem>>) target(%dma_start3A_91 : memref<10016x128xf32, #tpu.memory_space<vmem_shared>>) offsets(%dma_start3A_88 : memref<128xi32, #tpu.memory_space<vmem>>) semaphore(%arg9 : memref<!tpu.dma_semaphore, #tpu.memory_space<semaphore_mem>>) {add = true}
      %dma_wait3A = arith.constant 0 : i32
      %dma_wait3A_92 = tpu.memref_slice %arg7[%mul3A_28, %dma_wait3A] : memref<80x128xi32, #tpu.memory_space<vmem>> -> memref<1x128xi32, #tpu.memory_space<vmem>>
      %dma_wait3A_93 = tpu.memref_squeeze %dma_wait3A_92 : memref<1x128xi32, #tpu.memory_space<vmem>> -> memref<128xi32, #tpu.memory_space<vmem>>
      %dma_wait3A_94 = arith.constant 0 : i32
      %dma_wait3A_95 = arith.constant 0 : i32
      %dma_wait3A_96 = tpu.memref_slice %arg6[%dma_wait3A_94, %dma_wait3A_95] : memref<10016x128xf32, #tpu.memory_space<vmem_shared>> -> memref<10016x128xf32, #tpu.memory_space<vmem_shared>>
      tpu.wait_indirect_dma semaphore(%arg9 : memref<!tpu.dma_semaphore, #tpu.memory_space<semaphore_mem>>) src(%arg8 : memref<128x128xf32, #tpu.memory_space<vmem>>) dst(%dma_wait3A_96 : memref<10016x128xf32, #tpu.memory_space<vmem_shared>>)
      %dma_wait3A_97 = arith.constant 0 : i32
      %dma_wait3A_98 = tpu.memref_slice %arg7[%mul3A_28, %dma_wait3A_97] : memref<80x128xi32, #tpu.memory_space<vmem>> -> memref<1x128xi32, #tpu.memory_space<vmem>>
      %dma_wait3A_99 = tpu.memref_squeeze %dma_wait3A_98 : memref<1x128xi32, #tpu.memory_space<vmem>> -> memref<128xi32, #tpu.memory_space<vmem>>
      %dma_wait3A_100 = arith.constant 0 : i32
      %dma_wait3A_101 = arith.constant 0 : i32
      %dma_wait3A_102 = tpu.memref_slice %arg6[%dma_wait3A_100, %dma_wait3A_101] : memref<10016x128xf32, #tpu.memory_space<vmem_shared>> -> memref<10016x128xf32, #tpu.memory_space<vmem_shared>>
      tpu.wait_indirect_dma semaphore(%arg9 : memref<!tpu.dma_semaphore, #tpu.memory_space<semaphore_mem>>) src(%arg8 : memref<128x128xf32, #tpu.memory_space<vmem>>) dst(%dma_wait3A_102 : memref<10016x128xf32, #tpu.memory_space<vmem_shared>>)
      %dma_wait3A_103 = arith.constant 0 : i32
      %dma_wait3A_104 = tpu.memref_slice %arg7[%mul3A_28, %dma_wait3A_103] : memref<80x128xi32, #tpu.memory_space<vmem>> -> memref<1x128xi32, #tpu.memory_space<vmem>>
      %dma_wait3A_105 = tpu.memref_squeeze %dma_wait3A_104 : memref<1x128xi32, #tpu.memory_space<vmem>> -> memref<128xi32, #tpu.memory_space<vmem>>
      %dma_wait3A_106 = arith.constant 0 : i32
      %dma_wait3A_107 = arith.constant 0 : i32
      %dma_wait3A_108 = tpu.memref_slice %arg6[%dma_wait3A_106, %dma_wait3A_107] : memref<10016x128xf32, #tpu.memory_space<vmem_shared>> -> memref<10016x128xf32, #tpu.memory_space<vmem_shared>>
      tpu.wait_indirect_dma semaphore(%arg9 : memref<!tpu.dma_semaphore, #tpu.memory_space<semaphore_mem>>) src(%arg8 : memref<128x128xf32, #tpu.memory_space<vmem>>) dst(%dma_wait3A_108 : memref<10016x128xf32, #tpu.memory_space<vmem_shared>>)
      %dma_wait3A_109 = arith.constant 0 : i32
      %dma_wait3A_110 = tpu.memref_slice %arg7[%mul3A_28, %dma_wait3A_109] : memref<80x128xi32, #tpu.memory_space<vmem>> -> memref<1x128xi32, #tpu.memory_space<vmem>>
      %dma_wait3A_111 = tpu.memref_squeeze %dma_wait3A_110 : memref<1x128xi32, #tpu.memory_space<vmem>> -> memref<128xi32, #tpu.memory_space<vmem>>
      %dma_wait3A_112 = arith.constant 0 : i32
      %dma_wait3A_113 = arith.constant 0 : i32
      %dma_wait3A_114 = tpu.memref_slice %arg6[%dma_wait3A_112, %dma_wait3A_113] : memref<10016x128xf32, #tpu.memory_space<vmem_shared>> -> memref<10016x128xf32, #tpu.memory_space<vmem_shared>>
      tpu.wait_indirect_dma semaphore(%arg9 : memref<!tpu.dma_semaphore, #tpu.memory_space<semaphore_mem>>) src(%arg8 : memref<128x128xf32, #tpu.memory_space<vmem>>) dst(%dma_wait3A_114 : memref<10016x128xf32, #tpu.memory_space<vmem_shared>>)
      %dma_wait3A_115 = arith.constant 0 : i32
      %dma_wait3A_116 = tpu.memref_slice %arg7[%mul3A_28, %dma_wait3A_115] : memref<80x128xi32, #tpu.memory_space<vmem>> -> memref<1x128xi32, #tpu.memory_space<vmem>>
      %dma_wait3A_117 = tpu.memref_squeeze %dma_wait3A_116 : memref<1x128xi32, #tpu.memory_space<vmem>> -> memref<128xi32, #tpu.memory_space<vmem>>
      %dma_wait3A_118 = arith.constant 0 : i32
      %dma_wait3A_119 = arith.constant 0 : i32
      %dma_wait3A_120 = tpu.memref_slice %arg6[%dma_wait3A_118, %dma_wait3A_119] : memref<10016x128xf32, #tpu.memory_space<vmem_shared>> -> memref<10016x128xf32, #tpu.memory_space<vmem_shared>>
      tpu.wait_indirect_dma semaphore(%arg9 : memref<!tpu.dma_semaphore, #tpu.memory_space<semaphore_mem>>) src(%arg8 : memref<128x128xf32, #tpu.memory_space<vmem>>) dst(%dma_wait3A_120 : memref<10016x128xf32, #tpu.memory_space<vmem_shared>>)
      %dma_wait3A_121 = arith.constant 0 : i32
      %dma_wait3A_122 = tpu.memref_slice %arg7[%mul3A_28, %dma_wait3A_121] : memref<80x128xi32, #tpu.memory_space<vmem>> -> memref<1x128xi32, #tpu.memory_space<vmem>>
      %dma_wait3A_123 = tpu.memref_squeeze %dma_wait3A_122 : memref<1x128xi32, #tpu.memory_space<vmem>> -> memref<128xi32, #tpu.memory_space<vmem>>
      %dma_wait3A_124 = arith.constant 0 : i32
      %dma_wait3A_125 = arith.constant 0 : i32
      %dma_wait3A_126 = tpu.memref_slice %arg6[%dma_wait3A_124, %dma_wait3A_125] : memref<10016x128xf32, #tpu.memory_space<vmem_shared>> -> memref<10016x128xf32, #tpu.memory_space<vmem_shared>>
      tpu.wait_indirect_dma semaphore(%arg9 : memref<!tpu.dma_semaphore, #tpu.memory_space<semaphore_mem>>) src(%arg8 : memref<128x128xf32, #tpu.memory_space<vmem>>) dst(%dma_wait3A_126 : memref<10016x128xf32, #tpu.memory_space<vmem_shared>>)
      %dma_wait3A_127 = arith.constant 0 : i32
      %dma_wait3A_128 = tpu.memref_slice %arg7[%mul3A_28, %dma_wait3A_127] : memref<80x128xi32, #tpu.memory_space<vmem>> -> memref<1x128xi32, #tpu.memory_space<vmem>>
      %dma_wait3A_129 = tpu.memref_squeeze %dma_wait3A_128 : memref<1x128xi32, #tpu.memory_space<vmem>> -> memref<128xi32, #tpu.memory_space<vmem>>
      %dma_wait3A_130 = arith.constant 0 : i32
      %dma_wait3A_131 = arith.constant 0 : i32
      %dma_wait3A_132 = tpu.memref_slice %arg6[%dma_wait3A_130, %dma_wait3A_131] : memref<10016x128xf32, #tpu.memory_space<vmem_shared>> -> memref<10016x128xf32, #tpu.memory_space<vmem_shared>>
      tpu.wait_indirect_dma semaphore(%arg9 : memref<!tpu.dma_semaphore, #tpu.memory_space<semaphore_mem>>) src(%arg8 : memref<128x128xf32, #tpu.memory_space<vmem>>) dst(%dma_wait3A_132 : memref<10016x128xf32, #tpu.memory_space<vmem_shared>>)
      %dma_wait3A_133 = arith.constant 0 : i32
      %dma_wait3A_134 = tpu.memref_slice %arg7[%mul3A_28, %dma_wait3A_133] : memref<80x128xi32, #tpu.memory_space<vmem>> -> memref<1x128xi32, #tpu.memory_space<vmem>>
      %dma_wait3A_135 = tpu.memref_squeeze %dma_wait3A_134 : memref<1x128xi32, #tpu.memory_space<vmem>> -> memref<128xi32, #tpu.memory_space<vmem>>
      %dma_wait3A_136 = arith.constant 0 : i32
      %dma_wait3A_137 = arith.constant 0 : i32
      %dma_wait3A_138 = tpu.memref_slice %arg6[%dma_wait3A_136, %dma_wait3A_137] : memref<10016x128xf32, #tpu.memory_space<vmem_shared>> -> memref<10016x128xf32, #tpu.memory_space<vmem_shared>>
      tpu.wait_indirect_dma semaphore(%arg9 : memref<!tpu.dma_semaphore, #tpu.memory_space<semaphore_mem>>) src(%arg8 : memref<128x128xf32, #tpu.memory_space<vmem>>) dst(%dma_wait3A_138 : memref<10016x128xf32, #tpu.memory_space<vmem_shared>>)
    }
    %scan3A_10 = arith.constant 10 : i32
    %barrier3A_11 = arith.constant 0 : index
    tpu.barrier barrier_id(%barrier3A_11)
    %lt3A_12 = arith.constant 15 : i32
    %lt3A_13 = arith.cmpi slt, %arg1, %lt3A_12 : i32
    %convert_element_type3A_14 = arith.extui %lt3A_13 : i1 to i32
    %cond3A_15 = arith.constant 0 : i32
    %cond3A_16 = arith.cmpi ne, %convert_element_type3A_14, %cond3A_15 : i32
    scf.if %cond3A_16 {
      %mul3A_22 = arith.constant 640 : i32
      %mul3A_23 = arith.muli %arg1, %mul3A_22 : i32
      %mul3A_24 = arith.constant 640 : i32
      %mul3A_25 = arith.muli %arg1, %mul3A_24 : i32
      "tpu.region"() ({
        %run_scoped3A = tpu.sem_alloc : memref<!tpu.dma_semaphore, #tpu.memory_space<semaphore_mem>>
        %dma_start3A = arith.constant 0 : i32
        %dma_start3A_26 = tpu.memref_slice %arg5[%arg0, %mul3A_25, %dma_start3A] : memref<2x10000x128xf32, #tpu.memory_space<hbm>> -> memref<1x640x128xf32, #tpu.memory_space<hbm>>
        %dma_start3A_27 = tpu.memref_squeeze %dma_start3A_26 : memref<1x640x128xf32, #tpu.memory_space<hbm>> -> memref<640x128xf32, #tpu.memory_space<hbm>>
        %dma_start3A_28 = arith.constant 0 : i32
        %dma_start3A_29 = tpu.memref_slice %arg6[%mul3A_23, %dma_start3A_28] : memref<10016x128xf32, #tpu.memory_space<vmem_shared>> -> memref<640x128xf32, #tpu.memory_space<vmem_shared>>
        tpu.enqueue_dma source(%dma_start3A_29 : memref<640x128xf32, #tpu.memory_space<vmem_shared>>) target(%dma_start3A_27 : memref<640x128xf32, #tpu.memory_space<hbm>>) target_semaphore(%run_scoped3A : memref<!tpu.dma_semaphore, #tpu.memory_space<semaphore_mem>>)
        %dma_wait3A = arith.constant 0 : i32
        %dma_wait3A_30 = tpu.memref_slice %arg5[%arg0, %mul3A_25, %dma_wait3A] : memref<2x10000x128xf32, #tpu.memory_space<hbm>> -> memref<1x640x128xf32, #tpu.memory_space<hbm>>
        %dma_wait3A_31 = tpu.memref_squeeze %dma_wait3A_30 : memref<1x640x128xf32, #tpu.memory_space<hbm>> -> memref<640x128xf32, #tpu.memory_space<hbm>>
        %dma_wait3A_32 = arith.constant 0 : i32
        %dma_wait3A_33 = tpu.memref_slice %arg6[%mul3A_23, %dma_wait3A_32] : memref<10016x128xf32, #tpu.memory_space<vmem_shared>> -> memref<640x128xf32, #tpu.memory_space<vmem_shared>>
        tpu.wait_dma2 semaphore(%run_scoped3A : memref<!tpu.dma_semaphore, #tpu.memory_space<semaphore_mem>>) src(%dma_wait3A_33 : memref<640x128xf32, #tpu.memory_space<vmem_shared>>) dst(%dma_wait3A_31 : memref<640x128xf32, #tpu.memory_space<hbm>>)
        tpu.yield
      }) : () -> ()
    } else {
    }
    %eq3A_17 = arith.constant 15 : i32
    %eq3A_18 = arith.cmpi eq, %arg1, %eq3A_17 : i32
    %convert_element_type3A_19 = arith.extui %eq3A_18 : i1 to i32
    %cond3A_20 = arith.constant 0 : i32
    %cond3A_21 = arith.cmpi ne, %convert_element_type3A_19, %cond3A_20 : i32
    scf.if %cond3A_21 {
      "tpu.region"() ({
        %run_scoped3A = tpu.sem_alloc : memref<!tpu.dma_semaphore, #tpu.memory_space<semaphore_mem>>
        %dma_start3A = arith.constant 9600 : i32
        %dma_start3A_22 = arith.constant 0 : i32
        %dma_start3A_23 = tpu.memref_slice %arg5[%arg0, %dma_start3A, %dma_start3A_22] : memref<2x10000x128xf32, #tpu.memory_space<hbm>> -> memref<1x400x128xf32, #tpu.memory_space<hbm>>
        %dma_start3A_24 = tpu.memref_squeeze %dma_start3A_23 : memref<1x400x128xf32, #tpu.memory_space<hbm>> -> memref<400x128xf32, #tpu.memory_space<hbm>>
        %dma_start3A_25 = arith.constant 9600 : i32
        %dma_start3A_26 = arith.constant 0 : i32
        %dma_start3A_27 = tpu.memref_slice %arg6[%dma_start3A_25, %dma_start3A_26] : memref<10016x128xf32, #tpu.memory_space<vmem_shared>> -> memref<400x128xf32, #tpu.memory_space<vmem_shared>>
        tpu.enqueue_dma source(%dma_start3A_27 : memref<400x128xf32, #tpu.memory_space<vmem_shared>>) target(%dma_start3A_24 : memref<400x128xf32, #tpu.memory_space<hbm>>) target_semaphore(%run_scoped3A : memref<!tpu.dma_semaphore, #tpu.memory_space<semaphore_mem>>)
        %dma_wait3A = arith.constant 9600 : i32
        %dma_wait3A_28 = arith.constant 0 : i32
        %dma_wait3A_29 = tpu.memref_slice %arg5[%arg0, %dma_wait3A, %dma_wait3A_28] : memref<2x10000x128xf32, #tpu.memory_space<hbm>> -> memref<1x400x128xf32, #tpu.memory_space<hbm>>
        %dma_wait3A_30 = tpu.memref_squeeze %dma_wait3A_29 : memref<1x400x128xf32, #tpu.memory_space<hbm>> -> memref<400x128xf32, #tpu.memory_space<hbm>>
        %dma_wait3A_31 = arith.constant 9600 : i32
        %dma_wait3A_32 = arith.constant 0 : i32
        %dma_wait3A_33 = tpu.memref_slice %arg6[%dma_wait3A_31, %dma_wait3A_32] : memref<10016x128xf32, #tpu.memory_space<vmem_shared>> -> memref<400x128xf32, #tpu.memory_space<vmem_shared>>
        tpu.wait_dma2 semaphore(%run_scoped3A : memref<!tpu.dma_semaphore, #tpu.memory_space<semaphore_mem>>) src(%dma_wait3A_33 : memref<400x128xf32, #tpu.memory_space<vmem_shared>>) dst(%dma_wait3A_30 : memref<400x128xf32, #tpu.memory_space<hbm>>)
        tpu.yield
      }) : () -> ()
    } else {
    }
    return
  }
}

#map = affine_map<(d0, d1) -> (0, 0)>
#map1 = affine_map<(d0, d1) -> (0, 0, 0)>
module attributes {stable_mosaic.version = 14 : i64} {
  func.func @sage_sc_agg(%arg0: i32, %arg1: i32, %arg2: memref<10000x128xf32, #tpu.memory_space<hbm>>, %arg3: memref<10016x128xf32, #tpu.memory_space<hbm>>, %arg4: memref<32x80x128xi32, #tpu.memory_space<hbm>>, %arg5: memref<32x80x128xi32, #tpu.memory_space<hbm>>, %arg6: memref<2x10000x128xf32, #tpu.memory_space<hbm>>, %arg7: memref<10016x128xf32, #tpu.memory_space<vmem_shared>>, %arg8: memref<40x128xi32, #tpu.memory_space<vmem>>, %arg9: memref<40x128xi32, #tpu.memory_space<vmem>>, %arg10: memref<2x128x128xf32, #tpu.memory_space<vmem>>, %arg11: memref<!tpu.dma_semaphore, #tpu.memory_space<semaphore_mem>>, %arg12: memref<!tpu.dma_semaphore, #tpu.memory_space<semaphore_mem>>, %arg13: memref<!tpu.dma_semaphore, #tpu.memory_space<semaphore_mem>>) attributes {dimension_semantics = [#tpu.dimension_semantics<core_parallel>, #tpu.dimension_semantics<subcore_parallel>], iteration_bounds = array<i64: 2, 16>, scalar_prefetch = 0 : i64, scratch_operands = 7 : i64, tpu.core_type = #tpu.core_type<sc_vector_subcore>, window_params = [{transform_indices = #map}, {transform_indices = #map}, {transform_indices = #map1}, {transform_indices = #map1}, {transform_indices = #map1}]} {
    %mul3A = arith.constant 16 : i32
    %mul3A_0 = arith.muli %arg0, %mul3A : i32
    %add3A = arith.addi %mul3A_0, %arg1 : i32
    %mul3A_1 = arith.constant 640 : i32
    %mul3A_2 = arith.muli %arg1, %mul3A_1 : i32
    %lt3A = arith.constant 15 : i32
    %lt3A_3 = arith.cmpi slt, %arg1, %lt3A : i32
    %convert_element_type3A = arith.extui %lt3A_3 : i1 to i32
    %cond3A = arith.constant 0 : i32
    %cond3A_4 = arith.cmpi ne, %convert_element_type3A, %cond3A : i32
    scf.if %cond3A_4 {
      %dma_start3A_86 = arith.constant 0 : i32
      %dma_start3A_87 = tpu.memref_slice %arg7[%mul3A_2, %dma_start3A_86] : memref<10016x128xf32, #tpu.memory_space<vmem_shared>> -> memref<640x128xf32, #tpu.memory_space<vmem_shared>>
      %dma_start3A_88 = arith.constant 0 : i32
      %dma_start3A_89 = tpu.memref_slice %arg3[%mul3A_2, %dma_start3A_88] : memref<10016x128xf32, #tpu.memory_space<hbm>> -> memref<640x128xf32, #tpu.memory_space<hbm>>
      tpu.enqueue_dma source(%dma_start3A_89 : memref<640x128xf32, #tpu.memory_space<hbm>>) target(%dma_start3A_87 : memref<640x128xf32, #tpu.memory_space<vmem_shared>>) target_semaphore(%arg13 : memref<!tpu.dma_semaphore, #tpu.memory_space<semaphore_mem>>)
    } else {
    }
    %eq3A = arith.constant 15 : i32
    %eq3A_5 = arith.cmpi eq, %arg1, %eq3A : i32
    %convert_element_type3A_6 = arith.extui %eq3A_5 : i1 to i32
    %cond3A_7 = arith.constant 0 : i32
    %cond3A_8 = arith.cmpi ne, %convert_element_type3A_6, %cond3A_7 : i32
    scf.if %cond3A_8 {
      %dma_start3A_86 = arith.constant 9600 : i32
      %dma_start3A_87 = arith.constant 0 : i32
      %dma_start3A_88 = tpu.memref_slice %arg7[%dma_start3A_86, %dma_start3A_87] : memref<10016x128xf32, #tpu.memory_space<vmem_shared>> -> memref<416x128xf32, #tpu.memory_space<vmem_shared>>
      %dma_start3A_89 = arith.constant 9600 : i32
      %dma_start3A_90 = arith.constant 0 : i32
      %dma_start3A_91 = tpu.memref_slice %arg3[%dma_start3A_89, %dma_start3A_90] : memref<10016x128xf32, #tpu.memory_space<hbm>> -> memref<416x128xf32, #tpu.memory_space<hbm>>
      tpu.enqueue_dma source(%dma_start3A_91 : memref<416x128xf32, #tpu.memory_space<hbm>>) target(%dma_start3A_88 : memref<416x128xf32, #tpu.memory_space<vmem_shared>>) target_semaphore(%arg13 : memref<!tpu.dma_semaphore, #tpu.memory_space<semaphore_mem>>)
    } else {
    }
    "tpu.region"() ({
      %run_scoped3A = tpu.sem_alloc : memref<!tpu.dma_semaphore, #tpu.memory_space<semaphore_mem>>
      %dma_start3A_86 = arith.constant 0 : i32
      %dma_start3A_87 = arith.constant 0 : i32
      %dma_start3A_88 = tpu.memref_slice %arg4[%add3A, %dma_start3A_86, %dma_start3A_87] : memref<32x80x128xi32, #tpu.memory_space<hbm>> -> memref<1x40x128xi32, #tpu.memory_space<hbm>>
      %dma_start3A_89 = tpu.memref_squeeze %dma_start3A_88 : memref<1x40x128xi32, #tpu.memory_space<hbm>> -> memref<40x128xi32, #tpu.memory_space<hbm>>
      %dma_start3A_90 = arith.constant 0 : i32
      %dma_start3A_91 = arith.constant 0 : i32
      %dma_start3A_92 = tpu.memref_slice %arg4[%add3A, %dma_start3A_90, %dma_start3A_91] : memref<32x80x128xi32, #tpu.memory_space<hbm>> -> memref<1x40x128xi32, #tpu.memory_space<hbm>>
      %dma_start3A_93 = tpu.memref_squeeze %dma_start3A_92 : memref<1x40x128xi32, #tpu.memory_space<hbm>> -> memref<40x128xi32, #tpu.memory_space<hbm>>
      tpu.enqueue_dma source(%dma_start3A_93 : memref<40x128xi32, #tpu.memory_space<hbm>>) target(%arg8 : memref<40x128xi32, #tpu.memory_space<vmem>>) target_semaphore(%run_scoped3A : memref<!tpu.dma_semaphore, #tpu.memory_space<semaphore_mem>>)
      %dma_wait3A = arith.constant 0 : i32
      %dma_wait3A_94 = arith.constant 0 : i32
      %dma_wait3A_95 = tpu.memref_slice %arg4[%add3A, %dma_wait3A, %dma_wait3A_94] : memref<32x80x128xi32, #tpu.memory_space<hbm>> -> memref<1x40x128xi32, #tpu.memory_space<hbm>>
      %dma_wait3A_96 = tpu.memref_squeeze %dma_wait3A_95 : memref<1x40x128xi32, #tpu.memory_space<hbm>> -> memref<40x128xi32, #tpu.memory_space<hbm>>
      %dma_wait3A_97 = arith.constant 0 : i32
      %dma_wait3A_98 = arith.constant 0 : i32
      %dma_wait3A_99 = tpu.memref_slice %arg4[%add3A, %dma_wait3A_97, %dma_wait3A_98] : memref<32x80x128xi32, #tpu.memory_space<hbm>> -> memref<1x40x128xi32, #tpu.memory_space<hbm>>
      %dma_wait3A_100 = tpu.memref_squeeze %dma_wait3A_99 : memref<1x40x128xi32, #tpu.memory_space<hbm>> -> memref<40x128xi32, #tpu.memory_space<hbm>>
      tpu.wait_dma2 semaphore(%run_scoped3A : memref<!tpu.dma_semaphore, #tpu.memory_space<semaphore_mem>>) src(%dma_wait3A_100 : memref<40x128xi32, #tpu.memory_space<hbm>>) dst(%arg8 : memref<40x128xi32, #tpu.memory_space<vmem>>)
      tpu.yield
    }) : () -> ()
    "tpu.region"() ({
      %run_scoped3A = tpu.sem_alloc : memref<!tpu.dma_semaphore, #tpu.memory_space<semaphore_mem>>
      %dma_start3A_86 = arith.constant 0 : i32
      %dma_start3A_87 = arith.constant 0 : i32
      %dma_start3A_88 = tpu.memref_slice %arg5[%add3A, %dma_start3A_86, %dma_start3A_87] : memref<32x80x128xi32, #tpu.memory_space<hbm>> -> memref<1x40x128xi32, #tpu.memory_space<hbm>>
      %dma_start3A_89 = tpu.memref_squeeze %dma_start3A_88 : memref<1x40x128xi32, #tpu.memory_space<hbm>> -> memref<40x128xi32, #tpu.memory_space<hbm>>
      %dma_start3A_90 = arith.constant 0 : i32
      %dma_start3A_91 = arith.constant 0 : i32
      %dma_start3A_92 = tpu.memref_slice %arg5[%add3A, %dma_start3A_90, %dma_start3A_91] : memref<32x80x128xi32, #tpu.memory_space<hbm>> -> memref<1x40x128xi32, #tpu.memory_space<hbm>>
      %dma_start3A_93 = tpu.memref_squeeze %dma_start3A_92 : memref<1x40x128xi32, #tpu.memory_space<hbm>> -> memref<40x128xi32, #tpu.memory_space<hbm>>
      tpu.enqueue_dma source(%dma_start3A_93 : memref<40x128xi32, #tpu.memory_space<hbm>>) target(%arg9 : memref<40x128xi32, #tpu.memory_space<vmem>>) target_semaphore(%run_scoped3A : memref<!tpu.dma_semaphore, #tpu.memory_space<semaphore_mem>>)
      %dma_wait3A = arith.constant 0 : i32
      %dma_wait3A_94 = arith.constant 0 : i32
      %dma_wait3A_95 = tpu.memref_slice %arg5[%add3A, %dma_wait3A, %dma_wait3A_94] : memref<32x80x128xi32, #tpu.memory_space<hbm>> -> memref<1x40x128xi32, #tpu.memory_space<hbm>>
      %dma_wait3A_96 = tpu.memref_squeeze %dma_wait3A_95 : memref<1x40x128xi32, #tpu.memory_space<hbm>> -> memref<40x128xi32, #tpu.memory_space<hbm>>
      %dma_wait3A_97 = arith.constant 0 : i32
      %dma_wait3A_98 = arith.constant 0 : i32
      %dma_wait3A_99 = tpu.memref_slice %arg5[%add3A, %dma_wait3A_97, %dma_wait3A_98] : memref<32x80x128xi32, #tpu.memory_space<hbm>> -> memref<1x40x128xi32, #tpu.memory_space<hbm>>
      %dma_wait3A_100 = tpu.memref_squeeze %dma_wait3A_99 : memref<1x40x128xi32, #tpu.memory_space<hbm>> -> memref<40x128xi32, #tpu.memory_space<hbm>>
      tpu.wait_dma2 semaphore(%run_scoped3A : memref<!tpu.dma_semaphore, #tpu.memory_space<semaphore_mem>>) src(%dma_wait3A_100 : memref<40x128xi32, #tpu.memory_space<hbm>>) dst(%arg9 : memref<40x128xi32, #tpu.memory_space<vmem>>)
      tpu.yield
    }) : () -> ()
    %lt3A_9 = arith.constant 15 : i32
    %lt3A_10 = arith.cmpi slt, %arg1, %lt3A_9 : i32
    %convert_element_type3A_11 = arith.extui %lt3A_10 : i1 to i32
    %cond3A_12 = arith.constant 0 : i32
    %cond3A_13 = arith.cmpi ne, %convert_element_type3A_11, %cond3A_12 : i32
    scf.if %cond3A_13 {
      %dma_wait3A = arith.constant 0 : i32
      %dma_wait3A_86 = tpu.memref_slice %arg7[%mul3A_2, %dma_wait3A] : memref<10016x128xf32, #tpu.memory_space<vmem_shared>> -> memref<640x128xf32, #tpu.memory_space<vmem_shared>>
      %dma_wait3A_87 = arith.constant 0 : i32
      %dma_wait3A_88 = tpu.memref_slice %arg3[%mul3A_2, %dma_wait3A_87] : memref<10016x128xf32, #tpu.memory_space<hbm>> -> memref<640x128xf32, #tpu.memory_space<hbm>>
      tpu.wait_dma2 semaphore(%arg13 : memref<!tpu.dma_semaphore, #tpu.memory_space<semaphore_mem>>) src(%dma_wait3A_88 : memref<640x128xf32, #tpu.memory_space<hbm>>) dst(%dma_wait3A_86 : memref<640x128xf32, #tpu.memory_space<vmem_shared>>)
    } else {
    }
    %eq3A_14 = arith.constant 15 : i32
    %eq3A_15 = arith.cmpi eq, %arg1, %eq3A_14 : i32
    %convert_element_type3A_16 = arith.extui %eq3A_15 : i1 to i32
    %cond3A_17 = arith.constant 0 : i32
    %cond3A_18 = arith.cmpi ne, %convert_element_type3A_16, %cond3A_17 : i32
    scf.if %cond3A_18 {
      %dma_wait3A = arith.constant 9600 : i32
      %dma_wait3A_86 = arith.constant 0 : i32
      %dma_wait3A_87 = tpu.memref_slice %arg7[%dma_wait3A, %dma_wait3A_86] : memref<10016x128xf32, #tpu.memory_space<vmem_shared>> -> memref<416x128xf32, #tpu.memory_space<vmem_shared>>
      %dma_wait3A_88 = arith.constant 9600 : i32
      %dma_wait3A_89 = arith.constant 0 : i32
      %dma_wait3A_90 = tpu.memref_slice %arg3[%dma_wait3A_88, %dma_wait3A_89] : memref<10016x128xf32, #tpu.memory_space<hbm>> -> memref<416x128xf32, #tpu.memory_space<hbm>>
      tpu.wait_dma2 semaphore(%arg13 : memref<!tpu.dma_semaphore, #tpu.memory_space<semaphore_mem>>) src(%dma_wait3A_90 : memref<416x128xf32, #tpu.memory_space<hbm>>) dst(%dma_wait3A_87 : memref<416x128xf32, #tpu.memory_space<vmem_shared>>)
    } else {
    }
    %barrier3A = arith.constant 0 : index
    tpu.barrier barrier_id(%barrier3A)
    %dma_start3A = arith.constant 0 : i32
    %dma_start3A_19 = arith.constant 0 : i32
    %dma_start3A_20 = arith.constant 0 : i32
    %dma_start3A_21 = arith.constant 0 : i32
    %dma_start3A_22 = tpu.memref_slice %arg10[%dma_start3A_19, %dma_start3A_20, %dma_start3A_21] : memref<2x128x128xf32, #tpu.memory_space<vmem>> -> memref<1x128x128xf32, #tpu.memory_space<vmem>>
    %dma_start3A_23 = tpu.memref_squeeze %dma_start3A_22 : memref<1x128x128xf32, #tpu.memory_space<vmem>> -> memref<128x128xf32, #tpu.memory_space<vmem>>
    %dma_start3A_24 = arith.constant 0 : i32
    %dma_start3A_25 = tpu.memref_slice %arg8[%dma_start3A, %dma_start3A_24] : memref<40x128xi32, #tpu.memory_space<vmem>> -> memref<1x128xi32, #tpu.memory_space<vmem>>
    %dma_start3A_26 = tpu.memref_squeeze %dma_start3A_25 : memref<1x128xi32, #tpu.memory_space<vmem>> -> memref<128xi32, #tpu.memory_space<vmem>>
    %dma_start3A_27 = arith.constant 0 : i32
    %dma_start3A_28 = arith.constant 0 : i32
    %dma_start3A_29 = tpu.memref_slice %arg2[%dma_start3A_27, %dma_start3A_28] : memref<10000x128xf32, #tpu.memory_space<hbm>> -> memref<10000x128xf32, #tpu.memory_space<hbm>>
    tpu.enqueue_indirect_dma source(%dma_start3A_29 : memref<10000x128xf32, #tpu.memory_space<hbm>>) target(%dma_start3A_23 : memref<128x128xf32, #tpu.memory_space<vmem>>) offsets(%dma_start3A_26 : memref<128xi32, #tpu.memory_space<vmem>>) semaphore(%arg11 : memref<!tpu.dma_semaphore, #tpu.memory_space<semaphore_mem>>)
    %dma_start3A_30 = arith.constant 1 : i32
    %dma_start3A_31 = arith.constant 1 : i32
    %dma_start3A_32 = arith.constant 0 : i32
    %dma_start3A_33 = arith.constant 0 : i32
    %dma_start3A_34 = tpu.memref_slice %arg10[%dma_start3A_31, %dma_start3A_32, %dma_start3A_33] : memref<2x128x128xf32, #tpu.memory_space<vmem>> -> memref<1x128x128xf32, #tpu.memory_space<vmem>>
    %dma_start3A_35 = tpu.memref_squeeze %dma_start3A_34 : memref<1x128x128xf32, #tpu.memory_space<vmem>> -> memref<128x128xf32, #tpu.memory_space<vmem>>
    %dma_start3A_36 = arith.constant 0 : i32
    %dma_start3A_37 = tpu.memref_slice %arg8[%dma_start3A_30, %dma_start3A_36] : memref<40x128xi32, #tpu.memory_space<vmem>> -> memref<1x128xi32, #tpu.memory_space<vmem>>
    %dma_start3A_38 = tpu.memref_squeeze %dma_start3A_37 : memref<1x128xi32, #tpu.memory_space<vmem>> -> memref<128xi32, #tpu.memory_space<vmem>>
    %dma_start3A_39 = arith.constant 0 : i32
    %dma_start3A_40 = arith.constant 0 : i32
    %dma_start3A_41 = tpu.memref_slice %arg2[%dma_start3A_39, %dma_start3A_40] : memref<10000x128xf32, #tpu.memory_space<hbm>> -> memref<10000x128xf32, #tpu.memory_space<hbm>>
    tpu.enqueue_indirect_dma source(%dma_start3A_41 : memref<10000x128xf32, #tpu.memory_space<hbm>>) target(%dma_start3A_35 : memref<128x128xf32, #tpu.memory_space<vmem>>) offsets(%dma_start3A_38 : memref<128xi32, #tpu.memory_space<vmem>>) semaphore(%arg12 : memref<!tpu.dma_semaphore, #tpu.memory_space<semaphore_mem>>)
    %scan3A = arith.constant 0 : i32
    %scan3A_42 = arith.constant 20 : i32
    %scan3A_43 = arith.addi %scan3A, %scan3A_42 : i32
    %scan3A_44 = arith.constant 1 : i32
    scf.for %scan3A_86 = %scan3A to %scan3A_43 step %scan3A_44  : i32 {
      %mul3A_87 = arith.constant 1 : i32
      %mul3A_88 = arith.muli %scan3A_86, %mul3A_87 : i32
      %add3A_89 = arith.constant 0 : i32
      %add3A_90 = arith.addi %add3A_89, %mul3A_88 : i32
      %mul3A_91 = arith.constant 2 : i32
      %mul3A_92 = arith.muli %mul3A_91, %add3A_90 : i32
      %add3A_93 = arith.constant 1 : i32
      %add3A_94 = arith.addi %mul3A_92, %add3A_93 : i32
      %dma_wait3A = arith.constant 0 : i32
      %dma_wait3A_95 = arith.constant 0 : i32
      %dma_wait3A_96 = arith.constant 0 : i32
      %dma_wait3A_97 = tpu.memref_slice %arg10[%dma_wait3A, %dma_wait3A_95, %dma_wait3A_96] : memref<2x128x128xf32, #tpu.memory_space<vmem>> -> memref<1x128x128xf32, #tpu.memory_space<vmem>>
      %dma_wait3A_98 = tpu.memref_squeeze %dma_wait3A_97 : memref<1x128x128xf32, #tpu.memory_space<vmem>> -> memref<128x128xf32, #tpu.memory_space<vmem>>
      %dma_wait3A_99 = arith.constant 0 : i32
      %dma_wait3A_100 = tpu.memref_slice %arg8[%mul3A_92, %dma_wait3A_99] : memref<40x128xi32, #tpu.memory_space<vmem>> -> memref<1x128xi32, #tpu.memory_space<vmem>>
      %dma_wait3A_101 = tpu.memref_squeeze %dma_wait3A_100 : memref<1x128xi32, #tpu.memory_space<vmem>> -> memref<128xi32, #tpu.memory_space<vmem>>
      %dma_wait3A_102 = arith.constant 0 : i32
      %dma_wait3A_103 = arith.constant 0 : i32
      %dma_wait3A_104 = tpu.memref_slice %arg2[%dma_wait3A_102, %dma_wait3A_103] : memref<10000x128xf32, #tpu.memory_space<hbm>> -> memref<10000x128xf32, #tpu.memory_space<hbm>>
      tpu.wait_indirect_dma semaphore(%arg11 : memref<!tpu.dma_semaphore, #tpu.memory_space<semaphore_mem>>) src(%dma_wait3A_104 : memref<10000x128xf32, #tpu.memory_space<hbm>>) dst(%dma_wait3A_98 : memref<128x128xf32, #tpu.memory_space<vmem>>)
      %run_scoped3A = arith.constant 0 : i32
      "tpu.region"() ({
        %run_scoped3A_127 = tpu.sem_alloc : memref<!tpu.dma_semaphore, #tpu.memory_space<semaphore_mem>>
        %dma_start3A_128 = arith.constant 0 : i32
        %dma_start3A_129 = arith.constant 0 : i32
        %dma_start3A_130 = tpu.memref_slice %arg10[%run_scoped3A, %dma_start3A_128, %dma_start3A_129] : memref<2x128x128xf32, #tpu.memory_space<vmem>> -> memref<1x128x128xf32, #tpu.memory_space<vmem>>
        %dma_start3A_131 = tpu.memref_squeeze %dma_start3A_130 : memref<1x128x128xf32, #tpu.memory_space<vmem>> -> memref<128x128xf32, #tpu.memory_space<vmem>>
        %dma_start3A_132 = arith.constant 0 : i32
        %dma_start3A_133 = tpu.memref_slice %arg9[%mul3A_92, %dma_start3A_132] : memref<40x128xi32, #tpu.memory_space<vmem>> -> memref<1x128xi32, #tpu.memory_space<vmem>>
        %dma_start3A_134 = tpu.memref_squeeze %dma_start3A_133 : memref<1x128xi32, #tpu.memory_space<vmem>> -> memref<128xi32, #tpu.memory_space<vmem>>
        %dma_start3A_135 = arith.constant 0 : i32
        %dma_start3A_136 = arith.constant 0 : i32
        %dma_start3A_137 = tpu.memref_slice %arg7[%dma_start3A_135, %dma_start3A_136] : memref<10016x128xf32, #tpu.memory_space<vmem_shared>> -> memref<10016x128xf32, #tpu.memory_space<vmem_shared>>
        tpu.enqueue_indirect_dma source(%dma_start3A_131 : memref<128x128xf32, #tpu.memory_space<vmem>>) target(%dma_start3A_137 : memref<10016x128xf32, #tpu.memory_space<vmem_shared>>) offsets(%dma_start3A_134 : memref<128xi32, #tpu.memory_space<vmem>>) semaphore(%run_scoped3A_127 : memref<!tpu.dma_semaphore, #tpu.memory_space<semaphore_mem>>) {add = true}
        %dma_wait3A_138 = arith.constant 0 : i32
        %dma_wait3A_139 = arith.constant 0 : i32
        %dma_wait3A_140 = tpu.memref_slice %arg10[%run_scoped3A, %dma_wait3A_138, %dma_wait3A_139] : memref<2x128x128xf32, #tpu.memory_space<vmem>> -> memref<1x128x128xf32, #tpu.memory_space<vmem>>
        %dma_wait3A_141 = tpu.memref_squeeze %dma_wait3A_140 : memref<1x128x128xf32, #tpu.memory_space<vmem>> -> memref<128x128xf32, #tpu.memory_space<vmem>>
        %dma_wait3A_142 = arith.constant 0 : i32
        %dma_wait3A_143 = tpu.memref_slice %arg9[%mul3A_92, %dma_wait3A_142] : memref<40x128xi32, #tpu.memory_space<vmem>> -> memref<1x128xi32, #tpu.memory_space<vmem>>
        %dma_wait3A_144 = tpu.memref_squeeze %dma_wait3A_143 : memref<1x128xi32, #tpu.memory_space<vmem>> -> memref<128xi32, #tpu.memory_space<vmem>>
        %dma_wait3A_145 = arith.constant 0 : i32
        %dma_wait3A_146 = arith.constant 0 : i32
        %dma_wait3A_147 = tpu.memref_slice %arg7[%dma_wait3A_145, %dma_wait3A_146] : memref<10016x128xf32, #tpu.memory_space<vmem_shared>> -> memref<10016x128xf32, #tpu.memory_space<vmem_shared>>
        tpu.wait_indirect_dma semaphore(%run_scoped3A_127 : memref<!tpu.dma_semaphore, #tpu.memory_space<semaphore_mem>>) src(%dma_wait3A_141 : memref<128x128xf32, #tpu.memory_space<vmem>>) dst(%dma_wait3A_147 : memref<10016x128xf32, #tpu.memory_space<vmem_shared>>)
        tpu.yield
      }) : () -> ()
      %lt3A_105 = arith.constant 19 : i32
      %lt3A_106 = arith.cmpi slt, %add3A_90, %lt3A_105 : i32
      %convert_element_type3A_107 = arith.extui %lt3A_106 : i1 to i32
      %cond3A_108 = arith.constant 0 : i32
      %cond3A_109 = arith.cmpi ne, %convert_element_type3A_107, %cond3A_108 : i32
      scf.if %cond3A_109 {
        %add3A_127 = arith.constant 2 : i32
        %add3A_128 = arith.addi %mul3A_92, %add3A_127 : i32
        %dma_start3A_129 = arith.constant 0 : i32
        %dma_start3A_130 = arith.constant 0 : i32
        %dma_start3A_131 = arith.constant 0 : i32
        %dma_start3A_132 = tpu.memref_slice %arg10[%dma_start3A_129, %dma_start3A_130, %dma_start3A_131] : memref<2x128x128xf32, #tpu.memory_space<vmem>> -> memref<1x128x128xf32, #tpu.memory_space<vmem>>
        %dma_start3A_133 = tpu.memref_squeeze %dma_start3A_132 : memref<1x128x128xf32, #tpu.memory_space<vmem>> -> memref<128x128xf32, #tpu.memory_space<vmem>>
        %dma_start3A_134 = arith.constant 0 : i32
        %dma_start3A_135 = tpu.memref_slice %arg8[%add3A_128, %dma_start3A_134] : memref<40x128xi32, #tpu.memory_space<vmem>> -> memref<1x128xi32, #tpu.memory_space<vmem>>
        %dma_start3A_136 = tpu.memref_squeeze %dma_start3A_135 : memref<1x128xi32, #tpu.memory_space<vmem>> -> memref<128xi32, #tpu.memory_space<vmem>>
        %dma_start3A_137 = arith.constant 0 : i32
        %dma_start3A_138 = arith.constant 0 : i32
        %dma_start3A_139 = tpu.memref_slice %arg2[%dma_start3A_137, %dma_start3A_138] : memref<10000x128xf32, #tpu.memory_space<hbm>> -> memref<10000x128xf32, #tpu.memory_space<hbm>>
        tpu.enqueue_indirect_dma source(%dma_start3A_139 : memref<10000x128xf32, #tpu.memory_space<hbm>>) target(%dma_start3A_133 : memref<128x128xf32, #tpu.memory_space<vmem>>) offsets(%dma_start3A_136 : memref<128xi32, #tpu.memory_space<vmem>>) semaphore(%arg11 : memref<!tpu.dma_semaphore, #tpu.memory_space<semaphore_mem>>)
      } else {
      }
      %dma_wait3A_110 = arith.constant 1 : i32
      %dma_wait3A_111 = arith.constant 0 : i32
      %dma_wait3A_112 = arith.constant 0 : i32
      %dma_wait3A_113 = tpu.memref_slice %arg10[%dma_wait3A_110, %dma_wait3A_111, %dma_wait3A_112] : memref<2x128x128xf32, #tpu.memory_space<vmem>> -> memref<1x128x128xf32, #tpu.memory_space<vmem>>
      %dma_wait3A_114 = tpu.memref_squeeze %dma_wait3A_113 : memref<1x128x128xf32, #tpu.memory_space<vmem>> -> memref<128x128xf32, #tpu.memory_space<vmem>>
      %dma_wait3A_115 = arith.constant 0 : i32
      %dma_wait3A_116 = tpu.memref_slice %arg8[%add3A_94, %dma_wait3A_115] : memref<40x128xi32, #tpu.memory_space<vmem>> -> memref<1x128xi32, #tpu.memory_space<vmem>>
      %dma_wait3A_117 = tpu.memref_squeeze %dma_wait3A_116 : memref<1x128xi32, #tpu.memory_space<vmem>> -> memref<128xi32, #tpu.memory_space<vmem>>
      %dma_wait3A_118 = arith.constant 0 : i32
      %dma_wait3A_119 = arith.constant 0 : i32
      %dma_wait3A_120 = tpu.memref_slice %arg2[%dma_wait3A_118, %dma_wait3A_119] : memref<10000x128xf32, #tpu.memory_space<hbm>> -> memref<10000x128xf32, #tpu.memory_space<hbm>>
      tpu.wait_indirect_dma semaphore(%arg12 : memref<!tpu.dma_semaphore, #tpu.memory_space<semaphore_mem>>) src(%dma_wait3A_120 : memref<10000x128xf32, #tpu.memory_space<hbm>>) dst(%dma_wait3A_114 : memref<128x128xf32, #tpu.memory_space<vmem>>)
      %run_scoped3A_121 = arith.constant 1 : i32
      "tpu.region"() ({
        %run_scoped3A_127 = tpu.sem_alloc : memref<!tpu.dma_semaphore, #tpu.memory_space<semaphore_mem>>
        %dma_start3A_128 = arith.constant 0 : i32
        %dma_start3A_129 = arith.constant 0 : i32
        %dma_start3A_130 = tpu.memref_slice %arg10[%run_scoped3A_121, %dma_start3A_128, %dma_start3A_129] : memref<2x128x128xf32, #tpu.memory_space<vmem>> -> memref<1x128x128xf32, #tpu.memory_space<vmem>>
        %dma_start3A_131 = tpu.memref_squeeze %dma_start3A_130 : memref<1x128x128xf32, #tpu.memory_space<vmem>> -> memref<128x128xf32, #tpu.memory_space<vmem>>
        %dma_start3A_132 = arith.constant 0 : i32
        %dma_start3A_133 = tpu.memref_slice %arg9[%add3A_94, %dma_start3A_132] : memref<40x128xi32, #tpu.memory_space<vmem>> -> memref<1x128xi32, #tpu.memory_space<vmem>>
        %dma_start3A_134 = tpu.memref_squeeze %dma_start3A_133 : memref<1x128xi32, #tpu.memory_space<vmem>> -> memref<128xi32, #tpu.memory_space<vmem>>
        %dma_start3A_135 = arith.constant 0 : i32
        %dma_start3A_136 = arith.constant 0 : i32
        %dma_start3A_137 = tpu.memref_slice %arg7[%dma_start3A_135, %dma_start3A_136] : memref<10016x128xf32, #tpu.memory_space<vmem_shared>> -> memref<10016x128xf32, #tpu.memory_space<vmem_shared>>
        tpu.enqueue_indirect_dma source(%dma_start3A_131 : memref<128x128xf32, #tpu.memory_space<vmem>>) target(%dma_start3A_137 : memref<10016x128xf32, #tpu.memory_space<vmem_shared>>) offsets(%dma_start3A_134 : memref<128xi32, #tpu.memory_space<vmem>>) semaphore(%run_scoped3A_127 : memref<!tpu.dma_semaphore, #tpu.memory_space<semaphore_mem>>) {add = true}
        %dma_wait3A_138 = arith.constant 0 : i32
        %dma_wait3A_139 = arith.constant 0 : i32
        %dma_wait3A_140 = tpu.memref_slice %arg10[%run_scoped3A_121, %dma_wait3A_138, %dma_wait3A_139] : memref<2x128x128xf32, #tpu.memory_space<vmem>> -> memref<1x128x128xf32, #tpu.memory_space<vmem>>
        %dma_wait3A_141 = tpu.memref_squeeze %dma_wait3A_140 : memref<1x128x128xf32, #tpu.memory_space<vmem>> -> memref<128x128xf32, #tpu.memory_space<vmem>>
        %dma_wait3A_142 = arith.constant 0 : i32
        %dma_wait3A_143 = tpu.memref_slice %arg9[%add3A_94, %dma_wait3A_142] : memref<40x128xi32, #tpu.memory_space<vmem>> -> memref<1x128xi32, #tpu.memory_space<vmem>>
        %dma_wait3A_144 = tpu.memref_squeeze %dma_wait3A_143 : memref<1x128xi32, #tpu.memory_space<vmem>> -> memref<128xi32, #tpu.memory_space<vmem>>
        %dma_wait3A_145 = arith.constant 0 : i32
        %dma_wait3A_146 = arith.constant 0 : i32
        %dma_wait3A_147 = tpu.memref_slice %arg7[%dma_wait3A_145, %dma_wait3A_146] : memref<10016x128xf32, #tpu.memory_space<vmem_shared>> -> memref<10016x128xf32, #tpu.memory_space<vmem_shared>>
        tpu.wait_indirect_dma semaphore(%run_scoped3A_127 : memref<!tpu.dma_semaphore, #tpu.memory_space<semaphore_mem>>) src(%dma_wait3A_141 : memref<128x128xf32, #tpu.memory_space<vmem>>) dst(%dma_wait3A_147 : memref<10016x128xf32, #tpu.memory_space<vmem_shared>>)
        tpu.yield
      }) : () -> ()
      %lt3A_122 = arith.constant 19 : i32
      %lt3A_123 = arith.cmpi slt, %add3A_90, %lt3A_122 : i32
      %convert_element_type3A_124 = arith.extui %lt3A_123 : i1 to i32
      %cond3A_125 = arith.constant 0 : i32
      %cond3A_126 = arith.cmpi ne, %convert_element_type3A_124, %cond3A_125 : i32
      scf.if %cond3A_126 {
        %add3A_127 = arith.constant 2 : i32
        %add3A_128 = arith.addi %add3A_94, %add3A_127 : i32
        %dma_start3A_129 = arith.constant 1 : i32
        %dma_start3A_130 = arith.constant 0 : i32
        %dma_start3A_131 = arith.constant 0 : i32
        %dma_start3A_132 = tpu.memref_slice %arg10[%dma_start3A_129, %dma_start3A_130, %dma_start3A_131] : memref<2x128x128xf32, #tpu.memory_space<vmem>> -> memref<1x128x128xf32, #tpu.memory_space<vmem>>
        %dma_start3A_133 = tpu.memref_squeeze %dma_start3A_132 : memref<1x128x128xf32, #tpu.memory_space<vmem>> -> memref<128x128xf32, #tpu.memory_space<vmem>>
        %dma_start3A_134 = arith.constant 0 : i32
        %dma_start3A_135 = tpu.memref_slice %arg8[%add3A_128, %dma_start3A_134] : memref<40x128xi32, #tpu.memory_space<vmem>> -> memref<1x128xi32, #tpu.memory_space<vmem>>
        %dma_start3A_136 = tpu.memref_squeeze %dma_start3A_135 : memref<1x128xi32, #tpu.memory_space<vmem>> -> memref<128xi32, #tpu.memory_space<vmem>>
        %dma_start3A_137 = arith.constant 0 : i32
        %dma_start3A_138 = arith.constant 0 : i32
        %dma_start3A_139 = tpu.memref_slice %arg2[%dma_start3A_137, %dma_start3A_138] : memref<10000x128xf32, #tpu.memory_space<hbm>> -> memref<10000x128xf32, #tpu.memory_space<hbm>>
        tpu.enqueue_indirect_dma source(%dma_start3A_139 : memref<10000x128xf32, #tpu.memory_space<hbm>>) target(%dma_start3A_133 : memref<128x128xf32, #tpu.memory_space<vmem>>) offsets(%dma_start3A_136 : memref<128xi32, #tpu.memory_space<vmem>>) semaphore(%arg12 : memref<!tpu.dma_semaphore, #tpu.memory_space<semaphore_mem>>)
      } else {
      }
    }
    %scan3A_45 = arith.constant 20 : i32
    "tpu.region"() ({
      %run_scoped3A = tpu.sem_alloc : memref<!tpu.dma_semaphore, #tpu.memory_space<semaphore_mem>>
      %dma_start3A_86 = arith.constant 40 : i32
      %dma_start3A_87 = arith.constant 0 : i32
      %dma_start3A_88 = tpu.memref_slice %arg4[%add3A, %dma_start3A_86, %dma_start3A_87] : memref<32x80x128xi32, #tpu.memory_space<hbm>> -> memref<1x40x128xi32, #tpu.memory_space<hbm>>
      %dma_start3A_89 = tpu.memref_squeeze %dma_start3A_88 : memref<1x40x128xi32, #tpu.memory_space<hbm>> -> memref<40x128xi32, #tpu.memory_space<hbm>>
      %dma_start3A_90 = arith.constant 40 : i32
      %dma_start3A_91 = arith.constant 0 : i32
      %dma_start3A_92 = tpu.memref_slice %arg4[%add3A, %dma_start3A_90, %dma_start3A_91] : memref<32x80x128xi32, #tpu.memory_space<hbm>> -> memref<1x40x128xi32, #tpu.memory_space<hbm>>
      %dma_start3A_93 = tpu.memref_squeeze %dma_start3A_92 : memref<1x40x128xi32, #tpu.memory_space<hbm>> -> memref<40x128xi32, #tpu.memory_space<hbm>>
      tpu.enqueue_dma source(%dma_start3A_93 : memref<40x128xi32, #tpu.memory_space<hbm>>) target(%arg8 : memref<40x128xi32, #tpu.memory_space<vmem>>) target_semaphore(%run_scoped3A : memref<!tpu.dma_semaphore, #tpu.memory_space<semaphore_mem>>)
      %dma_wait3A = arith.constant 40 : i32
      %dma_wait3A_94 = arith.constant 0 : i32
      %dma_wait3A_95 = tpu.memref_slice %arg4[%add3A, %dma_wait3A, %dma_wait3A_94] : memref<32x80x128xi32, #tpu.memory_space<hbm>> -> memref<1x40x128xi32, #tpu.memory_space<hbm>>
      %dma_wait3A_96 = tpu.memref_squeeze %dma_wait3A_95 : memref<1x40x128xi32, #tpu.memory_space<hbm>> -> memref<40x128xi32, #tpu.memory_space<hbm>>
      %dma_wait3A_97 = arith.constant 40 : i32
      %dma_wait3A_98 = arith.constant 0 : i32
      %dma_wait3A_99 = tpu.memref_slice %arg4[%add3A, %dma_wait3A_97, %dma_wait3A_98] : memref<32x80x128xi32, #tpu.memory_space<hbm>> -> memref<1x40x128xi32, #tpu.memory_space<hbm>>
      %dma_wait3A_100 = tpu.memref_squeeze %dma_wait3A_99 : memref<1x40x128xi32, #tpu.memory_space<hbm>> -> memref<40x128xi32, #tpu.memory_space<hbm>>
      tpu.wait_dma2 semaphore(%run_scoped3A : memref<!tpu.dma_semaphore, #tpu.memory_space<semaphore_mem>>) src(%dma_wait3A_100 : memref<40x128xi32, #tpu.memory_space<hbm>>) dst(%arg8 : memref<40x128xi32, #tpu.memory_space<vmem>>)
      tpu.yield
    }) : () -> ()
    "tpu.region"() ({
      %run_scoped3A = tpu.sem_alloc : memref<!tpu.dma_semaphore, #tpu.memory_space<semaphore_mem>>
      %dma_start3A_86 = arith.constant 40 : i32
      %dma_start3A_87 = arith.constant 0 : i32
      %dma_start3A_88 = tpu.memref_slice %arg5[%add3A, %dma_start3A_86, %dma_start3A_87] : memref<32x80x128xi32, #tpu.memory_space<hbm>> -> memref<1x40x128xi32, #tpu.memory_space<hbm>>
      %dma_start3A_89 = tpu.memref_squeeze %dma_start3A_88 : memref<1x40x128xi32, #tpu.memory_space<hbm>> -> memref<40x128xi32, #tpu.memory_space<hbm>>
      %dma_start3A_90 = arith.constant 40 : i32
      %dma_start3A_91 = arith.constant 0 : i32
      %dma_start3A_92 = tpu.memref_slice %arg5[%add3A, %dma_start3A_90, %dma_start3A_91] : memref<32x80x128xi32, #tpu.memory_space<hbm>> -> memref<1x40x128xi32, #tpu.memory_space<hbm>>
      %dma_start3A_93 = tpu.memref_squeeze %dma_start3A_92 : memref<1x40x128xi32, #tpu.memory_space<hbm>> -> memref<40x128xi32, #tpu.memory_space<hbm>>
      tpu.enqueue_dma source(%dma_start3A_93 : memref<40x128xi32, #tpu.memory_space<hbm>>) target(%arg9 : memref<40x128xi32, #tpu.memory_space<vmem>>) target_semaphore(%run_scoped3A : memref<!tpu.dma_semaphore, #tpu.memory_space<semaphore_mem>>)
      %dma_wait3A = arith.constant 40 : i32
      %dma_wait3A_94 = arith.constant 0 : i32
      %dma_wait3A_95 = tpu.memref_slice %arg5[%add3A, %dma_wait3A, %dma_wait3A_94] : memref<32x80x128xi32, #tpu.memory_space<hbm>> -> memref<1x40x128xi32, #tpu.memory_space<hbm>>
      %dma_wait3A_96 = tpu.memref_squeeze %dma_wait3A_95 : memref<1x40x128xi32, #tpu.memory_space<hbm>> -> memref<40x128xi32, #tpu.memory_space<hbm>>
      %dma_wait3A_97 = arith.constant 40 : i32
      %dma_wait3A_98 = arith.constant 0 : i32
      %dma_wait3A_99 = tpu.memref_slice %arg5[%add3A, %dma_wait3A_97, %dma_wait3A_98] : memref<32x80x128xi32, #tpu.memory_space<hbm>> -> memref<1x40x128xi32, #tpu.memory_space<hbm>>
      %dma_wait3A_100 = tpu.memref_squeeze %dma_wait3A_99 : memref<1x40x128xi32, #tpu.memory_space<hbm>> -> memref<40x128xi32, #tpu.memory_space<hbm>>
      tpu.wait_dma2 semaphore(%run_scoped3A : memref<!tpu.dma_semaphore, #tpu.memory_space<semaphore_mem>>) src(%dma_wait3A_100 : memref<40x128xi32, #tpu.memory_space<hbm>>) dst(%arg9 : memref<40x128xi32, #tpu.memory_space<vmem>>)
      tpu.yield
    }) : () -> ()
    %dma_start3A_46 = arith.constant 0 : i32
    %dma_start3A_47 = arith.constant 0 : i32
    %dma_start3A_48 = arith.constant 0 : i32
    %dma_start3A_49 = arith.constant 0 : i32
    %dma_start3A_50 = tpu.memref_slice %arg10[%dma_start3A_47, %dma_start3A_48, %dma_start3A_49] : memref<2x128x128xf32, #tpu.memory_space<vmem>> -> memref<1x128x128xf32, #tpu.memory_space<vmem>>
    %dma_start3A_51 = tpu.memref_squeeze %dma_start3A_50 : memref<1x128x128xf32, #tpu.memory_space<vmem>> -> memref<128x128xf32, #tpu.memory_space<vmem>>
    %dma_start3A_52 = arith.constant 0 : i32
    %dma_start3A_53 = tpu.memref_slice %arg8[%dma_start3A_46, %dma_start3A_52] : memref<40x128xi32, #tpu.memory_space<vmem>> -> memref<1x128xi32, #tpu.memory_space<vmem>>
    %dma_start3A_54 = tpu.memref_squeeze %dma_start3A_53 : memref<1x128xi32, #tpu.memory_space<vmem>> -> memref<128xi32, #tpu.memory_space<vmem>>
    %dma_start3A_55 = arith.constant 0 : i32
    %dma_start3A_56 = arith.constant 0 : i32
    %dma_start3A_57 = tpu.memref_slice %arg2[%dma_start3A_55, %dma_start3A_56] : memref<10000x128xf32, #tpu.memory_space<hbm>> -> memref<10000x128xf32, #tpu.memory_space<hbm>>
    tpu.enqueue_indirect_dma source(%dma_start3A_57 : memref<10000x128xf32, #tpu.memory_space<hbm>>) target(%dma_start3A_51 : memref<128x128xf32, #tpu.memory_space<vmem>>) offsets(%dma_start3A_54 : memref<128xi32, #tpu.memory_space<vmem>>) semaphore(%arg11 : memref<!tpu.dma_semaphore, #tpu.memory_space<semaphore_mem>>)
    %dma_start3A_58 = arith.constant 1 : i32
    %dma_start3A_59 = arith.constant 1 : i32
    %dma_start3A_60 = arith.constant 0 : i32
    %dma_start3A_61 = arith.constant 0 : i32
    %dma_start3A_62 = tpu.memref_slice %arg10[%dma_start3A_59, %dma_start3A_60, %dma_start3A_61] : memref<2x128x128xf32, #tpu.memory_space<vmem>> -> memref<1x128x128xf32, #tpu.memory_space<vmem>>
    %dma_start3A_63 = tpu.memref_squeeze %dma_start3A_62 : memref<1x128x128xf32, #tpu.memory_space<vmem>> -> memref<128x128xf32, #tpu.memory_space<vmem>>
    %dma_start3A_64 = arith.constant 0 : i32
    %dma_start3A_65 = tpu.memref_slice %arg8[%dma_start3A_58, %dma_start3A_64] : memref<40x128xi32, #tpu.memory_space<vmem>> -> memref<1x128xi32, #tpu.memory_space<vmem>>
    %dma_start3A_66 = tpu.memref_squeeze %dma_start3A_65 : memref<1x128xi32, #tpu.memory_space<vmem>> -> memref<128xi32, #tpu.memory_space<vmem>>
    %dma_start3A_67 = arith.constant 0 : i32
    %dma_start3A_68 = arith.constant 0 : i32
    %dma_start3A_69 = tpu.memref_slice %arg2[%dma_start3A_67, %dma_start3A_68] : memref<10000x128xf32, #tpu.memory_space<hbm>> -> memref<10000x128xf32, #tpu.memory_space<hbm>>
    tpu.enqueue_indirect_dma source(%dma_start3A_69 : memref<10000x128xf32, #tpu.memory_space<hbm>>) target(%dma_start3A_63 : memref<128x128xf32, #tpu.memory_space<vmem>>) offsets(%dma_start3A_66 : memref<128xi32, #tpu.memory_space<vmem>>) semaphore(%arg12 : memref<!tpu.dma_semaphore, #tpu.memory_space<semaphore_mem>>)
    %scan3A_70 = arith.constant 0 : i32
    %scan3A_71 = arith.constant 20 : i32
    %scan3A_72 = arith.addi %scan3A_70, %scan3A_71 : i32
    %scan3A_73 = arith.constant 1 : i32
    scf.for %scan3A_86 = %scan3A_70 to %scan3A_72 step %scan3A_73  : i32 {
      %mul3A_87 = arith.constant 1 : i32
      %mul3A_88 = arith.muli %scan3A_86, %mul3A_87 : i32
      %add3A_89 = arith.constant 0 : i32
      %add3A_90 = arith.addi %add3A_89, %mul3A_88 : i32
      %mul3A_91 = arith.constant 2 : i32
      %mul3A_92 = arith.muli %mul3A_91, %add3A_90 : i32
      %add3A_93 = arith.constant 1 : i32
      %add3A_94 = arith.addi %mul3A_92, %add3A_93 : i32
      %dma_wait3A = arith.constant 0 : i32
      %dma_wait3A_95 = arith.constant 0 : i32
      %dma_wait3A_96 = arith.constant 0 : i32
      %dma_wait3A_97 = tpu.memref_slice %arg10[%dma_wait3A, %dma_wait3A_95, %dma_wait3A_96] : memref<2x128x128xf32, #tpu.memory_space<vmem>> -> memref<1x128x128xf32, #tpu.memory_space<vmem>>
      %dma_wait3A_98 = tpu.memref_squeeze %dma_wait3A_97 : memref<1x128x128xf32, #tpu.memory_space<vmem>> -> memref<128x128xf32, #tpu.memory_space<vmem>>
      %dma_wait3A_99 = arith.constant 0 : i32
      %dma_wait3A_100 = tpu.memref_slice %arg8[%mul3A_92, %dma_wait3A_99] : memref<40x128xi32, #tpu.memory_space<vmem>> -> memref<1x128xi32, #tpu.memory_space<vmem>>
      %dma_wait3A_101 = tpu.memref_squeeze %dma_wait3A_100 : memref<1x128xi32, #tpu.memory_space<vmem>> -> memref<128xi32, #tpu.memory_space<vmem>>
      %dma_wait3A_102 = arith.constant 0 : i32
      %dma_wait3A_103 = arith.constant 0 : i32
      %dma_wait3A_104 = tpu.memref_slice %arg2[%dma_wait3A_102, %dma_wait3A_103] : memref<10000x128xf32, #tpu.memory_space<hbm>> -> memref<10000x128xf32, #tpu.memory_space<hbm>>
      tpu.wait_indirect_dma semaphore(%arg11 : memref<!tpu.dma_semaphore, #tpu.memory_space<semaphore_mem>>) src(%dma_wait3A_104 : memref<10000x128xf32, #tpu.memory_space<hbm>>) dst(%dma_wait3A_98 : memref<128x128xf32, #tpu.memory_space<vmem>>)
      %run_scoped3A = arith.constant 0 : i32
      "tpu.region"() ({
        %run_scoped3A_127 = tpu.sem_alloc : memref<!tpu.dma_semaphore, #tpu.memory_space<semaphore_mem>>
        %dma_start3A_128 = arith.constant 0 : i32
        %dma_start3A_129 = arith.constant 0 : i32
        %dma_start3A_130 = tpu.memref_slice %arg10[%run_scoped3A, %dma_start3A_128, %dma_start3A_129] : memref<2x128x128xf32, #tpu.memory_space<vmem>> -> memref<1x128x128xf32, #tpu.memory_space<vmem>>
        %dma_start3A_131 = tpu.memref_squeeze %dma_start3A_130 : memref<1x128x128xf32, #tpu.memory_space<vmem>> -> memref<128x128xf32, #tpu.memory_space<vmem>>
        %dma_start3A_132 = arith.constant 0 : i32
        %dma_start3A_133 = tpu.memref_slice %arg9[%mul3A_92, %dma_start3A_132] : memref<40x128xi32, #tpu.memory_space<vmem>> -> memref<1x128xi32, #tpu.memory_space<vmem>>
        %dma_start3A_134 = tpu.memref_squeeze %dma_start3A_133 : memref<1x128xi32, #tpu.memory_space<vmem>> -> memref<128xi32, #tpu.memory_space<vmem>>
        %dma_start3A_135 = arith.constant 0 : i32
        %dma_start3A_136 = arith.constant 0 : i32
        %dma_start3A_137 = tpu.memref_slice %arg7[%dma_start3A_135, %dma_start3A_136] : memref<10016x128xf32, #tpu.memory_space<vmem_shared>> -> memref<10016x128xf32, #tpu.memory_space<vmem_shared>>
        tpu.enqueue_indirect_dma source(%dma_start3A_131 : memref<128x128xf32, #tpu.memory_space<vmem>>) target(%dma_start3A_137 : memref<10016x128xf32, #tpu.memory_space<vmem_shared>>) offsets(%dma_start3A_134 : memref<128xi32, #tpu.memory_space<vmem>>) semaphore(%run_scoped3A_127 : memref<!tpu.dma_semaphore, #tpu.memory_space<semaphore_mem>>) {add = true}
        %dma_wait3A_138 = arith.constant 0 : i32
        %dma_wait3A_139 = arith.constant 0 : i32
        %dma_wait3A_140 = tpu.memref_slice %arg10[%run_scoped3A, %dma_wait3A_138, %dma_wait3A_139] : memref<2x128x128xf32, #tpu.memory_space<vmem>> -> memref<1x128x128xf32, #tpu.memory_space<vmem>>
        %dma_wait3A_141 = tpu.memref_squeeze %dma_wait3A_140 : memref<1x128x128xf32, #tpu.memory_space<vmem>> -> memref<128x128xf32, #tpu.memory_space<vmem>>
        %dma_wait3A_142 = arith.constant 0 : i32
        %dma_wait3A_143 = tpu.memref_slice %arg9[%mul3A_92, %dma_wait3A_142] : memref<40x128xi32, #tpu.memory_space<vmem>> -> memref<1x128xi32, #tpu.memory_space<vmem>>
        %dma_wait3A_144 = tpu.memref_squeeze %dma_wait3A_143 : memref<1x128xi32, #tpu.memory_space<vmem>> -> memref<128xi32, #tpu.memory_space<vmem>>
        %dma_wait3A_145 = arith.constant 0 : i32
        %dma_wait3A_146 = arith.constant 0 : i32
        %dma_wait3A_147 = tpu.memref_slice %arg7[%dma_wait3A_145, %dma_wait3A_146] : memref<10016x128xf32, #tpu.memory_space<vmem_shared>> -> memref<10016x128xf32, #tpu.memory_space<vmem_shared>>
        tpu.wait_indirect_dma semaphore(%run_scoped3A_127 : memref<!tpu.dma_semaphore, #tpu.memory_space<semaphore_mem>>) src(%dma_wait3A_141 : memref<128x128xf32, #tpu.memory_space<vmem>>) dst(%dma_wait3A_147 : memref<10016x128xf32, #tpu.memory_space<vmem_shared>>)
        tpu.yield
      }) : () -> ()
      %lt3A_105 = arith.constant 19 : i32
      %lt3A_106 = arith.cmpi slt, %add3A_90, %lt3A_105 : i32
      %convert_element_type3A_107 = arith.extui %lt3A_106 : i1 to i32
      %cond3A_108 = arith.constant 0 : i32
      %cond3A_109 = arith.cmpi ne, %convert_element_type3A_107, %cond3A_108 : i32
      scf.if %cond3A_109 {
        %add3A_127 = arith.constant 2 : i32
        %add3A_128 = arith.addi %mul3A_92, %add3A_127 : i32
        %dma_start3A_129 = arith.constant 0 : i32
        %dma_start3A_130 = arith.constant 0 : i32
        %dma_start3A_131 = arith.constant 0 : i32
        %dma_start3A_132 = tpu.memref_slice %arg10[%dma_start3A_129, %dma_start3A_130, %dma_start3A_131] : memref<2x128x128xf32, #tpu.memory_space<vmem>> -> memref<1x128x128xf32, #tpu.memory_space<vmem>>
        %dma_start3A_133 = tpu.memref_squeeze %dma_start3A_132 : memref<1x128x128xf32, #tpu.memory_space<vmem>> -> memref<128x128xf32, #tpu.memory_space<vmem>>
        %dma_start3A_134 = arith.constant 0 : i32
        %dma_start3A_135 = tpu.memref_slice %arg8[%add3A_128, %dma_start3A_134] : memref<40x128xi32, #tpu.memory_space<vmem>> -> memref<1x128xi32, #tpu.memory_space<vmem>>
        %dma_start3A_136 = tpu.memref_squeeze %dma_start3A_135 : memref<1x128xi32, #tpu.memory_space<vmem>> -> memref<128xi32, #tpu.memory_space<vmem>>
        %dma_start3A_137 = arith.constant 0 : i32
        %dma_start3A_138 = arith.constant 0 : i32
        %dma_start3A_139 = tpu.memref_slice %arg2[%dma_start3A_137, %dma_start3A_138] : memref<10000x128xf32, #tpu.memory_space<hbm>> -> memref<10000x128xf32, #tpu.memory_space<hbm>>
        tpu.enqueue_indirect_dma source(%dma_start3A_139 : memref<10000x128xf32, #tpu.memory_space<hbm>>) target(%dma_start3A_133 : memref<128x128xf32, #tpu.memory_space<vmem>>) offsets(%dma_start3A_136 : memref<128xi32, #tpu.memory_space<vmem>>) semaphore(%arg11 : memref<!tpu.dma_semaphore, #tpu.memory_space<semaphore_mem>>)
      } else {
      }
      %dma_wait3A_110 = arith.constant 1 : i32
      %dma_wait3A_111 = arith.constant 0 : i32
      %dma_wait3A_112 = arith.constant 0 : i32
      %dma_wait3A_113 = tpu.memref_slice %arg10[%dma_wait3A_110, %dma_wait3A_111, %dma_wait3A_112] : memref<2x128x128xf32, #tpu.memory_space<vmem>> -> memref<1x128x128xf32, #tpu.memory_space<vmem>>
      %dma_wait3A_114 = tpu.memref_squeeze %dma_wait3A_113 : memref<1x128x128xf32, #tpu.memory_space<vmem>> -> memref<128x128xf32, #tpu.memory_space<vmem>>
      %dma_wait3A_115 = arith.constant 0 : i32
      %dma_wait3A_116 = tpu.memref_slice %arg8[%add3A_94, %dma_wait3A_115] : memref<40x128xi32, #tpu.memory_space<vmem>> -> memref<1x128xi32, #tpu.memory_space<vmem>>
      %dma_wait3A_117 = tpu.memref_squeeze %dma_wait3A_116 : memref<1x128xi32, #tpu.memory_space<vmem>> -> memref<128xi32, #tpu.memory_space<vmem>>
      %dma_wait3A_118 = arith.constant 0 : i32
      %dma_wait3A_119 = arith.constant 0 : i32
      %dma_wait3A_120 = tpu.memref_slice %arg2[%dma_wait3A_118, %dma_wait3A_119] : memref<10000x128xf32, #tpu.memory_space<hbm>> -> memref<10000x128xf32, #tpu.memory_space<hbm>>
      tpu.wait_indirect_dma semaphore(%arg12 : memref<!tpu.dma_semaphore, #tpu.memory_space<semaphore_mem>>) src(%dma_wait3A_120 : memref<10000x128xf32, #tpu.memory_space<hbm>>) dst(%dma_wait3A_114 : memref<128x128xf32, #tpu.memory_space<vmem>>)
      %run_scoped3A_121 = arith.constant 1 : i32
      "tpu.region"() ({
        %run_scoped3A_127 = tpu.sem_alloc : memref<!tpu.dma_semaphore, #tpu.memory_space<semaphore_mem>>
        %dma_start3A_128 = arith.constant 0 : i32
        %dma_start3A_129 = arith.constant 0 : i32
        %dma_start3A_130 = tpu.memref_slice %arg10[%run_scoped3A_121, %dma_start3A_128, %dma_start3A_129] : memref<2x128x128xf32, #tpu.memory_space<vmem>> -> memref<1x128x128xf32, #tpu.memory_space<vmem>>
        %dma_start3A_131 = tpu.memref_squeeze %dma_start3A_130 : memref<1x128x128xf32, #tpu.memory_space<vmem>> -> memref<128x128xf32, #tpu.memory_space<vmem>>
        %dma_start3A_132 = arith.constant 0 : i32
        %dma_start3A_133 = tpu.memref_slice %arg9[%add3A_94, %dma_start3A_132] : memref<40x128xi32, #tpu.memory_space<vmem>> -> memref<1x128xi32, #tpu.memory_space<vmem>>
        %dma_start3A_134 = tpu.memref_squeeze %dma_start3A_133 : memref<1x128xi32, #tpu.memory_space<vmem>> -> memref<128xi32, #tpu.memory_space<vmem>>
        %dma_start3A_135 = arith.constant 0 : i32
        %dma_start3A_136 = arith.constant 0 : i32
        %dma_start3A_137 = tpu.memref_slice %arg7[%dma_start3A_135, %dma_start3A_136] : memref<10016x128xf32, #tpu.memory_space<vmem_shared>> -> memref<10016x128xf32, #tpu.memory_space<vmem_shared>>
        tpu.enqueue_indirect_dma source(%dma_start3A_131 : memref<128x128xf32, #tpu.memory_space<vmem>>) target(%dma_start3A_137 : memref<10016x128xf32, #tpu.memory_space<vmem_shared>>) offsets(%dma_start3A_134 : memref<128xi32, #tpu.memory_space<vmem>>) semaphore(%run_scoped3A_127 : memref<!tpu.dma_semaphore, #tpu.memory_space<semaphore_mem>>) {add = true}
        %dma_wait3A_138 = arith.constant 0 : i32
        %dma_wait3A_139 = arith.constant 0 : i32
        %dma_wait3A_140 = tpu.memref_slice %arg10[%run_scoped3A_121, %dma_wait3A_138, %dma_wait3A_139] : memref<2x128x128xf32, #tpu.memory_space<vmem>> -> memref<1x128x128xf32, #tpu.memory_space<vmem>>
        %dma_wait3A_141 = tpu.memref_squeeze %dma_wait3A_140 : memref<1x128x128xf32, #tpu.memory_space<vmem>> -> memref<128x128xf32, #tpu.memory_space<vmem>>
        %dma_wait3A_142 = arith.constant 0 : i32
        %dma_wait3A_143 = tpu.memref_slice %arg9[%add3A_94, %dma_wait3A_142] : memref<40x128xi32, #tpu.memory_space<vmem>> -> memref<1x128xi32, #tpu.memory_space<vmem>>
        %dma_wait3A_144 = tpu.memref_squeeze %dma_wait3A_143 : memref<1x128xi32, #tpu.memory_space<vmem>> -> memref<128xi32, #tpu.memory_space<vmem>>
        %dma_wait3A_145 = arith.constant 0 : i32
        %dma_wait3A_146 = arith.constant 0 : i32
        %dma_wait3A_147 = tpu.memref_slice %arg7[%dma_wait3A_145, %dma_wait3A_146] : memref<10016x128xf32, #tpu.memory_space<vmem_shared>> -> memref<10016x128xf32, #tpu.memory_space<vmem_shared>>
        tpu.wait_indirect_dma semaphore(%run_scoped3A_127 : memref<!tpu.dma_semaphore, #tpu.memory_space<semaphore_mem>>) src(%dma_wait3A_141 : memref<128x128xf32, #tpu.memory_space<vmem>>) dst(%dma_wait3A_147 : memref<10016x128xf32, #tpu.memory_space<vmem_shared>>)
        tpu.yield
      }) : () -> ()
      %lt3A_122 = arith.constant 19 : i32
      %lt3A_123 = arith.cmpi slt, %add3A_90, %lt3A_122 : i32
      %convert_element_type3A_124 = arith.extui %lt3A_123 : i1 to i32
      %cond3A_125 = arith.constant 0 : i32
      %cond3A_126 = arith.cmpi ne, %convert_element_type3A_124, %cond3A_125 : i32
      scf.if %cond3A_126 {
        %add3A_127 = arith.constant 2 : i32
        %add3A_128 = arith.addi %add3A_94, %add3A_127 : i32
        %dma_start3A_129 = arith.constant 1 : i32
        %dma_start3A_130 = arith.constant 0 : i32
        %dma_start3A_131 = arith.constant 0 : i32
        %dma_start3A_132 = tpu.memref_slice %arg10[%dma_start3A_129, %dma_start3A_130, %dma_start3A_131] : memref<2x128x128xf32, #tpu.memory_space<vmem>> -> memref<1x128x128xf32, #tpu.memory_space<vmem>>
        %dma_start3A_133 = tpu.memref_squeeze %dma_start3A_132 : memref<1x128x128xf32, #tpu.memory_space<vmem>> -> memref<128x128xf32, #tpu.memory_space<vmem>>
        %dma_start3A_134 = arith.constant 0 : i32
        %dma_start3A_135 = tpu.memref_slice %arg8[%add3A_128, %dma_start3A_134] : memref<40x128xi32, #tpu.memory_space<vmem>> -> memref<1x128xi32, #tpu.memory_space<vmem>>
        %dma_start3A_136 = tpu.memref_squeeze %dma_start3A_135 : memref<1x128xi32, #tpu.memory_space<vmem>> -> memref<128xi32, #tpu.memory_space<vmem>>
        %dma_start3A_137 = arith.constant 0 : i32
        %dma_start3A_138 = arith.constant 0 : i32
        %dma_start3A_139 = tpu.memref_slice %arg2[%dma_start3A_137, %dma_start3A_138] : memref<10000x128xf32, #tpu.memory_space<hbm>> -> memref<10000x128xf32, #tpu.memory_space<hbm>>
        tpu.enqueue_indirect_dma source(%dma_start3A_139 : memref<10000x128xf32, #tpu.memory_space<hbm>>) target(%dma_start3A_133 : memref<128x128xf32, #tpu.memory_space<vmem>>) offsets(%dma_start3A_136 : memref<128xi32, #tpu.memory_space<vmem>>) semaphore(%arg12 : memref<!tpu.dma_semaphore, #tpu.memory_space<semaphore_mem>>)
      } else {
      }
    }
    %scan3A_74 = arith.constant 20 : i32
    %barrier3A_75 = arith.constant 0 : index
    tpu.barrier barrier_id(%barrier3A_75)
    %lt3A_76 = arith.constant 15 : i32
    %lt3A_77 = arith.cmpi slt, %arg1, %lt3A_76 : i32
    %convert_element_type3A_78 = arith.extui %lt3A_77 : i1 to i32
    %cond3A_79 = arith.constant 0 : i32
    %cond3A_80 = arith.cmpi ne, %convert_element_type3A_78, %cond3A_79 : i32
    scf.if %cond3A_80 {
      %mul3A_86 = arith.constant 640 : i32
      %mul3A_87 = arith.muli %arg1, %mul3A_86 : i32
      %mul3A_88 = arith.constant 640 : i32
      %mul3A_89 = arith.muli %arg1, %mul3A_88 : i32
      "tpu.region"() ({
        %run_scoped3A = tpu.sem_alloc : memref<!tpu.dma_semaphore, #tpu.memory_space<semaphore_mem>>
        %dma_start3A_90 = arith.constant 0 : i32
        %dma_start3A_91 = tpu.memref_slice %arg6[%arg0, %mul3A_89, %dma_start3A_90] : memref<2x10000x128xf32, #tpu.memory_space<hbm>> -> memref<1x640x128xf32, #tpu.memory_space<hbm>>
        %dma_start3A_92 = tpu.memref_squeeze %dma_start3A_91 : memref<1x640x128xf32, #tpu.memory_space<hbm>> -> memref<640x128xf32, #tpu.memory_space<hbm>>
        %dma_start3A_93 = arith.constant 0 : i32
        %dma_start3A_94 = tpu.memref_slice %arg7[%mul3A_87, %dma_start3A_93] : memref<10016x128xf32, #tpu.memory_space<vmem_shared>> -> memref<640x128xf32, #tpu.memory_space<vmem_shared>>
        tpu.enqueue_dma source(%dma_start3A_94 : memref<640x128xf32, #tpu.memory_space<vmem_shared>>) target(%dma_start3A_92 : memref<640x128xf32, #tpu.memory_space<hbm>>) target_semaphore(%run_scoped3A : memref<!tpu.dma_semaphore, #tpu.memory_space<semaphore_mem>>)
        %dma_wait3A = arith.constant 0 : i32
        %dma_wait3A_95 = tpu.memref_slice %arg6[%arg0, %mul3A_89, %dma_wait3A] : memref<2x10000x128xf32, #tpu.memory_space<hbm>> -> memref<1x640x128xf32, #tpu.memory_space<hbm>>
        %dma_wait3A_96 = tpu.memref_squeeze %dma_wait3A_95 : memref<1x640x128xf32, #tpu.memory_space<hbm>> -> memref<640x128xf32, #tpu.memory_space<hbm>>
        %dma_wait3A_97 = arith.constant 0 : i32
        %dma_wait3A_98 = tpu.memref_slice %arg7[%mul3A_87, %dma_wait3A_97] : memref<10016x128xf32, #tpu.memory_space<vmem_shared>> -> memref<640x128xf32, #tpu.memory_space<vmem_shared>>
        tpu.wait_dma2 semaphore(%run_scoped3A : memref<!tpu.dma_semaphore, #tpu.memory_space<semaphore_mem>>) src(%dma_wait3A_98 : memref<640x128xf32, #tpu.memory_space<vmem_shared>>) dst(%dma_wait3A_96 : memref<640x128xf32, #tpu.memory_space<hbm>>)
        tpu.yield
      }) : () -> ()
    } else {
    }
    %eq3A_81 = arith.constant 15 : i32
    %eq3A_82 = arith.cmpi eq, %arg1, %eq3A_81 : i32
    %convert_element_type3A_83 = arith.extui %eq3A_82 : i1 to i32
    %cond3A_84 = arith.constant 0 : i32
    %cond3A_85 = arith.cmpi ne, %convert_element_type3A_83, %cond3A_84 : i32
    scf.if %cond3A_85 {
      "tpu.region"() ({
        %run_scoped3A = tpu.sem_alloc : memref<!tpu.dma_semaphore, #tpu.memory_space<semaphore_mem>>
        %dma_start3A_86 = arith.constant 9600 : i32
        %dma_start3A_87 = arith.constant 0 : i32
        %dma_start3A_88 = tpu.memref_slice %arg6[%arg0, %dma_start3A_86, %dma_start3A_87] : memref<2x10000x128xf32, #tpu.memory_space<hbm>> -> memref<1x400x128xf32, #tpu.memory_space<hbm>>
        %dma_start3A_89 = tpu.memref_squeeze %dma_start3A_88 : memref<1x400x128xf32, #tpu.memory_space<hbm>> -> memref<400x128xf32, #tpu.memory_space<hbm>>
        %dma_start3A_90 = arith.constant 9600 : i32
        %dma_start3A_91 = arith.constant 0 : i32
        %dma_start3A_92 = tpu.memref_slice %arg7[%dma_start3A_90, %dma_start3A_91] : memref<10016x128xf32, #tpu.memory_space<vmem_shared>> -> memref<400x128xf32, #tpu.memory_space<vmem_shared>>
        tpu.enqueue_dma source(%dma_start3A_92 : memref<400x128xf32, #tpu.memory_space<vmem_shared>>) target(%dma_start3A_89 : memref<400x128xf32, #tpu.memory_space<hbm>>) target_semaphore(%run_scoped3A : memref<!tpu.dma_semaphore, #tpu.memory_space<semaphore_mem>>)
        %dma_wait3A = arith.constant 9600 : i32
        %dma_wait3A_93 = arith.constant 0 : i32
        %dma_wait3A_94 = tpu.memref_slice %arg6[%arg0, %dma_wait3A, %dma_wait3A_93] : memref<2x10000x128xf32, #tpu.memory_space<hbm>> -> memref<1x400x128xf32, #tpu.memory_space<hbm>>
        %dma_wait3A_95 = tpu.memref_squeeze %dma_wait3A_94 : memref<1x400x128xf32, #tpu.memory_space<hbm>> -> memref<400x128xf32, #tpu.memory_space<hbm>>
        %dma_wait3A_96 = arith.constant 9600 : i32
        %dma_wait3A_97 = arith.constant 0 : i32
        %dma_wait3A_98 = tpu.memref_slice %arg7[%dma_wait3A_96, %dma_wait3A_97] : memref<10016x128xf32, #tpu.memory_space<vmem_shared>> -> memref<400x128xf32, #tpu.memory_space<vmem_shared>>
        tpu.wait_dma2 semaphore(%run_scoped3A : memref<!tpu.dma_semaphore, #tpu.memory_space<semaphore_mem>>) src(%dma_wait3A_98 : memref<400x128xf32, #tpu.memory_space<vmem_shared>>) dst(%dma_wait3A_95 : memref<400x128xf32, #tpu.memory_space<hbm>>)
        tpu.yield
      }) : () -> ()
    } else {
    }
    return
  }
}

#map = affine_map<(d0, d1) -> (0, 0)>
#map1 = affine_map<(d0, d1) -> (0, 0, 0)>
module attributes {stable_mosaic.version = 14 : i64} {
  func.func @sage_sc_agg(%arg0: i32, %arg1: i32, %arg2: memref<10000x128xf32, #tpu.memory_space<hbm>>, %arg3: memref<10016x128xf32, #tpu.memory_space<hbm>>, %arg4: memref<32x80x128xi32, #tpu.memory_space<hbm>>, %arg5: memref<32x80x128xi32, #tpu.memory_space<hbm>>, %arg6: memref<2x10000x128xf32, #tpu.memory_space<hbm>>, %arg7: memref<10016x128xf32, #tpu.memory_space<vmem_shared>>, %arg8: memref<40x128xi32, #tpu.memory_space<vmem>>, %arg9: memref<40x128xi32, #tpu.memory_space<vmem>>, %arg10: memref<2x128x128xf32, #tpu.memory_space<vmem>>, %arg11: memref<!tpu.dma_semaphore, #tpu.memory_space<semaphore_mem>>, %arg12: memref<!tpu.dma_semaphore, #tpu.memory_space<semaphore_mem>>, %arg13: memref<!tpu.dma_semaphore, #tpu.memory_space<semaphore_mem>>) attributes {dimension_semantics = [#tpu.dimension_semantics<core_parallel>, #tpu.dimension_semantics<subcore_parallel>], iteration_bounds = array<i64: 2, 16>, scalar_prefetch = 0 : i64, scratch_operands = 7 : i64, tpu.core_type = #tpu.core_type<sc_vector_subcore>, window_params = [{transform_indices = #map}, {transform_indices = #map}, {transform_indices = #map1}, {transform_indices = #map1}, {transform_indices = #map1}]} {
    %mul3A = arith.constant 16 : i32
    %mul3A_0 = arith.muli %arg0, %mul3A : i32
    %add3A = arith.addi %mul3A_0, %arg1 : i32
    %mul3A_1 = arith.constant 640 : i32
    %mul3A_2 = arith.muli %arg1, %mul3A_1 : i32
    %lt3A = arith.constant 15 : i32
    %lt3A_3 = arith.cmpi slt, %arg1, %lt3A : i32
    %convert_element_type3A = arith.extui %lt3A_3 : i1 to i32
    %cond3A = arith.constant 0 : i32
    %cond3A_4 = arith.cmpi ne, %convert_element_type3A, %cond3A : i32
    scf.if %cond3A_4 {
      %dma_start3A_86 = arith.constant 0 : i32
      %dma_start3A_87 = tpu.memref_slice %arg7[%mul3A_2, %dma_start3A_86] : memref<10016x128xf32, #tpu.memory_space<vmem_shared>> -> memref<640x128xf32, #tpu.memory_space<vmem_shared>>
      %dma_start3A_88 = arith.constant 0 : i32
      %dma_start3A_89 = tpu.memref_slice %arg3[%mul3A_2, %dma_start3A_88] : memref<10016x128xf32, #tpu.memory_space<hbm>> -> memref<640x128xf32, #tpu.memory_space<hbm>>
      tpu.enqueue_dma source(%dma_start3A_89 : memref<640x128xf32, #tpu.memory_space<hbm>>) target(%dma_start3A_87 : memref<640x128xf32, #tpu.memory_space<vmem_shared>>) target_semaphore(%arg13 : memref<!tpu.dma_semaphore, #tpu.memory_space<semaphore_mem>>)
    } else {
    }
    %eq3A = arith.constant 15 : i32
    %eq3A_5 = arith.cmpi eq, %arg1, %eq3A : i32
    %convert_element_type3A_6 = arith.extui %eq3A_5 : i1 to i32
    %cond3A_7 = arith.constant 0 : i32
    %cond3A_8 = arith.cmpi ne, %convert_element_type3A_6, %cond3A_7 : i32
    scf.if %cond3A_8 {
      %dma_start3A_86 = arith.constant 9600 : i32
      %dma_start3A_87 = arith.constant 0 : i32
      %dma_start3A_88 = tpu.memref_slice %arg7[%dma_start3A_86, %dma_start3A_87] : memref<10016x128xf32, #tpu.memory_space<vmem_shared>> -> memref<416x128xf32, #tpu.memory_space<vmem_shared>>
      %dma_start3A_89 = arith.constant 9600 : i32
      %dma_start3A_90 = arith.constant 0 : i32
      %dma_start3A_91 = tpu.memref_slice %arg3[%dma_start3A_89, %dma_start3A_90] : memref<10016x128xf32, #tpu.memory_space<hbm>> -> memref<416x128xf32, #tpu.memory_space<hbm>>
      tpu.enqueue_dma source(%dma_start3A_91 : memref<416x128xf32, #tpu.memory_space<hbm>>) target(%dma_start3A_88 : memref<416x128xf32, #tpu.memory_space<vmem_shared>>) target_semaphore(%arg13 : memref<!tpu.dma_semaphore, #tpu.memory_space<semaphore_mem>>)
    } else {
    }
    "tpu.region"() ({
      %run_scoped3A = tpu.sem_alloc : memref<!tpu.dma_semaphore, #tpu.memory_space<semaphore_mem>>
      %dma_start3A_86 = arith.constant 0 : i32
      %dma_start3A_87 = arith.constant 0 : i32
      %dma_start3A_88 = tpu.memref_slice %arg4[%add3A, %dma_start3A_86, %dma_start3A_87] : memref<32x80x128xi32, #tpu.memory_space<hbm>> -> memref<1x40x128xi32, #tpu.memory_space<hbm>>
      %dma_start3A_89 = tpu.memref_squeeze %dma_start3A_88 : memref<1x40x128xi32, #tpu.memory_space<hbm>> -> memref<40x128xi32, #tpu.memory_space<hbm>>
      %dma_start3A_90 = arith.constant 0 : i32
      %dma_start3A_91 = arith.constant 0 : i32
      %dma_start3A_92 = tpu.memref_slice %arg4[%add3A, %dma_start3A_90, %dma_start3A_91] : memref<32x80x128xi32, #tpu.memory_space<hbm>> -> memref<1x40x128xi32, #tpu.memory_space<hbm>>
      %dma_start3A_93 = tpu.memref_squeeze %dma_start3A_92 : memref<1x40x128xi32, #tpu.memory_space<hbm>> -> memref<40x128xi32, #tpu.memory_space<hbm>>
      tpu.enqueue_dma source(%dma_start3A_93 : memref<40x128xi32, #tpu.memory_space<hbm>>) target(%arg8 : memref<40x128xi32, #tpu.memory_space<vmem>>) target_semaphore(%run_scoped3A : memref<!tpu.dma_semaphore, #tpu.memory_space<semaphore_mem>>)
      %dma_wait3A = arith.constant 0 : i32
      %dma_wait3A_94 = arith.constant 0 : i32
      %dma_wait3A_95 = tpu.memref_slice %arg4[%add3A, %dma_wait3A, %dma_wait3A_94] : memref<32x80x128xi32, #tpu.memory_space<hbm>> -> memref<1x40x128xi32, #tpu.memory_space<hbm>>
      %dma_wait3A_96 = tpu.memref_squeeze %dma_wait3A_95 : memref<1x40x128xi32, #tpu.memory_space<hbm>> -> memref<40x128xi32, #tpu.memory_space<hbm>>
      %dma_wait3A_97 = arith.constant 0 : i32
      %dma_wait3A_98 = arith.constant 0 : i32
      %dma_wait3A_99 = tpu.memref_slice %arg4[%add3A, %dma_wait3A_97, %dma_wait3A_98] : memref<32x80x128xi32, #tpu.memory_space<hbm>> -> memref<1x40x128xi32, #tpu.memory_space<hbm>>
      %dma_wait3A_100 = tpu.memref_squeeze %dma_wait3A_99 : memref<1x40x128xi32, #tpu.memory_space<hbm>> -> memref<40x128xi32, #tpu.memory_space<hbm>>
      tpu.wait_dma2 semaphore(%run_scoped3A : memref<!tpu.dma_semaphore, #tpu.memory_space<semaphore_mem>>) src(%dma_wait3A_100 : memref<40x128xi32, #tpu.memory_space<hbm>>) dst(%arg8 : memref<40x128xi32, #tpu.memory_space<vmem>>)
      tpu.yield
    }) : () -> ()
    "tpu.region"() ({
      %run_scoped3A = tpu.sem_alloc : memref<!tpu.dma_semaphore, #tpu.memory_space<semaphore_mem>>
      %dma_start3A_86 = arith.constant 0 : i32
      %dma_start3A_87 = arith.constant 0 : i32
      %dma_start3A_88 = tpu.memref_slice %arg5[%add3A, %dma_start3A_86, %dma_start3A_87] : memref<32x80x128xi32, #tpu.memory_space<hbm>> -> memref<1x40x128xi32, #tpu.memory_space<hbm>>
      %dma_start3A_89 = tpu.memref_squeeze %dma_start3A_88 : memref<1x40x128xi32, #tpu.memory_space<hbm>> -> memref<40x128xi32, #tpu.memory_space<hbm>>
      %dma_start3A_90 = arith.constant 0 : i32
      %dma_start3A_91 = arith.constant 0 : i32
      %dma_start3A_92 = tpu.memref_slice %arg5[%add3A, %dma_start3A_90, %dma_start3A_91] : memref<32x80x128xi32, #tpu.memory_space<hbm>> -> memref<1x40x128xi32, #tpu.memory_space<hbm>>
      %dma_start3A_93 = tpu.memref_squeeze %dma_start3A_92 : memref<1x40x128xi32, #tpu.memory_space<hbm>> -> memref<40x128xi32, #tpu.memory_space<hbm>>
      tpu.enqueue_dma source(%dma_start3A_93 : memref<40x128xi32, #tpu.memory_space<hbm>>) target(%arg9 : memref<40x128xi32, #tpu.memory_space<vmem>>) target_semaphore(%run_scoped3A : memref<!tpu.dma_semaphore, #tpu.memory_space<semaphore_mem>>)
      %dma_wait3A = arith.constant 0 : i32
      %dma_wait3A_94 = arith.constant 0 : i32
      %dma_wait3A_95 = tpu.memref_slice %arg5[%add3A, %dma_wait3A, %dma_wait3A_94] : memref<32x80x128xi32, #tpu.memory_space<hbm>> -> memref<1x40x128xi32, #tpu.memory_space<hbm>>
      %dma_wait3A_96 = tpu.memref_squeeze %dma_wait3A_95 : memref<1x40x128xi32, #tpu.memory_space<hbm>> -> memref<40x128xi32, #tpu.memory_space<hbm>>
      %dma_wait3A_97 = arith.constant 0 : i32
      %dma_wait3A_98 = arith.constant 0 : i32
      %dma_wait3A_99 = tpu.memref_slice %arg5[%add3A, %dma_wait3A_97, %dma_wait3A_98] : memref<32x80x128xi32, #tpu.memory_space<hbm>> -> memref<1x40x128xi32, #tpu.memory_space<hbm>>
      %dma_wait3A_100 = tpu.memref_squeeze %dma_wait3A_99 : memref<1x40x128xi32, #tpu.memory_space<hbm>> -> memref<40x128xi32, #tpu.memory_space<hbm>>
      tpu.wait_dma2 semaphore(%run_scoped3A : memref<!tpu.dma_semaphore, #tpu.memory_space<semaphore_mem>>) src(%dma_wait3A_100 : memref<40x128xi32, #tpu.memory_space<hbm>>) dst(%arg9 : memref<40x128xi32, #tpu.memory_space<vmem>>)
      tpu.yield
    }) : () -> ()
    %lt3A_9 = arith.constant 15 : i32
    %lt3A_10 = arith.cmpi slt, %arg1, %lt3A_9 : i32
    %convert_element_type3A_11 = arith.extui %lt3A_10 : i1 to i32
    %cond3A_12 = arith.constant 0 : i32
    %cond3A_13 = arith.cmpi ne, %convert_element_type3A_11, %cond3A_12 : i32
    scf.if %cond3A_13 {
      %dma_wait3A = arith.constant 0 : i32
      %dma_wait3A_86 = tpu.memref_slice %arg7[%mul3A_2, %dma_wait3A] : memref<10016x128xf32, #tpu.memory_space<vmem_shared>> -> memref<640x128xf32, #tpu.memory_space<vmem_shared>>
      %dma_wait3A_87 = arith.constant 0 : i32
      %dma_wait3A_88 = tpu.memref_slice %arg3[%mul3A_2, %dma_wait3A_87] : memref<10016x128xf32, #tpu.memory_space<hbm>> -> memref<640x128xf32, #tpu.memory_space<hbm>>
      tpu.wait_dma2 semaphore(%arg13 : memref<!tpu.dma_semaphore, #tpu.memory_space<semaphore_mem>>) src(%dma_wait3A_88 : memref<640x128xf32, #tpu.memory_space<hbm>>) dst(%dma_wait3A_86 : memref<640x128xf32, #tpu.memory_space<vmem_shared>>)
    } else {
    }
    %eq3A_14 = arith.constant 15 : i32
    %eq3A_15 = arith.cmpi eq, %arg1, %eq3A_14 : i32
    %convert_element_type3A_16 = arith.extui %eq3A_15 : i1 to i32
    %cond3A_17 = arith.constant 0 : i32
    %cond3A_18 = arith.cmpi ne, %convert_element_type3A_16, %cond3A_17 : i32
    scf.if %cond3A_18 {
      %dma_wait3A = arith.constant 9600 : i32
      %dma_wait3A_86 = arith.constant 0 : i32
      %dma_wait3A_87 = tpu.memref_slice %arg7[%dma_wait3A, %dma_wait3A_86] : memref<10016x128xf32, #tpu.memory_space<vmem_shared>> -> memref<416x128xf32, #tpu.memory_space<vmem_shared>>
      %dma_wait3A_88 = arith.constant 9600 : i32
      %dma_wait3A_89 = arith.constant 0 : i32
      %dma_wait3A_90 = tpu.memref_slice %arg3[%dma_wait3A_88, %dma_wait3A_89] : memref<10016x128xf32, #tpu.memory_space<hbm>> -> memref<416x128xf32, #tpu.memory_space<hbm>>
      tpu.wait_dma2 semaphore(%arg13 : memref<!tpu.dma_semaphore, #tpu.memory_space<semaphore_mem>>) src(%dma_wait3A_90 : memref<416x128xf32, #tpu.memory_space<hbm>>) dst(%dma_wait3A_87 : memref<416x128xf32, #tpu.memory_space<vmem_shared>>)
    } else {
    }
    %barrier3A = arith.constant 0 : index
    tpu.barrier barrier_id(%barrier3A)
    %dma_start3A = arith.constant 0 : i32
    %dma_start3A_19 = arith.constant 0 : i32
    %dma_start3A_20 = arith.constant 0 : i32
    %dma_start3A_21 = arith.constant 0 : i32
    %dma_start3A_22 = tpu.memref_slice %arg10[%dma_start3A_19, %dma_start3A_20, %dma_start3A_21] : memref<2x128x128xf32, #tpu.memory_space<vmem>> -> memref<1x128x128xf32, #tpu.memory_space<vmem>>
    %dma_start3A_23 = tpu.memref_squeeze %dma_start3A_22 : memref<1x128x128xf32, #tpu.memory_space<vmem>> -> memref<128x128xf32, #tpu.memory_space<vmem>>
    %dma_start3A_24 = arith.constant 0 : i32
    %dma_start3A_25 = tpu.memref_slice %arg8[%dma_start3A, %dma_start3A_24] : memref<40x128xi32, #tpu.memory_space<vmem>> -> memref<1x128xi32, #tpu.memory_space<vmem>>
    %dma_start3A_26 = tpu.memref_squeeze %dma_start3A_25 : memref<1x128xi32, #tpu.memory_space<vmem>> -> memref<128xi32, #tpu.memory_space<vmem>>
    %dma_start3A_27 = arith.constant 0 : i32
    %dma_start3A_28 = arith.constant 0 : i32
    %dma_start3A_29 = tpu.memref_slice %arg2[%dma_start3A_27, %dma_start3A_28] : memref<10000x128xf32, #tpu.memory_space<hbm>> -> memref<10000x128xf32, #tpu.memory_space<hbm>>
    tpu.enqueue_indirect_dma source(%dma_start3A_29 : memref<10000x128xf32, #tpu.memory_space<hbm>>) target(%dma_start3A_23 : memref<128x128xf32, #tpu.memory_space<vmem>>) offsets(%dma_start3A_26 : memref<128xi32, #tpu.memory_space<vmem>>) semaphore(%arg11 : memref<!tpu.dma_semaphore, #tpu.memory_space<semaphore_mem>>)
    %dma_start3A_30 = arith.constant 1 : i32
    %dma_start3A_31 = arith.constant 1 : i32
    %dma_start3A_32 = arith.constant 0 : i32
    %dma_start3A_33 = arith.constant 0 : i32
    %dma_start3A_34 = tpu.memref_slice %arg10[%dma_start3A_31, %dma_start3A_32, %dma_start3A_33] : memref<2x128x128xf32, #tpu.memory_space<vmem>> -> memref<1x128x128xf32, #tpu.memory_space<vmem>>
    %dma_start3A_35 = tpu.memref_squeeze %dma_start3A_34 : memref<1x128x128xf32, #tpu.memory_space<vmem>> -> memref<128x128xf32, #tpu.memory_space<vmem>>
    %dma_start3A_36 = arith.constant 0 : i32
    %dma_start3A_37 = tpu.memref_slice %arg8[%dma_start3A_30, %dma_start3A_36] : memref<40x128xi32, #tpu.memory_space<vmem>> -> memref<1x128xi32, #tpu.memory_space<vmem>>
    %dma_start3A_38 = tpu.memref_squeeze %dma_start3A_37 : memref<1x128xi32, #tpu.memory_space<vmem>> -> memref<128xi32, #tpu.memory_space<vmem>>
    %dma_start3A_39 = arith.constant 0 : i32
    %dma_start3A_40 = arith.constant 0 : i32
    %dma_start3A_41 = tpu.memref_slice %arg2[%dma_start3A_39, %dma_start3A_40] : memref<10000x128xf32, #tpu.memory_space<hbm>> -> memref<10000x128xf32, #tpu.memory_space<hbm>>
    tpu.enqueue_indirect_dma source(%dma_start3A_41 : memref<10000x128xf32, #tpu.memory_space<hbm>>) target(%dma_start3A_35 : memref<128x128xf32, #tpu.memory_space<vmem>>) offsets(%dma_start3A_38 : memref<128xi32, #tpu.memory_space<vmem>>) semaphore(%arg12 : memref<!tpu.dma_semaphore, #tpu.memory_space<semaphore_mem>>)
    %scan3A = arith.constant 0 : i32
    %scan3A_42 = arith.constant 20 : i32
    %scan3A_43 = arith.addi %scan3A, %scan3A_42 : i32
    %scan3A_44 = arith.constant 1 : i32
    scf.for %scan3A_86 = %scan3A to %scan3A_43 step %scan3A_44  : i32 {
      %mul3A_87 = arith.constant 1 : i32
      %mul3A_88 = arith.muli %scan3A_86, %mul3A_87 : i32
      %add3A_89 = arith.constant 0 : i32
      %add3A_90 = arith.addi %add3A_89, %mul3A_88 : i32
      %mul3A_91 = arith.constant 2 : i32
      %mul3A_92 = arith.muli %mul3A_91, %add3A_90 : i32
      %add3A_93 = arith.constant 1 : i32
      %add3A_94 = arith.addi %mul3A_92, %add3A_93 : i32
      %dma_wait3A = arith.constant 0 : i32
      %dma_wait3A_95 = arith.constant 0 : i32
      %dma_wait3A_96 = arith.constant 0 : i32
      %dma_wait3A_97 = tpu.memref_slice %arg10[%dma_wait3A, %dma_wait3A_95, %dma_wait3A_96] : memref<2x128x128xf32, #tpu.memory_space<vmem>> -> memref<1x128x128xf32, #tpu.memory_space<vmem>>
      %dma_wait3A_98 = tpu.memref_squeeze %dma_wait3A_97 : memref<1x128x128xf32, #tpu.memory_space<vmem>> -> memref<128x128xf32, #tpu.memory_space<vmem>>
      %dma_wait3A_99 = arith.constant 0 : i32
      %dma_wait3A_100 = tpu.memref_slice %arg8[%mul3A_92, %dma_wait3A_99] : memref<40x128xi32, #tpu.memory_space<vmem>> -> memref<1x128xi32, #tpu.memory_space<vmem>>
      %dma_wait3A_101 = tpu.memref_squeeze %dma_wait3A_100 : memref<1x128xi32, #tpu.memory_space<vmem>> -> memref<128xi32, #tpu.memory_space<vmem>>
      %dma_wait3A_102 = arith.constant 0 : i32
      %dma_wait3A_103 = arith.constant 0 : i32
      %dma_wait3A_104 = tpu.memref_slice %arg2[%dma_wait3A_102, %dma_wait3A_103] : memref<10000x128xf32, #tpu.memory_space<hbm>> -> memref<10000x128xf32, #tpu.memory_space<hbm>>
      tpu.wait_indirect_dma semaphore(%arg11 : memref<!tpu.dma_semaphore, #tpu.memory_space<semaphore_mem>>) src(%dma_wait3A_104 : memref<10000x128xf32, #tpu.memory_space<hbm>>) dst(%dma_wait3A_98 : memref<128x128xf32, #tpu.memory_space<vmem>>)
      %run_scoped3A = arith.constant 0 : i32
      "tpu.region"() ({
        %run_scoped3A_127 = tpu.sem_alloc : memref<!tpu.dma_semaphore, #tpu.memory_space<semaphore_mem>>
        %dma_start3A_128 = arith.constant 0 : i32
        %dma_start3A_129 = arith.constant 0 : i32
        %dma_start3A_130 = tpu.memref_slice %arg10[%run_scoped3A, %dma_start3A_128, %dma_start3A_129] : memref<2x128x128xf32, #tpu.memory_space<vmem>> -> memref<1x128x128xf32, #tpu.memory_space<vmem>>
        %dma_start3A_131 = tpu.memref_squeeze %dma_start3A_130 : memref<1x128x128xf32, #tpu.memory_space<vmem>> -> memref<128x128xf32, #tpu.memory_space<vmem>>
        %dma_start3A_132 = arith.constant 0 : i32
        %dma_start3A_133 = tpu.memref_slice %arg9[%mul3A_92, %dma_start3A_132] : memref<40x128xi32, #tpu.memory_space<vmem>> -> memref<1x128xi32, #tpu.memory_space<vmem>>
        %dma_start3A_134 = tpu.memref_squeeze %dma_start3A_133 : memref<1x128xi32, #tpu.memory_space<vmem>> -> memref<128xi32, #tpu.memory_space<vmem>>
        %dma_start3A_135 = arith.constant 0 : i32
        %dma_start3A_136 = arith.constant 0 : i32
        %dma_start3A_137 = tpu.memref_slice %arg7[%dma_start3A_135, %dma_start3A_136] : memref<10016x128xf32, #tpu.memory_space<vmem_shared>> -> memref<10016x128xf32, #tpu.memory_space<vmem_shared>>
        tpu.enqueue_indirect_dma source(%dma_start3A_131 : memref<128x128xf32, #tpu.memory_space<vmem>>) target(%dma_start3A_137 : memref<10016x128xf32, #tpu.memory_space<vmem_shared>>) offsets(%dma_start3A_134 : memref<128xi32, #tpu.memory_space<vmem>>) semaphore(%run_scoped3A_127 : memref<!tpu.dma_semaphore, #tpu.memory_space<semaphore_mem>>) {add = true}
        %dma_wait3A_138 = arith.constant 0 : i32
        %dma_wait3A_139 = arith.constant 0 : i32
        %dma_wait3A_140 = tpu.memref_slice %arg10[%run_scoped3A, %dma_wait3A_138, %dma_wait3A_139] : memref<2x128x128xf32, #tpu.memory_space<vmem>> -> memref<1x128x128xf32, #tpu.memory_space<vmem>>
        %dma_wait3A_141 = tpu.memref_squeeze %dma_wait3A_140 : memref<1x128x128xf32, #tpu.memory_space<vmem>> -> memref<128x128xf32, #tpu.memory_space<vmem>>
        %dma_wait3A_142 = arith.constant 0 : i32
        %dma_wait3A_143 = tpu.memref_slice %arg9[%mul3A_92, %dma_wait3A_142] : memref<40x128xi32, #tpu.memory_space<vmem>> -> memref<1x128xi32, #tpu.memory_space<vmem>>
        %dma_wait3A_144 = tpu.memref_squeeze %dma_wait3A_143 : memref<1x128xi32, #tpu.memory_space<vmem>> -> memref<128xi32, #tpu.memory_space<vmem>>
        %dma_wait3A_145 = arith.constant 0 : i32
        %dma_wait3A_146 = arith.constant 0 : i32
        %dma_wait3A_147 = tpu.memref_slice %arg7[%dma_wait3A_145, %dma_wait3A_146] : memref<10016x128xf32, #tpu.memory_space<vmem_shared>> -> memref<10016x128xf32, #tpu.memory_space<vmem_shared>>
        tpu.wait_indirect_dma semaphore(%run_scoped3A_127 : memref<!tpu.dma_semaphore, #tpu.memory_space<semaphore_mem>>) src(%dma_wait3A_141 : memref<128x128xf32, #tpu.memory_space<vmem>>) dst(%dma_wait3A_147 : memref<10016x128xf32, #tpu.memory_space<vmem_shared>>)
        tpu.yield
      }) : () -> ()
      %lt3A_105 = arith.constant 19 : i32
      %lt3A_106 = arith.cmpi slt, %add3A_90, %lt3A_105 : i32
      %convert_element_type3A_107 = arith.extui %lt3A_106 : i1 to i32
      %cond3A_108 = arith.constant 0 : i32
      %cond3A_109 = arith.cmpi ne, %convert_element_type3A_107, %cond3A_108 : i32
      scf.if %cond3A_109 {
        %add3A_127 = arith.constant 2 : i32
        %add3A_128 = arith.addi %mul3A_92, %add3A_127 : i32
        %dma_start3A_129 = arith.constant 0 : i32
        %dma_start3A_130 = arith.constant 0 : i32
        %dma_start3A_131 = arith.constant 0 : i32
        %dma_start3A_132 = tpu.memref_slice %arg10[%dma_start3A_129, %dma_start3A_130, %dma_start3A_131] : memref<2x128x128xf32, #tpu.memory_space<vmem>> -> memref<1x128x128xf32, #tpu.memory_space<vmem>>
        %dma_start3A_133 = tpu.memref_squeeze %dma_start3A_132 : memref<1x128x128xf32, #tpu.memory_space<vmem>> -> memref<128x128xf32, #tpu.memory_space<vmem>>
        %dma_start3A_134 = arith.constant 0 : i32
        %dma_start3A_135 = tpu.memref_slice %arg8[%add3A_128, %dma_start3A_134] : memref<40x128xi32, #tpu.memory_space<vmem>> -> memref<1x128xi32, #tpu.memory_space<vmem>>
        %dma_start3A_136 = tpu.memref_squeeze %dma_start3A_135 : memref<1x128xi32, #tpu.memory_space<vmem>> -> memref<128xi32, #tpu.memory_space<vmem>>
        %dma_start3A_137 = arith.constant 0 : i32
        %dma_start3A_138 = arith.constant 0 : i32
        %dma_start3A_139 = tpu.memref_slice %arg2[%dma_start3A_137, %dma_start3A_138] : memref<10000x128xf32, #tpu.memory_space<hbm>> -> memref<10000x128xf32, #tpu.memory_space<hbm>>
        tpu.enqueue_indirect_dma source(%dma_start3A_139 : memref<10000x128xf32, #tpu.memory_space<hbm>>) target(%dma_start3A_133 : memref<128x128xf32, #tpu.memory_space<vmem>>) offsets(%dma_start3A_136 : memref<128xi32, #tpu.memory_space<vmem>>) semaphore(%arg11 : memref<!tpu.dma_semaphore, #tpu.memory_space<semaphore_mem>>)
      } else {
      }
      %dma_wait3A_110 = arith.constant 1 : i32
      %dma_wait3A_111 = arith.constant 0 : i32
      %dma_wait3A_112 = arith.constant 0 : i32
      %dma_wait3A_113 = tpu.memref_slice %arg10[%dma_wait3A_110, %dma_wait3A_111, %dma_wait3A_112] : memref<2x128x128xf32, #tpu.memory_space<vmem>> -> memref<1x128x128xf32, #tpu.memory_space<vmem>>
      %dma_wait3A_114 = tpu.memref_squeeze %dma_wait3A_113 : memref<1x128x128xf32, #tpu.memory_space<vmem>> -> memref<128x128xf32, #tpu.memory_space<vmem>>
      %dma_wait3A_115 = arith.constant 0 : i32
      %dma_wait3A_116 = tpu.memref_slice %arg8[%add3A_94, %dma_wait3A_115] : memref<40x128xi32, #tpu.memory_space<vmem>> -> memref<1x128xi32, #tpu.memory_space<vmem>>
      %dma_wait3A_117 = tpu.memref_squeeze %dma_wait3A_116 : memref<1x128xi32, #tpu.memory_space<vmem>> -> memref<128xi32, #tpu.memory_space<vmem>>
      %dma_wait3A_118 = arith.constant 0 : i32
      %dma_wait3A_119 = arith.constant 0 : i32
      %dma_wait3A_120 = tpu.memref_slice %arg2[%dma_wait3A_118, %dma_wait3A_119] : memref<10000x128xf32, #tpu.memory_space<hbm>> -> memref<10000x128xf32, #tpu.memory_space<hbm>>
      tpu.wait_indirect_dma semaphore(%arg12 : memref<!tpu.dma_semaphore, #tpu.memory_space<semaphore_mem>>) src(%dma_wait3A_120 : memref<10000x128xf32, #tpu.memory_space<hbm>>) dst(%dma_wait3A_114 : memref<128x128xf32, #tpu.memory_space<vmem>>)
      %run_scoped3A_121 = arith.constant 1 : i32
      "tpu.region"() ({
        %run_scoped3A_127 = tpu.sem_alloc : memref<!tpu.dma_semaphore, #tpu.memory_space<semaphore_mem>>
        %dma_start3A_128 = arith.constant 0 : i32
        %dma_start3A_129 = arith.constant 0 : i32
        %dma_start3A_130 = tpu.memref_slice %arg10[%run_scoped3A_121, %dma_start3A_128, %dma_start3A_129] : memref<2x128x128xf32, #tpu.memory_space<vmem>> -> memref<1x128x128xf32, #tpu.memory_space<vmem>>
        %dma_start3A_131 = tpu.memref_squeeze %dma_start3A_130 : memref<1x128x128xf32, #tpu.memory_space<vmem>> -> memref<128x128xf32, #tpu.memory_space<vmem>>
        %dma_start3A_132 = arith.constant 0 : i32
        %dma_start3A_133 = tpu.memref_slice %arg9[%add3A_94, %dma_start3A_132] : memref<40x128xi32, #tpu.memory_space<vmem>> -> memref<1x128xi32, #tpu.memory_space<vmem>>
        %dma_start3A_134 = tpu.memref_squeeze %dma_start3A_133 : memref<1x128xi32, #tpu.memory_space<vmem>> -> memref<128xi32, #tpu.memory_space<vmem>>
        %dma_start3A_135 = arith.constant 0 : i32
        %dma_start3A_136 = arith.constant 0 : i32
        %dma_start3A_137 = tpu.memref_slice %arg7[%dma_start3A_135, %dma_start3A_136] : memref<10016x128xf32, #tpu.memory_space<vmem_shared>> -> memref<10016x128xf32, #tpu.memory_space<vmem_shared>>
        tpu.enqueue_indirect_dma source(%dma_start3A_131 : memref<128x128xf32, #tpu.memory_space<vmem>>) target(%dma_start3A_137 : memref<10016x128xf32, #tpu.memory_space<vmem_shared>>) offsets(%dma_start3A_134 : memref<128xi32, #tpu.memory_space<vmem>>) semaphore(%run_scoped3A_127 : memref<!tpu.dma_semaphore, #tpu.memory_space<semaphore_mem>>) {add = true}
        %dma_wait3A_138 = arith.constant 0 : i32
        %dma_wait3A_139 = arith.constant 0 : i32
        %dma_wait3A_140 = tpu.memref_slice %arg10[%run_scoped3A_121, %dma_wait3A_138, %dma_wait3A_139] : memref<2x128x128xf32, #tpu.memory_space<vmem>> -> memref<1x128x128xf32, #tpu.memory_space<vmem>>
        %dma_wait3A_141 = tpu.memref_squeeze %dma_wait3A_140 : memref<1x128x128xf32, #tpu.memory_space<vmem>> -> memref<128x128xf32, #tpu.memory_space<vmem>>
        %dma_wait3A_142 = arith.constant 0 : i32
        %dma_wait3A_143 = tpu.memref_slice %arg9[%add3A_94, %dma_wait3A_142] : memref<40x128xi32, #tpu.memory_space<vmem>> -> memref<1x128xi32, #tpu.memory_space<vmem>>
        %dma_wait3A_144 = tpu.memref_squeeze %dma_wait3A_143 : memref<1x128xi32, #tpu.memory_space<vmem>> -> memref<128xi32, #tpu.memory_space<vmem>>
        %dma_wait3A_145 = arith.constant 0 : i32
        %dma_wait3A_146 = arith.constant 0 : i32
        %dma_wait3A_147 = tpu.memref_slice %arg7[%dma_wait3A_145, %dma_wait3A_146] : memref<10016x128xf32, #tpu.memory_space<vmem_shared>> -> memref<10016x128xf32, #tpu.memory_space<vmem_shared>>
        tpu.wait_indirect_dma semaphore(%run_scoped3A_127 : memref<!tpu.dma_semaphore, #tpu.memory_space<semaphore_mem>>) src(%dma_wait3A_141 : memref<128x128xf32, #tpu.memory_space<vmem>>) dst(%dma_wait3A_147 : memref<10016x128xf32, #tpu.memory_space<vmem_shared>>)
        tpu.yield
      }) : () -> ()
      %lt3A_122 = arith.constant 19 : i32
      %lt3A_123 = arith.cmpi slt, %add3A_90, %lt3A_122 : i32
      %convert_element_type3A_124 = arith.extui %lt3A_123 : i1 to i32
      %cond3A_125 = arith.constant 0 : i32
      %cond3A_126 = arith.cmpi ne, %convert_element_type3A_124, %cond3A_125 : i32
      scf.if %cond3A_126 {
        %add3A_127 = arith.constant 2 : i32
        %add3A_128 = arith.addi %add3A_94, %add3A_127 : i32
        %dma_start3A_129 = arith.constant 1 : i32
        %dma_start3A_130 = arith.constant 0 : i32
        %dma_start3A_131 = arith.constant 0 : i32
        %dma_start3A_132 = tpu.memref_slice %arg10[%dma_start3A_129, %dma_start3A_130, %dma_start3A_131] : memref<2x128x128xf32, #tpu.memory_space<vmem>> -> memref<1x128x128xf32, #tpu.memory_space<vmem>>
        %dma_start3A_133 = tpu.memref_squeeze %dma_start3A_132 : memref<1x128x128xf32, #tpu.memory_space<vmem>> -> memref<128x128xf32, #tpu.memory_space<vmem>>
        %dma_start3A_134 = arith.constant 0 : i32
        %dma_start3A_135 = tpu.memref_slice %arg8[%add3A_128, %dma_start3A_134] : memref<40x128xi32, #tpu.memory_space<vmem>> -> memref<1x128xi32, #tpu.memory_space<vmem>>
        %dma_start3A_136 = tpu.memref_squeeze %dma_start3A_135 : memref<1x128xi32, #tpu.memory_space<vmem>> -> memref<128xi32, #tpu.memory_space<vmem>>
        %dma_start3A_137 = arith.constant 0 : i32
        %dma_start3A_138 = arith.constant 0 : i32
        %dma_start3A_139 = tpu.memref_slice %arg2[%dma_start3A_137, %dma_start3A_138] : memref<10000x128xf32, #tpu.memory_space<hbm>> -> memref<10000x128xf32, #tpu.memory_space<hbm>>
        tpu.enqueue_indirect_dma source(%dma_start3A_139 : memref<10000x128xf32, #tpu.memory_space<hbm>>) target(%dma_start3A_133 : memref<128x128xf32, #tpu.memory_space<vmem>>) offsets(%dma_start3A_136 : memref<128xi32, #tpu.memory_space<vmem>>) semaphore(%arg12 : memref<!tpu.dma_semaphore, #tpu.memory_space<semaphore_mem>>)
      } else {
      }
    }
    %scan3A_45 = arith.constant 20 : i32
    "tpu.region"() ({
      %run_scoped3A = tpu.sem_alloc : memref<!tpu.dma_semaphore, #tpu.memory_space<semaphore_mem>>
      %dma_start3A_86 = arith.constant 40 : i32
      %dma_start3A_87 = arith.constant 0 : i32
      %dma_start3A_88 = tpu.memref_slice %arg4[%add3A, %dma_start3A_86, %dma_start3A_87] : memref<32x80x128xi32, #tpu.memory_space<hbm>> -> memref<1x40x128xi32, #tpu.memory_space<hbm>>
      %dma_start3A_89 = tpu.memref_squeeze %dma_start3A_88 : memref<1x40x128xi32, #tpu.memory_space<hbm>> -> memref<40x128xi32, #tpu.memory_space<hbm>>
      %dma_start3A_90 = arith.constant 40 : i32
      %dma_start3A_91 = arith.constant 0 : i32
      %dma_start3A_92 = tpu.memref_slice %arg4[%add3A, %dma_start3A_90, %dma_start3A_91] : memref<32x80x128xi32, #tpu.memory_space<hbm>> -> memref<1x40x128xi32, #tpu.memory_space<hbm>>
      %dma_start3A_93 = tpu.memref_squeeze %dma_start3A_92 : memref<1x40x128xi32, #tpu.memory_space<hbm>> -> memref<40x128xi32, #tpu.memory_space<hbm>>
      tpu.enqueue_dma source(%dma_start3A_93 : memref<40x128xi32, #tpu.memory_space<hbm>>) target(%arg8 : memref<40x128xi32, #tpu.memory_space<vmem>>) target_semaphore(%run_scoped3A : memref<!tpu.dma_semaphore, #tpu.memory_space<semaphore_mem>>)
      %dma_wait3A = arith.constant 40 : i32
      %dma_wait3A_94 = arith.constant 0 : i32
      %dma_wait3A_95 = tpu.memref_slice %arg4[%add3A, %dma_wait3A, %dma_wait3A_94] : memref<32x80x128xi32, #tpu.memory_space<hbm>> -> memref<1x40x128xi32, #tpu.memory_space<hbm>>
      %dma_wait3A_96 = tpu.memref_squeeze %dma_wait3A_95 : memref<1x40x128xi32, #tpu.memory_space<hbm>> -> memref<40x128xi32, #tpu.memory_space<hbm>>
      %dma_wait3A_97 = arith.constant 40 : i32
      %dma_wait3A_98 = arith.constant 0 : i32
      %dma_wait3A_99 = tpu.memref_slice %arg4[%add3A, %dma_wait3A_97, %dma_wait3A_98] : memref<32x80x128xi32, #tpu.memory_space<hbm>> -> memref<1x40x128xi32, #tpu.memory_space<hbm>>
      %dma_wait3A_100 = tpu.memref_squeeze %dma_wait3A_99 : memref<1x40x128xi32, #tpu.memory_space<hbm>> -> memref<40x128xi32, #tpu.memory_space<hbm>>
      tpu.wait_dma2 semaphore(%run_scoped3A : memref<!tpu.dma_semaphore, #tpu.memory_space<semaphore_mem>>) src(%dma_wait3A_100 : memref<40x128xi32, #tpu.memory_space<hbm>>) dst(%arg8 : memref<40x128xi32, #tpu.memory_space<vmem>>)
      tpu.yield
    }) : () -> ()
    "tpu.region"() ({
      %run_scoped3A = tpu.sem_alloc : memref<!tpu.dma_semaphore, #tpu.memory_space<semaphore_mem>>
      %dma_start3A_86 = arith.constant 40 : i32
      %dma_start3A_87 = arith.constant 0 : i32
      %dma_start3A_88 = tpu.memref_slice %arg5[%add3A, %dma_start3A_86, %dma_start3A_87] : memref<32x80x128xi32, #tpu.memory_space<hbm>> -> memref<1x40x128xi32, #tpu.memory_space<hbm>>
      %dma_start3A_89 = tpu.memref_squeeze %dma_start3A_88 : memref<1x40x128xi32, #tpu.memory_space<hbm>> -> memref<40x128xi32, #tpu.memory_space<hbm>>
      %dma_start3A_90 = arith.constant 40 : i32
      %dma_start3A_91 = arith.constant 0 : i32
      %dma_start3A_92 = tpu.memref_slice %arg5[%add3A, %dma_start3A_90, %dma_start3A_91] : memref<32x80x128xi32, #tpu.memory_space<hbm>> -> memref<1x40x128xi32, #tpu.memory_space<hbm>>
      %dma_start3A_93 = tpu.memref_squeeze %dma_start3A_92 : memref<1x40x128xi32, #tpu.memory_space<hbm>> -> memref<40x128xi32, #tpu.memory_space<hbm>>
      tpu.enqueue_dma source(%dma_start3A_93 : memref<40x128xi32, #tpu.memory_space<hbm>>) target(%arg9 : memref<40x128xi32, #tpu.memory_space<vmem>>) target_semaphore(%run_scoped3A : memref<!tpu.dma_semaphore, #tpu.memory_space<semaphore_mem>>)
      %dma_wait3A = arith.constant 40 : i32
      %dma_wait3A_94 = arith.constant 0 : i32
      %dma_wait3A_95 = tpu.memref_slice %arg5[%add3A, %dma_wait3A, %dma_wait3A_94] : memref<32x80x128xi32, #tpu.memory_space<hbm>> -> memref<1x40x128xi32, #tpu.memory_space<hbm>>
      %dma_wait3A_96 = tpu.memref_squeeze %dma_wait3A_95 : memref<1x40x128xi32, #tpu.memory_space<hbm>> -> memref<40x128xi32, #tpu.memory_space<hbm>>
      %dma_wait3A_97 = arith.constant 40 : i32
      %dma_wait3A_98 = arith.constant 0 : i32
      %dma_wait3A_99 = tpu.memref_slice %arg5[%add3A, %dma_wait3A_97, %dma_wait3A_98] : memref<32x80x128xi32, #tpu.memory_space<hbm>> -> memref<1x40x128xi32, #tpu.memory_space<hbm>>
      %dma_wait3A_100 = tpu.memref_squeeze %dma_wait3A_99 : memref<1x40x128xi32, #tpu.memory_space<hbm>> -> memref<40x128xi32, #tpu.memory_space<hbm>>
      tpu.wait_dma2 semaphore(%run_scoped3A : memref<!tpu.dma_semaphore, #tpu.memory_space<semaphore_mem>>) src(%dma_wait3A_100 : memref<40x128xi32, #tpu.memory_space<hbm>>) dst(%arg9 : memref<40x128xi32, #tpu.memory_space<vmem>>)
      tpu.yield
    }) : () -> ()
    %dma_start3A_46 = arith.constant 0 : i32
    %dma_start3A_47 = arith.constant 0 : i32
    %dma_start3A_48 = arith.constant 0 : i32
    %dma_start3A_49 = arith.constant 0 : i32
    %dma_start3A_50 = tpu.memref_slice %arg10[%dma_start3A_47, %dma_start3A_48, %dma_start3A_49] : memref<2x128x128xf32, #tpu.memory_space<vmem>> -> memref<1x128x128xf32, #tpu.memory_space<vmem>>
    %dma_start3A_51 = tpu.memref_squeeze %dma_start3A_50 : memref<1x128x128xf32, #tpu.memory_space<vmem>> -> memref<128x128xf32, #tpu.memory_space<vmem>>
    %dma_start3A_52 = arith.constant 0 : i32
    %dma_start3A_53 = tpu.memref_slice %arg8[%dma_start3A_46, %dma_start3A_52] : memref<40x128xi32, #tpu.memory_space<vmem>> -> memref<1x128xi32, #tpu.memory_space<vmem>>
    %dma_start3A_54 = tpu.memref_squeeze %dma_start3A_53 : memref<1x128xi32, #tpu.memory_space<vmem>> -> memref<128xi32, #tpu.memory_space<vmem>>
    %dma_start3A_55 = arith.constant 0 : i32
    %dma_start3A_56 = arith.constant 0 : i32
    %dma_start3A_57 = tpu.memref_slice %arg2[%dma_start3A_55, %dma_start3A_56] : memref<10000x128xf32, #tpu.memory_space<hbm>> -> memref<10000x128xf32, #tpu.memory_space<hbm>>
    tpu.enqueue_indirect_dma source(%dma_start3A_57 : memref<10000x128xf32, #tpu.memory_space<hbm>>) target(%dma_start3A_51 : memref<128x128xf32, #tpu.memory_space<vmem>>) offsets(%dma_start3A_54 : memref<128xi32, #tpu.memory_space<vmem>>) semaphore(%arg11 : memref<!tpu.dma_semaphore, #tpu.memory_space<semaphore_mem>>)
    %dma_start3A_58 = arith.constant 1 : i32
    %dma_start3A_59 = arith.constant 1 : i32
    %dma_start3A_60 = arith.constant 0 : i32
    %dma_start3A_61 = arith.constant 0 : i32
    %dma_start3A_62 = tpu.memref_slice %arg10[%dma_start3A_59, %dma_start3A_60, %dma_start3A_61] : memref<2x128x128xf32, #tpu.memory_space<vmem>> -> memref<1x128x128xf32, #tpu.memory_space<vmem>>
    %dma_start3A_63 = tpu.memref_squeeze %dma_start3A_62 : memref<1x128x128xf32, #tpu.memory_space<vmem>> -> memref<128x128xf32, #tpu.memory_space<vmem>>
    %dma_start3A_64 = arith.constant 0 : i32
    %dma_start3A_65 = tpu.memref_slice %arg8[%dma_start3A_58, %dma_start3A_64] : memref<40x128xi32, #tpu.memory_space<vmem>> -> memref<1x128xi32, #tpu.memory_space<vmem>>
    %dma_start3A_66 = tpu.memref_squeeze %dma_start3A_65 : memref<1x128xi32, #tpu.memory_space<vmem>> -> memref<128xi32, #tpu.memory_space<vmem>>
    %dma_start3A_67 = arith.constant 0 : i32
    %dma_start3A_68 = arith.constant 0 : i32
    %dma_start3A_69 = tpu.memref_slice %arg2[%dma_start3A_67, %dma_start3A_68] : memref<10000x128xf32, #tpu.memory_space<hbm>> -> memref<10000x128xf32, #tpu.memory_space<hbm>>
    tpu.enqueue_indirect_dma source(%dma_start3A_69 : memref<10000x128xf32, #tpu.memory_space<hbm>>) target(%dma_start3A_63 : memref<128x128xf32, #tpu.memory_space<vmem>>) offsets(%dma_start3A_66 : memref<128xi32, #tpu.memory_space<vmem>>) semaphore(%arg12 : memref<!tpu.dma_semaphore, #tpu.memory_space<semaphore_mem>>)
    %scan3A_70 = arith.constant 0 : i32
    %scan3A_71 = arith.constant 20 : i32
    %scan3A_72 = arith.addi %scan3A_70, %scan3A_71 : i32
    %scan3A_73 = arith.constant 1 : i32
    scf.for %scan3A_86 = %scan3A_70 to %scan3A_72 step %scan3A_73  : i32 {
      %mul3A_87 = arith.constant 1 : i32
      %mul3A_88 = arith.muli %scan3A_86, %mul3A_87 : i32
      %add3A_89 = arith.constant 0 : i32
      %add3A_90 = arith.addi %add3A_89, %mul3A_88 : i32
      %mul3A_91 = arith.constant 2 : i32
      %mul3A_92 = arith.muli %mul3A_91, %add3A_90 : i32
      %add3A_93 = arith.constant 1 : i32
      %add3A_94 = arith.addi %mul3A_92, %add3A_93 : i32
      %dma_wait3A = arith.constant 0 : i32
      %dma_wait3A_95 = arith.constant 0 : i32
      %dma_wait3A_96 = arith.constant 0 : i32
      %dma_wait3A_97 = tpu.memref_slice %arg10[%dma_wait3A, %dma_wait3A_95, %dma_wait3A_96] : memref<2x128x128xf32, #tpu.memory_space<vmem>> -> memref<1x128x128xf32, #tpu.memory_space<vmem>>
      %dma_wait3A_98 = tpu.memref_squeeze %dma_wait3A_97 : memref<1x128x128xf32, #tpu.memory_space<vmem>> -> memref<128x128xf32, #tpu.memory_space<vmem>>
      %dma_wait3A_99 = arith.constant 0 : i32
      %dma_wait3A_100 = tpu.memref_slice %arg8[%mul3A_92, %dma_wait3A_99] : memref<40x128xi32, #tpu.memory_space<vmem>> -> memref<1x128xi32, #tpu.memory_space<vmem>>
      %dma_wait3A_101 = tpu.memref_squeeze %dma_wait3A_100 : memref<1x128xi32, #tpu.memory_space<vmem>> -> memref<128xi32, #tpu.memory_space<vmem>>
      %dma_wait3A_102 = arith.constant 0 : i32
      %dma_wait3A_103 = arith.constant 0 : i32
      %dma_wait3A_104 = tpu.memref_slice %arg2[%dma_wait3A_102, %dma_wait3A_103] : memref<10000x128xf32, #tpu.memory_space<hbm>> -> memref<10000x128xf32, #tpu.memory_space<hbm>>
      tpu.wait_indirect_dma semaphore(%arg11 : memref<!tpu.dma_semaphore, #tpu.memory_space<semaphore_mem>>) src(%dma_wait3A_104 : memref<10000x128xf32, #tpu.memory_space<hbm>>) dst(%dma_wait3A_98 : memref<128x128xf32, #tpu.memory_space<vmem>>)
      %run_scoped3A = arith.constant 0 : i32
      "tpu.region"() ({
        %run_scoped3A_127 = tpu.sem_alloc : memref<!tpu.dma_semaphore, #tpu.memory_space<semaphore_mem>>
        %dma_start3A_128 = arith.constant 0 : i32
        %dma_start3A_129 = arith.constant 0 : i32
        %dma_start3A_130 = tpu.memref_slice %arg10[%run_scoped3A, %dma_start3A_128, %dma_start3A_129] : memref<2x128x128xf32, #tpu.memory_space<vmem>> -> memref<1x128x128xf32, #tpu.memory_space<vmem>>
        %dma_start3A_131 = tpu.memref_squeeze %dma_start3A_130 : memref<1x128x128xf32, #tpu.memory_space<vmem>> -> memref<128x128xf32, #tpu.memory_space<vmem>>
        %dma_start3A_132 = arith.constant 0 : i32
        %dma_start3A_133 = tpu.memref_slice %arg9[%mul3A_92, %dma_start3A_132] : memref<40x128xi32, #tpu.memory_space<vmem>> -> memref<1x128xi32, #tpu.memory_space<vmem>>
        %dma_start3A_134 = tpu.memref_squeeze %dma_start3A_133 : memref<1x128xi32, #tpu.memory_space<vmem>> -> memref<128xi32, #tpu.memory_space<vmem>>
        %dma_start3A_135 = arith.constant 0 : i32
        %dma_start3A_136 = arith.constant 0 : i32
        %dma_start3A_137 = tpu.memref_slice %arg7[%dma_start3A_135, %dma_start3A_136] : memref<10016x128xf32, #tpu.memory_space<vmem_shared>> -> memref<10016x128xf32, #tpu.memory_space<vmem_shared>>
        tpu.enqueue_indirect_dma source(%dma_start3A_131 : memref<128x128xf32, #tpu.memory_space<vmem>>) target(%dma_start3A_137 : memref<10016x128xf32, #tpu.memory_space<vmem_shared>>) offsets(%dma_start3A_134 : memref<128xi32, #tpu.memory_space<vmem>>) semaphore(%run_scoped3A_127 : memref<!tpu.dma_semaphore, #tpu.memory_space<semaphore_mem>>) {add = true}
        %dma_wait3A_138 = arith.constant 0 : i32
        %dma_wait3A_139 = arith.constant 0 : i32
        %dma_wait3A_140 = tpu.memref_slice %arg10[%run_scoped3A, %dma_wait3A_138, %dma_wait3A_139] : memref<2x128x128xf32, #tpu.memory_space<vmem>> -> memref<1x128x128xf32, #tpu.memory_space<vmem>>
        %dma_wait3A_141 = tpu.memref_squeeze %dma_wait3A_140 : memref<1x128x128xf32, #tpu.memory_space<vmem>> -> memref<128x128xf32, #tpu.memory_space<vmem>>
        %dma_wait3A_142 = arith.constant 0 : i32
        %dma_wait3A_143 = tpu.memref_slice %arg9[%mul3A_92, %dma_wait3A_142] : memref<40x128xi32, #tpu.memory_space<vmem>> -> memref<1x128xi32, #tpu.memory_space<vmem>>
        %dma_wait3A_144 = tpu.memref_squeeze %dma_wait3A_143 : memref<1x128xi32, #tpu.memory_space<vmem>> -> memref<128xi32, #tpu.memory_space<vmem>>
        %dma_wait3A_145 = arith.constant 0 : i32
        %dma_wait3A_146 = arith.constant 0 : i32
        %dma_wait3A_147 = tpu.memref_slice %arg7[%dma_wait3A_145, %dma_wait3A_146] : memref<10016x128xf32, #tpu.memory_space<vmem_shared>> -> memref<10016x128xf32, #tpu.memory_space<vmem_shared>>
        tpu.wait_indirect_dma semaphore(%run_scoped3A_127 : memref<!tpu.dma_semaphore, #tpu.memory_space<semaphore_mem>>) src(%dma_wait3A_141 : memref<128x128xf32, #tpu.memory_space<vmem>>) dst(%dma_wait3A_147 : memref<10016x128xf32, #tpu.memory_space<vmem_shared>>)
        tpu.yield
      }) : () -> ()
      %lt3A_105 = arith.constant 19 : i32
      %lt3A_106 = arith.cmpi slt, %add3A_90, %lt3A_105 : i32
      %convert_element_type3A_107 = arith.extui %lt3A_106 : i1 to i32
      %cond3A_108 = arith.constant 0 : i32
      %cond3A_109 = arith.cmpi ne, %convert_element_type3A_107, %cond3A_108 : i32
      scf.if %cond3A_109 {
        %add3A_127 = arith.constant 2 : i32
        %add3A_128 = arith.addi %mul3A_92, %add3A_127 : i32
        %dma_start3A_129 = arith.constant 0 : i32
        %dma_start3A_130 = arith.constant 0 : i32
        %dma_start3A_131 = arith.constant 0 : i32
        %dma_start3A_132 = tpu.memref_slice %arg10[%dma_start3A_129, %dma_start3A_130, %dma_start3A_131] : memref<2x128x128xf32, #tpu.memory_space<vmem>> -> memref<1x128x128xf32, #tpu.memory_space<vmem>>
        %dma_start3A_133 = tpu.memref_squeeze %dma_start3A_132 : memref<1x128x128xf32, #tpu.memory_space<vmem>> -> memref<128x128xf32, #tpu.memory_space<vmem>>
        %dma_start3A_134 = arith.constant 0 : i32
        %dma_start3A_135 = tpu.memref_slice %arg8[%add3A_128, %dma_start3A_134] : memref<40x128xi32, #tpu.memory_space<vmem>> -> memref<1x128xi32, #tpu.memory_space<vmem>>
        %dma_start3A_136 = tpu.memref_squeeze %dma_start3A_135 : memref<1x128xi32, #tpu.memory_space<vmem>> -> memref<128xi32, #tpu.memory_space<vmem>>
        %dma_start3A_137 = arith.constant 0 : i32
        %dma_start3A_138 = arith.constant 0 : i32
        %dma_start3A_139 = tpu.memref_slice %arg2[%dma_start3A_137, %dma_start3A_138] : memref<10000x128xf32, #tpu.memory_space<hbm>> -> memref<10000x128xf32, #tpu.memory_space<hbm>>
        tpu.enqueue_indirect_dma source(%dma_start3A_139 : memref<10000x128xf32, #tpu.memory_space<hbm>>) target(%dma_start3A_133 : memref<128x128xf32, #tpu.memory_space<vmem>>) offsets(%dma_start3A_136 : memref<128xi32, #tpu.memory_space<vmem>>) semaphore(%arg11 : memref<!tpu.dma_semaphore, #tpu.memory_space<semaphore_mem>>)
      } else {
      }
      %dma_wait3A_110 = arith.constant 1 : i32
      %dma_wait3A_111 = arith.constant 0 : i32
      %dma_wait3A_112 = arith.constant 0 : i32
      %dma_wait3A_113 = tpu.memref_slice %arg10[%dma_wait3A_110, %dma_wait3A_111, %dma_wait3A_112] : memref<2x128x128xf32, #tpu.memory_space<vmem>> -> memref<1x128x128xf32, #tpu.memory_space<vmem>>
      %dma_wait3A_114 = tpu.memref_squeeze %dma_wait3A_113 : memref<1x128x128xf32, #tpu.memory_space<vmem>> -> memref<128x128xf32, #tpu.memory_space<vmem>>
      %dma_wait3A_115 = arith.constant 0 : i32
      %dma_wait3A_116 = tpu.memref_slice %arg8[%add3A_94, %dma_wait3A_115] : memref<40x128xi32, #tpu.memory_space<vmem>> -> memref<1x128xi32, #tpu.memory_space<vmem>>
      %dma_wait3A_117 = tpu.memref_squeeze %dma_wait3A_116 : memref<1x128xi32, #tpu.memory_space<vmem>> -> memref<128xi32, #tpu.memory_space<vmem>>
      %dma_wait3A_118 = arith.constant 0 : i32
      %dma_wait3A_119 = arith.constant 0 : i32
      %dma_wait3A_120 = tpu.memref_slice %arg2[%dma_wait3A_118, %dma_wait3A_119] : memref<10000x128xf32, #tpu.memory_space<hbm>> -> memref<10000x128xf32, #tpu.memory_space<hbm>>
      tpu.wait_indirect_dma semaphore(%arg12 : memref<!tpu.dma_semaphore, #tpu.memory_space<semaphore_mem>>) src(%dma_wait3A_120 : memref<10000x128xf32, #tpu.memory_space<hbm>>) dst(%dma_wait3A_114 : memref<128x128xf32, #tpu.memory_space<vmem>>)
      %run_scoped3A_121 = arith.constant 1 : i32
      "tpu.region"() ({
        %run_scoped3A_127 = tpu.sem_alloc : memref<!tpu.dma_semaphore, #tpu.memory_space<semaphore_mem>>
        %dma_start3A_128 = arith.constant 0 : i32
        %dma_start3A_129 = arith.constant 0 : i32
        %dma_start3A_130 = tpu.memref_slice %arg10[%run_scoped3A_121, %dma_start3A_128, %dma_start3A_129] : memref<2x128x128xf32, #tpu.memory_space<vmem>> -> memref<1x128x128xf32, #tpu.memory_space<vmem>>
        %dma_start3A_131 = tpu.memref_squeeze %dma_start3A_130 : memref<1x128x128xf32, #tpu.memory_space<vmem>> -> memref<128x128xf32, #tpu.memory_space<vmem>>
        %dma_start3A_132 = arith.constant 0 : i32
        %dma_start3A_133 = tpu.memref_slice %arg9[%add3A_94, %dma_start3A_132] : memref<40x128xi32, #tpu.memory_space<vmem>> -> memref<1x128xi32, #tpu.memory_space<vmem>>
        %dma_start3A_134 = tpu.memref_squeeze %dma_start3A_133 : memref<1x128xi32, #tpu.memory_space<vmem>> -> memref<128xi32, #tpu.memory_space<vmem>>
        %dma_start3A_135 = arith.constant 0 : i32
        %dma_start3A_136 = arith.constant 0 : i32
        %dma_start3A_137 = tpu.memref_slice %arg7[%dma_start3A_135, %dma_start3A_136] : memref<10016x128xf32, #tpu.memory_space<vmem_shared>> -> memref<10016x128xf32, #tpu.memory_space<vmem_shared>>
        tpu.enqueue_indirect_dma source(%dma_start3A_131 : memref<128x128xf32, #tpu.memory_space<vmem>>) target(%dma_start3A_137 : memref<10016x128xf32, #tpu.memory_space<vmem_shared>>) offsets(%dma_start3A_134 : memref<128xi32, #tpu.memory_space<vmem>>) semaphore(%run_scoped3A_127 : memref<!tpu.dma_semaphore, #tpu.memory_space<semaphore_mem>>) {add = true}
        %dma_wait3A_138 = arith.constant 0 : i32
        %dma_wait3A_139 = arith.constant 0 : i32
        %dma_wait3A_140 = tpu.memref_slice %arg10[%run_scoped3A_121, %dma_wait3A_138, %dma_wait3A_139] : memref<2x128x128xf32, #tpu.memory_space<vmem>> -> memref<1x128x128xf32, #tpu.memory_space<vmem>>
        %dma_wait3A_141 = tpu.memref_squeeze %dma_wait3A_140 : memref<1x128x128xf32, #tpu.memory_space<vmem>> -> memref<128x128xf32, #tpu.memory_space<vmem>>
        %dma_wait3A_142 = arith.constant 0 : i32
        %dma_wait3A_143 = tpu.memref_slice %arg9[%add3A_94, %dma_wait3A_142] : memref<40x128xi32, #tpu.memory_space<vmem>> -> memref<1x128xi32, #tpu.memory_space<vmem>>
        %dma_wait3A_144 = tpu.memref_squeeze %dma_wait3A_143 : memref<1x128xi32, #tpu.memory_space<vmem>> -> memref<128xi32, #tpu.memory_space<vmem>>
        %dma_wait3A_145 = arith.constant 0 : i32
        %dma_wait3A_146 = arith.constant 0 : i32
        %dma_wait3A_147 = tpu.memref_slice %arg7[%dma_wait3A_145, %dma_wait3A_146] : memref<10016x128xf32, #tpu.memory_space<vmem_shared>> -> memref<10016x128xf32, #tpu.memory_space<vmem_shared>>
        tpu.wait_indirect_dma semaphore(%run_scoped3A_127 : memref<!tpu.dma_semaphore, #tpu.memory_space<semaphore_mem>>) src(%dma_wait3A_141 : memref<128x128xf32, #tpu.memory_space<vmem>>) dst(%dma_wait3A_147 : memref<10016x128xf32, #tpu.memory_space<vmem_shared>>)
        tpu.yield
      }) : () -> ()
      %lt3A_122 = arith.constant 19 : i32
      %lt3A_123 = arith.cmpi slt, %add3A_90, %lt3A_122 : i32
      %convert_element_type3A_124 = arith.extui %lt3A_123 : i1 to i32
      %cond3A_125 = arith.constant 0 : i32
      %cond3A_126 = arith.cmpi ne, %convert_element_type3A_124, %cond3A_125 : i32
      scf.if %cond3A_126 {
        %add3A_127 = arith.constant 2 : i32
        %add3A_128 = arith.addi %add3A_94, %add3A_127 : i32
        %dma_start3A_129 = arith.constant 1 : i32
        %dma_start3A_130 = arith.constant 0 : i32
        %dma_start3A_131 = arith.constant 0 : i32
        %dma_start3A_132 = tpu.memref_slice %arg10[%dma_start3A_129, %dma_start3A_130, %dma_start3A_131] : memref<2x128x128xf32, #tpu.memory_space<vmem>> -> memref<1x128x128xf32, #tpu.memory_space<vmem>>
        %dma_start3A_133 = tpu.memref_squeeze %dma_start3A_132 : memref<1x128x128xf32, #tpu.memory_space<vmem>> -> memref<128x128xf32, #tpu.memory_space<vmem>>
        %dma_start3A_134 = arith.constant 0 : i32
        %dma_start3A_135 = tpu.memref_slice %arg8[%add3A_128, %dma_start3A_134] : memref<40x128xi32, #tpu.memory_space<vmem>> -> memref<1x128xi32, #tpu.memory_space<vmem>>
        %dma_start3A_136 = tpu.memref_squeeze %dma_start3A_135 : memref<1x128xi32, #tpu.memory_space<vmem>> -> memref<128xi32, #tpu.memory_space<vmem>>
        %dma_start3A_137 = arith.constant 0 : i32
        %dma_start3A_138 = arith.constant 0 : i32
        %dma_start3A_139 = tpu.memref_slice %arg2[%dma_start3A_137, %dma_start3A_138] : memref<10000x128xf32, #tpu.memory_space<hbm>> -> memref<10000x128xf32, #tpu.memory_space<hbm>>
        tpu.enqueue_indirect_dma source(%dma_start3A_139 : memref<10000x128xf32, #tpu.memory_space<hbm>>) target(%dma_start3A_133 : memref<128x128xf32, #tpu.memory_space<vmem>>) offsets(%dma_start3A_136 : memref<128xi32, #tpu.memory_space<vmem>>) semaphore(%arg12 : memref<!tpu.dma_semaphore, #tpu.memory_space<semaphore_mem>>)
      } else {
      }
    }
    %scan3A_74 = arith.constant 20 : i32
    %barrier3A_75 = arith.constant 0 : index
    tpu.barrier barrier_id(%barrier3A_75)
    %lt3A_76 = arith.constant 15 : i32
    %lt3A_77 = arith.cmpi slt, %arg1, %lt3A_76 : i32
    %convert_element_type3A_78 = arith.extui %lt3A_77 : i1 to i32
    %cond3A_79 = arith.constant 0 : i32
    %cond3A_80 = arith.cmpi ne, %convert_element_type3A_78, %cond3A_79 : i32
    scf.if %cond3A_80 {
      %mul3A_86 = arith.constant 640 : i32
      %mul3A_87 = arith.muli %arg1, %mul3A_86 : i32
      %mul3A_88 = arith.constant 640 : i32
      %mul3A_89 = arith.muli %arg1, %mul3A_88 : i32
      "tpu.region"() ({
        %run_scoped3A = tpu.sem_alloc : memref<!tpu.dma_semaphore, #tpu.memory_space<semaphore_mem>>
        %dma_start3A_90 = arith.constant 0 : i32
        %dma_start3A_91 = tpu.memref_slice %arg6[%arg0, %mul3A_89, %dma_start3A_90] : memref<2x10000x128xf32, #tpu.memory_space<hbm>> -> memref<1x640x128xf32, #tpu.memory_space<hbm>>
        %dma_start3A_92 = tpu.memref_squeeze %dma_start3A_91 : memref<1x640x128xf32, #tpu.memory_space<hbm>> -> memref<640x128xf32, #tpu.memory_space<hbm>>
        %dma_start3A_93 = arith.constant 0 : i32
        %dma_start3A_94 = tpu.memref_slice %arg7[%mul3A_87, %dma_start3A_93] : memref<10016x128xf32, #tpu.memory_space<vmem_shared>> -> memref<640x128xf32, #tpu.memory_space<vmem_shared>>
        tpu.enqueue_dma source(%dma_start3A_94 : memref<640x128xf32, #tpu.memory_space<vmem_shared>>) target(%dma_start3A_92 : memref<640x128xf32, #tpu.memory_space<hbm>>) target_semaphore(%run_scoped3A : memref<!tpu.dma_semaphore, #tpu.memory_space<semaphore_mem>>)
        %dma_wait3A = arith.constant 0 : i32
        %dma_wait3A_95 = tpu.memref_slice %arg6[%arg0, %mul3A_89, %dma_wait3A] : memref<2x10000x128xf32, #tpu.memory_space<hbm>> -> memref<1x640x128xf32, #tpu.memory_space<hbm>>
        %dma_wait3A_96 = tpu.memref_squeeze %dma_wait3A_95 : memref<1x640x128xf32, #tpu.memory_space<hbm>> -> memref<640x128xf32, #tpu.memory_space<hbm>>
        %dma_wait3A_97 = arith.constant 0 : i32
        %dma_wait3A_98 = tpu.memref_slice %arg7[%mul3A_87, %dma_wait3A_97] : memref<10016x128xf32, #tpu.memory_space<vmem_shared>> -> memref<640x128xf32, #tpu.memory_space<vmem_shared>>
        tpu.wait_dma2 semaphore(%run_scoped3A : memref<!tpu.dma_semaphore, #tpu.memory_space<semaphore_mem>>) src(%dma_wait3A_98 : memref<640x128xf32, #tpu.memory_space<vmem_shared>>) dst(%dma_wait3A_96 : memref<640x128xf32, #tpu.memory_space<hbm>>)
        tpu.yield
      }) : () -> ()
    } else {
    }
    %eq3A_81 = arith.constant 15 : i32
    %eq3A_82 = arith.cmpi eq, %arg1, %eq3A_81 : i32
    %convert_element_type3A_83 = arith.extui %eq3A_82 : i1 to i32
    %cond3A_84 = arith.constant 0 : i32
    %cond3A_85 = arith.cmpi ne, %convert_element_type3A_83, %cond3A_84 : i32
    scf.if %cond3A_85 {
      "tpu.region"() ({
        %run_scoped3A = tpu.sem_alloc : memref<!tpu.dma_semaphore, #tpu.memory_space<semaphore_mem>>
        %dma_start3A_86 = arith.constant 9600 : i32
        %dma_start3A_87 = arith.constant 0 : i32
        %dma_start3A_88 = tpu.memref_slice %arg6[%arg0, %dma_start3A_86, %dma_start3A_87] : memref<2x10000x128xf32, #tpu.memory_space<hbm>> -> memref<1x400x128xf32, #tpu.memory_space<hbm>>
        %dma_start3A_89 = tpu.memref_squeeze %dma_start3A_88 : memref<1x400x128xf32, #tpu.memory_space<hbm>> -> memref<400x128xf32, #tpu.memory_space<hbm>>
        %dma_start3A_90 = arith.constant 9600 : i32
        %dma_start3A_91 = arith.constant 0 : i32
        %dma_start3A_92 = tpu.memref_slice %arg7[%dma_start3A_90, %dma_start3A_91] : memref<10016x128xf32, #tpu.memory_space<vmem_shared>> -> memref<400x128xf32, #tpu.memory_space<vmem_shared>>
        tpu.enqueue_dma source(%dma_start3A_92 : memref<400x128xf32, #tpu.memory_space<vmem_shared>>) target(%dma_start3A_89 : memref<400x128xf32, #tpu.memory_space<hbm>>) target_semaphore(%run_scoped3A : memref<!tpu.dma_semaphore, #tpu.memory_space<semaphore_mem>>)
        %dma_wait3A = arith.constant 9600 : i32
        %dma_wait3A_93 = arith.constant 0 : i32
        %dma_wait3A_94 = tpu.memref_slice %arg6[%arg0, %dma_wait3A, %dma_wait3A_93] : memref<2x10000x128xf32, #tpu.memory_space<hbm>> -> memref<1x400x128xf32, #tpu.memory_space<hbm>>
        %dma_wait3A_95 = tpu.memref_squeeze %dma_wait3A_94 : memref<1x400x128xf32, #tpu.memory_space<hbm>> -> memref<400x128xf32, #tpu.memory_space<hbm>>
        %dma_wait3A_96 = arith.constant 9600 : i32
        %dma_wait3A_97 = arith.constant 0 : i32
        %dma_wait3A_98 = tpu.memref_slice %arg7[%dma_wait3A_96, %dma_wait3A_97] : memref<10016x128xf32, #tpu.memory_space<vmem_shared>> -> memref<400x128xf32, #tpu.memory_space<vmem_shared>>
        tpu.wait_dma2 semaphore(%run_scoped3A : memref<!tpu.dma_semaphore, #tpu.memory_space<semaphore_mem>>) src(%dma_wait3A_98 : memref<400x128xf32, #tpu.memory_space<vmem_shared>>) dst(%dma_wait3A_95 : memref<400x128xf32, #tpu.memory_space<hbm>>)
        tpu.yield
      }) : () -> ()
    } else {
    }
    return
  }
}

module attributes {stable_mosaic.version = 14 : i64} {
  func.func @_tc_root_body(%arg0: i32, %arg1: memref<5000x128xf32, #tpu.memory_space<vmem>>, %arg2: memref<128x128xf32, #tpu.memory_space<vmem>>, %arg3: memref<1x128xf32, #tpu.memory_space<vmem>>, %arg4: memref<5000x128xf32, #tpu.memory_space<vmem>>) attributes {dimension_semantics = [#tpu.dimension_semantics<arbitrary>], iteration_bounds = array<i64: 2>, scalar_prefetch = 0 : i64, scratch_operands = 0 : i64, tpu.core_type = #tpu.core_type<tc>, window_params = [{transform_indices = @transform_0, window_bounds = array<i64: 5000, 128>}, {pipeline_mode = #tpu.pipeline_mode<synchronous>, transform_indices = @transform_1, window_bounds = array<i64: 128, 128>}, {pipeline_mode = #tpu.pipeline_mode<synchronous>, transform_indices = @transform_2, window_bounds = array<i64: 1, 128>}, {transform_indices = @transform_3, window_bounds = array<i64: 5000, 128>}]} {
    %get3A = arith.constant 0 : index
    %get3A_0 = arith.constant 0 : index
    %get3A_1 = vector.load %arg3[%get3A, %get3A_0] : memref<1x128xf32, #tpu.memory_space<vmem>>, vector<1x128xf32>
    %get3A_2 = arith.constant 0 : index
    %get3A_3 = arith.constant 0 : index
    %get3A_4 = vector.load %arg1[%get3A_2, %get3A_3] : memref<5000x128xf32, #tpu.memory_space<vmem>>, vector<5000x128xf32>
    %get3A_5 = arith.constant 0 : index
    %get3A_6 = arith.constant 0 : index
    %get3A_7 = vector.load %arg2[%get3A_5, %get3A_6] : memref<128x128xf32, #tpu.memory_space<vmem>>, vector<128x128xf32>
    %dot_general3A = arith.constant dense<0.000000e+00> : vector<5000x128xf32>
    %dot_general3A_8 = tpu.matmul %get3A_4, %get3A_7, %dot_general3A {dimension_numbers = #tpu.dot_dimension_numbers<[1], [1], [0], [0], [0, 0, 1, 0], [], []>, transpose_lhs_hint = false} : vector<5000x128xf32>, vector<128x128xf32>, vector<5000x128xf32> -> vector<5000x128xf32>
    %add3A = vector.broadcast %get3A_1 : vector<1x128xf32> to vector<5000x128xf32>
    %add3A_9 = arith.addf %add3A, %dot_general3A_8 : vector<5000x128xf32>
    %swap3A = arith.constant 0 : index
    %swap3A_10 = arith.constant 0 : index
    %swap3A_11 = vector.load %arg4[%swap3A, %swap3A_10] : memref<5000x128xf32, #tpu.memory_space<vmem>>, vector<5000x128xf32>
    tpu.vector_store %arg4[%swap3A, %swap3A_10], %add3A_9 {strides = array<i32>} : memref<5000x128xf32, #tpu.memory_space<vmem>>, vector<5000x128xf32>,
    return
  }
  func.func @transform_0(%arg0: i32) -> (i32, i32) {
    %c0_i32 = arith.constant 0 : i32
    %c0_i32_0 = arith.constant 0 : i32
    return %arg0, %c0_i32 : i32, i32
  }
  func.func @transform_1(%arg0: i32) -> (i32, i32) {
    %c0_i32 = arith.constant 0 : i32
    %c0_i32_0 = arith.constant 0 : i32
    %c0_i32_1 = arith.constant 0 : i32
    return %c0_i32, %c0_i32_0 : i32, i32
  }
  func.func @transform_2(%arg0: i32) -> (i32, i32) {
    %c0_i32 = arith.constant 0 : i32
    %c0_i32_0 = arith.constant 0 : i32
    %c0_i32_1 = arith.constant 0 : i32
    return %c0_i32, %c0_i32_0 : i32, i32
  }
  func.func @transform_3(%arg0: i32) -> (i32, i32) {
    %c0_i32 = arith.constant 0 : i32
    %c0_i32_0 = arith.constant 0 : i32
    return %arg0, %c0_i32 : i32, i32
  }
}

module attributes {stable_mosaic.version = 14 : i64} {
  func.func @_tc_body_first(%arg0: i32, %arg1: memref<2x5000x128xf32, #tpu.memory_space<vmem>>, %arg2: memref<2x5000x128xf32, #tpu.memory_space<vmem>>, %arg3: memref<5000x128xf32, #tpu.memory_space<vmem>>, %arg4: memref<128x128xf32, #tpu.memory_space<vmem>>, %arg5: memref<5000x128xf32, #tpu.memory_space<vmem>>, %arg6: memref<5000x128xf32, #tpu.memory_space<vmem>>) attributes {dimension_semantics = [#tpu.dimension_semantics<arbitrary>], iteration_bounds = array<i64: 2>, scalar_prefetch = 0 : i64, scratch_operands = 0 : i64, tpu.core_type = #tpu.core_type<tc>, window_params = [{transform_indices = @transform_0, window_bounds = array<i64: 2, 5000, 128>}, {transform_indices = @transform_1, window_bounds = array<i64: 2, 5000, 128>}, {transform_indices = @transform_2, window_bounds = array<i64: 5000, 128>}, {pipeline_mode = #tpu.pipeline_mode<synchronous>, transform_indices = @transform_3, window_bounds = array<i64: 128, 128>}, {transform_indices = @transform_4, window_bounds = array<i64: 5000, 128>}, {transform_indices = @transform_5, window_bounds = array<i64: 5000, 128>}]} {
    %get3A = arith.constant 0 : index
    %get3A_0 = arith.constant 0 : index
    %get3A_1 = arith.constant 0 : index
    %get3A_2 = vector.load %arg1[%get3A, %get3A_0, %get3A_1] : memref<2x5000x128xf32, #tpu.memory_space<vmem>>, vector<1x5000x128xf32>
    %get3A_3 = vector.shape_cast %get3A_2 : vector<1x5000x128xf32> to vector<5000x128xf32>
    %get3A_4 = arith.constant 1 : index
    %get3A_5 = arith.constant 0 : index
    %get3A_6 = arith.constant 0 : index
    %get3A_7 = vector.load %arg1[%get3A_4, %get3A_5, %get3A_6] : memref<2x5000x128xf32, #tpu.memory_space<vmem>>, vector<1x5000x128xf32>
    %get3A_8 = vector.shape_cast %get3A_7 : vector<1x5000x128xf32> to vector<5000x128xf32>
    %add3A = arith.addf %get3A_3, %get3A_8 : vector<5000x128xf32>
    %get3A_9 = arith.constant 0 : index
    %get3A_10 = arith.constant 0 : index
    %get3A_11 = arith.constant 0 : index
    %get3A_12 = vector.load %arg2[%get3A_9, %get3A_10, %get3A_11] : memref<2x5000x128xf32, #tpu.memory_space<vmem>>, vector<1x5000x1xf32>
    %get3A_13 = vector.shape_cast %get3A_12 : vector<1x5000x1xf32> to vector<5000x1xf32>
    %get3A_14 = arith.constant 1 : index
    %get3A_15 = arith.constant 0 : index
    %get3A_16 = arith.constant 0 : index
    %get3A_17 = vector.load %arg2[%get3A_14, %get3A_15, %get3A_16] : memref<2x5000x128xf32, #tpu.memory_space<vmem>>, vector<1x5000x1xf32>
    %get3A_18 = vector.shape_cast %get3A_17 : vector<1x5000x1xf32> to vector<5000x1xf32>
    %add3A_19 = arith.addf %get3A_13, %get3A_18 : vector<5000x1xf32>
    %max3A = arith.constant 1.000000e+00 : f32
    %max3A_20 = vector.broadcast %max3A : f32 to vector<5000x1xf32>
    %max3A_21 = arith.maximumf %add3A_19, %max3A_20 : vector<5000x1xf32>
    %div3A = arith.constant 1.000000e+00 : f32
    %div3A_22 = vector.broadcast %div3A : f32 to vector<5000x1xf32>
    %div3A_23 = arith.divf %div3A_22, %max3A_21 : vector<5000x1xf32>
    %broadcast_in_dim3A = vector.shape_cast %div3A_23 : vector<5000x1xf32> to vector<5000x1xf32>
    %broadcast_in_dim3A_24 = vector.broadcast %broadcast_in_dim3A : vector<5000x1xf32> to vector<5000x128xf32>
    %get3A_25 = arith.constant 0 : index
    %get3A_26 = arith.constant 0 : index
    %get3A_27 = vector.load %arg4[%get3A_25, %get3A_26] : memref<128x128xf32, #tpu.memory_space<vmem>>, vector<128x128xf32>
    %dot_general3A = arith.constant dense<0.000000e+00> : vector<5000x128xf32>
    %dot_general3A_28 = tpu.matmul %add3A, %get3A_27, %dot_general3A {dimension_numbers = #tpu.dot_dimension_numbers<[1], [1], [0], [0], [0, 0, 1, 0], [], []>, transpose_lhs_hint = false} : vector<5000x128xf32>, vector<128x128xf32>, vector<5000x128xf32> -> vector<5000x128xf32>
    %mul3A = arith.mulf %dot_general3A_28, %broadcast_in_dim3A_24 : vector<5000x128xf32>
    %get3A_29 = arith.constant 0 : index
    %get3A_30 = arith.constant 0 : index
    %get3A_31 = vector.load %arg3[%get3A_29, %get3A_30] : memref<5000x128xf32, #tpu.memory_space<vmem>>, vector<5000x128xf32>
    %add3A_32 = arith.addf %mul3A, %get3A_31 : vector<5000x128xf32>
    %max3A_33 = arith.constant 0.000000e+00 : f32
    %max3A_34 = vector.broadcast %max3A_33 : f32 to vector<5000x128xf32>
    %max3A_35 = arith.maximumf %add3A_32, %max3A_34 : vector<5000x128xf32>
    %swap3A = arith.constant 0 : index
    %swap3A_36 = arith.constant 0 : index
    %swap3A_37 = vector.load %arg5[%swap3A, %swap3A_36] : memref<5000x128xf32, #tpu.memory_space<vmem>>, vector<5000x128xf32>
    tpu.vector_store %arg5[%swap3A, %swap3A_36], %max3A_35 {strides = array<i32>} : memref<5000x128xf32, #tpu.memory_space<vmem>>, vector<5000x128xf32>,
    %swap3A_38 = arith.constant 0 : index
    %swap3A_39 = arith.constant 0 : index
    %swap3A_40 = vector.load %arg6[%swap3A_38, %swap3A_39] : memref<5000x128xf32, #tpu.memory_space<vmem>>, vector<5000x128xf32>
    tpu.vector_store %arg6[%swap3A_38, %swap3A_39], %broadcast_in_dim3A_24 {strides = array<i32>} : memref<5000x128xf32, #tpu.memory_space<vmem>>, vector<5000x128xf32>,
    return
  }
  func.func @transform_0(%arg0: i32) -> (i32, i32, i32) {
    %c0_i32 = arith.constant 0 : i32
    %c0_i32_0 = arith.constant 0 : i32
    %c0_i32_1 = arith.constant 0 : i32
    return %c0_i32, %arg0, %c0_i32_0 : i32, i32, i32
  }
  func.func @transform_1(%arg0: i32) -> (i32, i32, i32) {
    %c0_i32 = arith.constant 0 : i32
    %c0_i32_0 = arith.constant 0 : i32
    %c0_i32_1 = arith.constant 0 : i32
    return %c0_i32, %arg0, %c0_i32_0 : i32, i32, i32
  }
  func.func @transform_2(%arg0: i32) -> (i32, i32) {
    %c0_i32 = arith.constant 0 : i32
    %c0_i32_0 = arith.constant 0 : i32
    return %arg0, %c0_i32 : i32, i32
  }
  func.func @transform_3(%arg0: i32) -> (i32, i32) {
    %c0_i32 = arith.constant 0 : i32
    %c0_i32_0 = arith.constant 0 : i32
    %c0_i32_1 = arith.constant 0 : i32
    return %c0_i32, %c0_i32_0 : i32, i32
  }
  func.func @transform_4(%arg0: i32) -> (i32, i32) {
    %c0_i32 = arith.constant 0 : i32
    %c0_i32_0 = arith.constant 0 : i32
    return %arg0, %c0_i32 : i32, i32
  }
  func.func @transform_5(%arg0: i32) -> (i32, i32) {
    %c0_i32 = arith.constant 0 : i32
    %c0_i32_0 = arith.constant 0 : i32
    return %arg0, %c0_i32 : i32, i32
  }
}

module attributes {stable_mosaic.version = 14 : i64} {
  func.func @_tc_body(%arg0: i32, %arg1: memref<2x5000x128xf32, #tpu.memory_space<vmem>>, %arg2: memref<5000x128xf32, #tpu.memory_space<vmem>>, %arg3: memref<5000x128xf32, #tpu.memory_space<vmem>>, %arg4: memref<128x128xf32, #tpu.memory_space<vmem>>, %arg5: memref<5000x128xf32, #tpu.memory_space<vmem>>) attributes {dimension_semantics = [#tpu.dimension_semantics<arbitrary>], iteration_bounds = array<i64: 2>, scalar_prefetch = 0 : i64, scratch_operands = 0 : i64, tpu.core_type = #tpu.core_type<tc>, window_params = [{transform_indices = @transform_0, window_bounds = array<i64: 2, 5000, 128>}, {transform_indices = @transform_1, window_bounds = array<i64: 5000, 128>}, {transform_indices = @transform_2, window_bounds = array<i64: 5000, 128>}, {pipeline_mode = #tpu.pipeline_mode<synchronous>, transform_indices = @transform_3, window_bounds = array<i64: 128, 128>}, {transform_indices = @transform_4, window_bounds = array<i64: 5000, 128>}]} {
    %get3A = arith.constant 0 : index
    %get3A_0 = arith.constant 0 : index
    %get3A_1 = arith.constant 0 : index
    %get3A_2 = vector.load %arg1[%get3A, %get3A_0, %get3A_1] : memref<2x5000x128xf32, #tpu.memory_space<vmem>>, vector<1x5000x128xf32>
    %get3A_3 = vector.shape_cast %get3A_2 : vector<1x5000x128xf32> to vector<5000x128xf32>
    %get3A_4 = arith.constant 1 : index
    %get3A_5 = arith.constant 0 : index
    %get3A_6 = arith.constant 0 : index
    %get3A_7 = vector.load %arg1[%get3A_4, %get3A_5, %get3A_6] : memref<2x5000x128xf32, #tpu.memory_space<vmem>>, vector<1x5000x128xf32>
    %get3A_8 = vector.shape_cast %get3A_7 : vector<1x5000x128xf32> to vector<5000x128xf32>
    %add3A = arith.addf %get3A_3, %get3A_8 : vector<5000x128xf32>
    %get3A_9 = arith.constant 0 : index
    %get3A_10 = arith.constant 0 : index
    %get3A_11 = vector.load %arg4[%get3A_9, %get3A_10] : memref<128x128xf32, #tpu.memory_space<vmem>>, vector<128x128xf32>
    %dot_general3A = arith.constant dense<0.000000e+00> : vector<5000x128xf32>
    %dot_general3A_12 = tpu.matmul %add3A, %get3A_11, %dot_general3A {dimension_numbers = #tpu.dot_dimension_numbers<[1], [1], [0], [0], [0, 0, 1, 0], [], []>, transpose_lhs_hint = false} : vector<5000x128xf32>, vector<128x128xf32>, vector<5000x128xf32> -> vector<5000x128xf32>
    %get3A_13 = arith.constant 0 : index
    %get3A_14 = arith.constant 0 : index
    %get3A_15 = vector.load %arg2[%get3A_13, %get3A_14] : memref<5000x128xf32, #tpu.memory_space<vmem>>, vector<5000x128xf32>
    %mul3A = arith.mulf %dot_general3A_12, %get3A_15 : vector<5000x128xf32>
    %get3A_16 = arith.constant 0 : index
    %get3A_17 = arith.constant 0 : index
    %get3A_18 = vector.load %arg3[%get3A_16, %get3A_17] : memref<5000x128xf32, #tpu.memory_space<vmem>>, vector<5000x128xf32>
    %add3A_19 = arith.addf %mul3A, %get3A_18 : vector<5000x128xf32>
    %max3A = arith.constant 0.000000e+00 : f32
    %max3A_20 = vector.broadcast %max3A : f32 to vector<5000x128xf32>
    %max3A_21 = arith.maximumf %add3A_19, %max3A_20 : vector<5000x128xf32>
    %swap3A = arith.constant 0 : index
    %swap3A_22 = arith.constant 0 : index
    %swap3A_23 = vector.load %arg5[%swap3A, %swap3A_22] : memref<5000x128xf32, #tpu.memory_space<vmem>>, vector<5000x128xf32>
    tpu.vector_store %arg5[%swap3A, %swap3A_22], %max3A_21 {strides = array<i32>} : memref<5000x128xf32, #tpu.memory_space<vmem>>, vector<5000x128xf32>,
    return
  }
  func.func @transform_0(%arg0: i32) -> (i32, i32, i32) {
    %c0_i32 = arith.constant 0 : i32
    %c0_i32_0 = arith.constant 0 : i32
    %c0_i32_1 = arith.constant 0 : i32
    return %c0_i32, %arg0, %c0_i32_0 : i32, i32, i32
  }
  func.func @transform_1(%arg0: i32) -> (i32, i32) {
    %c0_i32 = arith.constant 0 : i32
    %c0_i32_0 = arith.constant 0 : i32
    return %arg0, %c0_i32 : i32, i32
  }
  func.func @transform_2(%arg0: i32) -> (i32, i32) {
    %c0_i32 = arith.constant 0 : i32
    %c0_i32_0 = arith.constant 0 : i32
    return %arg0, %c0_i32 : i32, i32
  }
  func.func @transform_3(%arg0: i32) -> (i32, i32) {
    %c0_i32 = arith.constant 0 : i32
    %c0_i32_0 = arith.constant 0 : i32
    %c0_i32_1 = arith.constant 0 : i32
    return %c0_i32, %c0_i32_0 : i32, i32
  }
  func.func @transform_4(%arg0: i32) -> (i32, i32) {
    %c0_i32 = arith.constant 0 : i32
    %c0_i32_0 = arith.constant 0 : i32
    return %arg0, %c0_i32 : i32, i32
  }
}

module attributes {stable_mosaic.version = 14 : i64} {
  func.func @_tc_body(%arg0: i32, %arg1: memref<2x5000x128xf32, #tpu.memory_space<vmem>>, %arg2: memref<5000x128xf32, #tpu.memory_space<vmem>>, %arg3: memref<5000x128xf32, #tpu.memory_space<vmem>>, %arg4: memref<128x128xf32, #tpu.memory_space<vmem>>, %arg5: memref<5000x128xf32, #tpu.memory_space<vmem>>) attributes {dimension_semantics = [#tpu.dimension_semantics<arbitrary>], iteration_bounds = array<i64: 2>, scalar_prefetch = 0 : i64, scratch_operands = 0 : i64, tpu.core_type = #tpu.core_type<tc>, window_params = [{transform_indices = @transform_0, window_bounds = array<i64: 2, 5000, 128>}, {transform_indices = @transform_1, window_bounds = array<i64: 5000, 128>}, {transform_indices = @transform_2, window_bounds = array<i64: 5000, 128>}, {pipeline_mode = #tpu.pipeline_mode<synchronous>, transform_indices = @transform_3, window_bounds = array<i64: 128, 128>}, {transform_indices = @transform_4, window_bounds = array<i64: 5000, 128>}]} {
    %get3A = arith.constant 0 : index
    %get3A_0 = arith.constant 0 : index
    %get3A_1 = arith.constant 0 : index
    %get3A_2 = vector.load %arg1[%get3A, %get3A_0, %get3A_1] : memref<2x5000x128xf32, #tpu.memory_space<vmem>>, vector<1x5000x128xf32>
    %get3A_3 = vector.shape_cast %get3A_2 : vector<1x5000x128xf32> to vector<5000x128xf32>
    %get3A_4 = arith.constant 1 : index
    %get3A_5 = arith.constant 0 : index
    %get3A_6 = arith.constant 0 : index
    %get3A_7 = vector.load %arg1[%get3A_4, %get3A_5, %get3A_6] : memref<2x5000x128xf32, #tpu.memory_space<vmem>>, vector<1x5000x128xf32>
    %get3A_8 = vector.shape_cast %get3A_7 : vector<1x5000x128xf32> to vector<5000x128xf32>
    %add3A = arith.addf %get3A_3, %get3A_8 : vector<5000x128xf32>
    %get3A_9 = arith.constant 0 : index
    %get3A_10 = arith.constant 0 : index
    %get3A_11 = vector.load %arg4[%get3A_9, %get3A_10] : memref<128x128xf32, #tpu.memory_space<vmem>>, vector<128x128xf32>
    %dot_general3A = arith.constant dense<0.000000e+00> : vector<5000x128xf32>
    %dot_general3A_12 = tpu.matmul %add3A, %get3A_11, %dot_general3A {dimension_numbers = #tpu.dot_dimension_numbers<[1], [1], [0], [0], [0, 0, 1, 0], [], []>, transpose_lhs_hint = false} : vector<5000x128xf32>, vector<128x128xf32>, vector<5000x128xf32> -> vector<5000x128xf32>
    %get3A_13 = arith.constant 0 : index
    %get3A_14 = arith.constant 0 : index
    %get3A_15 = vector.load %arg2[%get3A_13, %get3A_14] : memref<5000x128xf32, #tpu.memory_space<vmem>>, vector<5000x128xf32>
    %mul3A = arith.mulf %dot_general3A_12, %get3A_15 : vector<5000x128xf32>
    %get3A_16 = arith.constant 0 : index
    %get3A_17 = arith.constant 0 : index
    %get3A_18 = vector.load %arg3[%get3A_16, %get3A_17] : memref<5000x128xf32, #tpu.memory_space<vmem>>, vector<5000x128xf32>
    %add3A_19 = arith.addf %mul3A, %get3A_18 : vector<5000x128xf32>
    %swap3A = arith.constant 0 : index
    %swap3A_20 = arith.constant 0 : index
    %swap3A_21 = vector.load %arg5[%swap3A, %swap3A_20] : memref<5000x128xf32, #tpu.memory_space<vmem>>, vector<5000x128xf32>
    tpu.vector_store %arg5[%swap3A, %swap3A_20], %add3A_19 {strides = array<i32>} : memref<5000x128xf32, #tpu.memory_space<vmem>>, vector<5000x128xf32>,
    return
  }
  func.func @transform_0(%arg0: i32) -> (i32, i32, i32) {
    %c0_i32 = arith.constant 0 : i32
    %c0_i32_0 = arith.constant 0 : i32
    %c0_i32_1 = arith.constant 0 : i32
    return %c0_i32, %arg0, %c0_i32_0 : i32, i32, i32
  }
  func.func @transform_1(%arg0: i32) -> (i32, i32) {
    %c0_i32 = arith.constant 0 : i32
    %c0_i32_0 = arith.constant 0 : i32
    return %arg0, %c0_i32 : i32, i32
  }
  func.func @transform_2(%arg0: i32) -> (i32, i32) {
    %c0_i32 = arith.constant 0 : i32
    %c0_i32_0 = arith.constant 0 : i32
    return %arg0, %c0_i32 : i32, i32
  }
  func.func @transform_3(%arg0: i32) -> (i32, i32) {
    %c0_i32 = arith.constant 0 : i32
    %c0_i32_0 = arith.constant 0 : i32
    %c0_i32_1 = arith.constant 0 : i32
    return %c0_i32, %c0_i32_0 : i32, i32
  }
  func.func @transform_4(%arg0: i32) -> (i32, i32) {
    %c0_i32 = arith.constant 0 : i32
    %c0_i32_0 = arith.constant 0 : i32
    return %arg0, %c0_i32 : i32, i32
  }
}

</mosaic_0001>

<sc_bundles>
// kernel: sage_sc_agg.11.cloned.1.call-start
scs
__scs_entry_jumppad:
0x0: {  	(pc) =	sbr.rel $0x88, $3  }
0x1: {  	(tag) =	ssettag $0x0;
	lr =	simm.s32 $0x1  }
0x2: {  	[smem:$0x3F96] =	sst lr;
	_ =	strace $0xD0000000  }
0x3: {  	_ = 	snop  }
0x4: {  	_ = 	snop  }
0x5: {  	_ = 	snop  }
0x6: {  	_ = 	snop  }
0x7: {  	_ = 	snop  }
__scs_overlays_trampoline_lowered:
0x8: {  	[smem:$0x3FA5] =	sst s0  }
0x9: {  	[smem:$0x3FA6] =	sst s1  }
0xa: {  	[smem:$0x3FA7] =	sst s2  }
0xb: {  	[smem:$0x3FA8] =	sst s3  }
0xc: {  	[smem:$0x3FA9] =	sst s4  }
0xd: {  	[smem:$0x3FAA] =	sst s5  }
0xe: {  	[smem:$0x3FAB] =	sst s6  }
0xf: {  	[smem:$0x3FAC] =	sst s7  }
0x10: {  	[smem:$0x3FAD] =	sst s8  }
0x11: {  	[smem:$0x3FAE] =	sst s9;
	s0 =	simm.s32 @!p0 $0x0  }
0x12: {  	s1 =	sld [smem:$0x3F94];
	s0 =	simm.s32 @p0 $0x1  }
0x13: {  	[smem:$0x3FAF] =	sst s0;
	s0 =	simm.s32 @!p1 $0x0  }
0x14: {  	s2 =	sld [smem:$0x3F93];
	s0 =	simm.s32 @p1 $0x1  }
0x15: {  	[smem:$0x3FB0] =	sst s0;
	s0 =	simm.s32 @!p2 $0x0  }
0x16: {  	s3 =	sld [smem:$0x3FDB];
	s0 =	simm.s32 @p2 $0x1  }
0x17: {  	s4 =	simm.s32 $0x1BF5;
	[smem:$0x3FB2] =	sst s0  }
0x18: {  	s0 =	sld [smem:$0x3F95];
	_ =	swait.ge [sflag:s4], $0x0  }
0x19: {  	s7 =	sld [smem:$0x3F96]  }
0x1a: {  	s8 =	sadd.s32 $0xFFFFE003, lr  }
0x1b: {  	s9 =	sadd.s32 $0xFFFFFEF7, lr;
	s5 =	simm.s32 $0xFFFFFFFF;
	p2 =	slt.u32 s8, $0xFFFFF086  }
0x1c: {  	p1 =	slt.u32 s9, $0xF7A;
	s5 =	simm.s32 @!p2 $0x0  }
0x1d: {  	s5 =	simm.s32 @p1 $0x1;
	p0 =	seq.s32 s7, s2  }
0x1e: {  	s7 =	smul.u32 @!p0 $0xF7A, s2;
	p2 =	seq.s32 @!p0 s5, $0x0  }
0x1f: {  	s9 =	smul.u32 $0xF7A, s1;
	s8 =	simm.s32 @!p0 $0x1BF5;
	p2 =	por !p2, p0  }
0x20: {  	[sflag:s8] =	ssyncset.s32 @!p0 $0xFFFFF086;
	s6 =	sadd.s32 @!p0 s3, s7;
	s7 =	simm.s32 @!p0 $0x108  }
0x21: {  	s3 =	sadd.s32 s3, s9;
	s6 =	sadd.s32 @!p0 $0x88, s6;
	s7 =	simm.s32 @p2 $0x1082  }
0x22: {  	[simem:s7], [sflag:s8] =	dma.local @!p0 [hbm:s6], $0xF7A  }
0x23: {  	s9 =	sor.u32 $0xD0000000, s2;
	s6 =	simm.s32 $0x108;
	_ =	swait.ge @!p0 [sflag:s8], $0x0  }
0x24: {  	s3 =	sadd.s32 $0x88, s3;
	s6 =	simm.s32 @!p1 $0x1082;
	[sflag:s4] =	ssyncset.s32 $0xFFFFF086  }
0x25: {  	[simem:s6], [sflag:s4] =	dma.local [hbm:s3], $0xF7A  }
0x26: {  	[smem:$0x3F96] =	sst s1;
	(tag) =	ssettag s2;
	_ =	strace s9  }
0x27: {  	s1 =	sld [smem:$0x3FA6]  }
0x28: {  	s2 =	sld [smem:$0x3FA7]  }
0x29: {  	s4 =	sld [smem:$0x3FA9]  }
0x2a: {  	p0 =	seq.s32 s5, $0x0;
	s5 =	sld [smem:$0x3FAA]  }
0x2b: {  	s6 =	sld [smem:$0x3FAB]  }
0x2c: {  	s7 =	sld [smem:$0x3FAC]  }
0x2d: {  	s3 =	simm.s32 $0x108;
	s8 =	sld [smem:$0x3FAD]  }
0x2e: {  	s3 =	simm.s32 @!p0 $0x1082;
	s9 =	sld [smem:$0x3FAE]  }
0x2f: {  	lr =	sadd.s32 s0, s3;
	s0 =	sld [smem:$0x3FA5]  }
0x30: {  	s3 =	sld [smem:$0x3FA8]  }
0x31: {  	[smem:$0x3FB1] =	sst s10  }
0x32: {  	s10 =	sld [smem:$0x3FAF];
	_ =	sdelay $0x3  }
0x33: {  	p0 =	seq.s32 s10, $0x1;
	s10 =	sld [smem:$0x3FB1];
	_ =	sdelay $0x3  }
0x34: {  	[smem:$0x3FB1] =	sst s10  }
0x35: {  	s10 =	sld [smem:$0x3FB0];
	_ =	sdelay $0x3  }
0x36: {  	p1 =	seq.s32 s10, $0x1;
	s10 =	sld [smem:$0x3FB1];
	_ =	sdelay $0x3  }
0x37: {  	[smem:$0x3FB1] =	sst s10  }
0x38: {  	s10 =	sld [smem:$0x3FB2]  }
0x39: {  	_ = 	snop;
	(pc) =	sbr.ind lr, $3  }
0x3a: {  	_ = 	snop  }
0x3b: {  	_ = 	snop  }
0x3c: {  	p2 =	seq.s32 s10, $0x1;
	s10 =	sld [smem:$0x3FB1]  }
0x3d: {  	_ =	shalt  }
0x3e: {  	_ =	shalt  }
0x3f: {  	_ =	shalt  }
0x40: {  	_ =	shalt  }
0x41: {  	_ =	shalt  }
0x42: {  	_ =	shalt  }
0x43: {  	_ =	shalt  }
0x44: {  	_ =	shalt  }
0x45: {  	_ =	shalt  }
0x46: {  	_ =	shalt  }
0x47: {  	_ =	shalt  }
0x48: {  	_ =	shalt  }
0x49: {  	_ =	shalt  }
0x4a: {  	_ =	shalt  }
0x4b: {  	_ =	shalt  }
0x4c: {  	_ =	shalt  }
0x4d: {  	_ =	shalt  }
0x4e: {  	_ =	shalt  }
0x4f: {  	_ =	shalt  }
0x50: {  	_ =	shalt  }
0x51: {  	_ =	shalt  }
0x52: {  	_ =	shalt  }
0x53: {  	_ =	shalt  }
0x54: {  	_ =	shalt  }
0x55: {  	_ =	shalt  }
0x56: {  	_ =	shalt  }
0x57: {  	_ =	shalt  }
0x58: {  	_ =	shalt  }
0x59: {  	_ =	shalt  }
0x5a: {  	_ =	shalt  }
0x5b: {  	_ =	shalt  }
0x5c: {  	_ =	shalt  }
0x5d: {  	_ =	shalt  }
0x5e: {  	_ =	shalt  }
0x5f: {  	_ =	shalt  }
0x60: {  	_ =	shalt  }
0x61: {  	_ =	shalt  }
0x62: {  	_ =	shalt  }
0x63: {  	_ =	shalt  }
0x64: {  	_ =	shalt  }
0x65: {  	_ =	shalt  }
0x66: {  	_ =	shalt  }
0x67: {  	_ =	shalt  }
0x68: {  	_ =	shalt  }
0x69: {  	_ =	shalt  }
0x6a: {  	_ =	shalt  }
0x6b: {  	_ =	shalt  }
0x6c: {  	_ =	shalt  }
0x6d: {  	_ =	shalt  }
0x6e: {  	_ =	shalt  }
0x6f: {  	_ =	shalt  }
0x70: {  	_ =	shalt  }
0x71: {  	_ =	shalt  }
0x72: {  	_ =	shalt  }
0x73: {  	_ =	shalt  }
0x74: {  	_ =	shalt  }
0x75: {  	_ =	shalt  }
0x76: {  	_ =	shalt  }
0x77: {  	_ =	shalt  }
0x78: {  	_ =	shalt  }
0x79: {  	_ =	shalt  }
0x7a: {  	_ =	shalt  }
0x7b: {  	_ =	shalt  }
0x7c: {  	_ =	shalt  }
0x7d: {  	_ =	shalt  }
0x7e: {  	_ =	shalt  }
0x7f: {  	_ =	shalt  }
0x80: {  	_ =	shalt  }
0x81: {  	_ =	shalt  }
0x82: {  	_ =	shalt  }
0x83: {  	_ =	shalt  }
0x84: {  	_ =	shalt  }
0x85: {  	_ =	shalt  }
0x86: {  	_ =	shalt  }
0x87: {  	_ =	shalt  }
.Lfunc_end0:
.L_simem_size_0:
called_computation.3_lowered:
.L_overlay_start_0:
0x88: {  	s2 =	sld [smem:$0x3FD9]  }
0x89: {  	s3 =	sld [smem:$0x3FFE];
	_ =	sdelay $0x1  }
0x8a: {  	s1 =	srdreg.scid  }
0x8b: {  	s0 =	sand.u32 $0x1, s1  }
0x8c: {  	s17 =	sshll.u32 s0, $0xA;
	s2 =	sadd.s32 s3, s2  }
0x8d: {  	s2 =	sadd.s32 s2, s17  }
0x8e: {  	[smem:$0x3FBD] =	sst s2  }
0x8f: {  	_ = 	snop  }
0x90: {  	s2 =	sld [smem:$0x3FD0];
	(tm) =	ssettm $0x1  }
0x91: {  	s18 =	sld [smem:$0x3FFB];
	_ =	sdelay $0x3  }
0x92: {  	_ =	strace s18  }
0x93: {  	s3 =	sld [smem:$0x3FFC];
	_ =	sdelay $0x3  }
0x94: {  	_ =	strace s3  }
0x95: {  	s3 =	sld [smem:$0x3FFD];
	_ =	sdelay $0x3  }
0x96: {  	_ =	strace s3  }
0x97: {  	_ =	strace $0x8FFFFFFF  }
0x98: {  	s19 =	sld [smem:$0x3FDB];
	_ =	sdelay $0x1  }
0x99: {  	s4 =	simm.s32 $_scs_section_size  }
0x9a: {  	s5 =	simm.s32 $_size__tile_overlayer_lowered;
	s6 =	simm.s32 $_tile_overlayer_lowered  }
0x9b: {  	s22 =	simm.s32 $0x1BFF;
	s21 =	sshll.u32 s6, $0x1;
	s3 =	sadd.s32 s4, s19  }
0x9c: {  	s7 =	simm.s32 $0x0;
	s20 =	sshll.u32 s5, $0x1;
	s5 =	sadd.s32 s21, s3  }
0x9d: {  	[timem:s7], [sflag:s22] =	dma.local [hbm:s5], s20  }
0x9e: {  	_ =	swait.ge [sflag:s22], s20  }
0x9f: {  	s4 =	ssub.s32 $0x0, s20;
	[sflag:s22] =	ssyncset.done $0x0  }
0xa0: {  	[sflag:s22] =	ssyncadd.s32 s4;
	_ =	sdelay $0x1  }
0xa1: {  	s23 =	simm.s32 $0x1B8B  }
0xa2: {  	_ =	swait.ge [sflag:s23], $0x1  }
0xa3: {  	[sflag:s23] =	ssyncset.done $0x0  }
0xa4: {  	s25 =	simm.s32 $0x1B8E;
	s24 =	sld [smem:$0x3FFE];
	[sflag:s23] =	ssyncadd.s32 $0xFFFFFFFF  }
0xa5: {  	s26 =	simm.s32 $execute0_lowered;
	[smem:$0x3FD2] =	sst s25  }
0xa6: {  	s5 =	sshll.u32 s26, $0x1;
	_ =	strace $0x8000004F;
	[dreg:$0x1] =	wrdreg $0xFFFFFFFF  }
0xa7: {  	s28 =	simm.s32 $_size_execute0_lowered;
	s3 =	sadd.s32 s3, s5;
	[dreg:$0x0] =	wrdreg $0x0  }
0xa8: {  	s5 =	sshll.u32 s28, $0x1;
	[dreg:$0x2] =	wrdreg s3  }
0xa9: {  	[dreg:$0x3] =	wrdreg s5  }
0xaa: {  	[dreg:$0x4] =	wrdreg $0xC0  }
0xab: {  	_ =	task [dreg:s7], $0x5FFFF  }
0xac: {  	[dreg:$0x1] =	wrdreg $0xFFFFFFFF  }
0xad: {  	[dreg:$0x0] =	wrdreg $0x60  }
0xae: {  	[dreg:$0x2] =	wrdreg s2  }
0xaf: {  	[dreg:$0x3] =	wrdreg s24  }
0xb0: {  	[dreg:$0x4] =	wrdreg $0x0  }
0xb1: {  	[dreg:$0x5] =	wrdreg $0x9  }
0xb2: {  	_ =	task.clear_ibuf [dreg:s7], $0x6FFFF;
	_ =	strace $0x9000004F  }
0xb3: {  	s29 =	simm.s32 $0x9;
	_ =	strace $0x80000051  }
0xb4: {  	_ =	swait.ge [sflag:s29], $0x1  }
0xb5: {  	[sflag:s29] =	ssyncadd.s32 $0xFFFFFFFF  }
0xb6: {  	_ =	strace $0x90000051  }
0xb7: {  	_ =	sfence  }
0xb8: {  	s30 =	sld [smem:$0x0];
	_ =	sdelay $0x2  }
0xb9: {  	s31 =	sshll.u32 s1, $0xD;
	s1 =	sshrl.u32 s1, $0x2  }
0xba: {  	s3 =	sand.u32 $0x4000, s31;
	s1 =	sadd.s32 s1, s30  }
0xbb: {  	s0 =	sor.u32 s3, s0;
	s1 =	sshll.u32 s1, $0x11  }
0xbc: {  	s0 =	sor.u32 s1, s0  }
0xbd: {  	s0 =	sadd.s32 $0x8F2B, s0  }
0xbe: {  	[sflag:s0] =	ssyncadd.remote.s32 $0x1  }
0xbf: {  	_ =	sfence.sel $0xFFFF  }
0xc0: {  	[dreg:$0x0] =	wrdreg $0xFFFFFFFF;
	(pc) =	sbr.abs _section_cstart, $3  }
0xc1: {  	[dreg:$0x1] =	wrdreg $0xFFFFFFFF  }
0xc2: {  	_ =	task.clear_ibuf [dreg:s7], $0x2FFFF;
	_ =	strace $0x9FFFFFFF  }
0xc3: {  	(tm) =	ssettm $0x7FFFFFFF  }
tec
execute0_lowered:
.L_overlay_start_1:
0x0: {  	(tag) =	ssettag $0x1  }
0x1: {  	s2 =	rddreg [dreg:$0x0]  }
0x2: {  	s0 =	rddreg [dreg:$0x1]  }
0x3: {  	s3 =	rddreg [dreg:$0x2];
	s1 =	stileid.u32  }
0x4: {  	s4 =	simm.s32 $0x0;
	s6 =	srdreg.scid;
	s18 =	simm.s32 $0x13900  }
0x5: {  	s19 =	simm.s32 $0x4;
	s20 =	simm.s32 $0x14D00;
	s21 =	simm.s32 $0x80  }
0x6: {  	s28 =	simm.s32 $0x16000;
	s29 =	simm.s32 $0x16080;
	s30 =	simm.s32 $0x0  }
0x7: {  	s5 =	smul.u32 $0x2800, s1;
	[smem:$0x7FF] =	sst s4;
	s9 =	sadd.s32 $0x82800, s0  }
0x8: {  	s10 =	sadd.s32 $0x3400, s0;
	s6 =	sand.u32 $0x1, s6;
	s11 =	smul.u32 $0x50000, s1  }
0x9: {  	s12 =	sadd.s32 $0x34600, s0;
	s15 =	sadd.s32 $0x12C000, s3;
	s14 =	smul.u32 $0x14000, s1  }
0xa: {  	p0 =	seq.s32 s1, $0xF;
	_ =	strace $0x80000050;
	s7 =	ssub.s32 $0x2, s6  }
0xb: {  	s8 =	sshll.u32 s6, $0x4;
	s23 =	smul.u32 $0x138800, s6;
	s6 =	sadd.s32 $0x32C00, s0  }
0xc: {  	s15 =	sshrl.u32 @p0 s15, $0x3;
	s5 =	sadd.s32 s5, s0;
	s13 =	sshrl.u32 s7, $0x1  }
0xd: {  	s8 =	sor.u32 s1, s8;
	s22 =	sshrl.u32 s11, $0x2;
	s13 =	ssub.s32 s7, s13  }
0xe: {  	s8 =	smul.u32 $0x2800, s8;
	s17 =	sadd.s32 s22, s3;
	s5 =	sadd.s32 $0xD400, s5  }
0xf: {  	s14 =	sadd.s32 s14, s23;
	s26 =	sshrl.u32 s23, $0x3;
	s22 =	simm.s32 $0x16100  }
0x10: {  	s23 =	simm.s32 $0x13980;
	s25 =	sshrl.u32 s14, $0x3;
	s31 =	sadd.s32 s12, s26  }
0x11: {  	s13 =	smax.u32 s13, $0x1;
	s14 =	sshll.u32 @!p0 s1, $0x6;
	s17 =	sshrl.u32 @!p0 s17, $0x3  }
0x12: {  	s26 =	simm.s32 $0x2;
	s8 =	sshrl.u32 s8, $0x3;
	s11 =	sadd.s32 s12, s25  }
0x13: {  	s12 =	sadd.s32 $0x25800, s31;
	s16 =	sor.u32 @!p0 $0x1C03, s14;
	s25 =	simm.s32 $0x1  }
0x14: {  	s7 =	sadd.s32 s9, s8;
	s24 =	sadd.s32 $0x280, s8;
	s8 =	sadd.s32 s10, s8  }
0x15: {  	s9 =	sadd.s32 s9, s24;
	s10 =	sadd.s32 s10, s24;
	s24 =	simm.s32 $0x1A100  }
.LBB2_1:
0x16: {  	s0 =	simm.s32 @p0 $0x1FC3  }
0x17: {  	[spmem:s15], [sflag:s0] =	dma.local @p0 [hbm:s6], $0x1A00  }
0x18: {  	[spmem:s17], [sflag:s16] =	dma.local @!p0 [hbm:s5], $0x2800  }
0x19: {  	[tilespmem:s18], [sflag:$0x4] =	stream.linear.gather [hbm4b:s7+s4], $0x1400, $0x38;
	[tilespmem:$0x1E100] =	vst v63  }
0x1a: {  	_ =	swait.ge [sflag:s19], $0x1400  }
0x1b: {  	[sflag:s19] =	ssyncset.done $0x0  }
0x1c: {  	[sflag:s19] =	ssyncadd.s32 $0xFFFFEC00  }
0x1d: {  	[tilespmem:s20], [sflag:$0x4] =	stream.linear.gather [hbm4b:s8+s4], $0x1400, $0x38;
	[tilespmem:$0x1E100] =	vst v63  }
0x1e: {  	_ =	swait.ge [sflag:s19], $0x1400  }
0x1f: {  	[sflag:s19] =	ssyncset.done $0x0  }
0x20: {  	s0 =	simm.s32 @p0 $0x3;
	[sflag:s19] =	ssyncadd.s32 $0xFFFFEC00  }
0x21: {  	_ =	swait.ge @p0 [sflag:s0], $0x1A00  }
0x22: {  	[sflag:s0] =	ssyncset.done @p0 $0x0  }
0x23: {  	[sflag:s0] =	ssyncadd.s32 @p0 $0xFFFFE600;
	s0 =	simm.s32 @!p0 $0x3  }
0x24: {  	_ =	swait.ge @!p0 [sflag:s0], $0x2800  }
0x25: {  	[sflag:s0] =	ssyncset.done @!p0 $0x0  }
0x26: {  	[sflag:s0] =	ssyncadd.s32 @!p0 $0xFFFFD800  }
0x27: {  	[bflag:$0x0] =	sbarrier.arrive $0xFFFF  }
0x28: {  	[tilespmem:s22], [sflag:$0x1] =	stream.indirect.gather [hbm4b:s2+s21], $0x80, s18, s21, $0xb8;
	[tilespmem:$0x1E100] =	vst v63  }
0x29: {  	_ = 	snop  }
0x2a: {  	[tilespmem:s24], [sflag:$0x2] =	stream.indirect.gather [hbm4b:s2+s21], $0x80, s23, s21, $0xb8;
	[tilespmem:$0x1E100] =	vst v63  }
0x2b: {  	_ =	swait.ge [sflag:s25], $0x4000  }
0x2c: {  	[sflag:s25] =	ssyncset.done $0x0  }
0x2d: {  	s1 =	simm.s32 $0x14D00;
	[sflag:s25] =	ssyncadd.s32 $0xFFFFC000  }
0x2e: {  	[spmem:s3] =	stream.indirect.scatter.add.f32 [tilespmem:s22], [sflag:$0x4], $0x80, s1, s21, $0xb8;
	[tilespmem:$0x1E100] =	vst v63  }
0x2f: {  	_ =	swait.ge [sflag:s19], $0x4000  }
0x30: {  	[sflag:s19] =	ssyncset.done $0x0  }
0x31: {  	s1 =	simm.s32 $0x13A00;
	[sflag:s19] =	ssyncadd.s32 $0xFFFFC000  }
0x32: {  	[tilespmem:s22], [sflag:$0x1] =	stream.indirect.gather [hbm4b:s2+s21], $0x80, s1, s21, $0xb8;
	[tilespmem:$0x1E100] =	vst v63  }
0x33: {  	_ =	swait.ge [sflag:s26], $0x4000  }
0x34: {  	[sflag:s26] =	ssyncset.done $0x0  }
0x35: {  	s1 =	simm.s32 $0x14D80;
	[sflag:s26] =	ssyncadd.s32 $0xFFFFC000  }
0x36: {  	[spmem:s3] =	stream.indirect.scatter.add.f32 [tilespmem:s24], [sflag:$0x4], $0x80, s1, s21, $0xb8;
	[tilespmem:$0x1E100] =	vst v63  }
0x37: {  	_ =	swait.ge [sflag:s19], $0x4000  }
0x38: {  	[sflag:s19] =	ssyncset.done $0x0  }
0x39: {  	s31 =	simm.s32 $0x400;
	s0 =	simm.s32 $0x13A80;
	[sflag:s19] =	ssyncadd.s32 $0xFFFFC000  }
.LBB2_2:
0x3a: {  	[tilespmem:s24], [sflag:$0x2] =	stream.indirect.gather [hbm4b:s2+s21], $0x80, s0, s21, $0xb8;
	[tilespmem:$0x1E100] =	vst v63  }
0x3b: {  	s0 =	smov.u32 s31  }
0x3c: {  	p1 =	sne.s32 s31, $0x4800;
	s31 =	sadd.s32 $0x400, s31;
	_ =	swait.ge [sflag:s25], $0x4000  }
0x3d: {  	s0 =	sshra.s32 s0, $0x2;
	[sflag:s25] =	ssyncset.done $0x0  }
0x3e: {  	s1 =	sadd.s32 $0x14D00, s0;
	[sflag:s25] =	ssyncadd.s32 $0xFFFFC000  }
0x3f: {  	[spmem:s3] =	stream.indirect.scatter.add.f32 [tilespmem:s22], [sflag:$0x4], $0x80, s1, s21, $0xb8;
	[tilespmem:$0x1E100] =	vst v63  }
0x40: {  	_ =	swait.ge [sflag:s19], $0x4000  }
0x41: {  	[sflag:s19] =	ssyncset.done $0x0  }
0x42: {  	s1 =	sadd.s32 $0x13A00, s0;
	[sflag:s19] =	ssyncadd.s32 $0xFFFFC000  }
0x43: {  	[tilespmem:s22], [sflag:$0x1] =	stream.indirect.gather [hbm4b:s2+s21], $0x80, s1, s21, $0xb8;
	[tilespmem:$0x1E100] =	vst v63  }
0x44: {  	_ =	swait.ge [sflag:s26], $0x4000  }
0x45: {  	[sflag:s26] =	ssyncset.done $0x0  }
.Ltmp0:
0x46: {  	s1 =	sadd.s32 $0x14D80, s0;
	[sflag:s26] =	ssyncadd.s32 $0xFFFFC000;
	(pc) =	sbr.rel @p1 .LBB2_2-.Ltmp0, $4  }
0x47: {  	[spmem:s3] =	stream.indirect.scatter.add.f32 [tilespmem:s24], [sflag:$0x4], $0x80, s1, s21, $0xb8;
	[tilespmem:$0x1E100] =	vst v63  }
0x48: {  	_ =	swait.ge [sflag:s19], $0x4000  }
0x49: {  	[sflag:s19] =	ssyncset.done $0x0  }
0x4a: {  	s0 =	sadd.s32 $0x13A80, s0;
	[sflag:s19] =	ssyncadd.s32 $0xFFFFC000  }
0x4b: {  	[tilespmem:s24], [sflag:$0x2] =	stream.indirect.gather [hbm4b:s2+s21], $0x80, s0, s21, $0xb8;
	[tilespmem:$0x1E100] =	vst v63  }
0x4c: {  	_ =	swait.ge [sflag:s25], $0x4000  }
0x4d: {  	[sflag:s25] =	ssyncset.done $0x0  }
0x4e: {  	[sflag:s25] =	ssyncadd.s32 $0xFFFFC000  }
0x4f: {  	[spmem:s3] =	stream.indirect.scatter.add.f32 [tilespmem:s22], [sflag:$0x4], $0x80, s28, s21, $0xb8;
	[tilespmem:$0x1E100] =	vst v63  }
0x50: {  	_ =	swait.ge [sflag:s19], $0x4000  }
0x51: {  	[sflag:s19] =	ssyncset.done $0x0  }
0x52: {  	[sflag:s19] =	ssyncadd.s32 $0xFFFFC000  }
0x53: {  	_ =	swait.ge [sflag:s26], $0x4000  }
0x54: {  	[sflag:s26] =	ssyncset.done $0x0  }
0x55: {  	[sflag:s26] =	ssyncadd.s32 $0xFFFFC000  }
0x56: {  	[spmem:s3] =	stream.indirect.scatter.add.f32 [tilespmem:s24], [sflag:$0x4], $0x80, s29, s21, $0xb8;
	[tilespmem:$0x1E100] =	vst v63  }
0x57: {  	_ =	swait.ge [sflag:s19], $0x4000  }
0x58: {  	[sflag:s19] =	ssyncset.done $0x0  }
0x59: {  	s1 =	simm.s32 $0x0;
	[sflag:s19] =	ssyncadd.s32 $0xFFFFC000  }
0x5a: {  	[tilespmem:s18], [sflag:$0x4] =	stream.linear.gather [hbm4b:s9+s1], $0x1400, $0x38;
	[tilespmem:$0x1E100] =	vst v63  }
0x5b: {  	_ =	swait.ge [sflag:s19], $0x1400  }
0x5c: {  	[sflag:s19] =	ssyncset.done $0x0  }
0x5d: {  	[sflag:s19] =	ssyncadd.s32 $0xFFFFEC00  }
0x5e: {  	[tilespmem:s20], [sflag:$0x4] =	stream.linear.gather [hbm4b:s10+s1], $0x1400, $0x38;
	[tilespmem:$0x1E100] =	vst v63  }
0x5f: {  	_ =	swait.ge [sflag:s19], $0x1400  }
0x60: {  	[sflag:s19] =	ssyncset.done $0x0  }
0x61: {  	[sflag:s19] =	ssyncadd.s32 $0xFFFFEC00  }
0x62: {  	[tilespmem:s22], [sflag:$0x1] =	stream.indirect.gather [hbm4b:s2+s21], $0x80, s18, s21, $0xb8;
	[tilespmem:$0x1E100] =	vst v63  }
0x63: {  	_ = 	snop  }
0x64: {  	[tilespmem:s24], [sflag:$0x2] =	stream.indirect.gather [hbm4b:s2+s21], $0x80, s23, s21, $0xb8;
	[tilespmem:$0x1E100] =	vst v63  }
0x65: {  	_ =	swait.ge [sflag:s25], $0x4000  }
0x66: {  	[sflag:s25] =	ssyncset.done $0x0  }
0x67: {  	s1 =	simm.s32 $0x14D00;
	[sflag:s25] =	ssyncadd.s32 $0xFFFFC000  }
0x68: {  	[spmem:s3] =	stream.indirect.scatter.add.f32 [tilespmem:s22], [sflag:$0x4], $0x80, s1, s21, $0xb8;
	[tilespmem:$0x1E100] =	vst v63  }
0x69: {  	_ =	swait.ge [sflag:s19], $0x4000  }
0x6a: {  	[sflag:s19] =	ssyncset.done $0x0  }
0x6b: {  	s1 =	simm.s32 $0x13A00;
	[sflag:s19] =	ssyncadd.s32 $0xFFFFC000  }
0x6c: {  	[tilespmem:s22], [sflag:$0x1] =	stream.indirect.gather [hbm4b:s2+s21], $0x80, s1, s21, $0xb8;
	[tilespmem:$0x1E100] =	vst v63  }
0x6d: {  	_ =	swait.ge [sflag:s26], $0x4000  }
0x6e: {  	[sflag:s26] =	ssyncset.done $0x0  }
0x6f: {  	s1 =	simm.s32 $0x14D80;
	[sflag:s26] =	ssyncadd.s32 $0xFFFFC000  }
0x70: {  	[spmem:s3] =	stream.indirect.scatter.add.f32 [tilespmem:s24], [sflag:$0x4], $0x80, s1, s21, $0xb8;
	[tilespmem:$0x1E100] =	vst v63  }
0x71: {  	_ =	swait.ge [sflag:s19], $0x4000  }
0x72: {  	[sflag:s19] =	ssyncset.done $0x0  }
0x73: {  	s31 =	simm.s32 $0x400;
	s0 =	simm.s32 $0x13A80;
	[sflag:s19] =	ssyncadd.s32 $0xFFFFC000  }
.LBB2_4:
0x74: {  	[tilespmem:s24], [sflag:$0x2] =	stream.indirect.gather [hbm4b:s2+s21], $0x80, s0, s21, $0xb8;
	[tilespmem:$0x1E100] =	vst v63  }
0x75: {  	s0 =	smov.u32 s31  }
0x76: {  	p1 =	sne.s32 s31, $0x4800;
	s31 =	sadd.s32 $0x400, s31;
	_ =	swait.ge [sflag:s25], $0x4000  }
0x77: {  	s0 =	sshra.s32 s0, $0x2;
	[sflag:s25] =	ssyncset.done $0x0  }
0x78: {  	s1 =	sadd.s32 $0x14D00, s0;
	[sflag:s25] =	ssyncadd.s32 $0xFFFFC000  }
0x79: {  	[spmem:s3] =	stream.indirect.scatter.add.f32 [tilespmem:s22], [sflag:$0x4], $0x80, s1, s21, $0xb8;
	[tilespmem:$0x1E100] =	vst v63  }
0x7a: {  	_ =	swait.ge [sflag:s19], $0x4000  }
0x7b: {  	[sflag:s19] =	ssyncset.done $0x0  }
0x7c: {  	s1 =	sadd.s32 $0x13A00, s0;
	[sflag:s19] =	ssyncadd.s32 $0xFFFFC000  }
0x7d: {  	[tilespmem:s22], [sflag:$0x1] =	stream.indirect.gather [hbm4b:s2+s21], $0x80, s1, s21, $0xb8;
	[tilespmem:$0x1E100] =	vst v63  }
0x7e: {  	_ =	swait.ge [sflag:s26], $0x4000  }
0x7f: {  	[sflag:s26] =	ssyncset.done $0x0  }
.Ltmp1:
0x80: {  	s1 =	sadd.s32 $0x14D80, s0;
	[sflag:s26] =	ssyncadd.s32 $0xFFFFC000;
	(pc) =	sbr.rel @p1 .LBB2_4-.Ltmp1, $4  }
0x81: {  	[spmem:s3] =	stream.indirect.scatter.add.f32 [tilespmem:s24], [sflag:$0x4], $0x80, s1, s21, $0xb8;
	[tilespmem:$0x1E100] =	vst v63  }
0x82: {  	_ =	swait.ge [sflag:s19], $0x4000  }
0x83: {  	[sflag:s19] =	ssyncset.done $0x0  }
0x84: {  	s0 =	sadd.s32 $0x13A80, s0;
	[sflag:s19] =	ssyncadd.s32 $0xFFFFC000  }
0x85: {  	[tilespmem:s24], [sflag:$0x2] =	stream.indirect.gather [hbm4b:s2+s21], $0x80, s0, s21, $0xb8;
	[tilespmem:$0x1E100] =	vst v63  }
0x86: {  	_ =	swait.ge [sflag:s25], $0x4000  }
0x87: {  	[sflag:s25] =	ssyncset.done $0x0  }
0x88: {  	[sflag:s25] =	ssyncadd.s32 $0xFFFFC000  }
0x89: {  	[spmem:s3] =	stream.indirect.scatter.add.f32 [tilespmem:s22], [sflag:$0x4], $0x80, s28, s21, $0xb8;
	[tilespmem:$0x1E100] =	vst v63  }
0x8a: {  	_ =	swait.ge [sflag:s19], $0x4000  }
0x8b: {  	[sflag:s19] =	ssyncset.done $0x0  }
0x8c: {  	[sflag:s19] =	ssyncadd.s32 $0xFFFFC000  }
0x8d: {  	_ =	swait.ge [sflag:s26], $0x4000  }
0x8e: {  	[sflag:s26] =	ssyncset.done $0x0  }
0x8f: {  	[sflag:s26] =	ssyncadd.s32 $0xFFFFC000  }
0x90: {  	[spmem:s3] =	stream.indirect.scatter.add.f32 [tilespmem:s24], [sflag:$0x4], $0x80, s29, s21, $0xb8;
	[tilespmem:$0x1E100] =	vst v63  }
0x91: {  	_ =	swait.ge [sflag:s19], $0x4000  }
0x92: {  	[sflag:s19] =	ssyncset.done $0x0  }
0x93: {  	[sflag:s19] =	ssyncadd.s32 $0xFFFFC000  }
0x94: {  	s0 =	simm.s32 @p0 $0x1FC4;
	[bflag:$0x0] =	sbarrier.arrive $0xFFFF  }
0x95: {  	[hbm:s12], [sflag:s0] =	dma.local @p0 [spmem:s15], $0x1900  }
0x96: {  	s0 =	simm.s32 @p0 $0x4  }
0x97: {  	_ =	swait.ge @p0 [sflag:s0], $0x1900  }
0x98: {  	s30 =	sadd.s32 $0x1, s30;
	[sflag:s0] =	ssyncset.done @p0 $0x0  }
0x99: {  	p1 =	sne.s32 s30, s13;
	[sflag:s0] =	ssyncadd.s32 @p0 $0xFFFFE700;
	s0 =	sor.u32 @!p0 $0x1C04, s14  }
0x9a: {  	[hbm:s11], [sflag:s0] =	dma.local @!p0 [spmem:s17], $0x2800  }
.Ltmp2:
0x9b: {  	_ = 	snop;
	(pc) =	sbr.rel @p1 .LBB2_1-.Ltmp2, $4  }
0x9c: {  	s0 =	simm.s32 @!p0 $0x4  }
0x9d: {  	_ =	swait.ge @!p0 [sflag:s0], $0x2800  }
0x9e: {  	[sflag:s0] =	ssyncset.done @!p0 $0x0  }
0x9f: {  	[sflag:s0] =	ssyncadd.s32 @!p0 $0xFFFFD800  }
0xa0: {  	_ =	sfence.sel $0x180000  }
0xa1: {  	[bflag:$0x0] =	sbarrier.arrive $0xFFFF  }
0xa2: {  	_ =	strace $0x90000050  }
0xa3: {  	s0 =	stileid.u32;
	[bflag:$0x2] =	sbarrier.arrive $0xFFFF  }
0xa4: {  	p0 =	sne.s32 s0, $0x0;
	s0 =	rddreg [dreg:$0x3]  }
0xa5: {  	s0 =	sadd.s32 @!p0 $0x100000, s0  }
0xa6: {  	[sflag:s0] =	ssyncadd.tile.s32 @!p0 $0x1;
	_ =	shalt  }
.Lfunc_end2:
_tile_overlayer_lowered:
.L_overlay_start_2:
0xa7: {  	(tag) =	ssettag $0x2  }
0xa8: {  	s0 =	rddreg [dreg:$0x0];
	s2 =	stileid.u32  }
0xa9: {  	s1 =	rddreg [dreg:$0x1];
	p0 =	sne.s32 s2, $0x0  }
0xaa: {  	s3 =	rddreg [dreg:$0x2];
	[bflag:$0x3] =	sbarrier.arrive $0xFFFF;
	s2 =	simm.s32 @!p0 $0x1C04  }
0xab: {  	[timem:s3], [sflag:s2] =	dma.local @!p0 [hbm:s0], s1  }
0xac: {  	s0 =	simm.s32 @!p0 $0x4  }
0xad: {  	_ =	swait.ge @!p0 [sflag:s0], s1  }
0xae: {  	s1 =	ssub.s32 @!p0 $0x0, s1;
	[sflag:s0] =	ssyncset.done @!p0 $0x0  }
0xaf: {  	[sflag:s0] =	ssyncadd.s32 @!p0 s1  }
0xb0: {  	[bflag:$0x3] =	sbarrier.arrive $0xFFFF  }
0xb1: {  	_ =	shalt  }

// kernel: sage_sc_agg.5.cloned.1.call-start
scs
__scs_entry_jumppad:
0x0: {  	(pc) =	sbr.rel $0x88, $3  }
0x1: {  	(tag) =	ssettag $0x0;
	lr =	simm.s32 $0x1  }
0x2: {  	[smem:$0x3F96] =	sst lr;
	_ =	strace $0xD0000000  }
0x3: {  	_ = 	snop  }
0x4: {  	_ = 	snop  }
0x5: {  	_ = 	snop  }
0x6: {  	_ = 	snop  }
0x7: {  	_ = 	snop  }
__scs_overlays_trampoline_lowered:
0x8: {  	[smem:$0x3FA5] =	sst s0  }
0x9: {  	[smem:$0x3FA6] =	sst s1  }
0xa: {  	[smem:$0x3FA7] =	sst s2  }
0xb: {  	[smem:$0x3FA8] =	sst s3  }
0xc: {  	[smem:$0x3FA9] =	sst s4  }
0xd: {  	[smem:$0x3FAA] =	sst s5  }
0xe: {  	[smem:$0x3FAB] =	sst s6  }
0xf: {  	[smem:$0x3FAC] =	sst s7  }
0x10: {  	[smem:$0x3FAD] =	sst s8  }
0x11: {  	[smem:$0x3FAE] =	sst s9;
	s0 =	simm.s32 @!p0 $0x0  }
0x12: {  	s1 =	sld [smem:$0x3F94];
	s0 =	simm.s32 @p0 $0x1  }
0x13: {  	[smem:$0x3FAF] =	sst s0;
	s0 =	simm.s32 @!p1 $0x0  }
0x14: {  	s2 =	sld [smem:$0x3F93];
	s0 =	simm.s32 @p1 $0x1  }
0x15: {  	[smem:$0x3FB0] =	sst s0;
	s0 =	simm.s32 @!p2 $0x0  }
0x16: {  	s3 =	sld [smem:$0x3FDB];
	s0 =	simm.s32 @p2 $0x1  }
0x17: {  	s4 =	simm.s32 $0x1BF5;
	[smem:$0x3FB2] =	sst s0  }
0x18: {  	s0 =	sld [smem:$0x3F95];
	_ =	swait.ge [sflag:s4], $0x0  }
0x19: {  	s7 =	sld [smem:$0x3F96]  }
0x1a: {  	s8 =	sadd.s32 $0xFFFFE003, lr  }
0x1b: {  	s9 =	sadd.s32 $0xFFFFFEF7, lr;
	s5 =	simm.s32 $0xFFFFFFFF;
	p2 =	slt.u32 s8, $0xFFFFF086  }
0x1c: {  	p1 =	slt.u32 s9, $0xF7A;
	s5 =	simm.s32 @!p2 $0x0  }
0x1d: {  	s5 =	simm.s32 @p1 $0x1;
	p0 =	seq.s32 s7, s2  }
0x1e: {  	s7 =	smul.u32 @!p0 $0xF7A, s2;
	p2 =	seq.s32 @!p0 s5, $0x0  }
0x1f: {  	s9 =	smul.u32 $0xF7A, s1;
	s8 =	simm.s32 @!p0 $0x1BF5;
	p2 =	por !p2, p0  }
0x20: {  	[sflag:s8] =	ssyncset.s32 @!p0 $0xFFFFF086;
	s6 =	sadd.s32 @!p0 s3, s7;
	s7 =	simm.s32 @!p0 $0x108  }
0x21: {  	s3 =	sadd.s32 s3, s9;
	s6 =	sadd.s32 @!p0 $0x88, s6;
	s7 =	simm.s32 @p2 $0x1082  }
0x22: {  	[simem:s7], [sflag:s8] =	dma.local @!p0 [hbm:s6], $0xF7A  }
0x23: {  	s9 =	sor.u32 $0xD0000000, s2;
	s6 =	simm.s32 $0x108;
	_ =	swait.ge @!p0 [sflag:s8], $0x0  }
0x24: {  	s3 =	sadd.s32 $0x88, s3;
	s6 =	simm.s32 @!p1 $0x1082;
	[sflag:s4] =	ssyncset.s32 $0xFFFFF086  }
0x25: {  	[simem:s6], [sflag:s4] =	dma.local [hbm:s3], $0xF7A  }
0x26: {  	[smem:$0x3F96] =	sst s1;
	(tag) =	ssettag s2;
	_ =	strace s9  }
0x27: {  	s1 =	sld [smem:$0x3FA6]  }
0x28: {  	s2 =	sld [smem:$0x3FA7]  }
0x29: {  	s4 =	sld [smem:$0x3FA9]  }
0x2a: {  	p0 =	seq.s32 s5, $0x0;
	s5 =	sld [smem:$0x3FAA]  }
0x2b: {  	s6 =	sld [smem:$0x3FAB]  }
0x2c: {  	s7 =	sld [smem:$0x3FAC]  }
0x2d: {  	s3 =	simm.s32 $0x108;
	s8 =	sld [smem:$0x3FAD]  }
0x2e: {  	s3 =	simm.s32 @!p0 $0x1082;
	s9 =	sld [smem:$0x3FAE]  }
0x2f: {  	lr =	sadd.s32 s0, s3;
	s0 =	sld [smem:$0x3FA5]  }
0x30: {  	s3 =	sld [smem:$0x3FA8]  }
0x31: {  	[smem:$0x3FB1] =	sst s10  }
0x32: {  	s10 =	sld [smem:$0x3FAF];
	_ =	sdelay $0x3  }
0x33: {  	p0 =	seq.s32 s10, $0x1;
	s10 =	sld [smem:$0x3FB1];
	_ =	sdelay $0x3  }
0x34: {  	[smem:$0x3FB1] =	sst s10  }
0x35: {  	s10 =	sld [smem:$0x3FB0];
	_ =	sdelay $0x3  }
0x36: {  	p1 =	seq.s32 s10, $0x1;
	s10 =	sld [smem:$0x3FB1];
	_ =	sdelay $0x3  }
0x37: {  	[smem:$0x3FB1] =	sst s10  }
0x38: {  	s10 =	sld [smem:$0x3FB2]  }
0x39: {  	_ = 	snop;
	(pc) =	sbr.ind lr, $3  }
0x3a: {  	_ = 	snop  }
0x3b: {  	_ = 	snop  }
0x3c: {  	p2 =	seq.s32 s10, $0x1;
	s10 =	sld [smem:$0x3FB1]  }
0x3d: {  	_ =	shalt  }
0x3e: {  	_ =	shalt  }
0x3f: {  	_ =	shalt  }
0x40: {  	_ =	shalt  }
0x41: {  	_ =	shalt  }
0x42: {  	_ =	shalt  }
0x43: {  	_ =	shalt  }
0x44: {  	_ =	shalt  }
0x45: {  	_ =	shalt  }
0x46: {  	_ =	shalt  }
0x47: {  	_ =	shalt  }
0x48: {  	_ =	shalt  }
0x49: {  	_ =	shalt  }
0x4a: {  	_ =	shalt  }
0x4b: {  	_ =	shalt  }
0x4c: {  	_ =	shalt  }
0x4d: {  	_ =	shalt  }
0x4e: {  	_ =	shalt  }
0x4f: {  	_ =	shalt  }
0x50: {  	_ =	shalt  }
0x51: {  	_ =	shalt  }
0x52: {  	_ =	shalt  }
0x53: {  	_ =	shalt  }
0x54: {  	_ =	shalt  }
0x55: {  	_ =	shalt  }
0x56: {  	_ =	shalt  }
0x57: {  	_ =	shalt  }
0x58: {  	_ =	shalt  }
0x59: {  	_ =	shalt  }
0x5a: {  	_ =	shalt  }
0x5b: {  	_ =	shalt  }
0x5c: {  	_ =	shalt  }
0x5d: {  	_ =	shalt  }
0x5e: {  	_ =	shalt  }
0x5f: {  	_ =	shalt  }
0x60: {  	_ =	shalt  }
0x61: {  	_ =	shalt  }
0x62: {  	_ =	shalt  }
0x63: {  	_ =	shalt  }
0x64: {  	_ =	shalt  }
0x65: {  	_ =	shalt  }
0x66: {  	_ =	shalt  }
0x67: {  	_ =	shalt  }
0x68: {  	_ =	shalt  }
0x69: {  	_ =	shalt  }
0x6a: {  	_ =	shalt  }
0x6b: {  	_ =	shalt  }
0x6c: {  	_ =	shalt  }
0x6d: {  	_ =	shalt  }
0x6e: {  	_ =	shalt  }
0x6f: {  	_ =	shalt  }
0x70: {  	_ =	shalt  }
0x71: {  	_ =	shalt  }
0x72: {  	_ =	shalt  }
0x73: {  	_ =	shalt  }
0x74: {  	_ =	shalt  }
0x75: {  	_ =	shalt  }
0x76: {  	_ =	shalt  }
0x77: {  	_ =	shalt  }
0x78: {  	_ =	shalt  }
0x79: {  	_ =	shalt  }
0x7a: {  	_ =	shalt  }
0x7b: {  	_ =	shalt  }
0x7c: {  	_ =	shalt  }
0x7d: {  	_ =	shalt  }
0x7e: {  	_ =	shalt  }
0x7f: {  	_ =	shalt  }
0x80: {  	_ =	shalt  }
0x81: {  	_ =	shalt  }
0x82: {  	_ =	shalt  }
0x83: {  	_ =	shalt  }
0x84: {  	_ =	shalt  }
0x85: {  	_ =	shalt  }
0x86: {  	_ =	shalt  }
0x87: {  	_ =	shalt  }
.Lfunc_end0:
.L_simem_size_0:
called_computation.1_lowered:
.L_overlay_start_0:
0x88: {  	s2 =	sld [smem:$0x3FD9]  }
0x89: {  	s3 =	sld [smem:$0x3FFE];
	_ =	sdelay $0x1  }
0x8a: {  	s1 =	srdreg.scid  }
0x8b: {  	s0 =	sand.u32 $0x1, s1  }
0x8c: {  	s17 =	sshll.u32 s0, $0xA;
	s2 =	sadd.s32 s3, s2  }
0x8d: {  	s2 =	sadd.s32 s2, s17  }
0x8e: {  	[smem:$0x3FBD] =	sst s2  }
0x8f: {  	_ = 	snop  }
0x90: {  	s18 =	sld [smem:$0x3FC9];
	(tm) =	ssettm $0x1  }
0x91: {  	s19 =	sld [smem:$0x3FFB];
	_ =	sdelay $0x3  }
0x92: {  	_ =	strace s19  }
0x93: {  	s2 =	sld [smem:$0x3FFC];
	_ =	sdelay $0x3  }
0x94: {  	_ =	strace s2  }
0x95: {  	s2 =	sld [smem:$0x3FFD];
	_ =	sdelay $0x3  }
0x96: {  	_ =	strace s2  }
0x97: {  	_ =	strace $0x8FFFFFFF  }
0x98: {  	s20 =	sld [smem:$0x3FDB];
	_ =	sdelay $0x1  }
0x99: {  	s4 =	simm.s32 $_scs_section_size  }
0x9a: {  	s5 =	simm.s32 $_size__tile_overlayer_lowered;
	s6 =	simm.s32 $_tile_overlayer_lowered  }
0x9b: {  	s7 =	simm.s32 $0x1BFF;
	s21 =	sshll.u32 s6, $0x1;
	s4 =	sadd.s32 s4, s20  }
0x9c: {  	s22 =	simm.s32 $0x0;
	s5 =	sshll.u32 s5, $0x1;
	s6 =	sadd.s32 s21, s4  }
0x9d: {  	[timem:s22], [sflag:s7] =	dma.local [hbm:s6], s5  }
0x9e: {  	_ =	swait.ge [sflag:s7], s5  }
0x9f: {  	s5 =	ssub.s32 $0x0, s5;
	[sflag:s7] =	ssyncset.done $0x0  }
0xa0: {  	[sflag:s7] =	ssyncadd.s32 s5;
	_ =	sdelay $0x1  }
0xa1: {  	s23 =	simm.s32 $0x1B8B  }
0xa2: {  	_ =	swait.ge [sflag:s23], $0x1  }
0xa3: {  	[sflag:s23] =	ssyncset.done $0x0  }
0xa4: {  	[sflag:s23] =	ssyncadd.s32 $0xFFFFFFFF  }
0xa5: {  	s5 =	sld [smem:$0x0]  }
0xa6: {  	s6 =	sand.u32 $0xFFFFFFFE, s1  }
0xa7: {  	p0 =	sne.s32 s1, s6  }
0xa8: {  	s6 =	sshll.u32 @p0 s6, $0xE  }
0xa9: {  	s6 =	sadd.s32 @p0 $0x11B8D, s6;
	s7 =	sshll.u32 @p0 s5, $0x11  }
0xaa: {  	s6 =	sor.u32 @p0 s7, s6  }
0xab: {  	[sflag:s6] =	ssyncadd.remote.s32 @p0 $0x1;
	_ =	sdelay $0x1  }
0xac: {  	s6 =	simm.s32 @p0 $0x1B8D  }
0xad: {  	_ =	swait.eq @p0 [sflag:s6], $0x1  }
0xae: {  	[sflag:s6] =	ssyncadd.s32 @p0 $0xFFFFFFFF  }
0xaf: {  	s7 =	sshll.u32 @!p0 s1, $0xE  }
0xb0: {  	s7 =	sor.u32 @!p0 $0x4000, s7;
	s6 =	simm.s32 @!p0 $0x1B8D  }
0xb1: {  	s5 =	sshll.u32 @!p0 s5, $0x11;
	s7 =	sadd.s32 @!p0 $0x11B8D, s7;
	_ =	swait.eq @!p0 [sflag:s6], $0x1  }
0xb2: {  	s5 =	sor.u32 @!p0 s5, s7;
	[sflag:s6] =	ssyncadd.s32 @!p0 $0xFFFFFFFF  }
0xb3: {  	s25 =	simm.s32 $0x1B8E;
	s24 =	sld [smem:$0x3FFE];
	[sflag:s5] =	ssyncadd.remote.s32 @!p0 $0x1  }
0xb4: {  	s26 =	simm.s32 $execute0_lowered;
	[smem:$0x3FD2] =	sst s25  }
0xb5: {  	s6 =	sshll.u32 s26, $0x1;
	_ =	strace $0x80000049;
	[dreg:$0x1] =	wrdreg $0xFFFFFFFF  }
0xb6: {  	s28 =	simm.s32 $_size_execute0_lowered;
	s4 =	sadd.s32 s4, s6;
	[dreg:$0x0] =	wrdreg $0x0  }
0xb7: {  	s6 =	sshll.u32 s28, $0x1;
	[dreg:$0x2] =	wrdreg s4  }
0xb8: {  	[dreg:$0x3] =	wrdreg s6  }
0xb9: {  	[dreg:$0x4] =	wrdreg $0xC0  }
0xba: {  	_ =	task [dreg:s22], $0x5FFFF  }
0xbb: {  	[dreg:$0x1] =	wrdreg $0xFFFFFFFF  }
0xbc: {  	[dreg:$0x0] =	wrdreg $0x60  }
0xbd: {  	[dreg:$0x2] =	wrdreg s18  }
0xbe: {  	[dreg:$0x3] =	wrdreg s24  }
0xbf: {  	[dreg:$0x4] =	wrdreg $0x0  }
0xc0: {  	[dreg:$0x5] =	wrdreg $0xA  }
0xc1: {  	_ =	task.clear_ibuf [dreg:s22], $0x6FFFF;
	_ =	strace $0x90000049  }
0xc2: {  	s29 =	simm.s32 $0xA;
	_ =	strace $0x8000004B  }
0xc3: {  	_ =	swait.ge [sflag:s29], $0x1  }
0xc4: {  	[sflag:s29] =	ssyncadd.s32 $0xFFFFFFFF  }
0xc5: {  	_ =	strace $0x9000004B  }
0xc6: {  	_ =	sfence  }
0xc7: {  	s30 =	sld [smem:$0x0];
	_ =	sdelay $0x2  }
0xc8: {  	s31 =	sshll.u32 s1, $0xD;
	s1 =	sshrl.u32 s1, $0x2  }
0xc9: {  	s4 =	sand.u32 $0x4000, s31;
	s1 =	sadd.s32 s1, s30  }
0xca: {  	s0 =	sor.u32 s4, s0;
	s1 =	sshll.u32 s1, $0x11  }
0xcb: {  	s0 =	sor.u32 s1, s0  }
0xcc: {  	s0 =	sadd.s32 $0x8F2B, s0  }
0xcd: {  	[sflag:s0] =	ssyncadd.remote.s32 $0x1  }
0xce: {  	_ =	sfence.sel $0xFFFF  }
0xcf: {  	[dreg:$0x0] =	wrdreg $0xFFFFFFFF;
	(pc) =	sbr.abs _section_cstart, $3  }
0xd0: {  	[dreg:$0x1] =	wrdreg $0xFFFFFFFF  }
0xd1: {  	_ =	task.clear_ibuf [dreg:s22], $0x2FFFF;
	_ =	strace $0x9FFFFFFF  }
0xd2: {  	(tm) =	ssettm $0x7FFFFFFF  }
0xd3: {  	_ =	shalt  }
tec
execute0_lowered:
.L_overlay_start_1:
0x0: {  	(tag) =	ssettag $0x1  }
0x1: {  	s2 =	rddreg [dreg:$0x0]  }
0x2: {  	s0 =	rddreg [dreg:$0x1]  }
0x3: {  	s3 =	rddreg [dreg:$0x2];
	s1 =	stileid.u32  }
0x4: {  	s4 =	simm.s32 $0x0;
	s6 =	srdreg.scid;
	s18 =	simm.s32 $0x13900  }
0x5: {  	s19 =	simm.s32 $0x4;
	s20 =	simm.s32 $0x14D00;
	s21 =	simm.s32 $0x80  }
0x6: {  	s28 =	simm.s32 $0x16000;
	s29 =	simm.s32 $0x16080;
	s30 =	simm.s32 $0x0  }
0x7: {  	s5 =	smul.u32 $0x2800, s1;
	[smem:$0x7FF] =	sst s4;
	s9 =	sadd.s32 $0x82800, s0  }
0x8: {  	s10 =	sadd.s32 $0x3400, s0;
	s6 =	sand.u32 $0x1, s6;
	s11 =	smul.u32 $0x50000, s1  }
0x9: {  	s12 =	sadd.s32 $0x8C800, s0;
	s15 =	sadd.s32 $0x12C000, s3;
	s14 =	smul.u32 $0x14000, s1  }
0xa: {  	p0 =	seq.s32 s1, $0xF;
	_ =	strace $0x8000004A;
	s7 =	ssub.s32 $0x2, s6  }
0xb: {  	s8 =	sshll.u32 s6, $0x4;
	s23 =	smul.u32 $0x138800, s6;
	s6 =	sadd.s32 $0x32C00, s0  }
0xc: {  	s15 =	sshrl.u32 @p0 s15, $0x3;
	s5 =	sadd.s32 s5, s0;
	s13 =	sshrl.u32 s7, $0x1  }
0xd: {  	s8 =	sor.u32 s1, s8;
	s22 =	sshrl.u32 s11, $0x2;
	s13 =	ssub.s32 s7, s13  }
0xe: {  	s8 =	smul.u32 $0x2800, s8;
	s17 =	sadd.s32 s22, s3;
	s5 =	sadd.s32 $0xD400, s5  }
0xf: {  	s14 =	sadd.s32 s14, s23;
	s26 =	sshrl.u32 s23, $0x3;
	s22 =	simm.s32 $0x16100  }
0x10: {  	s23 =	simm.s32 $0x13980;
	s25 =	sshrl.u32 s14, $0x3;
	s31 =	sadd.s32 s12, s26  }
0x11: {  	s13 =	smax.u32 s13, $0x1;
	s14 =	sshll.u32 @!p0 s1, $0x6;
	s17 =	sshrl.u32 @!p0 s17, $0x3  }
0x12: {  	s26 =	simm.s32 $0x2;
	s8 =	sshrl.u32 s8, $0x3;
	s11 =	sadd.s32 s12, s25  }
0x13: {  	s12 =	sadd.s32 $0x25800, s31;
	s16 =	sor.u32 @!p0 $0x1C03, s14;
	s25 =	simm.s32 $0x1  }
0x14: {  	s7 =	sadd.s32 s9, s8;
	s24 =	sadd.s32 $0x280, s8;
	s8 =	sadd.s32 s10, s8  }
0x15: {  	s9 =	sadd.s32 s9, s24;
	s10 =	sadd.s32 s10, s24;
	s24 =	simm.s32 $0x1A100  }
.LBB2_1:
0x16: {  	s0 =	simm.s32 @p0 $0x1FC3  }
0x17: {  	[spmem:s15], [sflag:s0] =	dma.local @p0 [hbm:s6], $0x1A00  }
0x18: {  	[spmem:s17], [sflag:s16] =	dma.local @!p0 [hbm:s5], $0x2800  }
0x19: {  	[tilespmem:s18], [sflag:$0x4] =	stream.linear.gather [hbm4b:s7+s4], $0x1400, $0x38;
	[tilespmem:$0x1E100] =	vst v63  }
0x1a: {  	_ =	swait.ge [sflag:s19], $0x1400  }
0x1b: {  	[sflag:s19] =	ssyncset.done $0x0  }
0x1c: {  	[sflag:s19] =	ssyncadd.s32 $0xFFFFEC00  }
0x1d: {  	[tilespmem:s20], [sflag:$0x4] =	stream.linear.gather [hbm4b:s8+s4], $0x1400, $0x38;
	[tilespmem:$0x1E100] =	vst v63  }
0x1e: {  	_ =	swait.ge [sflag:s19], $0x1400  }
0x1f: {  	[sflag:s19] =	ssyncset.done $0x0  }
0x20: {  	s0 =	simm.s32 @p0 $0x3;
	[sflag:s19] =	ssyncadd.s32 $0xFFFFEC00  }
0x21: {  	_ =	swait.ge @p0 [sflag:s0], $0x1A00  }
0x22: {  	[sflag:s0] =	ssyncset.done @p0 $0x0  }
0x23: {  	[sflag:s0] =	ssyncadd.s32 @p0 $0xFFFFE600;
	s0 =	simm.s32 @!p0 $0x3  }
0x24: {  	_ =	swait.ge @!p0 [sflag:s0], $0x2800  }
0x25: {  	[sflag:s0] =	ssyncset.done @!p0 $0x0  }
0x26: {  	[sflag:s0] =	ssyncadd.s32 @!p0 $0xFFFFD800  }
0x27: {  	[bflag:$0x0] =	sbarrier.arrive $0xFFFF  }
0x28: {  	[tilespmem:s22], [sflag:$0x1] =	stream.indirect.gather [hbm4b:s2+s21], $0x80, s18, s21, $0xb8;
	[tilespmem:$0x1E100] =	vst v63  }
0x29: {  	_ = 	snop  }
0x2a: {  	[tilespmem:s24], [sflag:$0x2] =	stream.indirect.gather [hbm4b:s2+s21], $0x80, s23, s21, $0xb8;
	[tilespmem:$0x1E100] =	vst v63  }
0x2b: {  	_ =	swait.ge [sflag:s25], $0x4000  }
0x2c: {  	[sflag:s25] =	ssyncset.done $0x0  }
0x2d: {  	s1 =	simm.s32 $0x14D00;
	[sflag:s25] =	ssyncadd.s32 $0xFFFFC000  }
0x2e: {  	[spmem:s3] =	stream.indirect.scatter.add.f32 [tilespmem:s22], [sflag:$0x4], $0x80, s1, s21, $0xb8;
	[tilespmem:$0x1E100] =	vst v63  }
0x2f: {  	_ =	swait.ge [sflag:s19], $0x4000  }
0x30: {  	[sflag:s19] =	ssyncset.done $0x0  }
0x31: {  	s1 =	simm.s32 $0x13A00;
	[sflag:s19] =	ssyncadd.s32 $0xFFFFC000  }
0x32: {  	[tilespmem:s22], [sflag:$0x1] =	stream.indirect.gather [hbm4b:s2+s21], $0x80, s1, s21, $0xb8;
	[tilespmem:$0x1E100] =	vst v63  }
0x33: {  	_ =	swait.ge [sflag:s26], $0x4000  }
0x34: {  	[sflag:s26] =	ssyncset.done $0x0  }
0x35: {  	s1 =	simm.s32 $0x14D80;
	[sflag:s26] =	ssyncadd.s32 $0xFFFFC000  }
0x36: {  	[spmem:s3] =	stream.indirect.scatter.add.f32 [tilespmem:s24], [sflag:$0x4], $0x80, s1, s21, $0xb8;
	[tilespmem:$0x1E100] =	vst v63  }
0x37: {  	_ =	swait.ge [sflag:s19], $0x4000  }
0x38: {  	[sflag:s19] =	ssyncset.done $0x0  }
0x39: {  	s31 =	simm.s32 $0x400;
	s0 =	simm.s32 $0x13A80;
	[sflag:s19] =	ssyncadd.s32 $0xFFFFC000  }
.LBB2_2:
0x3a: {  	[tilespmem:s24], [sflag:$0x2] =	stream.indirect.gather [hbm4b:s2+s21], $0x80, s0, s21, $0xb8;
	[tilespmem:$0x1E100] =	vst v63  }
0x3b: {  	s0 =	smov.u32 s31  }
0x3c: {  	p1 =	sne.s32 s31, $0x4800;
	s31 =	sadd.s32 $0x400, s31;
	_ =	swait.ge [sflag:s25], $0x4000  }
0x3d: {  	s0 =	sshra.s32 s0, $0x2;
	[sflag:s25] =	ssyncset.done $0x0  }
0x3e: {  	s1 =	sadd.s32 $0x14D00, s0;
	[sflag:s25] =	ssyncadd.s32 $0xFFFFC000  }
0x3f: {  	[spmem:s3] =	stream.indirect.scatter.add.f32 [tilespmem:s22], [sflag:$0x4], $0x80, s1, s21, $0xb8;
	[tilespmem:$0x1E100] =	vst v63  }
0x40: {  	_ =	swait.ge [sflag:s19], $0x4000  }
0x41: {  	[sflag:s19] =	ssyncset.done $0x0  }
0x42: {  	s1 =	sadd.s32 $0x13A00, s0;
	[sflag:s19] =	ssyncadd.s32 $0xFFFFC000  }
0x43: {  	[tilespmem:s22], [sflag:$0x1] =	stream.indirect.gather [hbm4b:s2+s21], $0x80, s1, s21, $0xb8;
	[tilespmem:$0x1E100] =	vst v63  }
0x44: {  	_ =	swait.ge [sflag:s26], $0x4000  }
0x45: {  	[sflag:s26] =	ssyncset.done $0x0  }
.Ltmp0:
0x46: {  	s1 =	sadd.s32 $0x14D80, s0;
	[sflag:s26] =	ssyncadd.s32 $0xFFFFC000;
	(pc) =	sbr.rel @p1 .LBB2_2-.Ltmp0, $4  }
0x47: {  	[spmem:s3] =	stream.indirect.scatter.add.f32 [tilespmem:s24], [sflag:$0x4], $0x80, s1, s21, $0xb8;
	[tilespmem:$0x1E100] =	vst v63  }
0x48: {  	_ =	swait.ge [sflag:s19], $0x4000  }
0x49: {  	[sflag:s19] =	ssyncset.done $0x0  }
0x4a: {  	s0 =	sadd.s32 $0x13A80, s0;
	[sflag:s19] =	ssyncadd.s32 $0xFFFFC000  }
0x4b: {  	[tilespmem:s24], [sflag:$0x2] =	stream.indirect.gather [hbm4b:s2+s21], $0x80, s0, s21, $0xb8;
	[tilespmem:$0x1E100] =	vst v63  }
0x4c: {  	_ =	swait.ge [sflag:s25], $0x4000  }
0x4d: {  	[sflag:s25] =	ssyncset.done $0x0  }
0x4e: {  	[sflag:s25] =	ssyncadd.s32 $0xFFFFC000  }
0x4f: {  	[spmem:s3] =	stream.indirect.scatter.add.f32 [tilespmem:s22], [sflag:$0x4], $0x80, s28, s21, $0xb8;
	[tilespmem:$0x1E100] =	vst v63  }
0x50: {  	_ =	swait.ge [sflag:s19], $0x4000  }
0x51: {  	[sflag:s19] =	ssyncset.done $0x0  }
0x52: {  	[sflag:s19] =	ssyncadd.s32 $0xFFFFC000  }
0x53: {  	_ =	swait.ge [sflag:s26], $0x4000  }
0x54: {  	[sflag:s26] =	ssyncset.done $0x0  }
0x55: {  	[sflag:s26] =	ssyncadd.s32 $0xFFFFC000  }
0x56: {  	[spmem:s3] =	stream.indirect.scatter.add.f32 [tilespmem:s24], [sflag:$0x4], $0x80, s29, s21, $0xb8;
	[tilespmem:$0x1E100] =	vst v63  }
0x57: {  	_ =	swait.ge [sflag:s19], $0x4000  }
0x58: {  	[sflag:s19] =	ssyncset.done $0x0  }
0x59: {  	s1 =	simm.s32 $0x0;
	[sflag:s19] =	ssyncadd.s32 $0xFFFFC000  }
0x5a: {  	[tilespmem:s18], [sflag:$0x4] =	stream.linear.gather [hbm4b:s9+s1], $0x1400, $0x38;
	[tilespmem:$0x1E100] =	vst v63  }
0x5b: {  	_ =	swait.ge [sflag:s19], $0x1400  }
0x5c: {  	[sflag:s19] =	ssyncset.done $0x0  }
0x5d: {  	[sflag:s19] =	ssyncadd.s32 $0xFFFFEC00  }
0x5e: {  	[tilespmem:s20], [sflag:$0x4] =	stream.linear.gather [hbm4b:s10+s1], $0x1400, $0x38;
	[tilespmem:$0x1E100] =	vst v63  }
0x5f: {  	_ =	swait.ge [sflag:s19], $0x1400  }
0x60: {  	[sflag:s19] =	ssyncset.done $0x0  }
0x61: {  	[sflag:s19] =	ssyncadd.s32 $0xFFFFEC00  }
0x62: {  	[tilespmem:s22], [sflag:$0x1] =	stream.indirect.gather [hbm4b:s2+s21], $0x80, s18, s21, $0xb8;
	[tilespmem:$0x1E100] =	vst v63  }
0x63: {  	_ = 	snop  }
0x64: {  	[tilespmem:s24], [sflag:$0x2] =	stream.indirect.gather [hbm4b:s2+s21], $0x80, s23, s21, $0xb8;
	[tilespmem:$0x1E100] =	vst v63  }
0x65: {  	_ =	swait.ge [sflag:s25], $0x4000  }
0x66: {  	[sflag:s25] =	ssyncset.done $0x0  }
0x67: {  	s1 =	simm.s32 $0x14D00;
	[sflag:s25] =	ssyncadd.s32 $0xFFFFC000  }
0x68: {  	[spmem:s3] =	stream.indirect.scatter.add.f32 [tilespmem:s22], [sflag:$0x4], $0x80, s1, s21, $0xb8;
	[tilespmem:$0x1E100] =	vst v63  }
0x69: {  	_ =	swait.ge [sflag:s19], $0x4000  }
0x6a: {  	[sflag:s19] =	ssyncset.done $0x0  }
0x6b: {  	s1 =	simm.s32 $0x13A00;
	[sflag:s19] =	ssyncadd.s32 $0xFFFFC000  }
0x6c: {  	[tilespmem:s22], [sflag:$0x1] =	stream.indirect.gather [hbm4b:s2+s21], $0x80, s1, s21, $0xb8;
	[tilespmem:$0x1E100] =	vst v63  }
0x6d: {  	_ =	swait.ge [sflag:s26], $0x4000  }
0x6e: {  	[sflag:s26] =	ssyncset.done $0x0  }
0x6f: {  	s1 =	simm.s32 $0x14D80;
	[sflag:s26] =	ssyncadd.s32 $0xFFFFC000  }
0x70: {  	[spmem:s3] =	stream.indirect.scatter.add.f32 [tilespmem:s24], [sflag:$0x4], $0x80, s1, s21, $0xb8;
	[tilespmem:$0x1E100] =	vst v63  }
0x71: {  	_ =	swait.ge [sflag:s19], $0x4000  }
0x72: {  	[sflag:s19] =	ssyncset.done $0x0  }
0x73: {  	s31 =	simm.s32 $0x400;
	s0 =	simm.s32 $0x13A80;
	[sflag:s19] =	ssyncadd.s32 $0xFFFFC000  }
.LBB2_4:
0x74: {  	[tilespmem:s24], [sflag:$0x2] =	stream.indirect.gather [hbm4b:s2+s21], $0x80, s0, s21, $0xb8;
	[tilespmem:$0x1E100] =	vst v63  }
0x75: {  	s0 =	smov.u32 s31  }
0x76: {  	p1 =	sne.s32 s31, $0x4800;
	s31 =	sadd.s32 $0x400, s31;
	_ =	swait.ge [sflag:s25], $0x4000  }
0x77: {  	s0 =	sshra.s32 s0, $0x2;
	[sflag:s25] =	ssyncset.done $0x0  }
0x78: {  	s1 =	sadd.s32 $0x14D00, s0;
	[sflag:s25] =	ssyncadd.s32 $0xFFFFC000  }
0x79: {  	[spmem:s3] =	stream.indirect.scatter.add.f32 [tilespmem:s22], [sflag:$0x4], $0x80, s1, s21, $0xb8;
	[tilespmem:$0x1E100] =	vst v63  }
0x7a: {  	_ =	swait.ge [sflag:s19], $0x4000  }
0x7b: {  	[sflag:s19] =	ssyncset.done $0x0  }
0x7c: {  	s1 =	sadd.s32 $0x13A00, s0;
	[sflag:s19] =	ssyncadd.s32 $0xFFFFC000  }
0x7d: {  	[tilespmem:s22], [sflag:$0x1] =	stream.indirect.gather [hbm4b:s2+s21], $0x80, s1, s21, $0xb8;
	[tilespmem:$0x1E100] =	vst v63  }
0x7e: {  	_ =	swait.ge [sflag:s26], $0x4000  }
0x7f: {  	[sflag:s26] =	ssyncset.done $0x0  }
.Ltmp1:
0x80: {  	s1 =	sadd.s32 $0x14D80, s0;
	[sflag:s26] =	ssyncadd.s32 $0xFFFFC000;
	(pc) =	sbr.rel @p1 .LBB2_4-.Ltmp1, $4  }
0x81: {  	[spmem:s3] =	stream.indirect.scatter.add.f32 [tilespmem:s24], [sflag:$0x4], $0x80, s1, s21, $0xb8;
	[tilespmem:$0x1E100] =	vst v63  }
0x82: {  	_ =	swait.ge [sflag:s19], $0x4000  }
0x83: {  	[sflag:s19] =	ssyncset.done $0x0  }
0x84: {  	s0 =	sadd.s32 $0x13A80, s0;
	[sflag:s19] =	ssyncadd.s32 $0xFFFFC000  }
0x85: {  	[tilespmem:s24], [sflag:$0x2] =	stream.indirect.gather [hbm4b:s2+s21], $0x80, s0, s21, $0xb8;
	[tilespmem:$0x1E100] =	vst v63  }
0x86: {  	_ =	swait.ge [sflag:s25], $0x4000  }
0x87: {  	[sflag:s25] =	ssyncset.done $0x0  }
0x88: {  	[sflag:s25] =	ssyncadd.s32 $0xFFFFC000  }
0x89: {  	[spmem:s3] =	stream.indirect.scatter.add.f32 [tilespmem:s22], [sflag:$0x4], $0x80, s28, s21, $0xb8;
	[tilespmem:$0x1E100] =	vst v63  }
0x8a: {  	_ =	swait.ge [sflag:s19], $0x4000  }
0x8b: {  	[sflag:s19] =	ssyncset.done $0x0  }
0x8c: {  	[sflag:s19] =	ssyncadd.s32 $0xFFFFC000  }
0x8d: {  	_ =	swait.ge [sflag:s26], $0x4000  }
0x8e: {  	[sflag:s26] =	ssyncset.done $0x0  }
0x8f: {  	[sflag:s26] =	ssyncadd.s32 $0xFFFFC000  }
0x90: {  	[spmem:s3] =	stream.indirect.scatter.add.f32 [tilespmem:s24], [sflag:$0x4], $0x80, s29, s21, $0xb8;
	[tilespmem:$0x1E100] =	vst v63  }
0x91: {  	_ =	swait.ge [sflag:s19], $0x4000  }
0x92: {  	[sflag:s19] =	ssyncset.done $0x0  }
0x93: {  	[sflag:s19] =	ssyncadd.s32 $0xFFFFC000  }
0x94: {  	s0 =	simm.s32 @p0 $0x1FC4;
	[bflag:$0x0] =	sbarrier.arrive $0xFFFF  }
0x95: {  	[hbm:s12], [sflag:s0] =	dma.local @p0 [spmem:s15], $0x1900  }
0x96: {  	s0 =	simm.s32 @p0 $0x4  }
0x97: {  	_ =	swait.ge @p0 [sflag:s0], $0x1900  }
0x98: {  	s30 =	sadd.s32 $0x1, s30;
	[sflag:s0] =	ssyncset.done @p0 $0x0  }
0x99: {  	p1 =	sne.s32 s30, s13;
	[sflag:s0] =	ssyncadd.s32 @p0 $0xFFFFE700;
	s0 =	sor.u32 @!p0 $0x1C04, s14  }
0x9a: {  	[hbm:s11], [sflag:s0] =	dma.local @!p0 [spmem:s17], $0x2800  }
.Ltmp2:
0x9b: {  	_ = 	snop;
	(pc) =	sbr.rel @p1 .LBB2_1-.Ltmp2, $4  }
0x9c: {  	s0 =	simm.s32 @!p0 $0x4  }
0x9d: {  	_ =	swait.ge @!p0 [sflag:s0], $0x2800  }
0x9e: {  	[sflag:s0] =	ssyncset.done @!p0 $0x0  }
0x9f: {  	[sflag:s0] =	ssyncadd.s32 @!p0 $0xFFFFD800  }
0xa0: {  	_ =	sfence.sel $0x180000  }
0xa1: {  	[bflag:$0x0] =	sbarrier.arrive $0xFFFF  }
0xa2: {  	_ =	strace $0x9000004A  }
0xa3: {  	s0 =	stileid.u32;
	[bflag:$0x2] =	sbarrier.arrive $0xFFFF  }
0xa4: {  	p0 =	sne.s32 s0, $0x0;
	s0 =	rddreg [dreg:$0x3]  }
0xa5: {  	s0 =	sadd.s32 @!p0 $0x100000, s0  }
0xa6: {  	[sflag:s0] =	ssyncadd.tile.s32 @!p0 $0x1;
	_ =	shalt  }
.Lfunc_end2:
_tile_overlayer_lowered:
.L_overlay_start_2:
0xa7: {  	(tag) =	ssettag $0x2  }
0xa8: {  	s0 =	rddreg [dreg:$0x0];
	s2 =	stileid.u32  }
0xa9: {  	s1 =	rddreg [dreg:$0x1];
	p0 =	sne.s32 s2, $0x0  }
0xaa: {  	s3 =	rddreg [dreg:$0x2];
	[bflag:$0x3] =	sbarrier.arrive $0xFFFF;
	s2 =	simm.s32 @!p0 $0x1C04  }
0xab: {  	[timem:s3], [sflag:s2] =	dma.local @!p0 [hbm:s0], s1  }
0xac: {  	s0 =	simm.s32 @!p0 $0x4  }
0xad: {  	_ =	swait.ge @!p0 [sflag:s0], s1  }
0xae: {  	s1 =	ssub.s32 @!p0 $0x0, s1;
	[sflag:s0] =	ssyncset.done @!p0 $0x0  }
0xaf: {  	[sflag:s0] =	ssyncadd.s32 @!p0 s1  }
0xb0: {  	[bflag:$0x3] =	sbarrier.arrive $0xFFFF  }
0xb1: {  	_ =	shalt  }

// kernel: sage_sc_agg.8.cloned.1.call-start
scs
__scs_entry_jumppad:
0x0: {  	(pc) =	sbr.rel $0x88, $3  }
0x1: {  	(tag) =	ssettag $0x0;
	lr =	simm.s32 $0x1  }
0x2: {  	[smem:$0x3F96] =	sst lr;
	_ =	strace $0xD0000000  }
0x3: {  	_ = 	snop  }
0x4: {  	_ = 	snop  }
0x5: {  	_ = 	snop  }
0x6: {  	_ = 	snop  }
0x7: {  	_ = 	snop  }
__scs_overlays_trampoline_lowered:
0x8: {  	[smem:$0x3FA5] =	sst s0  }
0x9: {  	[smem:$0x3FA6] =	sst s1  }
0xa: {  	[smem:$0x3FA7] =	sst s2  }
0xb: {  	[smem:$0x3FA8] =	sst s3  }
0xc: {  	[smem:$0x3FA9] =	sst s4  }
0xd: {  	[smem:$0x3FAA] =	sst s5  }
0xe: {  	[smem:$0x3FAB] =	sst s6  }
0xf: {  	[smem:$0x3FAC] =	sst s7  }
0x10: {  	[smem:$0x3FAD] =	sst s8  }
0x11: {  	[smem:$0x3FAE] =	sst s9;
	s0 =	simm.s32 @!p0 $0x0  }
0x12: {  	s1 =	sld [smem:$0x3F94];
	s0 =	simm.s32 @p0 $0x1  }
0x13: {  	[smem:$0x3FAF] =	sst s0;
	s0 =	simm.s32 @!p1 $0x0  }
0x14: {  	s2 =	sld [smem:$0x3F93];
	s0 =	simm.s32 @p1 $0x1  }
0x15: {  	[smem:$0x3FB0] =	sst s0;
	s0 =	simm.s32 @!p2 $0x0  }
0x16: {  	s3 =	sld [smem:$0x3FDB];
	s0 =	simm.s32 @p2 $0x1  }
0x17: {  	s4 =	simm.s32 $0x1BF5;
	[smem:$0x3FB2] =	sst s0  }
0x18: {  	s0 =	sld [smem:$0x3F95];
	_ =	swait.ge [sflag:s4], $0x0  }
0x19: {  	s7 =	sld [smem:$0x3F96]  }
0x1a: {  	s8 =	sadd.s32 $0xFFFFE003, lr  }
0x1b: {  	s9 =	sadd.s32 $0xFFFFFEF7, lr;
	s5 =	simm.s32 $0xFFFFFFFF;
	p2 =	slt.u32 s8, $0xFFFFF086  }
0x1c: {  	p1 =	slt.u32 s9, $0xF7A;
	s5 =	simm.s32 @!p2 $0x0  }
0x1d: {  	s5 =	simm.s32 @p1 $0x1;
	p0 =	seq.s32 s7, s2  }
0x1e: {  	s7 =	smul.u32 @!p0 $0xF7A, s2;
	p2 =	seq.s32 @!p0 s5, $0x0  }
0x1f: {  	s9 =	smul.u32 $0xF7A, s1;
	s8 =	simm.s32 @!p0 $0x1BF5;
	p2 =	por !p2, p0  }
0x20: {  	[sflag:s8] =	ssyncset.s32 @!p0 $0xFFFFF086;
	s6 =	sadd.s32 @!p0 s3, s7;
	s7 =	simm.s32 @!p0 $0x108  }
0x21: {  	s3 =	sadd.s32 s3, s9;
	s6 =	sadd.s32 @!p0 $0x88, s6;
	s7 =	simm.s32 @p2 $0x1082  }
0x22: {  	[simem:s7], [sflag:s8] =	dma.local @!p0 [hbm:s6], $0xF7A  }
0x23: {  	s9 =	sor.u32 $0xD0000000, s2;
	s6 =	simm.s32 $0x108;
	_ =	swait.ge @!p0 [sflag:s8], $0x0  }
0x24: {  	s3 =	sadd.s32 $0x88, s3;
	s6 =	simm.s32 @!p1 $0x1082;
	[sflag:s4] =	ssyncset.s32 $0xFFFFF086  }
0x25: {  	[simem:s6], [sflag:s4] =	dma.local [hbm:s3], $0xF7A  }
0x26: {  	[smem:$0x3F96] =	sst s1;
	(tag) =	ssettag s2;
	_ =	strace s9  }
0x27: {  	s1 =	sld [smem:$0x3FA6]  }
0x28: {  	s2 =	sld [smem:$0x3FA7]  }
0x29: {  	s4 =	sld [smem:$0x3FA9]  }
0x2a: {  	p0 =	seq.s32 s5, $0x0;
	s5 =	sld [smem:$0x3FAA]  }
0x2b: {  	s6 =	sld [smem:$0x3FAB]  }
0x2c: {  	s7 =	sld [smem:$0x3FAC]  }
0x2d: {  	s3 =	simm.s32 $0x108;
	s8 =	sld [smem:$0x3FAD]  }
0x2e: {  	s3 =	simm.s32 @!p0 $0x1082;
	s9 =	sld [smem:$0x3FAE]  }
0x2f: {  	lr =	sadd.s32 s0, s3;
	s0 =	sld [smem:$0x3FA5]  }
0x30: {  	s3 =	sld [smem:$0x3FA8]  }
0x31: {  	[smem:$0x3FB1] =	sst s10  }
0x32: {  	s10 =	sld [smem:$0x3FAF];
	_ =	sdelay $0x3  }
0x33: {  	p0 =	seq.s32 s10, $0x1;
	s10 =	sld [smem:$0x3FB1];
	_ =	sdelay $0x3  }
0x34: {  	[smem:$0x3FB1] =	sst s10  }
0x35: {  	s10 =	sld [smem:$0x3FB0];
	_ =	sdelay $0x3  }
0x36: {  	p1 =	seq.s32 s10, $0x1;
	s10 =	sld [smem:$0x3FB1];
	_ =	sdelay $0x3  }
0x37: {  	[smem:$0x3FB1] =	sst s10  }
0x38: {  	s10 =	sld [smem:$0x3FB2]  }
0x39: {  	_ = 	snop;
	(pc) =	sbr.ind lr, $3  }
0x3a: {  	_ = 	snop  }
0x3b: {  	_ = 	snop  }
0x3c: {  	p2 =	seq.s32 s10, $0x1;
	s10 =	sld [smem:$0x3FB1]  }
0x3d: {  	_ =	shalt  }
0x3e: {  	_ =	shalt  }
0x3f: {  	_ =	shalt  }
0x40: {  	_ =	shalt  }
0x41: {  	_ =	shalt  }
0x42: {  	_ =	shalt  }
0x43: {  	_ =	shalt  }
0x44: {  	_ =	shalt  }
0x45: {  	_ =	shalt  }
0x46: {  	_ =	shalt  }
0x47: {  	_ =	shalt  }
0x48: {  	_ =	shalt  }
0x49: {  	_ =	shalt  }
0x4a: {  	_ =	shalt  }
0x4b: {  	_ =	shalt  }
0x4c: {  	_ =	shalt  }
0x4d: {  	_ =	shalt  }
0x4e: {  	_ =	shalt  }
0x4f: {  	_ =	shalt  }
0x50: {  	_ =	shalt  }
0x51: {  	_ =	shalt  }
0x52: {  	_ =	shalt  }
0x53: {  	_ =	shalt  }
0x54: {  	_ =	shalt  }
0x55: {  	_ =	shalt  }
0x56: {  	_ =	shalt  }
0x57: {  	_ =	shalt  }
0x58: {  	_ =	shalt  }
0x59: {  	_ =	shalt  }
0x5a: {  	_ =	shalt  }
0x5b: {  	_ =	shalt  }
0x5c: {  	_ =	shalt  }
0x5d: {  	_ =	shalt  }
0x5e: {  	_ =	shalt  }
0x5f: {  	_ =	shalt  }
0x60: {  	_ =	shalt  }
0x61: {  	_ =	shalt  }
0x62: {  	_ =	shalt  }
0x63: {  	_ =	shalt  }
0x64: {  	_ =	shalt  }
0x65: {  	_ =	shalt  }
0x66: {  	_ =	shalt  }
0x67: {  	_ =	shalt  }
0x68: {  	_ =	shalt  }
0x69: {  	_ =	shalt  }
0x6a: {  	_ =	shalt  }
0x6b: {  	_ =	shalt  }
0x6c: {  	_ =	shalt  }
0x6d: {  	_ =	shalt  }
0x6e: {  	_ =	shalt  }
0x6f: {  	_ =	shalt  }
0x70: {  	_ =	shalt  }
0x71: {  	_ =	shalt  }
0x72: {  	_ =	shalt  }
0x73: {  	_ =	shalt  }
0x74: {  	_ =	shalt  }
0x75: {  	_ =	shalt  }
0x76: {  	_ =	shalt  }
0x77: {  	_ =	shalt  }
0x78: {  	_ =	shalt  }
0x79: {  	_ =	shalt  }
0x7a: {  	_ =	shalt  }
0x7b: {  	_ =	shalt  }
0x7c: {  	_ =	shalt  }
0x7d: {  	_ =	shalt  }
0x7e: {  	_ =	shalt  }
0x7f: {  	_ =	shalt  }
0x80: {  	_ =	shalt  }
0x81: {  	_ =	shalt  }
0x82: {  	_ =	shalt  }
0x83: {  	_ =	shalt  }
0x84: {  	_ =	shalt  }
0x85: {  	_ =	shalt  }
0x86: {  	_ =	shalt  }
0x87: {  	_ =	shalt  }
.Lfunc_end0:
.L_simem_size_0:
called_computation.2_lowered:
.L_overlay_start_0:
0x88: {  	s2 =	sld [smem:$0x3FD9]  }
0x89: {  	s3 =	sld [smem:$0x3FFE];
	_ =	sdelay $0x1  }
0x8a: {  	s1 =	srdreg.scid  }
0x8b: {  	s0 =	sand.u32 $0x1, s1  }
0x8c: {  	s17 =	sshll.u32 s0, $0xA;
	s2 =	sadd.s32 s3, s2  }
0x8d: {  	s2 =	sadd.s32 s2, s17  }
0x8e: {  	[smem:$0x3FBD] =	sst s2  }
0x8f: {  	_ = 	snop  }
0x90: {  	s2 =	sld [smem:$0x3FD0];
	(tm) =	ssettm $0x1  }
0x91: {  	s18 =	sld [smem:$0x3FFB];
	_ =	sdelay $0x3  }
0x92: {  	_ =	strace s18  }
0x93: {  	s3 =	sld [smem:$0x3FFC];
	_ =	sdelay $0x3  }
0x94: {  	_ =	strace s3  }
0x95: {  	s3 =	sld [smem:$0x3FFD];
	_ =	sdelay $0x3  }
0x96: {  	_ =	strace s3  }
0x97: {  	_ =	strace $0x8FFFFFFF  }
0x98: {  	s19 =	sld [smem:$0x3FDB];
	_ =	sdelay $0x1  }
0x99: {  	s4 =	simm.s32 $_scs_section_size  }
0x9a: {  	s5 =	simm.s32 $_size__tile_overlayer_lowered;
	s6 =	simm.s32 $_tile_overlayer_lowered  }
0x9b: {  	s22 =	simm.s32 $0x1BFF;
	s21 =	sshll.u32 s6, $0x1;
	s3 =	sadd.s32 s4, s19  }
0x9c: {  	s7 =	simm.s32 $0x0;
	s20 =	sshll.u32 s5, $0x1;
	s5 =	sadd.s32 s21, s3  }
0x9d: {  	[timem:s7], [sflag:s22] =	dma.local [hbm:s5], s20  }
0x9e: {  	_ =	swait.ge [sflag:s22], s20  }
0x9f: {  	s4 =	ssub.s32 $0x0, s20;
	[sflag:s22] =	ssyncset.done $0x0  }
0xa0: {  	[sflag:s22] =	ssyncadd.s32 s4;
	_ =	sdelay $0x1  }
0xa1: {  	s23 =	simm.s32 $0x1B8B  }
0xa2: {  	_ =	swait.ge [sflag:s23], $0x1  }
0xa3: {  	[sflag:s23] =	ssyncset.done $0x0  }
0xa4: {  	s25 =	simm.s32 $0x1B8E;
	s24 =	sld [smem:$0x3FFE];
	[sflag:s23] =	ssyncadd.s32 $0xFFFFFFFF  }
0xa5: {  	s26 =	simm.s32 $execute0_lowered;
	[smem:$0x3FD2] =	sst s25  }
0xa6: {  	s5 =	sshll.u32 s26, $0x1;
	_ =	strace $0x8000004C;
	[dreg:$0x1] =	wrdreg $0xFFFFFFFF  }
0xa7: {  	s28 =	simm.s32 $_size_execute0_lowered;
	s3 =	sadd.s32 s3, s5;
	[dreg:$0x0] =	wrdreg $0x0  }
0xa8: {  	s5 =	sshll.u32 s28, $0x1;
	[dreg:$0x2] =	wrdreg s3  }
0xa9: {  	[dreg:$0x3] =	wrdreg s5  }
0xaa: {  	[dreg:$0x4] =	wrdreg $0xC0  }
0xab: {  	_ =	task [dreg:s7], $0x5FFFF  }
0xac: {  	[dreg:$0x1] =	wrdreg $0xFFFFFFFF  }
0xad: {  	[dreg:$0x0] =	wrdreg $0x60  }
0xae: {  	[dreg:$0x2] =	wrdreg s2  }
0xaf: {  	[dreg:$0x3] =	wrdreg s24  }
0xb0: {  	[dreg:$0x4] =	wrdreg $0x0  }
0xb1: {  	[dreg:$0x5] =	wrdreg $0x9  }
0xb2: {  	_ =	task.clear_ibuf [dreg:s7], $0x6FFFF;
	_ =	strace $0x9000004C  }
0xb3: {  	s29 =	simm.s32 $0x9;
	_ =	strace $0x8000004E  }
0xb4: {  	_ =	swait.ge [sflag:s29], $0x1  }
0xb5: {  	[sflag:s29] =	ssyncadd.s32 $0xFFFFFFFF  }
0xb6: {  	_ =	strace $0x9000004E  }
0xb7: {  	_ =	sfence  }
0xb8: {  	s30 =	sld [smem:$0x0];
	_ =	sdelay $0x2  }
0xb9: {  	s31 =	sshll.u32 s1, $0xD;
	s1 =	sshrl.u32 s1, $0x2  }
0xba: {  	s3 =	sand.u32 $0x4000, s31;
	s1 =	sadd.s32 s1, s30  }
0xbb: {  	s0 =	sor.u32 s3, s0;
	s1 =	sshll.u32 s1, $0x11  }
0xbc: {  	s0 =	sor.u32 s1, s0  }
0xbd: {  	s0 =	sadd.s32 $0x8F2B, s0  }
0xbe: {  	[sflag:s0] =	ssyncadd.remote.s32 $0x1  }
0xbf: {  	_ =	sfence.sel $0xFFFF  }
0xc0: {  	[dreg:$0x0] =	wrdreg $0xFFFFFFFF;
	(pc) =	sbr.abs _section_cstart, $3  }
0xc1: {  	[dreg:$0x1] =	wrdreg $0xFFFFFFFF  }
0xc2: {  	_ =	task.clear_ibuf [dreg:s7], $0x2FFFF;
	_ =	strace $0x9FFFFFFF  }
0xc3: {  	(tm) =	ssettm $0x7FFFFFFF  }
tec
execute0_lowered:
.L_overlay_start_1:
0x0: {  	(tag) =	ssettag $0x1  }
0x1: {  	s2 =	rddreg [dreg:$0x0]  }
0x2: {  	s0 =	rddreg [dreg:$0x1]  }
0x3: {  	s3 =	rddreg [dreg:$0x2];
	s1 =	stileid.u32  }
0x4: {  	s4 =	simm.s32 $0x0;
	s6 =	srdreg.scid;
	s18 =	simm.s32 $0x13900  }
0x5: {  	s19 =	simm.s32 $0x4;
	s20 =	simm.s32 $0x14D00;
	s21 =	simm.s32 $0x80  }
0x6: {  	s28 =	simm.s32 $0x16000;
	s29 =	simm.s32 $0x16080;
	s30 =	simm.s32 $0x0  }
0x7: {  	s5 =	smul.u32 $0x2800, s1;
	[smem:$0x7FF] =	sst s4;
	s9 =	sadd.s32 $0x82800, s0  }
0x8: {  	s10 =	sadd.s32 $0x3400, s0;
	s6 =	sand.u32 $0x1, s6;
	s11 =	smul.u32 $0x50000, s1  }
0x9: {  	s12 =	sadd.s32 $0x34600, s0;
	s15 =	sadd.s32 $0x12C000, s3;
	s14 =	smul.u32 $0x14000, s1  }
0xa: {  	p0 =	seq.s32 s1, $0xF;
	_ =	strace $0x8000004D;
	s7 =	ssub.s32 $0x2, s6  }
0xb: {  	s8 =	sshll.u32 s6, $0x4;
	s23 =	smul.u32 $0x138800, s6;
	s6 =	sadd.s32 $0x32C00, s0  }
0xc: {  	s15 =	sshrl.u32 @p0 s15, $0x3;
	s5 =	sadd.s32 s5, s0;
	s13 =	sshrl.u32 s7, $0x1  }
0xd: {  	s8 =	sor.u32 s1, s8;
	s22 =	sshrl.u32 s11, $0x2;
	s13 =	ssub.s32 s7, s13  }
0xe: {  	s8 =	smul.u32 $0x2800, s8;
	s17 =	sadd.s32 s22, s3;
	s5 =	sadd.s32 $0xD400, s5  }
0xf: {  	s14 =	sadd.s32 s14, s23;
	s26 =	sshrl.u32 s23, $0x3;
	s22 =	simm.s32 $0x16100  }
0x10: {  	s23 =	simm.s32 $0x13980;
	s25 =	sshrl.u32 s14, $0x3;
	s31 =	sadd.s32 s12, s26  }
0x11: {  	s13 =	smax.u32 s13, $0x1;
	s14 =	sshll.u32 @!p0 s1, $0x6;
	s17 =	sshrl.u32 @!p0 s17, $0x3  }
0x12: {  	s26 =	simm.s32 $0x2;
	s8 =	sshrl.u32 s8, $0x3;
	s11 =	sadd.s32 s12, s25  }
0x13: {  	s12 =	sadd.s32 $0x25800, s31;
	s16 =	sor.u32 @!p0 $0x1C03, s14;
	s25 =	simm.s32 $0x1  }
0x14: {  	s7 =	sadd.s32 s9, s8;
	s24 =	sadd.s32 $0x280, s8;
	s8 =	sadd.s32 s10, s8  }
0x15: {  	s9 =	sadd.s32 s9, s24;
	s10 =	sadd.s32 s10, s24;
	s24 =	simm.s32 $0x1A100  }
.LBB2_1:
0x16: {  	s0 =	simm.s32 @p0 $0x1FC3  }
0x17: {  	[spmem:s15], [sflag:s0] =	dma.local @p0 [hbm:s6], $0x1A00  }
0x18: {  	[spmem:s17], [sflag:s16] =	dma.local @!p0 [hbm:s5], $0x2800  }
0x19: {  	[tilespmem:s18], [sflag:$0x4] =	stream.linear.gather [hbm4b:s7+s4], $0x1400, $0x38;
	[tilespmem:$0x1E100] =	vst v63  }
0x1a: {  	_ =	swait.ge [sflag:s19], $0x1400  }
0x1b: {  	[sflag:s19] =	ssyncset.done $0x0  }
0x1c: {  	[sflag:s19] =	ssyncadd.s32 $0xFFFFEC00  }
0x1d: {  	[tilespmem:s20], [sflag:$0x4] =	stream.linear.gather [hbm4b:s8+s4], $0x1400, $0x38;
	[tilespmem:$0x1E100] =	vst v63  }
0x1e: {  	_ =	swait.ge [sflag:s19], $0x1400  }
0x1f: {  	[sflag:s19] =	ssyncset.done $0x0  }
0x20: {  	s0 =	simm.s32 @p0 $0x3;
	[sflag:s19] =	ssyncadd.s32 $0xFFFFEC00  }
0x21: {  	_ =	swait.ge @p0 [sflag:s0], $0x1A00  }
0x22: {  	[sflag:s0] =	ssyncset.done @p0 $0x0  }
0x23: {  	[sflag:s0] =	ssyncadd.s32 @p0 $0xFFFFE600;
	s0 =	simm.s32 @!p0 $0x3  }
0x24: {  	_ =	swait.ge @!p0 [sflag:s0], $0x2800  }
0x25: {  	[sflag:s0] =	ssyncset.done @!p0 $0x0  }
0x26: {  	[sflag:s0] =	ssyncadd.s32 @!p0 $0xFFFFD800  }
0x27: {  	[bflag:$0x0] =	sbarrier.arrive $0xFFFF  }
0x28: {  	[tilespmem:s22], [sflag:$0x1] =	stream.indirect.gather [hbm4b:s2+s21], $0x80, s18, s21, $0xb8;
	[tilespmem:$0x1E100] =	vst v63  }
0x29: {  	_ = 	snop  }
0x2a: {  	[tilespmem:s24], [sflag:$0x2] =	stream.indirect.gather [hbm4b:s2+s21], $0x80, s23, s21, $0xb8;
	[tilespmem:$0x1E100] =	vst v63  }
0x2b: {  	_ =	swait.ge [sflag:s25], $0x4000  }
0x2c: {  	[sflag:s25] =	ssyncset.done $0x0  }
0x2d: {  	s1 =	simm.s32 $0x14D00;
	[sflag:s25] =	ssyncadd.s32 $0xFFFFC000  }
0x2e: {  	[spmem:s3] =	stream.indirect.scatter.add.f32 [tilespmem:s22], [sflag:$0x4], $0x80, s1, s21, $0xb8;
	[tilespmem:$0x1E100] =	vst v63  }
0x2f: {  	_ =	swait.ge [sflag:s19], $0x4000  }
0x30: {  	[sflag:s19] =	ssyncset.done $0x0  }
0x31: {  	s1 =	simm.s32 $0x13A00;
	[sflag:s19] =	ssyncadd.s32 $0xFFFFC000  }
0x32: {  	[tilespmem:s22], [sflag:$0x1] =	stream.indirect.gather [hbm4b:s2+s21], $0x80, s1, s21, $0xb8;
	[tilespmem:$0x1E100] =	vst v63  }
0x33: {  	_ =	swait.ge [sflag:s26], $0x4000  }
0x34: {  	[sflag:s26] =	ssyncset.done $0x0  }
0x35: {  	s1 =	simm.s32 $0x14D80;
	[sflag:s26] =	ssyncadd.s32 $0xFFFFC000  }
0x36: {  	[spmem:s3] =	stream.indirect.scatter.add.f32 [tilespmem:s24], [sflag:$0x4], $0x80, s1, s21, $0xb8;
	[tilespmem:$0x1E100] =	vst v63  }
0x37: {  	_ =	swait.ge [sflag:s19], $0x4000  }
0x38: {  	[sflag:s19] =	ssyncset.done $0x0  }
0x39: {  	s31 =	simm.s32 $0x400;
	s0 =	simm.s32 $0x13A80;
	[sflag:s19] =	ssyncadd.s32 $0xFFFFC000  }
.LBB2_2:
0x3a: {  	[tilespmem:s24], [sflag:$0x2] =	stream.indirect.gather [hbm4b:s2+s21], $0x80, s0, s21, $0xb8;
	[tilespmem:$0x1E100] =	vst v63  }
0x3b: {  	s0 =	smov.u32 s31  }
0x3c: {  	p1 =	sne.s32 s31, $0x4800;
	s31 =	sadd.s32 $0x400, s31;
	_ =	swait.ge [sflag:s25], $0x4000  }
0x3d: {  	s0 =	sshra.s32 s0, $0x2;
	[sflag:s25] =	ssyncset.done $0x0  }
0x3e: {  	s1 =	sadd.s32 $0x14D00, s0;
	[sflag:s25] =	ssyncadd.s32 $0xFFFFC000  }
0x3f: {  	[spmem:s3] =	stream.indirect.scatter.add.f32 [tilespmem:s22], [sflag:$0x4], $0x80, s1, s21, $0xb8;
	[tilespmem:$0x1E100] =	vst v63  }
0x40: {  	_ =	swait.ge [sflag:s19], $0x4000  }
0x41: {  	[sflag:s19] =	ssyncset.done $0x0  }
0x42: {  	s1 =	sadd.s32 $0x13A00, s0;
	[sflag:s19] =	ssyncadd.s32 $0xFFFFC000  }
0x43: {  	[tilespmem:s22], [sflag:$0x1] =	stream.indirect.gather [hbm4b:s2+s21], $0x80, s1, s21, $0xb8;
	[tilespmem:$0x1E100] =	vst v63  }
0x44: {  	_ =	swait.ge [sflag:s26], $0x4000  }
0x45: {  	[sflag:s26] =	ssyncset.done $0x0  }
.Ltmp0:
0x46: {  	s1 =	sadd.s32 $0x14D80, s0;
	[sflag:s26] =	ssyncadd.s32 $0xFFFFC000;
	(pc) =	sbr.rel @p1 .LBB2_2-.Ltmp0, $4  }
0x47: {  	[spmem:s3] =	stream.indirect.scatter.add.f32 [tilespmem:s24], [sflag:$0x4], $0x80, s1, s21, $0xb8;
	[tilespmem:$0x1E100] =	vst v63  }
0x48: {  	_ =	swait.ge [sflag:s19], $0x4000  }
0x49: {  	[sflag:s19] =	ssyncset.done $0x0  }
0x4a: {  	s0 =	sadd.s32 $0x13A80, s0;
	[sflag:s19] =	ssyncadd.s32 $0xFFFFC000  }
0x4b: {  	[tilespmem:s24], [sflag:$0x2] =	stream.indirect.gather [hbm4b:s2+s21], $0x80, s0, s21, $0xb8;
	[tilespmem:$0x1E100] =	vst v63  }
0x4c: {  	_ =	swait.ge [sflag:s25], $0x4000  }
0x4d: {  	[sflag:s25] =	ssyncset.done $0x0  }
0x4e: {  	[sflag:s25] =	ssyncadd.s32 $0xFFFFC000  }
0x4f: {  	[spmem:s3] =	stream.indirect.scatter.add.f32 [tilespmem:s22], [sflag:$0x4], $0x80, s28, s21, $0xb8;
	[tilespmem:$0x1E100] =	vst v63  }
0x50: {  	_ =	swait.ge [sflag:s19], $0x4000  }
0x51: {  	[sflag:s19] =	ssyncset.done $0x0  }
0x52: {  	[sflag:s19] =	ssyncadd.s32 $0xFFFFC000  }
0x53: {  	_ =	swait.ge [sflag:s26], $0x4000  }
0x54: {  	[sflag:s26] =	ssyncset.done $0x0  }
0x55: {  	[sflag:s26] =	ssyncadd.s32 $0xFFFFC000  }
0x56: {  	[spmem:s3] =	stream.indirect.scatter.add.f32 [tilespmem:s24], [sflag:$0x4], $0x80, s29, s21, $0xb8;
	[tilespmem:$0x1E100] =	vst v63  }
0x57: {  	_ =	swait.ge [sflag:s19], $0x4000  }
0x58: {  	[sflag:s19] =	ssyncset.done $0x0  }
0x59: {  	s1 =	simm.s32 $0x0;
	[sflag:s19] =	ssyncadd.s32 $0xFFFFC000  }
0x5a: {  	[tilespmem:s18], [sflag:$0x4] =	stream.linear.gather [hbm4b:s9+s1], $0x1400, $0x38;
	[tilespmem:$0x1E100] =	vst v63  }
0x5b: {  	_ =	swait.ge [sflag:s19], $0x1400  }
0x5c: {  	[sflag:s19] =	ssyncset.done $0x0  }
0x5d: {  	[sflag:s19] =	ssyncadd.s32 $0xFFFFEC00  }
0x5e: {  	[tilespmem:s20], [sflag:$0x4] =	stream.linear.gather [hbm4b:s10+s1], $0x1400, $0x38;
	[tilespmem:$0x1E100] =	vst v63  }
0x5f: {  	_ =	swait.ge [sflag:s19], $0x1400  }
0x60: {  	[sflag:s19] =	ssyncset.done $0x0  }
0x61: {  	[sflag:s19] =	ssyncadd.s32 $0xFFFFEC00  }
0x62: {  	[tilespmem:s22], [sflag:$0x1] =	stream.indirect.gather [hbm4b:s2+s21], $0x80, s18, s21, $0xb8;
	[tilespmem:$0x1E100] =	vst v63  }
0x63: {  	_ = 	snop  }
0x64: {  	[tilespmem:s24], [sflag:$0x2] =	stream.indirect.gather [hbm4b:s2+s21], $0x80, s23, s21, $0xb8;
	[tilespmem:$0x1E100] =	vst v63  }
0x65: {  	_ =	swait.ge [sflag:s25], $0x4000  }
0x66: {  	[sflag:s25] =	ssyncset.done $0x0  }
0x67: {  	s1 =	simm.s32 $0x14D00;
	[sflag:s25] =	ssyncadd.s32 $0xFFFFC000  }
0x68: {  	[spmem:s3] =	stream.indirect.scatter.add.f32 [tilespmem:s22], [sflag:$0x4], $0x80, s1, s21, $0xb8;
	[tilespmem:$0x1E100] =	vst v63  }
0x69: {  	_ =	swait.ge [sflag:s19], $0x4000  }
0x6a: {  	[sflag:s19] =	ssyncset.done $0x0  }
0x6b: {  	s1 =	simm.s32 $0x13A00;
	[sflag:s19] =	ssyncadd.s32 $0xFFFFC000  }
0x6c: {  	[tilespmem:s22], [sflag:$0x1] =	stream.indirect.gather [hbm4b:s2+s21], $0x80, s1, s21, $0xb8;
	[tilespmem:$0x1E100] =	vst v63  }
0x6d: {  	_ =	swait.ge [sflag:s26], $0x4000  }
0x6e: {  	[sflag:s26] =	ssyncset.done $0x0  }
0x6f: {  	s1 =	simm.s32 $0x14D80;
	[sflag:s26] =	ssyncadd.s32 $0xFFFFC000  }
0x70: {  	[spmem:s3] =	stream.indirect.scatter.add.f32 [tilespmem:s24], [sflag:$0x4], $0x80, s1, s21, $0xb8;
	[tilespmem:$0x1E100] =	vst v63  }
0x71: {  	_ =	swait.ge [sflag:s19], $0x4000  }
0x72: {  	[sflag:s19] =	ssyncset.done $0x0  }
0x73: {  	s31 =	simm.s32 $0x400;
	s0 =	simm.s32 $0x13A80;
	[sflag:s19] =	ssyncadd.s32 $0xFFFFC000  }
.LBB2_4:
0x74: {  	[tilespmem:s24], [sflag:$0x2] =	stream.indirect.gather [hbm4b:s2+s21], $0x80, s0, s21, $0xb8;
	[tilespmem:$0x1E100] =	vst v63  }
0x75: {  	s0 =	smov.u32 s31  }
0x76: {  	p1 =	sne.s32 s31, $0x4800;
	s31 =	sadd.s32 $0x400, s31;
	_ =	swait.ge [sflag:s25], $0x4000  }
0x77: {  	s0 =	sshra.s32 s0, $0x2;
	[sflag:s25] =	ssyncset.done $0x0  }
0x78: {  	s1 =	sadd.s32 $0x14D00, s0;
	[sflag:s25] =	ssyncadd.s32 $0xFFFFC000  }
0x79: {  	[spmem:s3] =	stream.indirect.scatter.add.f32 [tilespmem:s22], [sflag:$0x4], $0x80, s1, s21, $0xb8;
	[tilespmem:$0x1E100] =	vst v63  }
0x7a: {  	_ =	swait.ge [sflag:s19], $0x4000  }
0x7b: {  	[sflag:s19] =	ssyncset.done $0x0  }
0x7c: {  	s1 =	sadd.s32 $0x13A00, s0;
	[sflag:s19] =	ssyncadd.s32 $0xFFFFC000  }
0x7d: {  	[tilespmem:s22], [sflag:$0x1] =	stream.indirect.gather [hbm4b:s2+s21], $0x80, s1, s21, $0xb8;
	[tilespmem:$0x1E100] =	vst v63  }
0x7e: {  	_ =	swait.ge [sflag:s26], $0x4000  }
0x7f: {  	[sflag:s26] =	ssyncset.done $0x0  }
.Ltmp1:
0x80: {  	s1 =	sadd.s32 $0x14D80, s0;
	[sflag:s26] =	ssyncadd.s32 $0xFFFFC000;
	(pc) =	sbr.rel @p1 .LBB2_4-.Ltmp1, $4  }
0x81: {  	[spmem:s3] =	stream.indirect.scatter.add.f32 [tilespmem:s24], [sflag:$0x4], $0x80, s1, s21, $0xb8;
	[tilespmem:$0x1E100] =	vst v63  }
0x82: {  	_ =	swait.ge [sflag:s19], $0x4000  }
0x83: {  	[sflag:s19] =	ssyncset.done $0x0  }
0x84: {  	s0 =	sadd.s32 $0x13A80, s0;
	[sflag:s19] =	ssyncadd.s32 $0xFFFFC000  }
0x85: {  	[tilespmem:s24], [sflag:$0x2] =	stream.indirect.gather [hbm4b:s2+s21], $0x80, s0, s21, $0xb8;
	[tilespmem:$0x1E100] =	vst v63  }
0x86: {  	_ =	swait.ge [sflag:s25], $0x4000  }
0x87: {  	[sflag:s25] =	ssyncset.done $0x0  }
0x88: {  	[sflag:s25] =	ssyncadd.s32 $0xFFFFC000  }
0x89: {  	[spmem:s3] =	stream.indirect.scatter.add.f32 [tilespmem:s22], [sflag:$0x4], $0x80, s28, s21, $0xb8;
	[tilespmem:$0x1E100] =	vst v63  }
0x8a: {  	_ =	swait.ge [sflag:s19], $0x4000  }
0x8b: {  	[sflag:s19] =	ssyncset.done $0x0  }
0x8c: {  	[sflag:s19] =	ssyncadd.s32 $0xFFFFC000  }
0x8d: {  	_ =	swait.ge [sflag:s26], $0x4000  }
0x8e: {  	[sflag:s26] =	ssyncset.done $0x0  }
0x8f: {  	[sflag:s26] =	ssyncadd.s32 $0xFFFFC000  }
0x90: {  	[spmem:s3] =	stream.indirect.scatter.add.f32 [tilespmem:s24], [sflag:$0x4], $0x80, s29, s21, $0xb8;
	[tilespmem:$0x1E100] =	vst v63  }
0x91: {  	_ =	swait.ge [sflag:s19], $0x4000  }
0x92: {  	[sflag:s19] =	ssyncset.done $0x0  }
0x93: {  	[sflag:s19] =	ssyncadd.s32 $0xFFFFC000  }
0x94: {  	s0 =	simm.s32 @p0 $0x1FC4;
	[bflag:$0x0] =	sbarrier.arrive $0xFFFF  }
0x95: {  	[hbm:s12], [sflag:s0] =	dma.local @p0 [spmem:s15], $0x1900  }
0x96: {  	s0 =	simm.s32 @p0 $0x4  }
0x97: {  	_ =	swait.ge @p0 [sflag:s0], $0x1900  }
0x98: {  	s30 =	sadd.s32 $0x1, s30;
	[sflag:s0] =	ssyncset.done @p0 $0x0  }
0x99: {  	p1 =	sne.s32 s30, s13;
	[sflag:s0] =	ssyncadd.s32 @p0 $0xFFFFE700;
	s0 =	sor.u32 @!p0 $0x1C04, s14  }
0x9a: {  	[hbm:s11], [sflag:s0] =	dma.local @!p0 [spmem:s17], $0x2800  }
.Ltmp2:
0x9b: {  	_ = 	snop;
	(pc) =	sbr.rel @p1 .LBB2_1-.Ltmp2, $4  }
0x9c: {  	s0 =	simm.s32 @!p0 $0x4  }
0x9d: {  	_ =	swait.ge @!p0 [sflag:s0], $0x2800  }
0x9e: {  	[sflag:s0] =	ssyncset.done @!p0 $0x0  }
0x9f: {  	[sflag:s0] =	ssyncadd.s32 @!p0 $0xFFFFD800  }
0xa0: {  	_ =	sfence.sel $0x180000  }
0xa1: {  	[bflag:$0x0] =	sbarrier.arrive $0xFFFF  }
0xa2: {  	_ =	strace $0x9000004D  }
0xa3: {  	s0 =	stileid.u32;
	[bflag:$0x2] =	sbarrier.arrive $0xFFFF  }
0xa4: {  	p0 =	sne.s32 s0, $0x0;
	s0 =	rddreg [dreg:$0x3]  }
0xa5: {  	s0 =	sadd.s32 @!p0 $0x100000, s0  }
0xa6: {  	[sflag:s0] =	ssyncadd.tile.s32 @!p0 $0x1;
	_ =	shalt  }
.Lfunc_end2:
_tile_overlayer_lowered:
.L_overlay_start_2:
0xa7: {  	(tag) =	ssettag $0x2  }
0xa8: {  	s0 =	rddreg [dreg:$0x0];
	s2 =	stileid.u32  }
0xa9: {  	s1 =	rddreg [dreg:$0x1];
	p0 =	sne.s32 s2, $0x0  }
0xaa: {  	s3 =	rddreg [dreg:$0x2];
	[bflag:$0x3] =	sbarrier.arrive $0xFFFF;
	s2 =	simm.s32 @!p0 $0x1C04  }
0xab: {  	[timem:s3], [sflag:s2] =	dma.local @!p0 [hbm:s0], s1  }
0xac: {  	s0 =	simm.s32 @!p0 $0x4  }
0xad: {  	_ =	swait.ge @!p0 [sflag:s0], s1  }
0xae: {  	s1 =	ssub.s32 @!p0 $0x0, s1;
	[sflag:s0] =	ssyncset.done @!p0 $0x0  }
0xaf: {  	[sflag:s0] =	ssyncadd.s32 @!p0 s1  }
0xb0: {  	[bflag:$0x3] =	sbarrier.arrive $0xFFFF  }
0xb1: {  	_ =	shalt  }

// kernel: sage_sc_counts.3.cloned.1.call-start
scs
__scs_entry_jumppad:
0x0: {  	(pc) =	sbr.rel $0x88, $3  }
0x1: {  	(tag) =	ssettag $0x0;
	lr =	simm.s32 $0x1  }
0x2: {  	[smem:$0x3F96] =	sst lr;
	_ =	strace $0xD0000000  }
0x3: {  	_ = 	snop  }
0x4: {  	_ = 	snop  }
0x5: {  	_ = 	snop  }
0x6: {  	_ = 	snop  }
0x7: {  	_ = 	snop  }
__scs_overlays_trampoline_lowered:
0x8: {  	[smem:$0x3FA5] =	sst s0  }
0x9: {  	[smem:$0x3FA6] =	sst s1  }
0xa: {  	[smem:$0x3FA7] =	sst s2  }
0xb: {  	[smem:$0x3FA8] =	sst s3  }
0xc: {  	[smem:$0x3FA9] =	sst s4  }
0xd: {  	[smem:$0x3FAA] =	sst s5  }
0xe: {  	[smem:$0x3FAB] =	sst s6  }
0xf: {  	[smem:$0x3FAC] =	sst s7  }
0x10: {  	[smem:$0x3FAD] =	sst s8  }
0x11: {  	[smem:$0x3FAE] =	sst s9;
	s0 =	simm.s32 @!p0 $0x0  }
0x12: {  	s1 =	sld [smem:$0x3F94];
	s0 =	simm.s32 @p0 $0x1  }
0x13: {  	[smem:$0x3FAF] =	sst s0;
	s0 =	simm.s32 @!p1 $0x0  }
0x14: {  	s2 =	sld [smem:$0x3F93];
	s0 =	simm.s32 @p1 $0x1  }
0x15: {  	[smem:$0x3FB0] =	sst s0;
	s0 =	simm.s32 @!p2 $0x0  }
0x16: {  	s3 =	sld [smem:$0x3FDB];
	s0 =	simm.s32 @p2 $0x1  }
0x17: {  	s4 =	simm.s32 $0x1BF5;
	[smem:$0x3FB2] =	sst s0  }
0x18: {  	s0 =	sld [smem:$0x3F95];
	_ =	swait.ge [sflag:s4], $0x0  }
0x19: {  	s7 =	sld [smem:$0x3F96]  }
0x1a: {  	s8 =	sadd.s32 $0xFFFFE003, lr  }
0x1b: {  	s9 =	sadd.s32 $0xFFFFFEF7, lr;
	s5 =	simm.s32 $0xFFFFFFFF;
	p2 =	slt.u32 s8, $0xFFFFF086  }
0x1c: {  	p1 =	slt.u32 s9, $0xF7A;
	s5 =	simm.s32 @!p2 $0x0  }
0x1d: {  	s5 =	simm.s32 @p1 $0x1;
	p0 =	seq.s32 s7, s2  }
0x1e: {  	s7 =	smul.u32 @!p0 $0xF7A, s2;
	p2 =	seq.s32 @!p0 s5, $0x0  }
0x1f: {  	s9 =	smul.u32 $0xF7A, s1;
	s8 =	simm.s32 @!p0 $0x1BF5;
	p2 =	por !p2, p0  }
0x20: {  	[sflag:s8] =	ssyncset.s32 @!p0 $0xFFFFF086;
	s6 =	sadd.s32 @!p0 s3, s7;
	s7 =	simm.s32 @!p0 $0x108  }
0x21: {  	s3 =	sadd.s32 s3, s9;
	s6 =	sadd.s32 @!p0 $0x88, s6;
	s7 =	simm.s32 @p2 $0x1082  }
0x22: {  	[simem:s7], [sflag:s8] =	dma.local @!p0 [hbm:s6], $0xF7A  }
0x23: {  	s9 =	sor.u32 $0xD0000000, s2;
	s6 =	simm.s32 $0x108;
	_ =	swait.ge @!p0 [sflag:s8], $0x0  }
0x24: {  	s3 =	sadd.s32 $0x88, s3;
	s6 =	simm.s32 @!p1 $0x1082;
	[sflag:s4] =	ssyncset.s32 $0xFFFFF086  }
0x25: {  	[simem:s6], [sflag:s4] =	dma.local [hbm:s3], $0xF7A  }
0x26: {  	[smem:$0x3F96] =	sst s1;
	(tag) =	ssettag s2;
	_ =	strace s9  }
0x27: {  	s1 =	sld [smem:$0x3FA6]  }
0x28: {  	s2 =	sld [smem:$0x3FA7]  }
0x29: {  	s4 =	sld [smem:$0x3FA9]  }
0x2a: {  	p0 =	seq.s32 s5, $0x0;
	s5 =	sld [smem:$0x3FAA]  }
0x2b: {  	s6 =	sld [smem:$0x3FAB]  }
0x2c: {  	s7 =	sld [smem:$0x3FAC]  }
0x2d: {  	s3 =	simm.s32 $0x108;
	s8 =	sld [smem:$0x3FAD]  }
0x2e: {  	s3 =	simm.s32 @!p0 $0x1082;
	s9 =	sld [smem:$0x3FAE]  }
0x2f: {  	lr =	sadd.s32 s0, s3;
	s0 =	sld [smem:$0x3FA5]  }
0x30: {  	s3 =	sld [smem:$0x3FA8]  }
0x31: {  	[smem:$0x3FB1] =	sst s10  }
0x32: {  	s10 =	sld [smem:$0x3FAF];
	_ =	sdelay $0x3  }
0x33: {  	p0 =	seq.s32 s10, $0x1;
	s10 =	sld [smem:$0x3FB1];
	_ =	sdelay $0x3  }
0x34: {  	[smem:$0x3FB1] =	sst s10  }
0x35: {  	s10 =	sld [smem:$0x3FB0];
	_ =	sdelay $0x3  }
0x36: {  	p1 =	seq.s32 s10, $0x1;
	s10 =	sld [smem:$0x3FB1];
	_ =	sdelay $0x3  }
0x37: {  	[smem:$0x3FB1] =	sst s10  }
0x38: {  	s10 =	sld [smem:$0x3FB2]  }
0x39: {  	_ = 	snop;
	(pc) =	sbr.ind lr, $3  }
0x3a: {  	_ = 	snop  }
0x3b: {  	_ = 	snop  }
0x3c: {  	p2 =	seq.s32 s10, $0x1;
	s10 =	sld [smem:$0x3FB1]  }
0x3d: {  	_ =	shalt  }
0x3e: {  	_ =	shalt  }
0x3f: {  	_ =	shalt  }
0x40: {  	_ =	shalt  }
0x41: {  	_ =	shalt  }
0x42: {  	_ =	shalt  }
0x43: {  	_ =	shalt  }
0x44: {  	_ =	shalt  }
0x45: {  	_ =	shalt  }
0x46: {  	_ =	shalt  }
0x47: {  	_ =	shalt  }
0x48: {  	_ =	shalt  }
0x49: {  	_ =	shalt  }
0x4a: {  	_ =	shalt  }
0x4b: {  	_ =	shalt  }
0x4c: {  	_ =	shalt  }
0x4d: {  	_ =	shalt  }
0x4e: {  	_ =	shalt  }
0x4f: {  	_ =	shalt  }
0x50: {  	_ =	shalt  }
0x51: {  	_ =	shalt  }
0x52: {  	_ =	shalt  }
0x53: {  	_ =	shalt  }
0x54: {  	_ =	shalt  }
0x55: {  	_ =	shalt  }
0x56: {  	_ =	shalt  }
0x57: {  	_ =	shalt  }
0x58: {  	_ =	shalt  }
0x59: {  	_ =	shalt  }
0x5a: {  	_ =	shalt  }
0x5b: {  	_ =	shalt  }
0x5c: {  	_ =	shalt  }
0x5d: {  	_ =	shalt  }
0x5e: {  	_ =	shalt  }
0x5f: {  	_ =	shalt  }
0x60: {  	_ =	shalt  }
0x61: {  	_ =	shalt  }
0x62: {  	_ =	shalt  }
0x63: {  	_ =	shalt  }
0x64: {  	_ =	shalt  }
0x65: {  	_ =	shalt  }
0x66: {  	_ =	shalt  }
0x67: {  	_ =	shalt  }
0x68: {  	_ =	shalt  }
0x69: {  	_ =	shalt  }
0x6a: {  	_ =	shalt  }
0x6b: {  	_ =	shalt  }
0x6c: {  	_ =	shalt  }
0x6d: {  	_ =	shalt  }
0x6e: {  	_ =	shalt  }
0x6f: {  	_ =	shalt  }
0x70: {  	_ =	shalt  }
0x71: {  	_ =	shalt  }
0x72: {  	_ =	shalt  }
0x73: {  	_ =	shalt  }
0x74: {  	_ =	shalt  }
0x75: {  	_ =	shalt  }
0x76: {  	_ =	shalt  }
0x77: {  	_ =	shalt  }
0x78: {  	_ =	shalt  }
0x79: {  	_ =	shalt  }
0x7a: {  	_ =	shalt  }
0x7b: {  	_ =	shalt  }
0x7c: {  	_ =	shalt  }
0x7d: {  	_ =	shalt  }
0x7e: {  	_ =	shalt  }
0x7f: {  	_ =	shalt  }
0x80: {  	_ =	shalt  }
0x81: {  	_ =	shalt  }
0x82: {  	_ =	shalt  }
0x83: {  	_ =	shalt  }
0x84: {  	_ =	shalt  }
0x85: {  	_ =	shalt  }
0x86: {  	_ =	shalt  }
0x87: {  	_ =	shalt  }
.Lfunc_end0:
.L_simem_size_0:
called_computation_lowered:
.L_overlay_start_0:
0x88: {  	s2 =	sld [smem:$0x3FD9]  }
0x89: {  	s3 =	sld [smem:$0x3FFE];
	_ =	sdelay $0x1  }
0x8a: {  	s1 =	srdreg.scid  }
0x8b: {  	s0 =	sand.u32 $0x1, s1  }
0x8c: {  	s17 =	sshll.u32 s0, $0xA;
	s2 =	sadd.s32 s3, s2  }
0x8d: {  	s2 =	sadd.s32 s2, s17  }
0x8e: {  	[smem:$0x3FBD] =	sst s2  }
0x8f: {  	_ = 	snop  }
0x90: {  	s2 =	sld [smem:$0x3FD0];
	(tm) =	ssettm $0x1  }
0x91: {  	s18 =	sld [smem:$0x3FFB];
	_ =	sdelay $0x3  }
0x92: {  	_ =	strace s18  }
0x93: {  	s3 =	sld [smem:$0x3FFC];
	_ =	sdelay $0x3  }
0x94: {  	_ =	strace s3  }
0x95: {  	s3 =	sld [smem:$0x3FFD];
	_ =	sdelay $0x3  }
0x96: {  	_ =	strace s3  }
0x97: {  	_ =	strace $0x8FFFFFFF  }
0x98: {  	s19 =	sld [smem:$0x3FDB];
	_ =	sdelay $0x1  }
0x99: {  	s4 =	simm.s32 $_scs_section_size  }
0x9a: {  	s5 =	simm.s32 $_size__tile_overlayer_lowered;
	s6 =	simm.s32 $_tile_overlayer_lowered  }
0x9b: {  	s22 =	simm.s32 $0x1BFF;
	s21 =	sshll.u32 s6, $0x1;
	s3 =	sadd.s32 s4, s19  }
0x9c: {  	s7 =	simm.s32 $0x0;
	s20 =	sshll.u32 s5, $0x1;
	s5 =	sadd.s32 s21, s3  }
0x9d: {  	[timem:s7], [sflag:s22] =	dma.local [hbm:s5], s20  }
0x9e: {  	_ =	swait.ge [sflag:s22], s20  }
0x9f: {  	s4 =	ssub.s32 $0x0, s20;
	[sflag:s22] =	ssyncset.done $0x0  }
0xa0: {  	[sflag:s22] =	ssyncadd.s32 s4;
	_ =	sdelay $0x1  }
0xa1: {  	s23 =	simm.s32 $0x1B8B  }
0xa2: {  	_ =	swait.ge [sflag:s23], $0x1  }
0xa3: {  	[sflag:s23] =	ssyncset.done $0x0  }
0xa4: {  	s25 =	simm.s32 $0x1B8E;
	s24 =	sld [smem:$0x3FFE];
	[sflag:s23] =	ssyncadd.s32 $0xFFFFFFFF  }
0xa5: {  	s26 =	simm.s32 $execute0_lowered;
	[smem:$0x3FD2] =	sst s25  }
0xa6: {  	s5 =	sshll.u32 s26, $0x1;
	_ =	strace $0x80000046;
	[dreg:$0x1] =	wrdreg $0xFFFFFFFF  }
0xa7: {  	s28 =	simm.s32 $_size_execute0_lowered;
	s3 =	sadd.s32 s3, s5;
	[dreg:$0x0] =	wrdreg $0x0  }
0xa8: {  	s5 =	sshll.u32 s28, $0x1;
	[dreg:$0x2] =	wrdreg s3  }
0xa9: {  	[dreg:$0x3] =	wrdreg s5  }
0xaa: {  	[dreg:$0x4] =	wrdreg $0xC0  }
0xab: {  	_ =	task [dreg:s7], $0x5FFFF  }
0xac: {  	[dreg:$0x1] =	wrdreg $0xFFFFFFFF  }
0xad: {  	[dreg:$0x0] =	wrdreg $0x60  }
0xae: {  	[dreg:$0x2] =	wrdreg s24  }
0xaf: {  	[dreg:$0x3] =	wrdreg s2  }
0xb0: {  	[dreg:$0x4] =	wrdreg $0x0  }
0xb1: {  	[dreg:$0x5] =	wrdreg $0x9  }
0xb2: {  	_ =	task.clear_ibuf [dreg:s7], $0x6FFFF;
	_ =	strace $0x90000046  }
0xb3: {  	s29 =	simm.s32 $0x9;
	_ =	strace $0x80000048  }
0xb4: {  	_ =	swait.ge [sflag:s29], $0x1  }
0xb5: {  	[sflag:s29] =	ssyncadd.s32 $0xFFFFFFFF  }
0xb6: {  	_ =	strace $0x90000048  }
0xb7: {  	_ =	sfence  }
0xb8: {  	s30 =	sld [smem:$0x0];
	_ =	sdelay $0x2  }
0xb9: {  	s31 =	sshll.u32 s1, $0xD;
	s1 =	sshrl.u32 s1, $0x2  }
0xba: {  	s3 =	sand.u32 $0x4000, s31;
	s1 =	sadd.s32 s1, s30  }
0xbb: {  	s0 =	sor.u32 s3, s0;
	s1 =	sshll.u32 s1, $0x11  }
0xbc: {  	s0 =	sor.u32 s1, s0  }
0xbd: {  	s0 =	sadd.s32 $0x8F2B, s0  }
0xbe: {  	[sflag:s0] =	ssyncadd.remote.s32 $0x1  }
0xbf: {  	_ =	sfence.sel $0xFFFF  }
0xc0: {  	[dreg:$0x0] =	wrdreg $0xFFFFFFFF;
	(pc) =	sbr.abs _section_cstart, $3  }
0xc1: {  	[dreg:$0x1] =	wrdreg $0xFFFFFFFF  }
0xc2: {  	_ =	task.clear_ibuf [dreg:s7], $0x2FFFF;
	_ =	strace $0x9FFFFFFF  }
0xc3: {  	(tm) =	ssettm $0x7FFFFFFF  }
tec
execute0_lowered:
.L_overlay_start_1:
0x0: {  	(tag) =	ssettag $0x1  }
0x1: {  	s6 =	rddreg [dreg:$0x0]  }
0x2: {  	s2 =	rddreg [dreg:$0x1]  }
0x3: {  	s0 =	srdreg.scid;
	s3 =	rddreg [dreg:$0x2];
	s4 =	simm.s32 $0x0  }
0x4: {  	s16 =	simm.s32 $0x16100;
	s5 =	sand.u32 $0x1, s0;
	s0 =	stileid.u32  }
0x5: {  	s17 =	simm.s32 $0x80;
	s18 =	simm.s32 $0x1;
	s8 =	smul.u32 $0x2800, s0  }
0x6: {  	s19 =	simm.s32 $0x0;
	[smem:$0x7FF] =	sst s4;
	s9 =	smul.u32 $0x50000, s0  }
0x7: {  	s10 =	sadd.s32 $0x34600, s6;
	s15 =	sadd.s32 $0x12C000, s3;
	s12 =	smul.u32 $0x138800, s5  }
0x8: {  	s1 =	sshll.u32 s5, $0x4;
	s11 =	ssub.s32 $0x2, s5;
	s13 =	smul.u32 $0x14000, s0  }
0x9: {  	p0 =	seq.s32 s0, $0xF;
	s7 =	sor.u32 s0, s1;
	s1 =	rddreg [dreg:$0x3]  }
0xa: {  	_ =	strace $0x80000047;
	s29 =	sshrl.u32 s11, $0x1;
	s7 =	smul.u32 $0x500, s7  }
0xb: {  	s8 =	sadd.s32 s8, s6;
	s9 =	sshrl.u32 s9, $0x2;
	s11 =	ssub.s32 s11, s29  }
0xc: {  	s30 =	sadd.s32 s13, s12;
	s31 =	sshrl.u32 s12, $0x3;
	s12 =	sshll.u32 @!p0 s0, $0x6  }
0xd: {  	s14 =	sadd.s32 s9, s3;
	s5 =	sadd.s32 $0xD400, s8;
	s8 =	sshrl.u32 s30, $0x3  }
0xe: {  	s9 =	sadd.s32 s10, s31;
	s12 =	sor.u32 @!p0 $0x1C02, s12;
	s7 =	sadd.s32 s7, s6  }
0xf: {  	s6 =	sadd.s32 $0x32C00, s6;
	s8 =	sadd.s32 s10, s8;
	s9 =	sadd.s32 $0x25800, s9  }
0x10: {  	s10 =	smax.u32 s11, $0x1;
	s11 =	sshrl.u32 @p0 s15, $0x3;
	s13 =	sshrl.u32 @!p0 s14, $0x3  }
0x11: {  	s14 =	simm.s32 $0x13900;
	s15 =	simm.s32 $0x2;
	s7 =	sadd.s32 $0x3400, s7  }
.LBB2_1:
0x12: {  	s20 =	simm.s32 @p0 $0x1FC2  }
0x13: {  	[spmem:s11], [sflag:s20] =	dma.local @p0 [hbm:s6], $0x1A00  }
0x14: {  	s20 =	simm.s32 @p0 $0x2  }
0x15: {  	_ =	swait.ge @p0 [sflag:s20], $0x1A00  }
0x16: {  	[sflag:s20] =	ssyncset.done @p0 $0x0  }
0x17: {  	[sflag:s20] =	ssyncadd.s32 @p0 $0xFFFFE600;
	s20 =	simm.s32 @!p0 $0x2  }
0x18: {  	[spmem:s13], [sflag:s12] =	dma.local @!p0 [hbm:s5], $0x2800  }
0x19: {  	_ =	swait.ge @!p0 [sflag:s20], $0x2800  }
0x1a: {  	[sflag:s20] =	ssyncset.done @!p0 $0x0  }
0x1b: {  	[sflag:s20] =	ssyncadd.s32 @!p0 $0xFFFFD800  }
0x1c: {  	[tilespmem:s14], [sflag:$0x2] =	stream.linear.gather [hbm4b:s7+s4], $0x2800, $0x38;
	[tilespmem:$0x1A100] =	vst v63  }
0x1d: {  	_ =	swait.ge [sflag:s15], $0x2800  }
0x1e: {  	[sflag:s15] =	ssyncset.done $0x0  }
0x1f: {  	[sflag:s15] =	ssyncadd.s32 $0xFFFFD800  }
0x20: {  	[tilespmem:s16], [sflag:$0x2] =	stream.linear.gather [hbm4b:s2+s4], $0x4000, $0x38;
	[tilespmem:$0x1A100] =	vst v63  }
0x21: {  	_ =	swait.ge [sflag:s15], $0x4000  }
0x22: {  	[sflag:s15] =	ssyncset.done $0x0  }
0x23: {  	[sflag:s15] =	ssyncadd.s32 $0xFFFFC000  }
0x24: {  	s23 =	simm.s32 $0x13900;
	[bflag:$0x0] =	sbarrier.arrive $0xFFFF  }
0x25: {  	[spmem:s3] =	stream.indirect.scatter.add.f32 [tilespmem:s16], [sflag:$0x1], $0x80, s23, s17, $0xb8;
	[tilespmem:$0x1A100] =	vst v63  }
0x26: {  	s24 =	simm.s32 $0x13980  }
0x27: {  	[spmem:s3] =	stream.indirect.scatter.add.f32 [tilespmem:s16], [sflag:$0x1], $0x80, s24, s17, $0xb8;
	[tilespmem:$0x1A100] =	vst v63  }
0x28: {  	s25 =	simm.s32 $0x13A00  }
0x29: {  	[spmem:s3] =	stream.indirect.scatter.add.f32 [tilespmem:s16], [sflag:$0x1], $0x80, s25, s17, $0xb8;
	[tilespmem:$0x1A100] =	vst v63  }
0x2a: {  	s26 =	simm.s32 $0x13A80  }
0x2b: {  	[spmem:s3] =	stream.indirect.scatter.add.f32 [tilespmem:s16], [sflag:$0x1], $0x80, s26, s17, $0xb8;
	[tilespmem:$0x1A100] =	vst v63  }
0x2c: {  	s28 =	simm.s32 $0x13B00  }
0x2d: {  	[spmem:s3] =	stream.indirect.scatter.add.f32 [tilespmem:s16], [sflag:$0x1], $0x80, s28, s17, $0xb8;
	[tilespmem:$0x1A100] =	vst v63  }
0x2e: {  	s29 =	simm.s32 $0x13B80  }
0x2f: {  	[spmem:s3] =	stream.indirect.scatter.add.f32 [tilespmem:s16], [sflag:$0x1], $0x80, s29, s17, $0xb8;
	[tilespmem:$0x1A100] =	vst v63  }
0x30: {  	s30 =	simm.s32 $0x13C00  }
0x31: {  	[spmem:s3] =	stream.indirect.scatter.add.f32 [tilespmem:s16], [sflag:$0x1], $0x80, s30, s17, $0xb8;
	[tilespmem:$0x1A100] =	vst v63  }
0x32: {  	s31 =	simm.s32 $0x13C80  }
0x33: {  	[spmem:s3] =	stream.indirect.scatter.add.f32 [tilespmem:s16], [sflag:$0x1], $0x80, s31, s17, $0xb8;
	[tilespmem:$0x1A100] =	vst v63  }
0x34: {  	_ =	swait.ge [sflag:s18], $0x4000  }
0x35: {  	[sflag:s18] =	ssyncset.done $0x0  }
0x36: {  	[sflag:s18] =	ssyncadd.s32 $0xFFFFC000  }
0x37: {  	_ =	swait.ge [sflag:s18], $0x4000  }
0x38: {  	[sflag:s18] =	ssyncset.done $0x0  }
0x39: {  	[sflag:s18] =	ssyncadd.s32 $0xFFFFC000  }
0x3a: {  	_ =	swait.ge [sflag:s18], $0x4000  }
0x3b: {  	[sflag:s18] =	ssyncset.done $0x0  }
0x3c: {  	[sflag:s18] =	ssyncadd.s32 $0xFFFFC000  }
0x3d: {  	_ =	swait.ge [sflag:s18], $0x4000  }
0x3e: {  	[sflag:s18] =	ssyncset.done $0x0  }
0x3f: {  	[sflag:s18] =	ssyncadd.s32 $0xFFFFC000  }
0x40: {  	_ =	swait.ge [sflag:s18], $0x4000  }
0x41: {  	[sflag:s18] =	ssyncset.done $0x0  }
0x42: {  	[sflag:s18] =	ssyncadd.s32 $0xFFFFC000  }
0x43: {  	_ =	swait.ge [sflag:s18], $0x4000  }
0x44: {  	[sflag:s18] =	ssyncset.done $0x0  }
0x45: {  	[sflag:s18] =	ssyncadd.s32 $0xFFFFC000  }
0x46: {  	_ =	swait.ge [sflag:s18], $0x4000  }
0x47: {  	[sflag:s18] =	ssyncset.done $0x0  }
0x48: {  	[sflag:s18] =	ssyncadd.s32 $0xFFFFC000  }
0x49: {  	_ =	swait.ge [sflag:s18], $0x4000  }
0x4a: {  	s22 =	simm.s32 $0x400;
	s23 =	simm.s32 $0x2000;
	[sflag:s18] =	ssyncset.done $0x0  }
.LBB2_2:
0x4b: {  	s24 =	sadd.s32 $0x13900, s22  }
0x4c: {  	[sflag:s18] =	ssyncadd.s32 $0xFFFFC000;
	s21 =	smov.u32 s23;
	s20 =	sadd.s32 $0x1000, s23  }
0x4d: {  	[spmem:s3] =	stream.indirect.scatter.add.f32 [tilespmem:s16], [sflag:$0x1], $0x80, s24, s17, $0xb8;
	[tilespmem:$0x1A100] =	vst v63  }
0x4e: {  	p1 =	sne.s32 s23, $0x9000;
	s23 =	sadd.s32 $0x13980, s22  }
0x4f: {  	[spmem:s3] =	stream.indirect.scatter.add.f32 [tilespmem:s16], [sflag:$0x1], $0x80, s23, s17, $0xb8;
	[tilespmem:$0x1A100] =	vst v63  }
0x50: {  	s23 =	sadd.s32 $0x13A00, s22  }
0x51: {  	[spmem:s3] =	stream.indirect.scatter.add.f32 [tilespmem:s16], [sflag:$0x1], $0x80, s23, s17, $0xb8;
	[tilespmem:$0x1A100] =	vst v63  }
0x52: {  	s23 =	sadd.s32 $0x13A80, s22  }
0x53: {  	[spmem:s3] =	stream.indirect.scatter.add.f32 [tilespmem:s16], [sflag:$0x1], $0x80, s23, s17, $0xb8;
	[tilespmem:$0x1A100] =	vst v63  }
0x54: {  	s23 =	sadd.s32 $0x13B00, s22  }
0x55: {  	[spmem:s3] =	stream.indirect.scatter.add.f32 [tilespmem:s16], [sflag:$0x1], $0x80, s23, s17, $0xb8;
	[tilespmem:$0x1A100] =	vst v63  }
0x56: {  	s23 =	sadd.s32 $0x13B80, s22  }
0x57: {  	[spmem:s3] =	stream.indirect.scatter.add.f32 [tilespmem:s16], [sflag:$0x1], $0x80, s23, s17, $0xb8;
	[tilespmem:$0x1A100] =	vst v63  }
0x58: {  	s23 =	sadd.s32 $0x13C00, s22  }
0x59: {  	[spmem:s3] =	stream.indirect.scatter.add.f32 [tilespmem:s16], [sflag:$0x1], $0x80, s23, s17, $0xb8;
	[tilespmem:$0x1A100] =	vst v63  }
0x5a: {  	s22 =	sadd.s32 $0x13C80, s22  }
0x5b: {  	[spmem:s3] =	stream.indirect.scatter.add.f32 [tilespmem:s16], [sflag:$0x1], $0x80, s22, s17, $0xb8;
	[tilespmem:$0x1A100] =	vst v63  }
0x5c: {  	_ =	swait.ge [sflag:s18], $0x4000  }
0x5d: {  	[sflag:s18] =	ssyncset.done $0x0  }
0x5e: {  	[sflag:s18] =	ssyncadd.s32 $0xFFFFC000  }
0x5f: {  	_ =	swait.ge [sflag:s18], $0x4000  }
0x60: {  	[sflag:s18] =	ssyncset.done $0x0  }
0x61: {  	[sflag:s18] =	ssyncadd.s32 $0xFFFFC000  }
0x62: {  	_ =	swait.ge [sflag:s18], $0x4000  }
0x63: {  	[sflag:s18] =	ssyncset.done $0x0  }
0x64: {  	[sflag:s18] =	ssyncadd.s32 $0xFFFFC000  }
0x65: {  	_ =	swait.ge [sflag:s18], $0x4000  }
0x66: {  	[sflag:s18] =	ssyncset.done $0x0  }
0x67: {  	[sflag:s18] =	ssyncadd.s32 $0xFFFFC000  }
0x68: {  	_ =	swait.ge [sflag:s18], $0x4000  }
0x69: {  	[sflag:s18] =	ssyncset.done $0x0  }
0x6a: {  	[sflag:s18] =	ssyncadd.s32 $0xFFFFC000  }
0x6b: {  	_ =	swait.ge [sflag:s18], $0x4000  }
0x6c: {  	[sflag:s18] =	ssyncset.done $0x0  }
0x6d: {  	[sflag:s18] =	ssyncadd.s32 $0xFFFFC000  }
.Ltmp0:
0x6e: {  	_ =	swait.ge [sflag:s18], $0x4000;
	(pc) =	sbr.rel @p1 .LBB2_2-.Ltmp0, $4  }
0x6f: {  	[sflag:s18] =	ssyncset.done $0x0  }
0x70: {  	[sflag:s18] =	ssyncadd.s32 $0xFFFFC000  }
0x71: {  	_ =	swait.ge [sflag:s18], $0x4000  }
0x72: {  	s23 =	smov.u32 s20;
	s22 =	sshra.s32 s21, $0x2;
	[sflag:s18] =	ssyncset.done $0x0  }
0x73: {  	s20 =	sadd.s32 $0x13900, s22;
	[sflag:s18] =	ssyncadd.s32 $0xFFFFC000  }
0x74: {  	[spmem:s3] =	stream.indirect.scatter.add.f32 [tilespmem:s16], [sflag:$0x1], $0x80, s20, s17, $0xb8;
	[tilespmem:$0x1A100] =	vst v63  }
0x75: {  	s24 =	sadd.s32 $0x13980, s22  }
0x76: {  	[spmem:s3] =	stream.indirect.scatter.add.f32 [tilespmem:s16], [sflag:$0x1], $0x80, s24, s17, $0xb8;
	[tilespmem:$0x1A100] =	vst v63  }
0x77: {  	s25 =	sadd.s32 $0x13A00, s22  }
0x78: {  	[spmem:s3] =	stream.indirect.scatter.add.f32 [tilespmem:s16], [sflag:$0x1], $0x80, s25, s17, $0xb8;
	[tilespmem:$0x1A100] =	vst v63  }
0x79: {  	s26 =	sadd.s32 $0x13A80, s22  }
0x7a: {  	[spmem:s3] =	stream.indirect.scatter.add.f32 [tilespmem:s16], [sflag:$0x1], $0x80, s26, s17, $0xb8;
	[tilespmem:$0x1A100] =	vst v63  }
0x7b: {  	s28 =	sadd.s32 $0x13B00, s22  }
0x7c: {  	[spmem:s3] =	stream.indirect.scatter.add.f32 [tilespmem:s16], [sflag:$0x1], $0x80, s28, s17, $0xb8;
	[tilespmem:$0x1A100] =	vst v63  }
0x7d: {  	s29 =	sadd.s32 $0x13B80, s22  }
0x7e: {  	[spmem:s3] =	stream.indirect.scatter.add.f32 [tilespmem:s16], [sflag:$0x1], $0x80, s29, s17, $0xb8;
	[tilespmem:$0x1A100] =	vst v63  }
0x7f: {  	s30 =	sadd.s32 $0x13C00, s22  }
0x80: {  	[spmem:s3] =	stream.indirect.scatter.add.f32 [tilespmem:s16], [sflag:$0x1], $0x80, s30, s17, $0xb8;
	[tilespmem:$0x1A100] =	vst v63  }
0x81: {  	s31 =	sadd.s32 $0x13C80, s22  }
0x82: {  	[spmem:s3] =	stream.indirect.scatter.add.f32 [tilespmem:s16], [sflag:$0x1], $0x80, s31, s17, $0xb8;
	[tilespmem:$0x1A100] =	vst v63  }
0x83: {  	_ =	swait.ge [sflag:s18], $0x4000  }
0x84: {  	[sflag:s18] =	ssyncset.done $0x0  }
0x85: {  	[sflag:s18] =	ssyncadd.s32 $0xFFFFC000  }
0x86: {  	_ =	swait.ge [sflag:s18], $0x4000  }
0x87: {  	[sflag:s18] =	ssyncset.done $0x0  }
0x88: {  	[sflag:s18] =	ssyncadd.s32 $0xFFFFC000  }
0x89: {  	_ =	swait.ge [sflag:s18], $0x4000  }
0x8a: {  	[sflag:s18] =	ssyncset.done $0x0  }
0x8b: {  	[sflag:s18] =	ssyncadd.s32 $0xFFFFC000  }
0x8c: {  	_ =	swait.ge [sflag:s18], $0x4000  }
0x8d: {  	[sflag:s18] =	ssyncset.done $0x0  }
0x8e: {  	[sflag:s18] =	ssyncadd.s32 $0xFFFFC000  }
0x8f: {  	_ =	swait.ge [sflag:s18], $0x4000  }
0x90: {  	[sflag:s18] =	ssyncset.done $0x0  }
0x91: {  	[sflag:s18] =	ssyncadd.s32 $0xFFFFC000  }
0x92: {  	_ =	swait.ge [sflag:s18], $0x4000  }
0x93: {  	[sflag:s18] =	ssyncset.done $0x0  }
0x94: {  	[sflag:s18] =	ssyncadd.s32 $0xFFFFC000  }
0x95: {  	_ =	swait.ge [sflag:s18], $0x4000  }
0x96: {  	[sflag:s18] =	ssyncset.done $0x0  }
0x97: {  	[sflag:s18] =	ssyncadd.s32 $0xFFFFC000  }
0x98: {  	_ =	swait.ge [sflag:s18], $0x4000  }
0x99: {  	[sflag:s18] =	ssyncset.done $0x0  }
0x9a: {  	[sflag:s18] =	ssyncadd.s32 $0xFFFFC000  }
0x9b: {  	s20 =	simm.s32 @p0 $0x1FC2;
	[bflag:$0x0] =	sbarrier.arrive $0xFFFF  }
0x9c: {  	[hbm:s9], [sflag:s20] =	dma.local @p0 [spmem:s11], $0x1900  }
0x9d: {  	s20 =	simm.s32 @p0 $0x2  }
0x9e: {  	s19 =	sadd.s32 $0x1, s19;
	_ =	swait.ge @p0 [sflag:s20], $0x1900  }
0x9f: {  	p1 =	sne.s32 s19, s10;
	[sflag:s20] =	ssyncset.done @p0 $0x0  }
.Ltmp1:
0xa0: {  	[sflag:s20] =	ssyncadd.s32 @p0 $0xFFFFE700;
	s20 =	simm.s32 @!p0 $0x2;
	(pc) =	sbr.rel @p1 .LBB2_1-.Ltmp1, $4  }
0xa1: {  	[hbm:s8], [sflag:s12] =	dma.local @!p0 [spmem:s13], $0x2800  }
0xa2: {  	_ =	swait.ge @!p0 [sflag:s20], $0x2800  }
0xa3: {  	[sflag:s20] =	ssyncset.done @!p0 $0x0  }
0xa4: {  	[sflag:s20] =	ssyncadd.s32 @!p0 $0xFFFFD800  }
0xa5: {  	_ =	sfence.sel $0x180000  }
0xa6: {  	[bflag:$0x0] =	sbarrier.arrive $0xFFFF  }
0xa7: {  	p0 =	sne.s32 s0, $0x0;
	_ =	strace $0x90000047  }
0xa8: {  	s0 =	sadd.s32 @!p0 $0x100000, s1;
	[bflag:$0x2] =	sbarrier.arrive $0xFFFF  }
0xa9: {  	[sflag:s0] =	ssyncadd.tile.s32 @!p0 $0x1;
	_ =	shalt  }
.Lfunc_end2:
_tile_overlayer_lowered:
.L_overlay_start_2:
0xaa: {  	(tag) =	ssettag $0x2  }
0xab: {  	s0 =	rddreg [dreg:$0x0];
	s2 =	stileid.u32  }
0xac: {  	s1 =	rddreg [dreg:$0x1];
	p0 =	sne.s32 s2, $0x0  }
0xad: {  	s3 =	rddreg [dreg:$0x2];
	[bflag:$0x3] =	sbarrier.arrive $0xFFFF;
	s2 =	simm.s32 @!p0 $0x1C02  }
0xae: {  	[timem:s3], [sflag:s2] =	dma.local @!p0 [hbm:s0], s1  }
0xaf: {  	s0 =	simm.s32 @!p0 $0x2  }
0xb0: {  	_ =	swait.ge @!p0 [sflag:s0], s1  }
0xb1: {  	s1 =	ssub.s32 @!p0 $0x0, s1;
	[sflag:s0] =	ssyncset.done @!p0 $0x0  }
0xb2: {  	[sflag:s0] =	ssyncadd.s32 @!p0 s1  }
0xb3: {  	[bflag:$0x3] =	sbarrier.arrive $0xFFFF  }
0xb4: {  	_ =	shalt  }

</sc_bundles>
